<compile_context>
chip_gen: v7x
topology: tpu7x:2x2x1
jax: 0.10.2.dev20260603
libtpu: 0.0.44.dev20260713+nightly
codegen_flags: <defaults>
</compile_context>

<pallas_src>
import jax
import jax.numpy as jnp
from jax import lax
from jax.experimental import pallas as pl
from jax.experimental.pallas import tpu as pltpu
from jax.experimental.pallas import tpu_sc as plsc

_NC = 2
_NS = 16
_NW = _NC * _NS
_SB = 8
_BB = 256
_V = 20


def _sc_body(idx_hbm, tab_hbm, out_hbm, tab_v, idx_a, idx_b, out_a, out_b,
             sem_idx, sem_out):
    c = lax.axis_index("c")
    s = lax.axis_index("s")
    wid = s * _NC + c

    n_s, n_b = idx_hbm.shape
    s_tiles = n_s // _SB
    b_blocks = n_b // _BB
    n_blocks = s_tiles * b_blocks
    per_w = n_blocks // _NW
    k0 = wid * per_w

    pltpu.sync_copy(tab_hbm, tab_v)

    def blk_slices(k):
        s8 = k // b_blocks
        bb = k % b_blocks
        return pl.ds(s8 * _SB, _SB), pl.ds(bb * _BB, _BB)

    ss0, bs0 = blk_slices(k0)
    pltpu.async_copy(idx_hbm.at[ss0, bs0], idx_a, sem_idx)

    def do_block(k, idx_v, out_v, first, last, prefetch=True):
        ss, bs = blk_slices(k)
        pltpu.make_async_copy(idx_hbm.at[ss, bs], idx_v, sem_idx).wait()
        if prefetch:
            kn = jnp.minimum(k + 1, k0 + per_w - 1)
            ssn, bsn = blk_slices(kn)
            nxt = idx_b if idx_v is idx_a else idx_a
            pltpu.async_copy(idx_hbm.at[ssn, bsn], nxt, sem_idx)

        @pl.when(jnp.logical_not(first))
        def _drain():
            pltpu.make_async_copy(out_v, out_hbm.at[:, ss, bs],
                                  sem_out).wait()

        nj = _BB // 16
        lane = lax.iota(jnp.int32, 16)

        @plsc.parallel_loop(0, _SB * nj, unroll=2)
        def _gather_loop(it):
            sr = it // nj
            j = it % nj
            iv = idx_v[sr, pl.ds(j * 16, 16)]
            base = iv * (_V * 16) + lane
            for d in range(_V):
                out_v[d, sr, pl.ds(j * 16, 16)] = plsc.load_gather(
                    tab_v, [base + d * 16])

        cp = pltpu.async_copy(out_v, out_hbm.at[:, ss, bs], sem_out)
        if last:
            cp.wait()

    def step(m, carry):
        do_block(k0 + m * 2, idx_a, out_a, m == 0, False)
        do_block(k0 + m * 2 + 1, idx_b, out_b, m == 0, False)
        return carry

    lax.fori_loop(0, per_w // 2 - 1, step, 0)
    m_last = per_w // 2 - 1
    do_block(k0 + jnp.int32(2 * m_last), idx_a, out_a, m_last == 0, True)
    do_block(k0 + jnp.int32(2 * m_last + 1), idx_b, out_b, False, True,
             prefetch=False)


@jax.jit
def _sc_gather(idx_t, table):
    n_s, n_b = idx_t.shape
    run = pl.kernel(
        _sc_body,
        out_type=jax.ShapeDtypeStruct((_V, n_s, n_b), jnp.float32),
        mesh=plsc.VectorSubcoreMesh(core_axis_name="c", subcore_axis_name="s"),
        scratch_types=[
            pltpu.VMEM((_V * _V * 16,), jnp.float32),
            pltpu.VMEM((_SB, _BB), jnp.int32),
            pltpu.VMEM((_SB, _BB), jnp.int32),
            pltpu.VMEM((_V, _SB, _BB), jnp.float32),
            pltpu.VMEM((_V, _SB, _BB), jnp.float32),
            pltpu.SemaphoreType.DMA,
            pltpu.SemaphoreType.DMA,
        ],
        compiler_params=pltpu.CompilerParams(
            use_tc_tiling_on_sc=True, needs_layout_passes=False),
    )
    return run(idx_t, table)


def kernel(inputs, blosum_probabilities):
    idx_t = jnp.transpose(inputs.astype(jnp.int32), (1, 0))
    rep = jnp.repeat(blosum_probabilities.astype(jnp.float32).reshape(-1), 16)
    g = _sc_gather(idx_t, rep)
    return jnp.transpose(g, (2, 1, 0))

# --- scband reference (transcript-rebuilt; emitter-appended) ---
"""Pipeline reference for scband-blosum-probability-embedding-23957327577828 (READ-ONLY COPY).

The authoritative reference and input builder live on the scoring server;
editing this copy changes nothing except your own understanding.
"""

import jax, jax.numpy as jnp
import numpy as np


def setup_inputs(seed: int = 0) -> dict:
    key = jax.random.key(seed)
    k_idx, k_tab = jax.random.split(key)
    inputs = jax.random.randint(k_idx, (16384, 200), 0, 20, dtype=jnp.int64 if jax.config.jax_enable_x64 else jnp.int32)
    # stand-in for BlosumInitializer(cluster_pc=62): a 20x20 probability-like table
    logits = jax.random.normal(k_tab, (20, 20), dtype=jnp.float32)
    blosum_probabilities = jax.nn.softmax(logits, axis=-1)
    return {"inputs": inputs, "blosum_probabilities": blosum_probabilities}


def reference(inputs, blosum_probabilities):
    # tf.gather(params=blosum_probabilities, indices=inputs, batch_dims=0)
    return jnp.take(blosum_probabilities, inputs, axis=0)

if __name__ == "__main__":
    import jax
    _d = setup_inputs()
    print(jax.jit(kernel)(*tuple(_d.values())))

</pallas_src>

<mosaic_0001>
#map = affine_map<(d0, d1) -> (0, 0)>
#map1 = affine_map<(d0, d1) -> (0)>
#map2 = affine_map<(d0, d1) -> (0, 0, 0)>
module attributes {stable_mosaic.version = 14 : i64} {
  func.func @_sc_body(%arg0: i32, %arg1: i32, %arg2: memref<200x16384xi32, #tpu.memory_space<hbm>>, %arg3: memref<6400xf32, #tpu.memory_space<hbm>>, %arg4: memref<20x200x16384xf32, #tpu.memory_space<hbm>>, %arg5: memref<6400xf32, #tpu.memory_space<vmem>>, %arg6: memref<8x256xi32, #tpu.memory_space<vmem>>, %arg7: memref<8x256xi32, #tpu.memory_space<vmem>>, %arg8: memref<20x8x256xf32, #tpu.memory_space<vmem>>, %arg9: memref<20x8x256xf32, #tpu.memory_space<vmem>>, %arg10: memref<!tpu.dma_semaphore, #tpu.memory_space<semaphore_mem>>, %arg11: memref<!tpu.dma_semaphore, #tpu.memory_space<semaphore_mem>>) attributes {dimension_semantics = [#tpu.dimension_semantics<core_parallel>, #tpu.dimension_semantics<subcore_parallel>], iteration_bounds = array<i64: 2, 16>, scalar_prefetch = 0 : i64, scratch_operands = 7 : i64, tpu.core_type = #tpu.core_type<sc_vector_subcore>, window_params = [{transform_indices = #map}, {transform_indices = #map1}, {transform_indices = #map2}]} {
    %mul3A = arith.constant 2 : i32
    %mul3A_0 = arith.muli %arg1, %mul3A : i32
    %add3A = arith.addi %mul3A_0, %arg0 : i32
    %mul3A_1 = arith.constant 50 : i32
    %mul3A_2 = arith.muli %add3A, %mul3A_1 : i32
    "tpu.region"() ({
      %run_scoped3A = tpu.sem_alloc : memref<!tpu.dma_semaphore, #tpu.memory_space<semaphore_mem>>
      tpu.enqueue_dma source(%arg3 : memref<6400xf32, #tpu.memory_space<hbm>>) target(%arg5 : memref<6400xf32, #tpu.memory_space<vmem>>) target_semaphore(%run_scoped3A : memref<!tpu.dma_semaphore, #tpu.memory_space<semaphore_mem>>)
      tpu.wait_dma2 semaphore(%run_scoped3A : memref<!tpu.dma_semaphore, #tpu.memory_space<semaphore_mem>>) src(%arg3 : memref<6400xf32, #tpu.memory_space<hbm>>) dst(%arg5 : memref<6400xf32, #tpu.memory_space<vmem>>)
      tpu.yield
    }) : () -> ()
    %jit3A = arith.constant 64 : i32
    %div3A = arith.divsi %mul3A_2, %jit3A : i32
    %sign3A = arith.constant 0 : i32
    %sign3A_3 = arith.cmpi sgt, %mul3A_2, %sign3A : i32
    %sign3A_4 = arith.extui %sign3A_3 : i1 to i32
    %sign3A_5 = arith.constant 0 : i32
    %sign3A_6 = arith.cmpi slt, %mul3A_2, %sign3A_5 : i32
    %sign3A_7 = arith.extui %sign3A_6 : i1 to i32
    %sign3A_8 = arith.subi %sign3A_4, %sign3A_7 : i32
    %sign3A_9 = arith.constant 0 : i32
    %sign3A_10 = arith.cmpi sgt, %jit3A, %sign3A_9 : i32
    %sign3A_11 = arith.extui %sign3A_10 : i1 to i32
    %sign3A_12 = arith.constant 0 : i32
    %sign3A_13 = arith.cmpi slt, %jit3A, %sign3A_12 : i32
    %sign3A_14 = arith.extui %sign3A_13 : i1 to i32
    %sign3A_15 = arith.subi %sign3A_11, %sign3A_14 : i32
    %ne3A = arith.cmpi ne, %sign3A_8, %sign3A_15 : i32
    %rem3A = arith.remsi %mul3A_2, %jit3A : i32
    %ne3A_16 = arith.constant 0 : i32
    %ne3A_17 = arith.cmpi ne, %rem3A, %ne3A_16 : i32
    %and3A = arith.andi %ne3A, %ne3A_17 : i1
    %sub3A = arith.constant 1 : i32
    %sub3A_18 = arith.subi %div3A, %sub3A : i32
    %select_n3A = arith.select %and3A, %sub3A_18, %div3A : i32
    %jit3A_19 = arith.constant 64 : i32
    %eq3A = arith.constant 0 : i32
    %eq3A_20 = arith.cmpi eq, %jit3A_19, %eq3A : i32
    %jit3A_21 = arith.constant 1 : i32
    %select_n3A_22 = arith.select %eq3A_20, %jit3A_21, %jit3A_19 : i32
    %rem3A_23 = arith.remsi %mul3A_2, %select_n3A_22 : i32
    %ne3A_24 = arith.constant 0 : i32
    %ne3A_25 = arith.cmpi ne, %rem3A_23, %ne3A_24 : i32
    %lt3A = arith.constant 0 : i32
    %lt3A_26 = arith.cmpi slt, %rem3A_23, %lt3A : i32
    %lt3A_27 = arith.constant 0 : i32
    %lt3A_28 = arith.cmpi slt, %select_n3A_22, %lt3A_27 : i32
    %ne3A_29 = arith.xori %lt3A_26, %lt3A_28 : i1
    %and3A_30 = arith.andi %ne3A_29, %ne3A_25 : i1
    %add3A_31 = arith.addi %rem3A_23, %select_n3A_22 : i32
    %select_n3A_32 = arith.select %and3A_30, %add3A_31, %rem3A_23 : i32
    %mul3A_33 = arith.constant 8 : i32
    %mul3A_34 = arith.muli %select_n3A, %mul3A_33 : i32
    %mul3A_35 = arith.constant 256 : i32
    %mul3A_36 = arith.muli %select_n3A_32, %mul3A_35 : i32
    %dma_start3A = tpu.memref_slice %arg2[%mul3A_34, %mul3A_36] : memref<200x16384xi32, #tpu.memory_space<hbm>> -> memref<8x256xi32, #tpu.memory_space<hbm>>
    %dma_start3A_37 = tpu.memref_slice %arg2[%mul3A_34, %mul3A_36] : memref<200x16384xi32, #tpu.memory_space<hbm>> -> memref<8x256xi32, #tpu.memory_space<hbm>>
    tpu.enqueue_dma source(%dma_start3A_37 : memref<8x256xi32, #tpu.memory_space<hbm>>) target(%arg6 : memref<8x256xi32, #tpu.memory_space<vmem>>) target_semaphore(%arg10 : memref<!tpu.dma_semaphore, #tpu.memory_space<semaphore_mem>>)
    %scan3A = arith.constant 0 : i32
    %scan3A_38 = arith.constant 0 : i32
    %scan3A_39 = arith.constant 24 : i32
    %scan3A_40 = arith.addi %scan3A_38, %scan3A_39 : i32
    %scan3A_41 = arith.constant 1 : i32
    scf.for %scan3A_221 = %scan3A_38 to %scan3A_40 step %scan3A_41  : i32 {
      %mul3A_222 = arith.constant 2 : i32
      %mul3A_223 = arith.muli %scan3A_221, %mul3A_222 : i32
      %add3A_224 = arith.addi %mul3A_2, %mul3A_223 : i32
      %eq3A_225 = arith.constant 0 : i32
      %eq3A_226 = arith.cmpi eq, %scan3A_221, %eq3A_225 : i32
      %jit3A_227 = arith.constant 64 : i32
      %div3A_228 = arith.divsi %add3A_224, %jit3A_227 : i32
      %sign3A_229 = arith.constant 0 : i32
      %sign3A_230 = arith.cmpi sgt, %add3A_224, %sign3A_229 : i32
      %sign3A_231 = arith.extui %sign3A_230 : i1 to i32
      %sign3A_232 = arith.constant 0 : i32
      %sign3A_233 = arith.cmpi slt, %add3A_224, %sign3A_232 : i32
      %sign3A_234 = arith.extui %sign3A_233 : i1 to i32
      %sign3A_235 = arith.subi %sign3A_231, %sign3A_234 : i32
      %sign3A_236 = arith.constant 0 : i32
      %sign3A_237 = arith.cmpi sgt, %jit3A_227, %sign3A_236 : i32
      %sign3A_238 = arith.extui %sign3A_237 : i1 to i32
      %sign3A_239 = arith.constant 0 : i32
      %sign3A_240 = arith.cmpi slt, %jit3A_227, %sign3A_239 : i32
      %sign3A_241 = arith.extui %sign3A_240 : i1 to i32
      %sign3A_242 = arith.subi %sign3A_238, %sign3A_241 : i32
      %ne3A_243 = arith.cmpi ne, %sign3A_235, %sign3A_242 : i32
      %rem3A_244 = arith.remsi %add3A_224, %jit3A_227 : i32
      %ne3A_245 = arith.constant 0 : i32
      %ne3A_246 = arith.cmpi ne, %rem3A_244, %ne3A_245 : i32
      %and3A_247 = arith.andi %ne3A_243, %ne3A_246 : i1
      %sub3A_248 = arith.constant 1 : i32
      %sub3A_249 = arith.subi %div3A_228, %sub3A_248 : i32
      %select_n3A_250 = arith.select %and3A_247, %sub3A_249, %div3A_228 : i32
      %jit3A_251 = arith.constant 64 : i32
      %eq3A_252 = arith.constant 0 : i32
      %eq3A_253 = arith.cmpi eq, %jit3A_251, %eq3A_252 : i32
      %jit3A_254 = arith.constant 1 : i32
      %select_n3A_255 = arith.select %eq3A_253, %jit3A_254, %jit3A_251 : i32
      %rem3A_256 = arith.remsi %add3A_224, %select_n3A_255 : i32
      %ne3A_257 = arith.constant 0 : i32
      %ne3A_258 = arith.cmpi ne, %rem3A_256, %ne3A_257 : i32
      %lt3A_259 = arith.constant 0 : i32
      %lt3A_260 = arith.cmpi slt, %rem3A_256, %lt3A_259 : i32
      %lt3A_261 = arith.constant 0 : i32
      %lt3A_262 = arith.cmpi slt, %select_n3A_255, %lt3A_261 : i32
      %ne3A_263 = arith.xori %lt3A_260, %lt3A_262 : i1
      %and3A_264 = arith.andi %ne3A_263, %ne3A_258 : i1
      %add3A_265 = arith.addi %rem3A_256, %select_n3A_255 : i32
      %select_n3A_266 = arith.select %and3A_264, %add3A_265, %rem3A_256 : i32
      %mul3A_267 = arith.constant 8 : i32
      %mul3A_268 = arith.muli %select_n3A_250, %mul3A_267 : i32
      %mul3A_269 = arith.constant 256 : i32
      %mul3A_270 = arith.muli %select_n3A_266, %mul3A_269 : i32
      %dma_wait3A_271 = tpu.memref_slice %arg2[%mul3A_268, %mul3A_270] : memref<200x16384xi32, #tpu.memory_space<hbm>> -> memref<8x256xi32, #tpu.memory_space<hbm>>
      %dma_wait3A_272 = tpu.memref_slice %arg2[%mul3A_268, %mul3A_270] : memref<200x16384xi32, #tpu.memory_space<hbm>> -> memref<8x256xi32, #tpu.memory_space<hbm>>
      tpu.wait_dma2 semaphore(%arg10 : memref<!tpu.dma_semaphore, #tpu.memory_space<semaphore_mem>>) src(%dma_wait3A_272 : memref<8x256xi32, #tpu.memory_space<hbm>>) dst(%arg6 : memref<8x256xi32, #tpu.memory_space<vmem>>)
      %add3A_273 = arith.constant 1 : i32
      %add3A_274 = arith.addi %add3A_224, %add3A_273 : i32
      %add3A_275 = arith.constant 50 : i32
      %add3A_276 = arith.addi %mul3A_2, %add3A_275 : i32
      %sub3A_277 = arith.constant 1 : i32
      %sub3A_278 = arith.subi %add3A_276, %sub3A_277 : i32
      %min3A_279 = arith.minsi %add3A_274, %sub3A_278 : i32
      %jit3A_280 = arith.constant 64 : i32
      %div3A_281 = arith.divsi %min3A_279, %jit3A_280 : i32
      %sign3A_282 = arith.constant 0 : i32
      %sign3A_283 = arith.cmpi sgt, %min3A_279, %sign3A_282 : i32
      %sign3A_284 = arith.extui %sign3A_283 : i1 to i32
      %sign3A_285 = arith.constant 0 : i32
      %sign3A_286 = arith.cmpi slt, %min3A_279, %sign3A_285 : i32
      %sign3A_287 = arith.extui %sign3A_286 : i1 to i32
      %sign3A_288 = arith.subi %sign3A_284, %sign3A_287 : i32
      %sign3A_289 = arith.constant 0 : i32
      %sign3A_290 = arith.cmpi sgt, %jit3A_280, %sign3A_289 : i32
      %sign3A_291 = arith.extui %sign3A_290 : i1 to i32
      %sign3A_292 = arith.constant 0 : i32
      %sign3A_293 = arith.cmpi slt, %jit3A_280, %sign3A_292 : i32
      %sign3A_294 = arith.extui %sign3A_293 : i1 to i32
      %sign3A_295 = arith.subi %sign3A_291, %sign3A_294 : i32
      %ne3A_296 = arith.cmpi ne, %sign3A_288, %sign3A_295 : i32
      %rem3A_297 = arith.remsi %min3A_279, %jit3A_280 : i32
      %ne3A_298 = arith.constant 0 : i32
      %ne3A_299 = arith.cmpi ne, %rem3A_297, %ne3A_298 : i32
      %and3A_300 = arith.andi %ne3A_296, %ne3A_299 : i1
      %sub3A_301 = arith.constant 1 : i32
      %sub3A_302 = arith.subi %div3A_281, %sub3A_301 : i32
      %select_n3A_303 = arith.select %and3A_300, %sub3A_302, %div3A_281 : i32
      %jit3A_304 = arith.constant 64 : i32
      %eq3A_305 = arith.constant 0 : i32
      %eq3A_306 = arith.cmpi eq, %jit3A_304, %eq3A_305 : i32
      %jit3A_307 = arith.constant 1 : i32
      %select_n3A_308 = arith.select %eq3A_306, %jit3A_307, %jit3A_304 : i32
      %rem3A_309 = arith.remsi %min3A_279, %select_n3A_308 : i32
      %ne3A_310 = arith.constant 0 : i32
      %ne3A_311 = arith.cmpi ne, %rem3A_309, %ne3A_310 : i32
      %lt3A_312 = arith.constant 0 : i32
      %lt3A_313 = arith.cmpi slt, %rem3A_309, %lt3A_312 : i32
      %lt3A_314 = arith.constant 0 : i32
      %lt3A_315 = arith.cmpi slt, %select_n3A_308, %lt3A_314 : i32
      %ne3A_316 = arith.xori %lt3A_313, %lt3A_315 : i1
      %and3A_317 = arith.andi %ne3A_316, %ne3A_311 : i1
      %add3A_318 = arith.addi %rem3A_309, %select_n3A_308 : i32
      %select_n3A_319 = arith.select %and3A_317, %add3A_318, %rem3A_309 : i32
      %mul3A_320 = arith.constant 8 : i32
      %mul3A_321 = arith.muli %select_n3A_303, %mul3A_320 : i32
      %mul3A_322 = arith.constant 256 : i32
      %mul3A_323 = arith.muli %select_n3A_319, %mul3A_322 : i32
      %dma_start3A_324 = tpu.memref_slice %arg2[%mul3A_321, %mul3A_323] : memref<200x16384xi32, #tpu.memory_space<hbm>> -> memref<8x256xi32, #tpu.memory_space<hbm>>
      %dma_start3A_325 = tpu.memref_slice %arg2[%mul3A_321, %mul3A_323] : memref<200x16384xi32, #tpu.memory_space<hbm>> -> memref<8x256xi32, #tpu.memory_space<hbm>>
      tpu.enqueue_dma source(%dma_start3A_325 : memref<8x256xi32, #tpu.memory_space<hbm>>) target(%arg7 : memref<8x256xi32, #tpu.memory_space<vmem>>) target_semaphore(%arg10 : memref<!tpu.dma_semaphore, #tpu.memory_space<semaphore_mem>>)
      %not3A_326 = arith.constant true
      %not3A_327 = arith.xori %eq3A_226, %not3A_326 : i1
      %convert_element_type3A_328 = arith.extui %not3A_327 : i1 to i32
      %cond3A_329 = arith.constant 0 : i32
      %cond3A_330 = arith.cmpi ne, %convert_element_type3A_328, %cond3A_329 : i32
      scf.if %cond3A_330 {
        %dma_wait3A_458 = arith.constant 0 : i32
        %dma_wait3A_459 = tpu.memref_slice %arg4[%dma_wait3A_458, %mul3A_268, %mul3A_270] : memref<20x200x16384xf32, #tpu.memory_space<hbm>> -> memref<20x8x256xf32, #tpu.memory_space<hbm>>
        %dma_wait3A_460 = arith.constant 0 : i32
        %dma_wait3A_461 = tpu.memref_slice %arg4[%dma_wait3A_460, %mul3A_268, %mul3A_270] : memref<20x200x16384xf32, #tpu.memory_space<hbm>> -> memref<20x8x256xf32, #tpu.memory_space<hbm>>
        tpu.wait_dma2 semaphore(%arg11 : memref<!tpu.dma_semaphore, #tpu.memory_space<semaphore_mem>>) src(%arg8 : memref<20x8x256xf32, #tpu.memory_space<vmem>>) dst(%dma_wait3A_461 : memref<20x8x256xf32, #tpu.memory_space<hbm>>)
      } else {
      }
      %iota3A_331 = tpu.iota {dimensions = array<i32: 0>} : vector<16xi32>
      %parallel_loop3A_332 = arith.constant 0 : i32
      %parallel_loop3A_333 = arith.constant 128 : i32
      %parallel_loop3A_334 = arith.constant 1 : i32
      scf.for %parallel_loop3A_458 = %parallel_loop3A_332 to %parallel_loop3A_333 step %parallel_loop3A_334  : i32 {
        %parallel_loop3A_459 = arith.constant 16 : i32
        %parallel_loop3A_460 = arith.divsi %parallel_loop3A_458, %parallel_loop3A_459 : i32
        %parallel_loop3A_461 = arith.constant 0 : i32
        %parallel_loop3A_462 = arith.cmpi sgt, %parallel_loop3A_458, %parallel_loop3A_461 : i32
        %parallel_loop3A_463 = arith.extui %parallel_loop3A_462 : i1 to i32
        %parallel_loop3A_464 = arith.constant 0 : i32
        %parallel_loop3A_465 = arith.cmpi slt, %parallel_loop3A_458, %parallel_loop3A_464 : i32
        %parallel_loop3A_466 = arith.extui %parallel_loop3A_465 : i1 to i32
        %parallel_loop3A_467 = arith.subi %parallel_loop3A_463, %parallel_loop3A_466 : i32
        %parallel_loop3A_468 = arith.constant 0 : i32
        %parallel_loop3A_469 = arith.cmpi sgt, %parallel_loop3A_459, %parallel_loop3A_468 : i32
        %parallel_loop3A_470 = arith.extui %parallel_loop3A_469 : i1 to i32
        %parallel_loop3A_471 = arith.constant 0 : i32
        %parallel_loop3A_472 = arith.cmpi slt, %parallel_loop3A_459, %parallel_loop3A_471 : i32
        %parallel_loop3A_473 = arith.extui %parallel_loop3A_472 : i1 to i32
        %parallel_loop3A_474 = arith.subi %parallel_loop3A_470, %parallel_loop3A_473 : i32
        %parallel_loop3A_475 = arith.cmpi ne, %parallel_loop3A_467, %parallel_loop3A_474 : i32
        %parallel_loop3A_476 = arith.remsi %parallel_loop3A_458, %parallel_loop3A_459 : i32
        %parallel_loop3A_477 = arith.constant 0 : i32
        %parallel_loop3A_478 = arith.cmpi ne, %parallel_loop3A_476, %parallel_loop3A_477 : i32
        %parallel_loop3A_479 = arith.andi %parallel_loop3A_475, %parallel_loop3A_478 : i1
        %parallel_loop3A_480 = arith.constant 1 : i32
        %parallel_loop3A_481 = arith.subi %parallel_loop3A_460, %parallel_loop3A_480 : i32
        %parallel_loop3A_482 = arith.select %parallel_loop3A_479, %parallel_loop3A_481, %parallel_loop3A_460 : i32
        %parallel_loop3A_483 = arith.constant 16 : i32
        %parallel_loop3A_484 = arith.constant 0 : i32
        %parallel_loop3A_485 = arith.cmpi eq, %parallel_loop3A_483, %parallel_loop3A_484 : i32
        %parallel_loop3A_486 = arith.constant 1 : i32
        %parallel_loop3A_487 = arith.select %parallel_loop3A_485, %parallel_loop3A_486, %parallel_loop3A_483 : i32
        %parallel_loop3A_488 = arith.remsi %parallel_loop3A_458, %parallel_loop3A_487 : i32
        %parallel_loop3A_489 = arith.constant 0 : i32
        %parallel_loop3A_490 = arith.cmpi ne, %parallel_loop3A_488, %parallel_loop3A_489 : i32
        %parallel_loop3A_491 = arith.constant 0 : i32
        %parallel_loop3A_492 = arith.cmpi slt, %parallel_loop3A_488, %parallel_loop3A_491 : i32
        %parallel_loop3A_493 = arith.constant 0 : i32
        %parallel_loop3A_494 = arith.cmpi slt, %parallel_loop3A_487, %parallel_loop3A_493 : i32
        %parallel_loop3A_495 = arith.xori %parallel_loop3A_492, %parallel_loop3A_494 : i1
        %parallel_loop3A_496 = arith.andi %parallel_loop3A_495, %parallel_loop3A_490 : i1
        %parallel_loop3A_497 = arith.addi %parallel_loop3A_488, %parallel_loop3A_487 : i32
        %parallel_loop3A_498 = arith.select %parallel_loop3A_496, %parallel_loop3A_497, %parallel_loop3A_488 : i32
        %parallel_loop3A_499 = arith.constant 16 : i32
        %parallel_loop3A_500 = arith.muli %parallel_loop3A_498, %parallel_loop3A_499 : i32
        %parallel_loop3A_501 = arith.index_cast %parallel_loop3A_482 : i32 to index
        %parallel_loop3A_502 = arith.index_cast %parallel_loop3A_500 : i32 to index
        %parallel_loop3A_503 = tpu.vector_load %arg6[%parallel_loop3A_501, %parallel_loop3A_502] {strides = array<i32>} : memref<8x256xi32, #tpu.memory_space<vmem>>, vector<16xi32>,
        %parallel_loop3A_504 = arith.constant 320 : i32
        %parallel_loop3A_505 = vector.broadcast %parallel_loop3A_504 : i32 to vector<16xi32>
        %parallel_loop3A_506 = arith.muli %parallel_loop3A_503, %parallel_loop3A_505 : vector<16xi32>
        %parallel_loop3A_507 = arith.addi %parallel_loop3A_506, %iota3A_331 : vector<16xi32>
        %parallel_loop3A_508 = arith.constant 0 : i32
        %parallel_loop3A_509 = vector.broadcast %parallel_loop3A_508 : i32 to vector<16xi32>
        %parallel_loop3A_510 = arith.addi %parallel_loop3A_507, %parallel_loop3A_509 : vector<16xi32>
        %parallel_loop3A_511 = tpu.vector_load_idx %arg5[%parallel_loop3A_510] : memref<6400xf32, #tpu.memory_space<vmem>>[vector<16xi32>], vector<16xf32>,
        %parallel_loop3A_512 = arith.constant 16 : i32
        %parallel_loop3A_513 = arith.muli %parallel_loop3A_498, %parallel_loop3A_512 : i32
        %parallel_loop3A_514 = arith.constant 0 : i32
        %parallel_loop3A_515 = arith.index_cast %parallel_loop3A_514 : i32 to index
        %parallel_loop3A_516 = arith.index_cast %parallel_loop3A_482 : i32 to index
        %parallel_loop3A_517 = arith.index_cast %parallel_loop3A_513 : i32 to index
        %parallel_loop3A_518 = tpu.vector_load %arg8[%parallel_loop3A_515, %parallel_loop3A_516, %parallel_loop3A_517] {strides = array<i32>} : memref<20x8x256xf32, #tpu.memory_space<vmem>>, vector<16xf32>,
        tpu.vector_store %arg8[%parallel_loop3A_515, %parallel_loop3A_516, %parallel_loop3A_517], %parallel_loop3A_511 {strides = array<i32>} : memref<20x8x256xf32, #tpu.memory_space<vmem>>, vector<16xf32>,
        %parallel_loop3A_519 = arith.constant 16 : i32
        %parallel_loop3A_520 = vector.broadcast %parallel_loop3A_519 : i32 to vector<16xi32>
        %parallel_loop3A_521 = arith.addi %parallel_loop3A_507, %parallel_loop3A_520 : vector<16xi32>
        %parallel_loop3A_522 = tpu.vector_load_idx %arg5[%parallel_loop3A_521] : memref<6400xf32, #tpu.memory_space<vmem>>[vector<16xi32>], vector<16xf32>,
        %parallel_loop3A_523 = arith.constant 16 : i32
        %parallel_loop3A_524 = arith.muli %parallel_loop3A_498, %parallel_loop3A_523 : i32
        %parallel_loop3A_525 = arith.constant 1 : i32
        %parallel_loop3A_526 = arith.index_cast %parallel_loop3A_525 : i32 to index
        %parallel_loop3A_527 = arith.index_cast %parallel_loop3A_482 : i32 to index
        %parallel_loop3A_528 = arith.index_cast %parallel_loop3A_524 : i32 to index
        %parallel_loop3A_529 = tpu.vector_load %arg8[%parallel_loop3A_526, %parallel_loop3A_527, %parallel_loop3A_528] {strides = array<i32>} : memref<20x8x256xf32, #tpu.memory_space<vmem>>, vector<16xf32>,
        tpu.vector_store %arg8[%parallel_loop3A_526, %parallel_loop3A_527, %parallel_loop3A_528], %parallel_loop3A_522 {strides = array<i32>} : memref<20x8x256xf32, #tpu.memory_space<vmem>>, vector<16xf32>,
        %parallel_loop3A_530 = arith.constant 32 : i32
        %parallel_loop3A_531 = vector.broadcast %parallel_loop3A_530 : i32 to vector<16xi32>
        %parallel_loop3A_532 = arith.addi %parallel_loop3A_507, %parallel_loop3A_531 : vector<16xi32>
        %parallel_loop3A_533 = tpu.vector_load_idx %arg5[%parallel_loop3A_532] : memref<6400xf32, #tpu.memory_space<vmem>>[vector<16xi32>], vector<16xf32>,
        %parallel_loop3A_534 = arith.constant 16 : i32
        %parallel_loop3A_535 = arith.muli %parallel_loop3A_498, %parallel_loop3A_534 : i32
        %parallel_loop3A_536 = arith.constant 2 : i32
        %parallel_loop3A_537 = arith.index_cast %parallel_loop3A_536 : i32 to index
        %parallel_loop3A_538 = arith.index_cast %parallel_loop3A_482 : i32 to index
        %parallel_loop3A_539 = arith.index_cast %parallel_loop3A_535 : i32 to index
        %parallel_loop3A_540 = tpu.vector_load %arg8[%parallel_loop3A_537, %parallel_loop3A_538, %parallel_loop3A_539] {strides = array<i32>} : memref<20x8x256xf32, #tpu.memory_space<vmem>>, vector<16xf32>,
        tpu.vector_store %arg8[%parallel_loop3A_537, %parallel_loop3A_538, %parallel_loop3A_539], %parallel_loop3A_533 {strides = array<i32>} : memref<20x8x256xf32, #tpu.memory_space<vmem>>, vector<16xf32>,
        %parallel_loop3A_541 = arith.constant 48 : i32
        %parallel_loop3A_542 = vector.broadcast %parallel_loop3A_541 : i32 to vector<16xi32>
        %parallel_loop3A_543 = arith.addi %parallel_loop3A_507, %parallel_loop3A_542 : vector<16xi32>
        %parallel_loop3A_544 = tpu.vector_load_idx %arg5[%parallel_loop3A_543] : memref<6400xf32, #tpu.memory_space<vmem>>[vector<16xi32>], vector<16xf32>,
        %parallel_loop3A_545 = arith.constant 16 : i32
        %parallel_loop3A_546 = arith.muli %parallel_loop3A_498, %parallel_loop3A_545 : i32
        %parallel_loop3A_547 = arith.constant 3 : i32
        %parallel_loop3A_548 = arith.index_cast %parallel_loop3A_547 : i32 to index
        %parallel_loop3A_549 = arith.index_cast %parallel_loop3A_482 : i32 to index
        %parallel_loop3A_550 = arith.index_cast %parallel_loop3A_546 : i32 to index
        %parallel_loop3A_551 = tpu.vector_load %arg8[%parallel_loop3A_548, %parallel_loop3A_549, %parallel_loop3A_550] {strides = array<i32>} : memref<20x8x256xf32, #tpu.memory_space<vmem>>, vector<16xf32>,
        tpu.vector_store %arg8[%parallel_loop3A_548, %parallel_loop3A_549, %parallel_loop3A_550], %parallel_loop3A_544 {strides = array<i32>} : memref<20x8x256xf32, #tpu.memory_space<vmem>>, vector<16xf32>,
        %parallel_loop3A_552 = arith.constant 64 : i32
        %parallel_loop3A_553 = vector.broadcast %parallel_loop3A_552 : i32 to vector<16xi32>
        %parallel_loop3A_554 = arith.addi %parallel_loop3A_507, %parallel_loop3A_553 : vector<16xi32>
        %parallel_loop3A_555 = tpu.vector_load_idx %arg5[%parallel_loop3A_554] : memref<6400xf32, #tpu.memory_space<vmem>>[vector<16xi32>], vector<16xf32>,
        %parallel_loop3A_556 = arith.constant 16 : i32
        %parallel_loop3A_557 = arith.muli %parallel_loop3A_498, %parallel_loop3A_556 : i32
        %parallel_loop3A_558 = arith.constant 4 : i32
        %parallel_loop3A_559 = arith.index_cast %parallel_loop3A_558 : i32 to index
        %parallel_loop3A_560 = arith.index_cast %parallel_loop3A_482 : i32 to index
        %parallel_loop3A_561 = arith.index_cast %parallel_loop3A_557 : i32 to index
        %parallel_loop3A_562 = tpu.vector_load %arg8[%parallel_loop3A_559, %parallel_loop3A_560, %parallel_loop3A_561] {strides = array<i32>} : memref<20x8x256xf32, #tpu.memory_space<vmem>>, vector<16xf32>,
        tpu.vector_store %arg8[%parallel_loop3A_559, %parallel_loop3A_560, %parallel_loop3A_561], %parallel_loop3A_555 {strides = array<i32>} : memref<20x8x256xf32, #tpu.memory_space<vmem>>, vector<16xf32>,
        %parallel_loop3A_563 = arith.constant 80 : i32
        %parallel_loop3A_564 = vector.broadcast %parallel_loop3A_563 : i32 to vector<16xi32>
        %parallel_loop3A_565 = arith.addi %parallel_loop3A_507, %parallel_loop3A_564 : vector<16xi32>
        %parallel_loop3A_566 = tpu.vector_load_idx %arg5[%parallel_loop3A_565] : memref<6400xf32, #tpu.memory_space<vmem>>[vector<16xi32>], vector<16xf32>,
        %parallel_loop3A_567 = arith.constant 16 : i32
        %parallel_loop3A_568 = arith.muli %parallel_loop3A_498, %parallel_loop3A_567 : i32
        %parallel_loop3A_569 = arith.constant 5 : i32
        %parallel_loop3A_570 = arith.index_cast %parallel_loop3A_569 : i32 to index
        %parallel_loop3A_571 = arith.index_cast %parallel_loop3A_482 : i32 to index
        %parallel_loop3A_572 = arith.index_cast %parallel_loop3A_568 : i32 to index
        %parallel_loop3A_573 = tpu.vector_load %arg8[%parallel_loop3A_570, %parallel_loop3A_571, %parallel_loop3A_572] {strides = array<i32>} : memref<20x8x256xf32, #tpu.memory_space<vmem>>, vector<16xf32>,
        tpu.vector_store %arg8[%parallel_loop3A_570, %parallel_loop3A_571, %parallel_loop3A_572], %parallel_loop3A_566 {strides = array<i32>} : memref<20x8x256xf32, #tpu.memory_space<vmem>>, vector<16xf32>,
        %parallel_loop3A_574 = arith.constant 96 : i32
        %parallel_loop3A_575 = vector.broadcast %parallel_loop3A_574 : i32 to vector<16xi32>
        %parallel_loop3A_576 = arith.addi %parallel_loop3A_507, %parallel_loop3A_575 : vector<16xi32>
        %parallel_loop3A_577 = tpu.vector_load_idx %arg5[%parallel_loop3A_576] : memref<6400xf32, #tpu.memory_space<vmem>>[vector<16xi32>], vector<16xf32>,
        %parallel_loop3A_578 = arith.constant 16 : i32
        %parallel_loop3A_579 = arith.muli %parallel_loop3A_498, %parallel_loop3A_578 : i32
        %parallel_loop3A_580 = arith.constant 6 : i32
        %parallel_loop3A_581 = arith.index_cast %parallel_loop3A_580 : i32 to index
        %parallel_loop3A_582 = arith.index_cast %parallel_loop3A_482 : i32 to index
        %parallel_loop3A_583 = arith.index_cast %parallel_loop3A_579 : i32 to index
        %parallel_loop3A_584 = tpu.vector_load %arg8[%parallel_loop3A_581, %parallel_loop3A_582, %parallel_loop3A_583] {strides = array<i32>} : memref<20x8x256xf32, #tpu.memory_space<vmem>>, vector<16xf32>,
        tpu.vector_store %arg8[%parallel_loop3A_581, %parallel_loop3A_582, %parallel_loop3A_583], %parallel_loop3A_577 {strides = array<i32>} : memref<20x8x256xf32, #tpu.memory_space<vmem>>, vector<16xf32>,
        %parallel_loop3A_585 = arith.constant 112 : i32
        %parallel_loop3A_586 = vector.broadcast %parallel_loop3A_585 : i32 to vector<16xi32>
        %parallel_loop3A_587 = arith.addi %parallel_loop3A_507, %parallel_loop3A_586 : vector<16xi32>
        %parallel_loop3A_588 = tpu.vector_load_idx %arg5[%parallel_loop3A_587] : memref<6400xf32, #tpu.memory_space<vmem>>[vector<16xi32>], vector<16xf32>,
        %parallel_loop3A_589 = arith.constant 16 : i32
        %parallel_loop3A_590 = arith.muli %parallel_loop3A_498, %parallel_loop3A_589 : i32
        %parallel_loop3A_591 = arith.constant 7 : i32
        %parallel_loop3A_592 = arith.index_cast %parallel_loop3A_591 : i32 to index
        %parallel_loop3A_593 = arith.index_cast %parallel_loop3A_482 : i32 to index
        %parallel_loop3A_594 = arith.index_cast %parallel_loop3A_590 : i32 to index
        %parallel_loop3A_595 = tpu.vector_load %arg8[%parallel_loop3A_592, %parallel_loop3A_593, %parallel_loop3A_594] {strides = array<i32>} : memref<20x8x256xf32, #tpu.memory_space<vmem>>, vector<16xf32>,
        tpu.vector_store %arg8[%parallel_loop3A_592, %parallel_loop3A_593, %parallel_loop3A_594], %parallel_loop3A_588 {strides = array<i32>} : memref<20x8x256xf32, #tpu.memory_space<vmem>>, vector<16xf32>,
        %parallel_loop3A_596 = arith.constant 128 : i32
        %parallel_loop3A_597 = vector.broadcast %parallel_loop3A_596 : i32 to vector<16xi32>
        %parallel_loop3A_598 = arith.addi %parallel_loop3A_507, %parallel_loop3A_597 : vector<16xi32>
        %parallel_loop3A_599 = tpu.vector_load_idx %arg5[%parallel_loop3A_598] : memref<6400xf32, #tpu.memory_space<vmem>>[vector<16xi32>], vector<16xf32>,
        %parallel_loop3A_600 = arith.constant 16 : i32
        %parallel_loop3A_601 = arith.muli %parallel_loop3A_498, %parallel_loop3A_600 : i32
        %parallel_loop3A_602 = arith.constant 8 : i32
        %parallel_loop3A_603 = arith.index_cast %parallel_loop3A_602 : i32 to index
        %parallel_loop3A_604 = arith.index_cast %parallel_loop3A_482 : i32 to index
        %parallel_loop3A_605 = arith.index_cast %parallel_loop3A_601 : i32 to index
        %parallel_loop3A_606 = tpu.vector_load %arg8[%parallel_loop3A_603, %parallel_loop3A_604, %parallel_loop3A_605] {strides = array<i32>} : memref<20x8x256xf32, #tpu.memory_space<vmem>>, vector<16xf32>,
        tpu.vector_store %arg8[%parallel_loop3A_603, %parallel_loop3A_604, %parallel_loop3A_605], %parallel_loop3A_599 {strides = array<i32>} : memref<20x8x256xf32, #tpu.memory_space<vmem>>, vector<16xf32>,
        %parallel_loop3A_607 = arith.constant 144 : i32
        %parallel_loop3A_608 = vector.broadcast %parallel_loop3A_607 : i32 to vector<16xi32>
        %parallel_loop3A_609 = arith.addi %parallel_loop3A_507, %parallel_loop3A_608 : vector<16xi32>
        %parallel_loop3A_610 = tpu.vector_load_idx %arg5[%parallel_loop3A_609] : memref<6400xf32, #tpu.memory_space<vmem>>[vector<16xi32>], vector<16xf32>,
        %parallel_loop3A_611 = arith.constant 16 : i32
        %parallel_loop3A_612 = arith.muli %parallel_loop3A_498, %parallel_loop3A_611 : i32
        %parallel_loop3A_613 = arith.constant 9 : i32
        %parallel_loop3A_614 = arith.index_cast %parallel_loop3A_613 : i32 to index
        %parallel_loop3A_615 = arith.index_cast %parallel_loop3A_482 : i32 to index
        %parallel_loop3A_616 = arith.index_cast %parallel_loop3A_612 : i32 to index
        %parallel_loop3A_617 = tpu.vector_load %arg8[%parallel_loop3A_614, %parallel_loop3A_615, %parallel_loop3A_616] {strides = array<i32>} : memref<20x8x256xf32, #tpu.memory_space<vmem>>, vector<16xf32>,
        tpu.vector_store %arg8[%parallel_loop3A_614, %parallel_loop3A_615, %parallel_loop3A_616], %parallel_loop3A_610 {strides = array<i32>} : memref<20x8x256xf32, #tpu.memory_space<vmem>>, vector<16xf32>,
        %parallel_loop3A_618 = arith.constant 160 : i32
        %parallel_loop3A_619 = vector.broadcast %parallel_loop3A_618 : i32 to vector<16xi32>
        %parallel_loop3A_620 = arith.addi %parallel_loop3A_507, %parallel_loop3A_619 : vector<16xi32>
        %parallel_loop3A_621 = tpu.vector_load_idx %arg5[%parallel_loop3A_620] : memref<6400xf32, #tpu.memory_space<vmem>>[vector<16xi32>], vector<16xf32>,
        %parallel_loop3A_622 = arith.constant 16 : i32
        %parallel_loop3A_623 = arith.muli %parallel_loop3A_498, %parallel_loop3A_622 : i32
        %parallel_loop3A_624 = arith.constant 10 : i32
        %parallel_loop3A_625 = arith.index_cast %parallel_loop3A_624 : i32 to index
        %parallel_loop3A_626 = arith.index_cast %parallel_loop3A_482 : i32 to index
        %parallel_loop3A_627 = arith.index_cast %parallel_loop3A_623 : i32 to index
        %parallel_loop3A_628 = tpu.vector_load %arg8[%parallel_loop3A_625, %parallel_loop3A_626, %parallel_loop3A_627] {strides = array<i32>} : memref<20x8x256xf32, #tpu.memory_space<vmem>>, vector<16xf32>,
        tpu.vector_store %arg8[%parallel_loop3A_625, %parallel_loop3A_626, %parallel_loop3A_627], %parallel_loop3A_621 {strides = array<i32>} : memref<20x8x256xf32, #tpu.memory_space<vmem>>, vector<16xf32>,
        %parallel_loop3A_629 = arith.constant 176 : i32
        %parallel_loop3A_630 = vector.broadcast %parallel_loop3A_629 : i32 to vector<16xi32>
        %parallel_loop3A_631 = arith.addi %parallel_loop3A_507, %parallel_loop3A_630 : vector<16xi32>
        %parallel_loop3A_632 = tpu.vector_load_idx %arg5[%parallel_loop3A_631] : memref<6400xf32, #tpu.memory_space<vmem>>[vector<16xi32>], vector<16xf32>,
        %parallel_loop3A_633 = arith.constant 16 : i32
        %parallel_loop3A_634 = arith.muli %parallel_loop3A_498, %parallel_loop3A_633 : i32
        %parallel_loop3A_635 = arith.constant 11 : i32
        %parallel_loop3A_636 = arith.index_cast %parallel_loop3A_635 : i32 to index
        %parallel_loop3A_637 = arith.index_cast %parallel_loop3A_482 : i32 to index
        %parallel_loop3A_638 = arith.index_cast %parallel_loop3A_634 : i32 to index
        %parallel_loop3A_639 = tpu.vector_load %arg8[%parallel_loop3A_636, %parallel_loop3A_637, %parallel_loop3A_638] {strides = array<i32>} : memref<20x8x256xf32, #tpu.memory_space<vmem>>, vector<16xf32>,
        tpu.vector_store %arg8[%parallel_loop3A_636, %parallel_loop3A_637, %parallel_loop3A_638], %parallel_loop3A_632 {strides = array<i32>} : memref<20x8x256xf32, #tpu.memory_space<vmem>>, vector<16xf32>,
        %parallel_loop3A_640 = arith.constant 192 : i32
        %parallel_loop3A_641 = vector.broadcast %parallel_loop3A_640 : i32 to vector<16xi32>
        %parallel_loop3A_642 = arith.addi %parallel_loop3A_507, %parallel_loop3A_641 : vector<16xi32>
        %parallel_loop3A_643 = tpu.vector_load_idx %arg5[%parallel_loop3A_642] : memref<6400xf32, #tpu.memory_space<vmem>>[vector<16xi32>], vector<16xf32>,
        %parallel_loop3A_644 = arith.constant 16 : i32
        %parallel_loop3A_645 = arith.muli %parallel_loop3A_498, %parallel_loop3A_644 : i32
        %parallel_loop3A_646 = arith.constant 12 : i32
        %parallel_loop3A_647 = arith.index_cast %parallel_loop3A_646 : i32 to index
        %parallel_loop3A_648 = arith.index_cast %parallel_loop3A_482 : i32 to index
        %parallel_loop3A_649 = arith.index_cast %parallel_loop3A_645 : i32 to index
        %parallel_loop3A_650 = tpu.vector_load %arg8[%parallel_loop3A_647, %parallel_loop3A_648, %parallel_loop3A_649] {strides = array<i32>} : memref<20x8x256xf32, #tpu.memory_space<vmem>>, vector<16xf32>,
        tpu.vector_store %arg8[%parallel_loop3A_647, %parallel_loop3A_648, %parallel_loop3A_649], %parallel_loop3A_643 {strides = array<i32>} : memref<20x8x256xf32, #tpu.memory_space<vmem>>, vector<16xf32>,
        %parallel_loop3A_651 = arith.constant 208 : i32
        %parallel_loop3A_652 = vector.broadcast %parallel_loop3A_651 : i32 to vector<16xi32>
        %parallel_loop3A_653 = arith.addi %parallel_loop3A_507, %parallel_loop3A_652 : vector<16xi32>
        %parallel_loop3A_654 = tpu.vector_load_idx %arg5[%parallel_loop3A_653] : memref<6400xf32, #tpu.memory_space<vmem>>[vector<16xi32>], vector<16xf32>,
        %parallel_loop3A_655 = arith.constant 16 : i32
        %parallel_loop3A_656 = arith.muli %parallel_loop3A_498, %parallel_loop3A_655 : i32
        %parallel_loop3A_657 = arith.constant 13 : i32
        %parallel_loop3A_658 = arith.index_cast %parallel_loop3A_657 : i32 to index
        %parallel_loop3A_659 = arith.index_cast %parallel_loop3A_482 : i32 to index
        %parallel_loop3A_660 = arith.index_cast %parallel_loop3A_656 : i32 to index
        %parallel_loop3A_661 = tpu.vector_load %arg8[%parallel_loop3A_658, %parallel_loop3A_659, %parallel_loop3A_660] {strides = array<i32>} : memref<20x8x256xf32, #tpu.memory_space<vmem>>, vector<16xf32>,
        tpu.vector_store %arg8[%parallel_loop3A_658, %parallel_loop3A_659, %parallel_loop3A_660], %parallel_loop3A_654 {strides = array<i32>} : memref<20x8x256xf32, #tpu.memory_space<vmem>>, vector<16xf32>,
        %parallel_loop3A_662 = arith.constant 224 : i32
        %parallel_loop3A_663 = vector.broadcast %parallel_loop3A_662 : i32 to vector<16xi32>
        %parallel_loop3A_664 = arith.addi %parallel_loop3A_507, %parallel_loop3A_663 : vector<16xi32>
        %parallel_loop3A_665 = tpu.vector_load_idx %arg5[%parallel_loop3A_664] : memref<6400xf32, #tpu.memory_space<vmem>>[vector<16xi32>], vector<16xf32>,
        %parallel_loop3A_666 = arith.constant 16 : i32
        %parallel_loop3A_667 = arith.muli %parallel_loop3A_498, %parallel_loop3A_666 : i32
        %parallel_loop3A_668 = arith.constant 14 : i32
        %parallel_loop3A_669 = arith.index_cast %parallel_loop3A_668 : i32 to index
        %parallel_loop3A_670 = arith.index_cast %parallel_loop3A_482 : i32 to index
        %parallel_loop3A_671 = arith.index_cast %parallel_loop3A_667 : i32 to index
        %parallel_loop3A_672 = tpu.vector_load %arg8[%parallel_loop3A_669, %parallel_loop3A_670, %parallel_loop3A_671] {strides = array<i32>} : memref<20x8x256xf32, #tpu.memory_space<vmem>>, vector<16xf32>,
        tpu.vector_store %arg8[%parallel_loop3A_669, %parallel_loop3A_670, %parallel_loop3A_671], %parallel_loop3A_665 {strides = array<i32>} : memref<20x8x256xf32, #tpu.memory_space<vmem>>, vector<16xf32>,
        %parallel_loop3A_673 = arith.constant 240 : i32
        %parallel_loop3A_674 = vector.broadcast %parallel_loop3A_673 : i32 to vector<16xi32>
        %parallel_loop3A_675 = arith.addi %parallel_loop3A_507, %parallel_loop3A_674 : vector<16xi32>
        %parallel_loop3A_676 = tpu.vector_load_idx %arg5[%parallel_loop3A_675] : memref<6400xf32, #tpu.memory_space<vmem>>[vector<16xi32>], vector<16xf32>,
        %parallel_loop3A_677 = arith.constant 16 : i32
        %parallel_loop3A_678 = arith.muli %parallel_loop3A_498, %parallel_loop3A_677 : i32
        %parallel_loop3A_679 = arith.constant 15 : i32
        %parallel_loop3A_680 = arith.index_cast %parallel_loop3A_679 : i32 to index
        %parallel_loop3A_681 = arith.index_cast %parallel_loop3A_482 : i32 to index
        %parallel_loop3A_682 = arith.index_cast %parallel_loop3A_678 : i32 to index
        %parallel_loop3A_683 = tpu.vector_load %arg8[%parallel_loop3A_680, %parallel_loop3A_681, %parallel_loop3A_682] {strides = array<i32>} : memref<20x8x256xf32, #tpu.memory_space<vmem>>, vector<16xf32>,
        tpu.vector_store %arg8[%parallel_loop3A_680, %parallel_loop3A_681, %parallel_loop3A_682], %parallel_loop3A_676 {strides = array<i32>} : memref<20x8x256xf32, #tpu.memory_space<vmem>>, vector<16xf32>,
        %parallel_loop3A_684 = arith.constant 256 : i32
        %parallel_loop3A_685 = vector.broadcast %parallel_loop3A_684 : i32 to vector<16xi32>
        %parallel_loop3A_686 = arith.addi %parallel_loop3A_507, %parallel_loop3A_685 : vector<16xi32>
        %parallel_loop3A_687 = tpu.vector_load_idx %arg5[%parallel_loop3A_686] : memref<6400xf32, #tpu.memory_space<vmem>>[vector<16xi32>], vector<16xf32>,
        %parallel_loop3A_688 = arith.constant 16 : i32
        %parallel_loop3A_689 = arith.muli %parallel_loop3A_498, %parallel_loop3A_688 : i32
        %parallel_loop3A_690 = arith.constant 16 : i32
        %parallel_loop3A_691 = arith.index_cast %parallel_loop3A_690 : i32 to index
        %parallel_loop3A_692 = arith.index_cast %parallel_loop3A_482 : i32 to index
        %parallel_loop3A_693 = arith.index_cast %parallel_loop3A_689 : i32 to index
        %parallel_loop3A_694 = tpu.vector_load %arg8[%parallel_loop3A_691, %parallel_loop3A_692, %parallel_loop3A_693] {strides = array<i32>} : memref<20x8x256xf32, #tpu.memory_space<vmem>>, vector<16xf32>,
        tpu.vector_store %arg8[%parallel_loop3A_691, %parallel_loop3A_692, %parallel_loop3A_693], %parallel_loop3A_687 {strides = array<i32>} : memref<20x8x256xf32, #tpu.memory_space<vmem>>, vector<16xf32>,
        %parallel_loop3A_695 = arith.constant 272 : i32
        %parallel_loop3A_696 = vector.broadcast %parallel_loop3A_695 : i32 to vector<16xi32>
        %parallel_loop3A_697 = arith.addi %parallel_loop3A_507, %parallel_loop3A_696 : vector<16xi32>
        %parallel_loop3A_698 = tpu.vector_load_idx %arg5[%parallel_loop3A_697] : memref<6400xf32, #tpu.memory_space<vmem>>[vector<16xi32>], vector<16xf32>,
        %parallel_loop3A_699 = arith.constant 16 : i32
        %parallel_loop3A_700 = arith.muli %parallel_loop3A_498, %parallel_loop3A_699 : i32
        %parallel_loop3A_701 = arith.constant 17 : i32
        %parallel_loop3A_702 = arith.index_cast %parallel_loop3A_701 : i32 to index
        %parallel_loop3A_703 = arith.index_cast %parallel_loop3A_482 : i32 to index
        %parallel_loop3A_704 = arith.index_cast %parallel_loop3A_700 : i32 to index
        %parallel_loop3A_705 = tpu.vector_load %arg8[%parallel_loop3A_702, %parallel_loop3A_703, %parallel_loop3A_704] {strides = array<i32>} : memref<20x8x256xf32, #tpu.memory_space<vmem>>, vector<16xf32>,
        tpu.vector_store %arg8[%parallel_loop3A_702, %parallel_loop3A_703, %parallel_loop3A_704], %parallel_loop3A_698 {strides = array<i32>} : memref<20x8x256xf32, #tpu.memory_space<vmem>>, vector<16xf32>,
        %parallel_loop3A_706 = arith.constant 288 : i32
        %parallel_loop3A_707 = vector.broadcast %parallel_loop3A_706 : i32 to vector<16xi32>
        %parallel_loop3A_708 = arith.addi %parallel_loop3A_507, %parallel_loop3A_707 : vector<16xi32>
        %parallel_loop3A_709 = tpu.vector_load_idx %arg5[%parallel_loop3A_708] : memref<6400xf32, #tpu.memory_space<vmem>>[vector<16xi32>], vector<16xf32>,
        %parallel_loop3A_710 = arith.constant 16 : i32
        %parallel_loop3A_711 = arith.muli %parallel_loop3A_498, %parallel_loop3A_710 : i32
        %parallel_loop3A_712 = arith.constant 18 : i32
        %parallel_loop3A_713 = arith.index_cast %parallel_loop3A_712 : i32 to index
        %parallel_loop3A_714 = arith.index_cast %parallel_loop3A_482 : i32 to index
        %parallel_loop3A_715 = arith.index_cast %parallel_loop3A_711 : i32 to index
        %parallel_loop3A_716 = tpu.vector_load %arg8[%parallel_loop3A_713, %parallel_loop3A_714, %parallel_loop3A_715] {strides = array<i32>} : memref<20x8x256xf32, #tpu.memory_space<vmem>>, vector<16xf32>,
        tpu.vector_store %arg8[%parallel_loop3A_713, %parallel_loop3A_714, %parallel_loop3A_715], %parallel_loop3A_709 {strides = array<i32>} : memref<20x8x256xf32, #tpu.memory_space<vmem>>, vector<16xf32>,
        %parallel_loop3A_717 = arith.constant 304 : i32
        %parallel_loop3A_718 = vector.broadcast %parallel_loop3A_717 : i32 to vector<16xi32>
        %parallel_loop3A_719 = arith.addi %parallel_loop3A_507, %parallel_loop3A_718 : vector<16xi32>
        %parallel_loop3A_720 = tpu.vector_load_idx %arg5[%parallel_loop3A_719] : memref<6400xf32, #tpu.memory_space<vmem>>[vector<16xi32>], vector<16xf32>,
        %parallel_loop3A_721 = arith.constant 16 : i32
        %parallel_loop3A_722 = arith.muli %parallel_loop3A_498, %parallel_loop3A_721 : i32
        %parallel_loop3A_723 = arith.constant 19 : i32
        %parallel_loop3A_724 = arith.index_cast %parallel_loop3A_723 : i32 to index
        %parallel_loop3A_725 = arith.index_cast %parallel_loop3A_482 : i32 to index
        %parallel_loop3A_726 = arith.index_cast %parallel_loop3A_722 : i32 to index
        %parallel_loop3A_727 = tpu.vector_load %arg8[%parallel_loop3A_724, %parallel_loop3A_725, %parallel_loop3A_726] {strides = array<i32>} : memref<20x8x256xf32, #tpu.memory_space<vmem>>, vector<16xf32>,
        tpu.vector_store %arg8[%parallel_loop3A_724, %parallel_loop3A_725, %parallel_loop3A_726], %parallel_loop3A_720 {strides = array<i32>} : memref<20x8x256xf32, #tpu.memory_space<vmem>>, vector<16xf32>,
      } {sc.loop_unroll_factor = 2 : i64, sc.parallel_access}
      %dma_start3A_335 = arith.constant 0 : i32
      %dma_start3A_336 = tpu.memref_slice %arg4[%dma_start3A_335, %mul3A_268, %mul3A_270] : memref<20x200x16384xf32, #tpu.memory_space<hbm>> -> memref<20x8x256xf32, #tpu.memory_space<hbm>>
      %dma_start3A_337 = arith.constant 0 : i32
      %dma_start3A_338 = tpu.memref_slice %arg4[%dma_start3A_337, %mul3A_268, %mul3A_270] : memref<20x200x16384xf32, #tpu.memory_space<hbm>> -> memref<20x8x256xf32, #tpu.memory_space<hbm>>
      tpu.enqueue_dma source(%arg8 : memref<20x8x256xf32, #tpu.memory_space<vmem>>) target(%dma_start3A_338 : memref<20x8x256xf32, #tpu.memory_space<hbm>>) target_semaphore(%arg11 : memref<!tpu.dma_semaphore, #tpu.memory_space<semaphore_mem>>)
      %mul3A_339 = arith.constant 2 : i32
      %mul3A_340 = arith.muli %scan3A_221, %mul3A_339 : i32
      %add3A_341 = arith.addi %mul3A_2, %mul3A_340 : i32
      %add3A_342 = arith.constant 1 : i32
      %add3A_343 = arith.addi %add3A_341, %add3A_342 : i32
      %eq3A_344 = arith.constant 0 : i32
      %eq3A_345 = arith.cmpi eq, %scan3A_221, %eq3A_344 : i32
      %jit3A_346 = arith.constant 64 : i32
      %div3A_347 = arith.divsi %add3A_343, %jit3A_346 : i32
      %sign3A_348 = arith.constant 0 : i32
      %sign3A_349 = arith.cmpi sgt, %add3A_343, %sign3A_348 : i32
      %sign3A_350 = arith.extui %sign3A_349 : i1 to i32
      %sign3A_351 = arith.constant 0 : i32
      %sign3A_352 = arith.cmpi slt, %add3A_343, %sign3A_351 : i32
      %sign3A_353 = arith.extui %sign3A_352 : i1 to i32
      %sign3A_354 = arith.subi %sign3A_350, %sign3A_353 : i32
      %sign3A_355 = arith.constant 0 : i32
      %sign3A_356 = arith.cmpi sgt, %jit3A_346, %sign3A_355 : i32
      %sign3A_357 = arith.extui %sign3A_356 : i1 to i32
      %sign3A_358 = arith.constant 0 : i32
      %sign3A_359 = arith.cmpi slt, %jit3A_346, %sign3A_358 : i32
      %sign3A_360 = arith.extui %sign3A_359 : i1 to i32
      %sign3A_361 = arith.subi %sign3A_357, %sign3A_360 : i32
      %ne3A_362 = arith.cmpi ne, %sign3A_354, %sign3A_361 : i32
      %rem3A_363 = arith.remsi %add3A_343, %jit3A_346 : i32
      %ne3A_364 = arith.constant 0 : i32
      %ne3A_365 = arith.cmpi ne, %rem3A_363, %ne3A_364 : i32
      %and3A_366 = arith.andi %ne3A_362, %ne3A_365 : i1
      %sub3A_367 = arith.constant 1 : i32
      %sub3A_368 = arith.subi %div3A_347, %sub3A_367 : i32
      %select_n3A_369 = arith.select %and3A_366, %sub3A_368, %div3A_347 : i32
      %jit3A_370 = arith.constant 64 : i32
      %eq3A_371 = arith.constant 0 : i32
      %eq3A_372 = arith.cmpi eq, %jit3A_370, %eq3A_371 : i32
      %jit3A_373 = arith.constant 1 : i32
      %select_n3A_374 = arith.select %eq3A_372, %jit3A_373, %jit3A_370 : i32
      %rem3A_375 = arith.remsi %add3A_343, %select_n3A_374 : i32
      %ne3A_376 = arith.constant 0 : i32
      %ne3A_377 = arith.cmpi ne, %rem3A_375, %ne3A_376 : i32
      %lt3A_378 = arith.constant 0 : i32
      %lt3A_379 = arith.cmpi slt, %rem3A_375, %lt3A_378 : i32
      %lt3A_380 = arith.constant 0 : i32
      %lt3A_381 = arith.cmpi slt, %select_n3A_374, %lt3A_380 : i32
      %ne3A_382 = arith.xori %lt3A_379, %lt3A_381 : i1
      %and3A_383 = arith.andi %ne3A_382, %ne3A_377 : i1
      %add3A_384 = arith.addi %rem3A_375, %select_n3A_374 : i32
      %select_n3A_385 = arith.select %and3A_383, %add3A_384, %rem3A_375 : i32
      %mul3A_386 = arith.constant 8 : i32
      %mul3A_387 = arith.muli %select_n3A_369, %mul3A_386 : i32
      %mul3A_388 = arith.constant 256 : i32
      %mul3A_389 = arith.muli %select_n3A_385, %mul3A_388 : i32
      %dma_wait3A_390 = tpu.memref_slice %arg2[%mul3A_387, %mul3A_389] : memref<200x16384xi32, #tpu.memory_space<hbm>> -> memref<8x256xi32, #tpu.memory_space<hbm>>
      %dma_wait3A_391 = tpu.memref_slice %arg2[%mul3A_387, %mul3A_389] : memref<200x16384xi32, #tpu.memory_space<hbm>> -> memref<8x256xi32, #tpu.memory_space<hbm>>
      tpu.wait_dma2 semaphore(%arg10 : memref<!tpu.dma_semaphore, #tpu.memory_space<semaphore_mem>>) src(%dma_wait3A_391 : memref<8x256xi32, #tpu.memory_space<hbm>>) dst(%arg7 : memref<8x256xi32, #tpu.memory_space<vmem>>)
      %add3A_392 = arith.constant 1 : i32
      %add3A_393 = arith.addi %add3A_343, %add3A_392 : i32
      %add3A_394 = arith.constant 50 : i32
      %add3A_395 = arith.addi %mul3A_2, %add3A_394 : i32
      %sub3A_396 = arith.constant 1 : i32
      %sub3A_397 = arith.subi %add3A_395, %sub3A_396 : i32
      %min3A_398 = arith.minsi %add3A_393, %sub3A_397 : i32
      %jit3A_399 = arith.constant 64 : i32
      %div3A_400 = arith.divsi %min3A_398, %jit3A_399 : i32
      %sign3A_401 = arith.constant 0 : i32
      %sign3A_402 = arith.cmpi sgt, %min3A_398, %sign3A_401 : i32
      %sign3A_403 = arith.extui %sign3A_402 : i1 to i32
      %sign3A_404 = arith.constant 0 : i32
      %sign3A_405 = arith.cmpi slt, %min3A_398, %sign3A_404 : i32
      %sign3A_406 = arith.extui %sign3A_405 : i1 to i32
      %sign3A_407 = arith.subi %sign3A_403, %sign3A_406 : i32
      %sign3A_408 = arith.constant 0 : i32
      %sign3A_409 = arith.cmpi sgt, %jit3A_399, %sign3A_408 : i32
      %sign3A_410 = arith.extui %sign3A_409 : i1 to i32
      %sign3A_411 = arith.constant 0 : i32
      %sign3A_412 = arith.cmpi slt, %jit3A_399, %sign3A_411 : i32
      %sign3A_413 = arith.extui %sign3A_412 : i1 to i32
      %sign3A_414 = arith.subi %sign3A_410, %sign3A_413 : i32
      %ne3A_415 = arith.cmpi ne, %sign3A_407, %sign3A_414 : i32
      %rem3A_416 = arith.remsi %min3A_398, %jit3A_399 : i32
      %ne3A_417 = arith.constant 0 : i32
      %ne3A_418 = arith.cmpi ne, %rem3A_416, %ne3A_417 : i32
      %and3A_419 = arith.andi %ne3A_415, %ne3A_418 : i1
      %sub3A_420 = arith.constant 1 : i32
      %sub3A_421 = arith.subi %div3A_400, %sub3A_420 : i32
      %select_n3A_422 = arith.select %and3A_419, %sub3A_421, %div3A_400 : i32
      %jit3A_423 = arith.constant 64 : i32
      %eq3A_424 = arith.constant 0 : i32
      %eq3A_425 = arith.cmpi eq, %jit3A_423, %eq3A_424 : i32
      %jit3A_426 = arith.constant 1 : i32
      %select_n3A_427 = arith.select %eq3A_425, %jit3A_426, %jit3A_423 : i32
      %rem3A_428 = arith.remsi %min3A_398, %select_n3A_427 : i32
      %ne3A_429 = arith.constant 0 : i32
      %ne3A_430 = arith.cmpi ne, %rem3A_428, %ne3A_429 : i32
      %lt3A_431 = arith.constant 0 : i32
      %lt3A_432 = arith.cmpi slt, %rem3A_428, %lt3A_431 : i32
      %lt3A_433 = arith.constant 0 : i32
      %lt3A_434 = arith.cmpi slt, %select_n3A_427, %lt3A_433 : i32
      %ne3A_435 = arith.xori %lt3A_432, %lt3A_434 : i1
      %and3A_436 = arith.andi %ne3A_435, %ne3A_430 : i1
      %add3A_437 = arith.addi %rem3A_428, %select_n3A_427 : i32
      %select_n3A_438 = arith.select %and3A_436, %add3A_437, %rem3A_428 : i32
      %mul3A_439 = arith.constant 8 : i32
      %mul3A_440 = arith.muli %select_n3A_422, %mul3A_439 : i32
      %mul3A_441 = arith.constant 256 : i32
      %mul3A_442 = arith.muli %select_n3A_438, %mul3A_441 : i32
      %dma_start3A_443 = tpu.memref_slice %arg2[%mul3A_440, %mul3A_442] : memref<200x16384xi32, #tpu.memory_space<hbm>> -> memref<8x256xi32, #tpu.memory_space<hbm>>
      %dma_start3A_444 = tpu.memref_slice %arg2[%mul3A_440, %mul3A_442] : memref<200x16384xi32, #tpu.memory_space<hbm>> -> memref<8x256xi32, #tpu.memory_space<hbm>>
      tpu.enqueue_dma source(%dma_start3A_444 : memref<8x256xi32, #tpu.memory_space<hbm>>) target(%arg6 : memref<8x256xi32, #tpu.memory_space<vmem>>) target_semaphore(%arg10 : memref<!tpu.dma_semaphore, #tpu.memory_space<semaphore_mem>>)
      %not3A_445 = arith.constant true
      %not3A_446 = arith.xori %eq3A_345, %not3A_445 : i1
      %convert_element_type3A_447 = arith.extui %not3A_446 : i1 to i32
      %cond3A_448 = arith.constant 0 : i32
      %cond3A_449 = arith.cmpi ne, %convert_element_type3A_447, %cond3A_448 : i32
      scf.if %cond3A_449 {
        %dma_wait3A_458 = arith.constant 0 : i32
        %dma_wait3A_459 = tpu.memref_slice %arg4[%dma_wait3A_458, %mul3A_387, %mul3A_389] : memref<20x200x16384xf32, #tpu.memory_space<hbm>> -> memref<20x8x256xf32, #tpu.memory_space<hbm>>
        %dma_wait3A_460 = arith.constant 0 : i32
        %dma_wait3A_461 = tpu.memref_slice %arg4[%dma_wait3A_460, %mul3A_387, %mul3A_389] : memref<20x200x16384xf32, #tpu.memory_space<hbm>> -> memref<20x8x256xf32, #tpu.memory_space<hbm>>
        tpu.wait_dma2 semaphore(%arg11 : memref<!tpu.dma_semaphore, #tpu.memory_space<semaphore_mem>>) src(%arg9 : memref<20x8x256xf32, #tpu.memory_space<vmem>>) dst(%dma_wait3A_461 : memref<20x8x256xf32, #tpu.memory_space<hbm>>)
      } else {
      }
      %iota3A_450 = tpu.iota {dimensions = array<i32: 0>} : vector<16xi32>
      %parallel_loop3A_451 = arith.constant 0 : i32
      %parallel_loop3A_452 = arith.constant 128 : i32
      %parallel_loop3A_453 = arith.constant 1 : i32
      scf.for %parallel_loop3A_458 = %parallel_loop3A_451 to %parallel_loop3A_452 step %parallel_loop3A_453  : i32 {
        %parallel_loop3A_459 = arith.constant 16 : i32
        %parallel_loop3A_460 = arith.divsi %parallel_loop3A_458, %parallel_loop3A_459 : i32
        %parallel_loop3A_461 = arith.constant 0 : i32
        %parallel_loop3A_462 = arith.cmpi sgt, %parallel_loop3A_458, %parallel_loop3A_461 : i32
        %parallel_loop3A_463 = arith.extui %parallel_loop3A_462 : i1 to i32
        %parallel_loop3A_464 = arith.constant 0 : i32
        %parallel_loop3A_465 = arith.cmpi slt, %parallel_loop3A_458, %parallel_loop3A_464 : i32
        %parallel_loop3A_466 = arith.extui %parallel_loop3A_465 : i1 to i32
        %parallel_loop3A_467 = arith.subi %parallel_loop3A_463, %parallel_loop3A_466 : i32
        %parallel_loop3A_468 = arith.constant 0 : i32
        %parallel_loop3A_469 = arith.cmpi sgt, %parallel_loop3A_459, %parallel_loop3A_468 : i32
        %parallel_loop3A_470 = arith.extui %parallel_loop3A_469 : i1 to i32
        %parallel_loop3A_471 = arith.constant 0 : i32
        %parallel_loop3A_472 = arith.cmpi slt, %parallel_loop3A_459, %parallel_loop3A_471 : i32
        %parallel_loop3A_473 = arith.extui %parallel_loop3A_472 : i1 to i32
        %parallel_loop3A_474 = arith.subi %parallel_loop3A_470, %parallel_loop3A_473 : i32
        %parallel_loop3A_475 = arith.cmpi ne, %parallel_loop3A_467, %parallel_loop3A_474 : i32
        %parallel_loop3A_476 = arith.remsi %parallel_loop3A_458, %parallel_loop3A_459 : i32
        %parallel_loop3A_477 = arith.constant 0 : i32
        %parallel_loop3A_478 = arith.cmpi ne, %parallel_loop3A_476, %parallel_loop3A_477 : i32
        %parallel_loop3A_479 = arith.andi %parallel_loop3A_475, %parallel_loop3A_478 : i1
        %parallel_loop3A_480 = arith.constant 1 : i32
        %parallel_loop3A_481 = arith.subi %parallel_loop3A_460, %parallel_loop3A_480 : i32
        %parallel_loop3A_482 = arith.select %parallel_loop3A_479, %parallel_loop3A_481, %parallel_loop3A_460 : i32
        %parallel_loop3A_483 = arith.constant 16 : i32
        %parallel_loop3A_484 = arith.constant 0 : i32
        %parallel_loop3A_485 = arith.cmpi eq, %parallel_loop3A_483, %parallel_loop3A_484 : i32
        %parallel_loop3A_486 = arith.constant 1 : i32
        %parallel_loop3A_487 = arith.select %parallel_loop3A_485, %parallel_loop3A_486, %parallel_loop3A_483 : i32
        %parallel_loop3A_488 = arith.remsi %parallel_loop3A_458, %parallel_loop3A_487 : i32
        %parallel_loop3A_489 = arith.constant 0 : i32
        %parallel_loop3A_490 = arith.cmpi ne, %parallel_loop3A_488, %parallel_loop3A_489 : i32
        %parallel_loop3A_491 = arith.constant 0 : i32
        %parallel_loop3A_492 = arith.cmpi slt, %parallel_loop3A_488, %parallel_loop3A_491 : i32
        %parallel_loop3A_493 = arith.constant 0 : i32
        %parallel_loop3A_494 = arith.cmpi slt, %parallel_loop3A_487, %parallel_loop3A_493 : i32
        %parallel_loop3A_495 = arith.xori %parallel_loop3A_492, %parallel_loop3A_494 : i1
        %parallel_loop3A_496 = arith.andi %parallel_loop3A_495, %parallel_loop3A_490 : i1
        %parallel_loop3A_497 = arith.addi %parallel_loop3A_488, %parallel_loop3A_487 : i32
        %parallel_loop3A_498 = arith.select %parallel_loop3A_496, %parallel_loop3A_497, %parallel_loop3A_488 : i32
        %parallel_loop3A_499 = arith.constant 16 : i32
        %parallel_loop3A_500 = arith.muli %parallel_loop3A_498, %parallel_loop3A_499 : i32
        %parallel_loop3A_501 = arith.index_cast %parallel_loop3A_482 : i32 to index
        %parallel_loop3A_502 = arith.index_cast %parallel_loop3A_500 : i32 to index
        %parallel_loop3A_503 = tpu.vector_load %arg7[%parallel_loop3A_501, %parallel_loop3A_502] {strides = array<i32>} : memref<8x256xi32, #tpu.memory_space<vmem>>, vector<16xi32>,
        %parallel_loop3A_504 = arith.constant 320 : i32
        %parallel_loop3A_505 = vector.broadcast %parallel_loop3A_504 : i32 to vector<16xi32>
        %parallel_loop3A_506 = arith.muli %parallel_loop3A_503, %parallel_loop3A_505 : vector<16xi32>
        %parallel_loop3A_507 = arith.addi %parallel_loop3A_506, %iota3A_450 : vector<16xi32>
        %parallel_loop3A_508 = arith.constant 0 : i32
        %parallel_loop3A_509 = vector.broadcast %parallel_loop3A_508 : i32 to vector<16xi32>
        %parallel_loop3A_510 = arith.addi %parallel_loop3A_507, %parallel_loop3A_509 : vector<16xi32>
        %parallel_loop3A_511 = tpu.vector_load_idx %arg5[%parallel_loop3A_510] : memref<6400xf32, #tpu.memory_space<vmem>>[vector<16xi32>], vector<16xf32>,
        %parallel_loop3A_512 = arith.constant 16 : i32
        %parallel_loop3A_513 = arith.muli %parallel_loop3A_498, %parallel_loop3A_512 : i32
        %parallel_loop3A_514 = arith.constant 0 : i32
        %parallel_loop3A_515 = arith.index_cast %parallel_loop3A_514 : i32 to index
        %parallel_loop3A_516 = arith.index_cast %parallel_loop3A_482 : i32 to index
        %parallel_loop3A_517 = arith.index_cast %parallel_loop3A_513 : i32 to index
        %parallel_loop3A_518 = tpu.vector_load %arg9[%parallel_loop3A_515, %parallel_loop3A_516, %parallel_loop3A_517] {strides = array<i32>} : memref<20x8x256xf32, #tpu.memory_space<vmem>>, vector<16xf32>,
        tpu.vector_store %arg9[%parallel_loop3A_515, %parallel_loop3A_516, %parallel_loop3A_517], %parallel_loop3A_511 {strides = array<i32>} : memref<20x8x256xf32, #tpu.memory_space<vmem>>, vector<16xf32>,
        %parallel_loop3A_519 = arith.constant 16 : i32
        %parallel_loop3A_520 = vector.broadcast %parallel_loop3A_519 : i32 to vector<16xi32>
        %parallel_loop3A_521 = arith.addi %parallel_loop3A_507, %parallel_loop3A_520 : vector<16xi32>
        %parallel_loop3A_522 = tpu.vector_load_idx %arg5[%parallel_loop3A_521] : memref<6400xf32, #tpu.memory_space<vmem>>[vector<16xi32>], vector<16xf32>,
        %parallel_loop3A_523 = arith.constant 16 : i32
        %parallel_loop3A_524 = arith.muli %parallel_loop3A_498, %parallel_loop3A_523 : i32
        %parallel_loop3A_525 = arith.constant 1 : i32
        %parallel_loop3A_526 = arith.index_cast %parallel_loop3A_525 : i32 to index
        %parallel_loop3A_527 = arith.index_cast %parallel_loop3A_482 : i32 to index
        %parallel_loop3A_528 = arith.index_cast %parallel_loop3A_524 : i32 to index
        %parallel_loop3A_529 = tpu.vector_load %arg9[%parallel_loop3A_526, %parallel_loop3A_527, %parallel_loop3A_528] {strides = array<i32>} : memref<20x8x256xf32, #tpu.memory_space<vmem>>, vector<16xf32>,
        tpu.vector_store %arg9[%parallel_loop3A_526, %parallel_loop3A_527, %parallel_loop3A_528], %parallel_loop3A_522 {strides = array<i32>} : memref<20x8x256xf32, #tpu.memory_space<vmem>>, vector<16xf32>,
        %parallel_loop3A_530 = arith.constant 32 : i32
        %parallel_loop3A_531 = vector.broadcast %parallel_loop3A_530 : i32 to vector<16xi32>
        %parallel_loop3A_532 = arith.addi %parallel_loop3A_507, %parallel_loop3A_531 : vector<16xi32>
        %parallel_loop3A_533 = tpu.vector_load_idx %arg5[%parallel_loop3A_532] : memref<6400xf32, #tpu.memory_space<vmem>>[vector<16xi32>], vector<16xf32>,
        %parallel_loop3A_534 = arith.constant 16 : i32
        %parallel_loop3A_535 = arith.muli %parallel_loop3A_498, %parallel_loop3A_534 : i32
        %parallel_loop3A_536 = arith.constant 2 : i32
        %parallel_loop3A_537 = arith.index_cast %parallel_loop3A_536 : i32 to index
        %parallel_loop3A_538 = arith.index_cast %parallel_loop3A_482 : i32 to index
        %parallel_loop3A_539 = arith.index_cast %parallel_loop3A_535 : i32 to index
        %parallel_loop3A_540 = tpu.vector_load %arg9[%parallel_loop3A_537, %parallel_loop3A_538, %parallel_loop3A_539] {strides = array<i32>} : memref<20x8x256xf32, #tpu.memory_space<vmem>>, vector<16xf32>,
        tpu.vector_store %arg9[%parallel_loop3A_537, %parallel_loop3A_538, %parallel_loop3A_539], %parallel_loop3A_533 {strides = array<i32>} : memref<20x8x256xf32, #tpu.memory_space<vmem>>, vector<16xf32>,
        %parallel_loop3A_541 = arith.constant 48 : i32
        %parallel_loop3A_542 = vector.broadcast %parallel_loop3A_541 : i32 to vector<16xi32>
        %parallel_loop3A_543 = arith.addi %parallel_loop3A_507, %parallel_loop3A_542 : vector<16xi32>
        %parallel_loop3A_544 = tpu.vector_load_idx %arg5[%parallel_loop3A_543] : memref<6400xf32, #tpu.memory_space<vmem>>[vector<16xi32>], vector<16xf32>,
        %parallel_loop3A_545 = arith.constant 16 : i32
        %parallel_loop3A_546 = arith.muli %parallel_loop3A_498, %parallel_loop3A_545 : i32
        %parallel_loop3A_547 = arith.constant 3 : i32
        %parallel_loop3A_548 = arith.index_cast %parallel_loop3A_547 : i32 to index
        %parallel_loop3A_549 = arith.index_cast %parallel_loop3A_482 : i32 to index
        %parallel_loop3A_550 = arith.index_cast %parallel_loop3A_546 : i32 to index
        %parallel_loop3A_551 = tpu.vector_load %arg9[%parallel_loop3A_548, %parallel_loop3A_549, %parallel_loop3A_550] {strides = array<i32>} : memref<20x8x256xf32, #tpu.memory_space<vmem>>, vector<16xf32>,
        tpu.vector_store %arg9[%parallel_loop3A_548, %parallel_loop3A_549, %parallel_loop3A_550], %parallel_loop3A_544 {strides = array<i32>} : memref<20x8x256xf32, #tpu.memory_space<vmem>>, vector<16xf32>,
        %parallel_loop3A_552 = arith.constant 64 : i32
        %parallel_loop3A_553 = vector.broadcast %parallel_loop3A_552 : i32 to vector<16xi32>
        %parallel_loop3A_554 = arith.addi %parallel_loop3A_507, %parallel_loop3A_553 : vector<16xi32>
        %parallel_loop3A_555 = tpu.vector_load_idx %arg5[%parallel_loop3A_554] : memref<6400xf32, #tpu.memory_space<vmem>>[vector<16xi32>], vector<16xf32>,
        %parallel_loop3A_556 = arith.constant 16 : i32
        %parallel_loop3A_557 = arith.muli %parallel_loop3A_498, %parallel_loop3A_556 : i32
        %parallel_loop3A_558 = arith.constant 4 : i32
        %parallel_loop3A_559 = arith.index_cast %parallel_loop3A_558 : i32 to index
        %parallel_loop3A_560 = arith.index_cast %parallel_loop3A_482 : i32 to index
        %parallel_loop3A_561 = arith.index_cast %parallel_loop3A_557 : i32 to index
        %parallel_loop3A_562 = tpu.vector_load %arg9[%parallel_loop3A_559, %parallel_loop3A_560, %parallel_loop3A_561] {strides = array<i32>} : memref<20x8x256xf32, #tpu.memory_space<vmem>>, vector<16xf32>,
        tpu.vector_store %arg9[%parallel_loop3A_559, %parallel_loop3A_560, %parallel_loop3A_561], %parallel_loop3A_555 {strides = array<i32>} : memref<20x8x256xf32, #tpu.memory_space<vmem>>, vector<16xf32>,
        %parallel_loop3A_563 = arith.constant 80 : i32
        %parallel_loop3A_564 = vector.broadcast %parallel_loop3A_563 : i32 to vector<16xi32>
        %parallel_loop3A_565 = arith.addi %parallel_loop3A_507, %parallel_loop3A_564 : vector<16xi32>
        %parallel_loop3A_566 = tpu.vector_load_idx %arg5[%parallel_loop3A_565] : memref<6400xf32, #tpu.memory_space<vmem>>[vector<16xi32>], vector<16xf32>,
        %parallel_loop3A_567 = arith.constant 16 : i32
        %parallel_loop3A_568 = arith.muli %parallel_loop3A_498, %parallel_loop3A_567 : i32
        %parallel_loop3A_569 = arith.constant 5 : i32
        %parallel_loop3A_570 = arith.index_cast %parallel_loop3A_569 : i32 to index
        %parallel_loop3A_571 = arith.index_cast %parallel_loop3A_482 : i32 to index
        %parallel_loop3A_572 = arith.index_cast %parallel_loop3A_568 : i32 to index
        %parallel_loop3A_573 = tpu.vector_load %arg9[%parallel_loop3A_570, %parallel_loop3A_571, %parallel_loop3A_572] {strides = array<i32>} : memref<20x8x256xf32, #tpu.memory_space<vmem>>, vector<16xf32>,
        tpu.vector_store %arg9[%parallel_loop3A_570, %parallel_loop3A_571, %parallel_loop3A_572], %parallel_loop3A_566 {strides = array<i32>} : memref<20x8x256xf32, #tpu.memory_space<vmem>>, vector<16xf32>,
        %parallel_loop3A_574 = arith.constant 96 : i32
        %parallel_loop3A_575 = vector.broadcast %parallel_loop3A_574 : i32 to vector<16xi32>
        %parallel_loop3A_576 = arith.addi %parallel_loop3A_507, %parallel_loop3A_575 : vector<16xi32>
        %parallel_loop3A_577 = tpu.vector_load_idx %arg5[%parallel_loop3A_576] : memref<6400xf32, #tpu.memory_space<vmem>>[vector<16xi32>], vector<16xf32>,
        %parallel_loop3A_578 = arith.constant 16 : i32
        %parallel_loop3A_579 = arith.muli %parallel_loop3A_498, %parallel_loop3A_578 : i32
        %parallel_loop3A_580 = arith.constant 6 : i32
        %parallel_loop3A_581 = arith.index_cast %parallel_loop3A_580 : i32 to index
        %parallel_loop3A_582 = arith.index_cast %parallel_loop3A_482 : i32 to index
        %parallel_loop3A_583 = arith.index_cast %parallel_loop3A_579 : i32 to index
        %parallel_loop3A_584 = tpu.vector_load %arg9[%parallel_loop3A_581, %parallel_loop3A_582, %parallel_loop3A_583] {strides = array<i32>} : memref<20x8x256xf32, #tpu.memory_space<vmem>>, vector<16xf32>,
        tpu.vector_store %arg9[%parallel_loop3A_581, %parallel_loop3A_582, %parallel_loop3A_583], %parallel_loop3A_577 {strides = array<i32>} : memref<20x8x256xf32, #tpu.memory_space<vmem>>, vector<16xf32>,
        %parallel_loop3A_585 = arith.constant 112 : i32
        %parallel_loop3A_586 = vector.broadcast %parallel_loop3A_585 : i32 to vector<16xi32>
        %parallel_loop3A_587 = arith.addi %parallel_loop3A_507, %parallel_loop3A_586 : vector<16xi32>
        %parallel_loop3A_588 = tpu.vector_load_idx %arg5[%parallel_loop3A_587] : memref<6400xf32, #tpu.memory_space<vmem>>[vector<16xi32>], vector<16xf32>,
        %parallel_loop3A_589 = arith.constant 16 : i32
        %parallel_loop3A_590 = arith.muli %parallel_loop3A_498, %parallel_loop3A_589 : i32
        %parallel_loop3A_591 = arith.constant 7 : i32
        %parallel_loop3A_592 = arith.index_cast %parallel_loop3A_591 : i32 to index
        %parallel_loop3A_593 = arith.index_cast %parallel_loop3A_482 : i32 to index
        %parallel_loop3A_594 = arith.index_cast %parallel_loop3A_590 : i32 to index
        %parallel_loop3A_595 = tpu.vector_load %arg9[%parallel_loop3A_592, %parallel_loop3A_593, %parallel_loop3A_594] {strides = array<i32>} : memref<20x8x256xf32, #tpu.memory_space<vmem>>, vector<16xf32>,
        tpu.vector_store %arg9[%parallel_loop3A_592, %parallel_loop3A_593, %parallel_loop3A_594], %parallel_loop3A_588 {strides = array<i32>} : memref<20x8x256xf32, #tpu.memory_space<vmem>>, vector<16xf32>,
        %parallel_loop3A_596 = arith.constant 128 : i32
        %parallel_loop3A_597 = vector.broadcast %parallel_loop3A_596 : i32 to vector<16xi32>
        %parallel_loop3A_598 = arith.addi %parallel_loop3A_507, %parallel_loop3A_597 : vector<16xi32>
        %parallel_loop3A_599 = tpu.vector_load_idx %arg5[%parallel_loop3A_598] : memref<6400xf32, #tpu.memory_space<vmem>>[vector<16xi32>], vector<16xf32>,
        %parallel_loop3A_600 = arith.constant 16 : i32
        %parallel_loop3A_601 = arith.muli %parallel_loop3A_498, %parallel_loop3A_600 : i32
        %parallel_loop3A_602 = arith.constant 8 : i32
        %parallel_loop3A_603 = arith.index_cast %parallel_loop3A_602 : i32 to index
        %parallel_loop3A_604 = arith.index_cast %parallel_loop3A_482 : i32 to index
        %parallel_loop3A_605 = arith.index_cast %parallel_loop3A_601 : i32 to index
        %parallel_loop3A_606 = tpu.vector_load %arg9[%parallel_loop3A_603, %parallel_loop3A_604, %parallel_loop3A_605] {strides = array<i32>} : memref<20x8x256xf32, #tpu.memory_space<vmem>>, vector<16xf32>,
        tpu.vector_store %arg9[%parallel_loop3A_603, %parallel_loop3A_604, %parallel_loop3A_605], %parallel_loop3A_599 {strides = array<i32>} : memref<20x8x256xf32, #tpu.memory_space<vmem>>, vector<16xf32>,
        %parallel_loop3A_607 = arith.constant 144 : i32
        %parallel_loop3A_608 = vector.broadcast %parallel_loop3A_607 : i32 to vector<16xi32>
        %parallel_loop3A_609 = arith.addi %parallel_loop3A_507, %parallel_loop3A_608 : vector<16xi32>
        %parallel_loop3A_610 = tpu.vector_load_idx %arg5[%parallel_loop3A_609] : memref<6400xf32, #tpu.memory_space<vmem>>[vector<16xi32>], vector<16xf32>,
        %parallel_loop3A_611 = arith.constant 16 : i32
        %parallel_loop3A_612 = arith.muli %parallel_loop3A_498, %parallel_loop3A_611 : i32
        %parallel_loop3A_613 = arith.constant 9 : i32
        %parallel_loop3A_614 = arith.index_cast %parallel_loop3A_613 : i32 to index
        %parallel_loop3A_615 = arith.index_cast %parallel_loop3A_482 : i32 to index
        %parallel_loop3A_616 = arith.index_cast %parallel_loop3A_612 : i32 to index
        %parallel_loop3A_617 = tpu.vector_load %arg9[%parallel_loop3A_614, %parallel_loop3A_615, %parallel_loop3A_616] {strides = array<i32>} : memref<20x8x256xf32, #tpu.memory_space<vmem>>, vector<16xf32>,
        tpu.vector_store %arg9[%parallel_loop3A_614, %parallel_loop3A_615, %parallel_loop3A_616], %parallel_loop3A_610 {strides = array<i32>} : memref<20x8x256xf32, #tpu.memory_space<vmem>>, vector<16xf32>,
        %parallel_loop3A_618 = arith.constant 160 : i32
        %parallel_loop3A_619 = vector.broadcast %parallel_loop3A_618 : i32 to vector<16xi32>
        %parallel_loop3A_620 = arith.addi %parallel_loop3A_507, %parallel_loop3A_619 : vector<16xi32>
        %parallel_loop3A_621 = tpu.vector_load_idx %arg5[%parallel_loop3A_620] : memref<6400xf32, #tpu.memory_space<vmem>>[vector<16xi32>], vector<16xf32>,
        %parallel_loop3A_622 = arith.constant 16 : i32
        %parallel_loop3A_623 = arith.muli %parallel_loop3A_498, %parallel_loop3A_622 : i32
        %parallel_loop3A_624 = arith.constant 10 : i32
        %parallel_loop3A_625 = arith.index_cast %parallel_loop3A_624 : i32 to index
        %parallel_loop3A_626 = arith.index_cast %parallel_loop3A_482 : i32 to index
        %parallel_loop3A_627 = arith.index_cast %parallel_loop3A_623 : i32 to index
        %parallel_loop3A_628 = tpu.vector_load %arg9[%parallel_loop3A_625, %parallel_loop3A_626, %parallel_loop3A_627] {strides = array<i32>} : memref<20x8x256xf32, #tpu.memory_space<vmem>>, vector<16xf32>,
        tpu.vector_store %arg9[%parallel_loop3A_625, %parallel_loop3A_626, %parallel_loop3A_627], %parallel_loop3A_621 {strides = array<i32>} : memref<20x8x256xf32, #tpu.memory_space<vmem>>, vector<16xf32>,
        %parallel_loop3A_629 = arith.constant 176 : i32
        %parallel_loop3A_630 = vector.broadcast %parallel_loop3A_629 : i32 to vector<16xi32>
        %parallel_loop3A_631 = arith.addi %parallel_loop3A_507, %parallel_loop3A_630 : vector<16xi32>
        %parallel_loop3A_632 = tpu.vector_load_idx %arg5[%parallel_loop3A_631] : memref<6400xf32, #tpu.memory_space<vmem>>[vector<16xi32>], vector<16xf32>,
        %parallel_loop3A_633 = arith.constant 16 : i32
        %parallel_loop3A_634 = arith.muli %parallel_loop3A_498, %parallel_loop3A_633 : i32
        %parallel_loop3A_635 = arith.constant 11 : i32
        %parallel_loop3A_636 = arith.index_cast %parallel_loop3A_635 : i32 to index
        %parallel_loop3A_637 = arith.index_cast %parallel_loop3A_482 : i32 to index
        %parallel_loop3A_638 = arith.index_cast %parallel_loop3A_634 : i32 to index
        %parallel_loop3A_639 = tpu.vector_load %arg9[%parallel_loop3A_636, %parallel_loop3A_637, %parallel_loop3A_638] {strides = array<i32>} : memref<20x8x256xf32, #tpu.memory_space<vmem>>, vector<16xf32>,
        tpu.vector_store %arg9[%parallel_loop3A_636, %parallel_loop3A_637, %parallel_loop3A_638], %parallel_loop3A_632 {strides = array<i32>} : memref<20x8x256xf32, #tpu.memory_space<vmem>>, vector<16xf32>,
        %parallel_loop3A_640 = arith.constant 192 : i32
        %parallel_loop3A_641 = vector.broadcast %parallel_loop3A_640 : i32 to vector<16xi32>
        %parallel_loop3A_642 = arith.addi %parallel_loop3A_507, %parallel_loop3A_641 : vector<16xi32>
        %parallel_loop3A_643 = tpu.vector_load_idx %arg5[%parallel_loop3A_642] : memref<6400xf32, #tpu.memory_space<vmem>>[vector<16xi32>], vector<16xf32>,
        %parallel_loop3A_644 = arith.constant 16 : i32
        %parallel_loop3A_645 = arith.muli %parallel_loop3A_498, %parallel_loop3A_644 : i32
        %parallel_loop3A_646 = arith.constant 12 : i32
        %parallel_loop3A_647 = arith.index_cast %parallel_loop3A_646 : i32 to index
        %parallel_loop3A_648 = arith.index_cast %parallel_loop3A_482 : i32 to index
        %parallel_loop3A_649 = arith.index_cast %parallel_loop3A_645 : i32 to index
        %parallel_loop3A_650 = tpu.vector_load %arg9[%parallel_loop3A_647, %parallel_loop3A_648, %parallel_loop3A_649] {strides = array<i32>} : memref<20x8x256xf32, #tpu.memory_space<vmem>>, vector<16xf32>,
        tpu.vector_store %arg9[%parallel_loop3A_647, %parallel_loop3A_648, %parallel_loop3A_649], %parallel_loop3A_643 {strides = array<i32>} : memref<20x8x256xf32, #tpu.memory_space<vmem>>, vector<16xf32>,
        %parallel_loop3A_651 = arith.constant 208 : i32
        %parallel_loop3A_652 = vector.broadcast %parallel_loop3A_651 : i32 to vector<16xi32>
        %parallel_loop3A_653 = arith.addi %parallel_loop3A_507, %parallel_loop3A_652 : vector<16xi32>
        %parallel_loop3A_654 = tpu.vector_load_idx %arg5[%parallel_loop3A_653] : memref<6400xf32, #tpu.memory_space<vmem>>[vector<16xi32>], vector<16xf32>,
        %parallel_loop3A_655 = arith.constant 16 : i32
        %parallel_loop3A_656 = arith.muli %parallel_loop3A_498, %parallel_loop3A_655 : i32
        %parallel_loop3A_657 = arith.constant 13 : i32
        %parallel_loop3A_658 = arith.index_cast %parallel_loop3A_657 : i32 to index
        %parallel_loop3A_659 = arith.index_cast %parallel_loop3A_482 : i32 to index
        %parallel_loop3A_660 = arith.index_cast %parallel_loop3A_656 : i32 to index
        %parallel_loop3A_661 = tpu.vector_load %arg9[%parallel_loop3A_658, %parallel_loop3A_659, %parallel_loop3A_660] {strides = array<i32>} : memref<20x8x256xf32, #tpu.memory_space<vmem>>, vector<16xf32>,
        tpu.vector_store %arg9[%parallel_loop3A_658, %parallel_loop3A_659, %parallel_loop3A_660], %parallel_loop3A_654 {strides = array<i32>} : memref<20x8x256xf32, #tpu.memory_space<vmem>>, vector<16xf32>,
        %parallel_loop3A_662 = arith.constant 224 : i32
        %parallel_loop3A_663 = vector.broadcast %parallel_loop3A_662 : i32 to vector<16xi32>
        %parallel_loop3A_664 = arith.addi %parallel_loop3A_507, %parallel_loop3A_663 : vector<16xi32>
        %parallel_loop3A_665 = tpu.vector_load_idx %arg5[%parallel_loop3A_664] : memref<6400xf32, #tpu.memory_space<vmem>>[vector<16xi32>], vector<16xf32>,
        %parallel_loop3A_666 = arith.constant 16 : i32
        %parallel_loop3A_667 = arith.muli %parallel_loop3A_498, %parallel_loop3A_666 : i32
        %parallel_loop3A_668 = arith.constant 14 : i32
        %parallel_loop3A_669 = arith.index_cast %parallel_loop3A_668 : i32 to index
        %parallel_loop3A_670 = arith.index_cast %parallel_loop3A_482 : i32 to index
        %parallel_loop3A_671 = arith.index_cast %parallel_loop3A_667 : i32 to index
        %parallel_loop3A_672 = tpu.vector_load %arg9[%parallel_loop3A_669, %parallel_loop3A_670, %parallel_loop3A_671] {strides = array<i32>} : memref<20x8x256xf32, #tpu.memory_space<vmem>>, vector<16xf32>,
        tpu.vector_store %arg9[%parallel_loop3A_669, %parallel_loop3A_670, %parallel_loop3A_671], %parallel_loop3A_665 {strides = array<i32>} : memref<20x8x256xf32, #tpu.memory_space<vmem>>, vector<16xf32>,
        %parallel_loop3A_673 = arith.constant 240 : i32
        %parallel_loop3A_674 = vector.broadcast %parallel_loop3A_673 : i32 to vector<16xi32>
        %parallel_loop3A_675 = arith.addi %parallel_loop3A_507, %parallel_loop3A_674 : vector<16xi32>
        %parallel_loop3A_676 = tpu.vector_load_idx %arg5[%parallel_loop3A_675] : memref<6400xf32, #tpu.memory_space<vmem>>[vector<16xi32>], vector<16xf32>,
        %parallel_loop3A_677 = arith.constant 16 : i32
        %parallel_loop3A_678 = arith.muli %parallel_loop3A_498, %parallel_loop3A_677 : i32
        %parallel_loop3A_679 = arith.constant 15 : i32
        %parallel_loop3A_680 = arith.index_cast %parallel_loop3A_679 : i32 to index
        %parallel_loop3A_681 = arith.index_cast %parallel_loop3A_482 : i32 to index
        %parallel_loop3A_682 = arith.index_cast %parallel_loop3A_678 : i32 to index
        %parallel_loop3A_683 = tpu.vector_load %arg9[%parallel_loop3A_680, %parallel_loop3A_681, %parallel_loop3A_682] {strides = array<i32>} : memref<20x8x256xf32, #tpu.memory_space<vmem>>, vector<16xf32>,
        tpu.vector_store %arg9[%parallel_loop3A_680, %parallel_loop3A_681, %parallel_loop3A_682], %parallel_loop3A_676 {strides = array<i32>} : memref<20x8x256xf32, #tpu.memory_space<vmem>>, vector<16xf32>,
        %parallel_loop3A_684 = arith.constant 256 : i32
        %parallel_loop3A_685 = vector.broadcast %parallel_loop3A_684 : i32 to vector<16xi32>
        %parallel_loop3A_686 = arith.addi %parallel_loop3A_507, %parallel_loop3A_685 : vector<16xi32>
        %parallel_loop3A_687 = tpu.vector_load_idx %arg5[%parallel_loop3A_686] : memref<6400xf32, #tpu.memory_space<vmem>>[vector<16xi32>], vector<16xf32>,
        %parallel_loop3A_688 = arith.constant 16 : i32
        %parallel_loop3A_689 = arith.muli %parallel_loop3A_498, %parallel_loop3A_688 : i32
        %parallel_loop3A_690 = arith.constant 16 : i32
        %parallel_loop3A_691 = arith.index_cast %parallel_loop3A_690 : i32 to index
        %parallel_loop3A_692 = arith.index_cast %parallel_loop3A_482 : i32 to index
        %parallel_loop3A_693 = arith.index_cast %parallel_loop3A_689 : i32 to index
        %parallel_loop3A_694 = tpu.vector_load %arg9[%parallel_loop3A_691, %parallel_loop3A_692, %parallel_loop3A_693] {strides = array<i32>} : memref<20x8x256xf32, #tpu.memory_space<vmem>>, vector<16xf32>,
        tpu.vector_store %arg9[%parallel_loop3A_691, %parallel_loop3A_692, %parallel_loop3A_693], %parallel_loop3A_687 {strides = array<i32>} : memref<20x8x256xf32, #tpu.memory_space<vmem>>, vector<16xf32>,
        %parallel_loop3A_695 = arith.constant 272 : i32
        %parallel_loop3A_696 = vector.broadcast %parallel_loop3A_695 : i32 to vector<16xi32>
        %parallel_loop3A_697 = arith.addi %parallel_loop3A_507, %parallel_loop3A_696 : vector<16xi32>
        %parallel_loop3A_698 = tpu.vector_load_idx %arg5[%parallel_loop3A_697] : memref<6400xf32, #tpu.memory_space<vmem>>[vector<16xi32>], vector<16xf32>,
        %parallel_loop3A_699 = arith.constant 16 : i32
        %parallel_loop3A_700 = arith.muli %parallel_loop3A_498, %parallel_loop3A_699 : i32
        %parallel_loop3A_701 = arith.constant 17 : i32
        %parallel_loop3A_702 = arith.index_cast %parallel_loop3A_701 : i32 to index
        %parallel_loop3A_703 = arith.index_cast %parallel_loop3A_482 : i32 to index
        %parallel_loop3A_704 = arith.index_cast %parallel_loop3A_700 : i32 to index
        %parallel_loop3A_705 = tpu.vector_load %arg9[%parallel_loop3A_702, %parallel_loop3A_703, %parallel_loop3A_704] {strides = array<i32>} : memref<20x8x256xf32, #tpu.memory_space<vmem>>, vector<16xf32>,
        tpu.vector_store %arg9[%parallel_loop3A_702, %parallel_loop3A_703, %parallel_loop3A_704], %parallel_loop3A_698 {strides = array<i32>} : memref<20x8x256xf32, #tpu.memory_space<vmem>>, vector<16xf32>,
        %parallel_loop3A_706 = arith.constant 288 : i32
        %parallel_loop3A_707 = vector.broadcast %parallel_loop3A_706 : i32 to vector<16xi32>
        %parallel_loop3A_708 = arith.addi %parallel_loop3A_507, %parallel_loop3A_707 : vector<16xi32>
        %parallel_loop3A_709 = tpu.vector_load_idx %arg5[%parallel_loop3A_708] : memref<6400xf32, #tpu.memory_space<vmem>>[vector<16xi32>], vector<16xf32>,
        %parallel_loop3A_710 = arith.constant 16 : i32
        %parallel_loop3A_711 = arith.muli %parallel_loop3A_498, %parallel_loop3A_710 : i32
        %parallel_loop3A_712 = arith.constant 18 : i32
        %parallel_loop3A_713 = arith.index_cast %parallel_loop3A_712 : i32 to index
        %parallel_loop3A_714 = arith.index_cast %parallel_loop3A_482 : i32 to index
        %parallel_loop3A_715 = arith.index_cast %parallel_loop3A_711 : i32 to index
        %parallel_loop3A_716 = tpu.vector_load %arg9[%parallel_loop3A_713, %parallel_loop3A_714, %parallel_loop3A_715] {strides = array<i32>} : memref<20x8x256xf32, #tpu.memory_space<vmem>>, vector<16xf32>,
        tpu.vector_store %arg9[%parallel_loop3A_713, %parallel_loop3A_714, %parallel_loop3A_715], %parallel_loop3A_709 {strides = array<i32>} : memref<20x8x256xf32, #tpu.memory_space<vmem>>, vector<16xf32>,
        %parallel_loop3A_717 = arith.constant 304 : i32
        %parallel_loop3A_718 = vector.broadcast %parallel_loop3A_717 : i32 to vector<16xi32>
        %parallel_loop3A_719 = arith.addi %parallel_loop3A_507, %parallel_loop3A_718 : vector<16xi32>
        %parallel_loop3A_720 = tpu.vector_load_idx %arg5[%parallel_loop3A_719] : memref<6400xf32, #tpu.memory_space<vmem>>[vector<16xi32>], vector<16xf32>,
        %parallel_loop3A_721 = arith.constant 16 : i32
        %parallel_loop3A_722 = arith.muli %parallel_loop3A_498, %parallel_loop3A_721 : i32
        %parallel_loop3A_723 = arith.constant 19 : i32
        %parallel_loop3A_724 = arith.index_cast %parallel_loop3A_723 : i32 to index
        %parallel_loop3A_725 = arith.index_cast %parallel_loop3A_482 : i32 to index
        %parallel_loop3A_726 = arith.index_cast %parallel_loop3A_722 : i32 to index
        %parallel_loop3A_727 = tpu.vector_load %arg9[%parallel_loop3A_724, %parallel_loop3A_725, %parallel_loop3A_726] {strides = array<i32>} : memref<20x8x256xf32, #tpu.memory_space<vmem>>, vector<16xf32>,
        tpu.vector_store %arg9[%parallel_loop3A_724, %parallel_loop3A_725, %parallel_loop3A_726], %parallel_loop3A_720 {strides = array<i32>} : memref<20x8x256xf32, #tpu.memory_space<vmem>>, vector<16xf32>,
      } {sc.loop_unroll_factor = 2 : i64, sc.parallel_access}
      %dma_start3A_454 = arith.constant 0 : i32
      %dma_start3A_455 = tpu.memref_slice %arg4[%dma_start3A_454, %mul3A_387, %mul3A_389] : memref<20x200x16384xf32, #tpu.memory_space<hbm>> -> memref<20x8x256xf32, #tpu.memory_space<hbm>>
      %dma_start3A_456 = arith.constant 0 : i32
      %dma_start3A_457 = tpu.memref_slice %arg4[%dma_start3A_456, %mul3A_387, %mul3A_389] : memref<20x200x16384xf32, #tpu.memory_space<hbm>> -> memref<20x8x256xf32, #tpu.memory_space<hbm>>
      tpu.enqueue_dma source(%arg9 : memref<20x8x256xf32, #tpu.memory_space<vmem>>) target(%dma_start3A_457 : memref<20x8x256xf32, #tpu.memory_space<hbm>>) target_semaphore(%arg11 : memref<!tpu.dma_semaphore, #tpu.memory_space<semaphore_mem>>)
    }
    %scan3A_42 = arith.constant 24 : i32
    %add3A_43 = arith.constant 48 : i32
    %add3A_44 = arith.addi %mul3A_2, %add3A_43 : i32
    %jit3A_45 = arith.constant 64 : i32
    %div3A_46 = arith.divsi %add3A_44, %jit3A_45 : i32
    %sign3A_47 = arith.constant 0 : i32
    %sign3A_48 = arith.cmpi sgt, %add3A_44, %sign3A_47 : i32
    %sign3A_49 = arith.extui %sign3A_48 : i1 to i32
    %sign3A_50 = arith.constant 0 : i32
    %sign3A_51 = arith.cmpi slt, %add3A_44, %sign3A_50 : i32
    %sign3A_52 = arith.extui %sign3A_51 : i1 to i32
    %sign3A_53 = arith.subi %sign3A_49, %sign3A_52 : i32
    %sign3A_54 = arith.constant 0 : i32
    %sign3A_55 = arith.cmpi sgt, %jit3A_45, %sign3A_54 : i32
    %sign3A_56 = arith.extui %sign3A_55 : i1 to i32
    %sign3A_57 = arith.constant 0 : i32
    %sign3A_58 = arith.cmpi slt, %jit3A_45, %sign3A_57 : i32
    %sign3A_59 = arith.extui %sign3A_58 : i1 to i32
    %sign3A_60 = arith.subi %sign3A_56, %sign3A_59 : i32
    %ne3A_61 = arith.cmpi ne, %sign3A_53, %sign3A_60 : i32
    %rem3A_62 = arith.remsi %add3A_44, %jit3A_45 : i32
    %ne3A_63 = arith.constant 0 : i32
    %ne3A_64 = arith.cmpi ne, %rem3A_62, %ne3A_63 : i32
    %and3A_65 = arith.andi %ne3A_61, %ne3A_64 : i1
    %sub3A_66 = arith.constant 1 : i32
    %sub3A_67 = arith.subi %div3A_46, %sub3A_66 : i32
    %select_n3A_68 = arith.select %and3A_65, %sub3A_67, %div3A_46 : i32
    %jit3A_69 = arith.constant 64 : i32
    %eq3A_70 = arith.constant 0 : i32
    %eq3A_71 = arith.cmpi eq, %jit3A_69, %eq3A_70 : i32
    %jit3A_72 = arith.constant 1 : i32
    %select_n3A_73 = arith.select %eq3A_71, %jit3A_72, %jit3A_69 : i32
    %rem3A_74 = arith.remsi %add3A_44, %select_n3A_73 : i32
    %ne3A_75 = arith.constant 0 : i32
    %ne3A_76 = arith.cmpi ne, %rem3A_74, %ne3A_75 : i32
    %lt3A_77 = arith.constant 0 : i32
    %lt3A_78 = arith.cmpi slt, %rem3A_74, %lt3A_77 : i32
    %lt3A_79 = arith.constant 0 : i32
    %lt3A_80 = arith.cmpi slt, %select_n3A_73, %lt3A_79 : i32
    %ne3A_81 = arith.xori %lt3A_78, %lt3A_80 : i1
    %and3A_82 = arith.andi %ne3A_81, %ne3A_76 : i1
    %add3A_83 = arith.addi %rem3A_74, %select_n3A_73 : i32
    %select_n3A_84 = arith.select %and3A_82, %add3A_83, %rem3A_74 : i32
    %mul3A_85 = arith.constant 8 : i32
    %mul3A_86 = arith.muli %select_n3A_68, %mul3A_85 : i32
    %mul3A_87 = arith.constant 256 : i32
    %mul3A_88 = arith.muli %select_n3A_84, %mul3A_87 : i32
    %dma_wait3A = tpu.memref_slice %arg2[%mul3A_86, %mul3A_88] : memref<200x16384xi32, #tpu.memory_space<hbm>> -> memref<8x256xi32, #tpu.memory_space<hbm>>
    %dma_wait3A_89 = tpu.memref_slice %arg2[%mul3A_86, %mul3A_88] : memref<200x16384xi32, #tpu.memory_space<hbm>> -> memref<8x256xi32, #tpu.memory_space<hbm>>
    tpu.wait_dma2 semaphore(%arg10 : memref<!tpu.dma_semaphore, #tpu.memory_space<semaphore_mem>>) src(%dma_wait3A_89 : memref<8x256xi32, #tpu.memory_space<hbm>>) dst(%arg6 : memref<8x256xi32, #tpu.memory_space<vmem>>)
    %add3A_90 = arith.constant 1 : i32
    %add3A_91 = arith.addi %add3A_44, %add3A_90 : i32
    %add3A_92 = arith.constant 50 : i32
    %add3A_93 = arith.addi %mul3A_2, %add3A_92 : i32
    %sub3A_94 = arith.constant 1 : i32
    %sub3A_95 = arith.subi %add3A_93, %sub3A_94 : i32
    %min3A = arith.minsi %add3A_91, %sub3A_95 : i32
    %jit3A_96 = arith.constant 64 : i32
    %div3A_97 = arith.divsi %min3A, %jit3A_96 : i32
    %sign3A_98 = arith.constant 0 : i32
    %sign3A_99 = arith.cmpi sgt, %min3A, %sign3A_98 : i32
    %sign3A_100 = arith.extui %sign3A_99 : i1 to i32
    %sign3A_101 = arith.constant 0 : i32
    %sign3A_102 = arith.cmpi slt, %min3A, %sign3A_101 : i32
    %sign3A_103 = arith.extui %sign3A_102 : i1 to i32
    %sign3A_104 = arith.subi %sign3A_100, %sign3A_103 : i32
    %sign3A_105 = arith.constant 0 : i32
    %sign3A_106 = arith.cmpi sgt, %jit3A_96, %sign3A_105 : i32
    %sign3A_107 = arith.extui %sign3A_106 : i1 to i32
    %sign3A_108 = arith.constant 0 : i32
    %sign3A_109 = arith.cmpi slt, %jit3A_96, %sign3A_108 : i32
    %sign3A_110 = arith.extui %sign3A_109 : i1 to i32
    %sign3A_111 = arith.subi %sign3A_107, %sign3A_110 : i32
    %ne3A_112 = arith.cmpi ne, %sign3A_104, %sign3A_111 : i32
    %rem3A_113 = arith.remsi %min3A, %jit3A_96 : i32
    %ne3A_114 = arith.constant 0 : i32
    %ne3A_115 = arith.cmpi ne, %rem3A_113, %ne3A_114 : i32
    %and3A_116 = arith.andi %ne3A_112, %ne3A_115 : i1
    %sub3A_117 = arith.constant 1 : i32
    %sub3A_118 = arith.subi %div3A_97, %sub3A_117 : i32
    %select_n3A_119 = arith.select %and3A_116, %sub3A_118, %div3A_97 : i32
    %jit3A_120 = arith.constant 64 : i32
    %eq3A_121 = arith.constant 0 : i32
    %eq3A_122 = arith.cmpi eq, %jit3A_120, %eq3A_121 : i32
    %jit3A_123 = arith.constant 1 : i32
    %select_n3A_124 = arith.select %eq3A_122, %jit3A_123, %jit3A_120 : i32
    %rem3A_125 = arith.remsi %min3A, %select_n3A_124 : i32
    %ne3A_126 = arith.constant 0 : i32
    %ne3A_127 = arith.cmpi ne, %rem3A_125, %ne3A_126 : i32
    %lt3A_128 = arith.constant 0 : i32
    %lt3A_129 = arith.cmpi slt, %rem3A_125, %lt3A_128 : i32
    %lt3A_130 = arith.constant 0 : i32
    %lt3A_131 = arith.cmpi slt, %select_n3A_124, %lt3A_130 : i32
    %ne3A_132 = arith.xori %lt3A_129, %lt3A_131 : i1
    %and3A_133 = arith.andi %ne3A_132, %ne3A_127 : i1
    %add3A_134 = arith.addi %rem3A_125, %select_n3A_124 : i32
    %select_n3A_135 = arith.select %and3A_133, %add3A_134, %rem3A_125 : i32
    %mul3A_136 = arith.constant 8 : i32
    %mul3A_137 = arith.muli %select_n3A_119, %mul3A_136 : i32
    %mul3A_138 = arith.constant 256 : i32
    %mul3A_139 = arith.muli %select_n3A_135, %mul3A_138 : i32
    %dma_start3A_140 = tpu.memref_slice %arg2[%mul3A_137, %mul3A_139] : memref<200x16384xi32, #tpu.memory_space<hbm>> -> memref<8x256xi32, #tpu.memory_space<hbm>>
    %dma_start3A_141 = tpu.memref_slice %arg2[%mul3A_137, %mul3A_139] : memref<200x16384xi32, #tpu.memory_space<hbm>> -> memref<8x256xi32, #tpu.memory_space<hbm>>
    tpu.enqueue_dma source(%dma_start3A_141 : memref<8x256xi32, #tpu.memory_space<hbm>>) target(%arg7 : memref<8x256xi32, #tpu.memory_space<vmem>>) target_semaphore(%arg10 : memref<!tpu.dma_semaphore, #tpu.memory_space<semaphore_mem>>)
    %not3A = arith.constant false
    %not3A_142 = arith.constant true
    %not3A_143 = arith.xori %not3A, %not3A_142 : i1
    %convert_element_type3A = arith.extui %not3A_143 : i1 to i32
    %cond3A = arith.constant 0 : i32
    %cond3A_144 = arith.cmpi ne, %convert_element_type3A, %cond3A : i32
    scf.if %cond3A_144 {
      %dma_wait3A_221 = arith.constant 0 : i32
      %dma_wait3A_222 = tpu.memref_slice %arg4[%dma_wait3A_221, %mul3A_86, %mul3A_88] : memref<20x200x16384xf32, #tpu.memory_space<hbm>> -> memref<20x8x256xf32, #tpu.memory_space<hbm>>
      %dma_wait3A_223 = arith.constant 0 : i32
      %dma_wait3A_224 = tpu.memref_slice %arg4[%dma_wait3A_223, %mul3A_86, %mul3A_88] : memref<20x200x16384xf32, #tpu.memory_space<hbm>> -> memref<20x8x256xf32, #tpu.memory_space<hbm>>
      tpu.wait_dma2 semaphore(%arg11 : memref<!tpu.dma_semaphore, #tpu.memory_space<semaphore_mem>>) src(%arg8 : memref<20x8x256xf32, #tpu.memory_space<vmem>>) dst(%dma_wait3A_224 : memref<20x8x256xf32, #tpu.memory_space<hbm>>)
    } else {
    }
    %iota3A = tpu.iota {dimensions = array<i32: 0>} : vector<16xi32>
    %parallel_loop3A = arith.constant 0 : i32
    %parallel_loop3A_145 = arith.constant 128 : i32
    %parallel_loop3A_146 = arith.constant 1 : i32
    scf.for %parallel_loop3A_221 = %parallel_loop3A to %parallel_loop3A_145 step %parallel_loop3A_146  : i32 {
      %parallel_loop3A_222 = arith.constant 16 : i32
      %parallel_loop3A_223 = arith.divsi %parallel_loop3A_221, %parallel_loop3A_222 : i32
      %parallel_loop3A_224 = arith.constant 0 : i32
      %parallel_loop3A_225 = arith.cmpi sgt, %parallel_loop3A_221, %parallel_loop3A_224 : i32
      %parallel_loop3A_226 = arith.extui %parallel_loop3A_225 : i1 to i32
      %parallel_loop3A_227 = arith.constant 0 : i32
      %parallel_loop3A_228 = arith.cmpi slt, %parallel_loop3A_221, %parallel_loop3A_227 : i32
      %parallel_loop3A_229 = arith.extui %parallel_loop3A_228 : i1 to i32
      %parallel_loop3A_230 = arith.subi %parallel_loop3A_226, %parallel_loop3A_229 : i32
      %parallel_loop3A_231 = arith.constant 0 : i32
      %parallel_loop3A_232 = arith.cmpi sgt, %parallel_loop3A_222, %parallel_loop3A_231 : i32
      %parallel_loop3A_233 = arith.extui %parallel_loop3A_232 : i1 to i32
      %parallel_loop3A_234 = arith.constant 0 : i32
      %parallel_loop3A_235 = arith.cmpi slt, %parallel_loop3A_222, %parallel_loop3A_234 : i32
      %parallel_loop3A_236 = arith.extui %parallel_loop3A_235 : i1 to i32
      %parallel_loop3A_237 = arith.subi %parallel_loop3A_233, %parallel_loop3A_236 : i32
      %parallel_loop3A_238 = arith.cmpi ne, %parallel_loop3A_230, %parallel_loop3A_237 : i32
      %parallel_loop3A_239 = arith.remsi %parallel_loop3A_221, %parallel_loop3A_222 : i32
      %parallel_loop3A_240 = arith.constant 0 : i32
      %parallel_loop3A_241 = arith.cmpi ne, %parallel_loop3A_239, %parallel_loop3A_240 : i32
      %parallel_loop3A_242 = arith.andi %parallel_loop3A_238, %parallel_loop3A_241 : i1
      %parallel_loop3A_243 = arith.constant 1 : i32
      %parallel_loop3A_244 = arith.subi %parallel_loop3A_223, %parallel_loop3A_243 : i32
      %parallel_loop3A_245 = arith.select %parallel_loop3A_242, %parallel_loop3A_244, %parallel_loop3A_223 : i32
      %parallel_loop3A_246 = arith.constant 16 : i32
      %parallel_loop3A_247 = arith.constant 0 : i32
      %parallel_loop3A_248 = arith.cmpi eq, %parallel_loop3A_246, %parallel_loop3A_247 : i32
      %parallel_loop3A_249 = arith.constant 1 : i32
      %parallel_loop3A_250 = arith.select %parallel_loop3A_248, %parallel_loop3A_249, %parallel_loop3A_246 : i32
      %parallel_loop3A_251 = arith.remsi %parallel_loop3A_221, %parallel_loop3A_250 : i32
      %parallel_loop3A_252 = arith.constant 0 : i32
      %parallel_loop3A_253 = arith.cmpi ne, %parallel_loop3A_251, %parallel_loop3A_252 : i32
      %parallel_loop3A_254 = arith.constant 0 : i32
      %parallel_loop3A_255 = arith.cmpi slt, %parallel_loop3A_251, %parallel_loop3A_254 : i32
      %parallel_loop3A_256 = arith.constant 0 : i32
      %parallel_loop3A_257 = arith.cmpi slt, %parallel_loop3A_250, %parallel_loop3A_256 : i32
      %parallel_loop3A_258 = arith.xori %parallel_loop3A_255, %parallel_loop3A_257 : i1
      %parallel_loop3A_259 = arith.andi %parallel_loop3A_258, %parallel_loop3A_253 : i1
      %parallel_loop3A_260 = arith.addi %parallel_loop3A_251, %parallel_loop3A_250 : i32
      %parallel_loop3A_261 = arith.select %parallel_loop3A_259, %parallel_loop3A_260, %parallel_loop3A_251 : i32
      %parallel_loop3A_262 = arith.constant 16 : i32
      %parallel_loop3A_263 = arith.muli %parallel_loop3A_261, %parallel_loop3A_262 : i32
      %parallel_loop3A_264 = arith.index_cast %parallel_loop3A_245 : i32 to index
      %parallel_loop3A_265 = arith.index_cast %parallel_loop3A_263 : i32 to index
      %parallel_loop3A_266 = tpu.vector_load %arg6[%parallel_loop3A_264, %parallel_loop3A_265] {strides = array<i32>} : memref<8x256xi32, #tpu.memory_space<vmem>>, vector<16xi32>,
      %parallel_loop3A_267 = arith.constant 320 : i32
      %parallel_loop3A_268 = vector.broadcast %parallel_loop3A_267 : i32 to vector<16xi32>
      %parallel_loop3A_269 = arith.muli %parallel_loop3A_266, %parallel_loop3A_268 : vector<16xi32>
      %parallel_loop3A_270 = arith.addi %parallel_loop3A_269, %iota3A : vector<16xi32>
      %parallel_loop3A_271 = arith.constant 0 : i32
      %parallel_loop3A_272 = vector.broadcast %parallel_loop3A_271 : i32 to vector<16xi32>
      %parallel_loop3A_273 = arith.addi %parallel_loop3A_270, %parallel_loop3A_272 : vector<16xi32>
      %parallel_loop3A_274 = tpu.vector_load_idx %arg5[%parallel_loop3A_273] : memref<6400xf32, #tpu.memory_space<vmem>>[vector<16xi32>], vector<16xf32>,
      %parallel_loop3A_275 = arith.constant 16 : i32
      %parallel_loop3A_276 = arith.muli %parallel_loop3A_261, %parallel_loop3A_275 : i32
      %parallel_loop3A_277 = arith.constant 0 : i32
      %parallel_loop3A_278 = arith.index_cast %parallel_loop3A_277 : i32 to index
      %parallel_loop3A_279 = arith.index_cast %parallel_loop3A_245 : i32 to index
      %parallel_loop3A_280 = arith.index_cast %parallel_loop3A_276 : i32 to index
      %parallel_loop3A_281 = tpu.vector_load %arg8[%parallel_loop3A_278, %parallel_loop3A_279, %parallel_loop3A_280] {strides = array<i32>} : memref<20x8x256xf32, #tpu.memory_space<vmem>>, vector<16xf32>,
      tpu.vector_store %arg8[%parallel_loop3A_278, %parallel_loop3A_279, %parallel_loop3A_280], %parallel_loop3A_274 {strides = array<i32>} : memref<20x8x256xf32, #tpu.memory_space<vmem>>, vector<16xf32>,
      %parallel_loop3A_282 = arith.constant 16 : i32
      %parallel_loop3A_283 = vector.broadcast %parallel_loop3A_282 : i32 to vector<16xi32>
      %parallel_loop3A_284 = arith.addi %parallel_loop3A_270, %parallel_loop3A_283 : vector<16xi32>
      %parallel_loop3A_285 = tpu.vector_load_idx %arg5[%parallel_loop3A_284] : memref<6400xf32, #tpu.memory_space<vmem>>[vector<16xi32>], vector<16xf32>,
      %parallel_loop3A_286 = arith.constant 16 : i32
      %parallel_loop3A_287 = arith.muli %parallel_loop3A_261, %parallel_loop3A_286 : i32
      %parallel_loop3A_288 = arith.constant 1 : i32
      %parallel_loop3A_289 = arith.index_cast %parallel_loop3A_288 : i32 to index
      %parallel_loop3A_290 = arith.index_cast %parallel_loop3A_245 : i32 to index
      %parallel_loop3A_291 = arith.index_cast %parallel_loop3A_287 : i32 to index
      %parallel_loop3A_292 = tpu.vector_load %arg8[%parallel_loop3A_289, %parallel_loop3A_290, %parallel_loop3A_291] {strides = array<i32>} : memref<20x8x256xf32, #tpu.memory_space<vmem>>, vector<16xf32>,
      tpu.vector_store %arg8[%parallel_loop3A_289, %parallel_loop3A_290, %parallel_loop3A_291], %parallel_loop3A_285 {strides = array<i32>} : memref<20x8x256xf32, #tpu.memory_space<vmem>>, vector<16xf32>,
      %parallel_loop3A_293 = arith.constant 32 : i32
      %parallel_loop3A_294 = vector.broadcast %parallel_loop3A_293 : i32 to vector<16xi32>
      %parallel_loop3A_295 = arith.addi %parallel_loop3A_270, %parallel_loop3A_294 : vector<16xi32>
      %parallel_loop3A_296 = tpu.vector_load_idx %arg5[%parallel_loop3A_295] : memref<6400xf32, #tpu.memory_space<vmem>>[vector<16xi32>], vector<16xf32>,
      %parallel_loop3A_297 = arith.constant 16 : i32
      %parallel_loop3A_298 = arith.muli %parallel_loop3A_261, %parallel_loop3A_297 : i32
      %parallel_loop3A_299 = arith.constant 2 : i32
      %parallel_loop3A_300 = arith.index_cast %parallel_loop3A_299 : i32 to index
      %parallel_loop3A_301 = arith.index_cast %parallel_loop3A_245 : i32 to index
      %parallel_loop3A_302 = arith.index_cast %parallel_loop3A_298 : i32 to index
      %parallel_loop3A_303 = tpu.vector_load %arg8[%parallel_loop3A_300, %parallel_loop3A_301, %parallel_loop3A_302] {strides = array<i32>} : memref<20x8x256xf32, #tpu.memory_space<vmem>>, vector<16xf32>,
      tpu.vector_store %arg8[%parallel_loop3A_300, %parallel_loop3A_301, %parallel_loop3A_302], %parallel_loop3A_296 {strides = array<i32>} : memref<20x8x256xf32, #tpu.memory_space<vmem>>, vector<16xf32>,
      %parallel_loop3A_304 = arith.constant 48 : i32
      %parallel_loop3A_305 = vector.broadcast %parallel_loop3A_304 : i32 to vector<16xi32>
      %parallel_loop3A_306 = arith.addi %parallel_loop3A_270, %parallel_loop3A_305 : vector<16xi32>
      %parallel_loop3A_307 = tpu.vector_load_idx %arg5[%parallel_loop3A_306] : memref<6400xf32, #tpu.memory_space<vmem>>[vector<16xi32>], vector<16xf32>,
      %parallel_loop3A_308 = arith.constant 16 : i32
      %parallel_loop3A_309 = arith.muli %parallel_loop3A_261, %parallel_loop3A_308 : i32
      %parallel_loop3A_310 = arith.constant 3 : i32
      %parallel_loop3A_311 = arith.index_cast %parallel_loop3A_310 : i32 to index
      %parallel_loop3A_312 = arith.index_cast %parallel_loop3A_245 : i32 to index
      %parallel_loop3A_313 = arith.index_cast %parallel_loop3A_309 : i32 to index
      %parallel_loop3A_314 = tpu.vector_load %arg8[%parallel_loop3A_311, %parallel_loop3A_312, %parallel_loop3A_313] {strides = array<i32>} : memref<20x8x256xf32, #tpu.memory_space<vmem>>, vector<16xf32>,
      tpu.vector_store %arg8[%parallel_loop3A_311, %parallel_loop3A_312, %parallel_loop3A_313], %parallel_loop3A_307 {strides = array<i32>} : memref<20x8x256xf32, #tpu.memory_space<vmem>>, vector<16xf32>,
      %parallel_loop3A_315 = arith.constant 64 : i32
      %parallel_loop3A_316 = vector.broadcast %parallel_loop3A_315 : i32 to vector<16xi32>
      %parallel_loop3A_317 = arith.addi %parallel_loop3A_270, %parallel_loop3A_316 : vector<16xi32>
      %parallel_loop3A_318 = tpu.vector_load_idx %arg5[%parallel_loop3A_317] : memref<6400xf32, #tpu.memory_space<vmem>>[vector<16xi32>], vector<16xf32>,
      %parallel_loop3A_319 = arith.constant 16 : i32
      %parallel_loop3A_320 = arith.muli %parallel_loop3A_261, %parallel_loop3A_319 : i32
      %parallel_loop3A_321 = arith.constant 4 : i32
      %parallel_loop3A_322 = arith.index_cast %parallel_loop3A_321 : i32 to index
      %parallel_loop3A_323 = arith.index_cast %parallel_loop3A_245 : i32 to index
      %parallel_loop3A_324 = arith.index_cast %parallel_loop3A_320 : i32 to index
      %parallel_loop3A_325 = tpu.vector_load %arg8[%parallel_loop3A_322, %parallel_loop3A_323, %parallel_loop3A_324] {strides = array<i32>} : memref<20x8x256xf32, #tpu.memory_space<vmem>>, vector<16xf32>,
      tpu.vector_store %arg8[%parallel_loop3A_322, %parallel_loop3A_323, %parallel_loop3A_324], %parallel_loop3A_318 {strides = array<i32>} : memref<20x8x256xf32, #tpu.memory_space<vmem>>, vector<16xf32>,
      %parallel_loop3A_326 = arith.constant 80 : i32
      %parallel_loop3A_327 = vector.broadcast %parallel_loop3A_326 : i32 to vector<16xi32>
      %parallel_loop3A_328 = arith.addi %parallel_loop3A_270, %parallel_loop3A_327 : vector<16xi32>
      %parallel_loop3A_329 = tpu.vector_load_idx %arg5[%parallel_loop3A_328] : memref<6400xf32, #tpu.memory_space<vmem>>[vector<16xi32>], vector<16xf32>,
      %parallel_loop3A_330 = arith.constant 16 : i32
      %parallel_loop3A_331 = arith.muli %parallel_loop3A_261, %parallel_loop3A_330 : i32
      %parallel_loop3A_332 = arith.constant 5 : i32
      %parallel_loop3A_333 = arith.index_cast %parallel_loop3A_332 : i32 to index
      %parallel_loop3A_334 = arith.index_cast %parallel_loop3A_245 : i32 to index
      %parallel_loop3A_335 = arith.index_cast %parallel_loop3A_331 : i32 to index
      %parallel_loop3A_336 = tpu.vector_load %arg8[%parallel_loop3A_333, %parallel_loop3A_334, %parallel_loop3A_335] {strides = array<i32>} : memref<20x8x256xf32, #tpu.memory_space<vmem>>, vector<16xf32>,
      tpu.vector_store %arg8[%parallel_loop3A_333, %parallel_loop3A_334, %parallel_loop3A_335], %parallel_loop3A_329 {strides = array<i32>} : memref<20x8x256xf32, #tpu.memory_space<vmem>>, vector<16xf32>,
      %parallel_loop3A_337 = arith.constant 96 : i32
      %parallel_loop3A_338 = vector.broadcast %parallel_loop3A_337 : i32 to vector<16xi32>
      %parallel_loop3A_339 = arith.addi %parallel_loop3A_270, %parallel_loop3A_338 : vector<16xi32>
      %parallel_loop3A_340 = tpu.vector_load_idx %arg5[%parallel_loop3A_339] : memref<6400xf32, #tpu.memory_space<vmem>>[vector<16xi32>], vector<16xf32>,
      %parallel_loop3A_341 = arith.constant 16 : i32
      %parallel_loop3A_342 = arith.muli %parallel_loop3A_261, %parallel_loop3A_341 : i32
      %parallel_loop3A_343 = arith.constant 6 : i32
      %parallel_loop3A_344 = arith.index_cast %parallel_loop3A_343 : i32 to index
      %parallel_loop3A_345 = arith.index_cast %parallel_loop3A_245 : i32 to index
      %parallel_loop3A_346 = arith.index_cast %parallel_loop3A_342 : i32 to index
      %parallel_loop3A_347 = tpu.vector_load %arg8[%parallel_loop3A_344, %parallel_loop3A_345, %parallel_loop3A_346] {strides = array<i32>} : memref<20x8x256xf32, #tpu.memory_space<vmem>>, vector<16xf32>,
      tpu.vector_store %arg8[%parallel_loop3A_344, %parallel_loop3A_345, %parallel_loop3A_346], %parallel_loop3A_340 {strides = array<i32>} : memref<20x8x256xf32, #tpu.memory_space<vmem>>, vector<16xf32>,
      %parallel_loop3A_348 = arith.constant 112 : i32
      %parallel_loop3A_349 = vector.broadcast %parallel_loop3A_348 : i32 to vector<16xi32>
      %parallel_loop3A_350 = arith.addi %parallel_loop3A_270, %parallel_loop3A_349 : vector<16xi32>
      %parallel_loop3A_351 = tpu.vector_load_idx %arg5[%parallel_loop3A_350] : memref<6400xf32, #tpu.memory_space<vmem>>[vector<16xi32>], vector<16xf32>,
      %parallel_loop3A_352 = arith.constant 16 : i32
      %parallel_loop3A_353 = arith.muli %parallel_loop3A_261, %parallel_loop3A_352 : i32
      %parallel_loop3A_354 = arith.constant 7 : i32
      %parallel_loop3A_355 = arith.index_cast %parallel_loop3A_354 : i32 to index
      %parallel_loop3A_356 = arith.index_cast %parallel_loop3A_245 : i32 to index
      %parallel_loop3A_357 = arith.index_cast %parallel_loop3A_353 : i32 to index
      %parallel_loop3A_358 = tpu.vector_load %arg8[%parallel_loop3A_355, %parallel_loop3A_356, %parallel_loop3A_357] {strides = array<i32>} : memref<20x8x256xf32, #tpu.memory_space<vmem>>, vector<16xf32>,
      tpu.vector_store %arg8[%parallel_loop3A_355, %parallel_loop3A_356, %parallel_loop3A_357], %parallel_loop3A_351 {strides = array<i32>} : memref<20x8x256xf32, #tpu.memory_space<vmem>>, vector<16xf32>,
      %parallel_loop3A_359 = arith.constant 128 : i32
      %parallel_loop3A_360 = vector.broadcast %parallel_loop3A_359 : i32 to vector<16xi32>
      %parallel_loop3A_361 = arith.addi %parallel_loop3A_270, %parallel_loop3A_360 : vector<16xi32>
      %parallel_loop3A_362 = tpu.vector_load_idx %arg5[%parallel_loop3A_361] : memref<6400xf32, #tpu.memory_space<vmem>>[vector<16xi32>], vector<16xf32>,
      %parallel_loop3A_363 = arith.constant 16 : i32
      %parallel_loop3A_364 = arith.muli %parallel_loop3A_261, %parallel_loop3A_363 : i32
      %parallel_loop3A_365 = arith.constant 8 : i32
      %parallel_loop3A_366 = arith.index_cast %parallel_loop3A_365 : i32 to index
      %parallel_loop3A_367 = arith.index_cast %parallel_loop3A_245 : i32 to index
      %parallel_loop3A_368 = arith.index_cast %parallel_loop3A_364 : i32 to index
      %parallel_loop3A_369 = tpu.vector_load %arg8[%parallel_loop3A_366, %parallel_loop3A_367, %parallel_loop3A_368] {strides = array<i32>} : memref<20x8x256xf32, #tpu.memory_space<vmem>>, vector<16xf32>,
      tpu.vector_store %arg8[%parallel_loop3A_366, %parallel_loop3A_367, %parallel_loop3A_368], %parallel_loop3A_362 {strides = array<i32>} : memref<20x8x256xf32, #tpu.memory_space<vmem>>, vector<16xf32>,
      %parallel_loop3A_370 = arith.constant 144 : i32
      %parallel_loop3A_371 = vector.broadcast %parallel_loop3A_370 : i32 to vector<16xi32>
      %parallel_loop3A_372 = arith.addi %parallel_loop3A_270, %parallel_loop3A_371 : vector<16xi32>
      %parallel_loop3A_373 = tpu.vector_load_idx %arg5[%parallel_loop3A_372] : memref<6400xf32, #tpu.memory_space<vmem>>[vector<16xi32>], vector<16xf32>,
      %parallel_loop3A_374 = arith.constant 16 : i32
      %parallel_loop3A_375 = arith.muli %parallel_loop3A_261, %parallel_loop3A_374 : i32
      %parallel_loop3A_376 = arith.constant 9 : i32
      %parallel_loop3A_377 = arith.index_cast %parallel_loop3A_376 : i32 to index
      %parallel_loop3A_378 = arith.index_cast %parallel_loop3A_245 : i32 to index
      %parallel_loop3A_379 = arith.index_cast %parallel_loop3A_375 : i32 to index
      %parallel_loop3A_380 = tpu.vector_load %arg8[%parallel_loop3A_377, %parallel_loop3A_378, %parallel_loop3A_379] {strides = array<i32>} : memref<20x8x256xf32, #tpu.memory_space<vmem>>, vector<16xf32>,
      tpu.vector_store %arg8[%parallel_loop3A_377, %parallel_loop3A_378, %parallel_loop3A_379], %parallel_loop3A_373 {strides = array<i32>} : memref<20x8x256xf32, #tpu.memory_space<vmem>>, vector<16xf32>,
      %parallel_loop3A_381 = arith.constant 160 : i32
      %parallel_loop3A_382 = vector.broadcast %parallel_loop3A_381 : i32 to vector<16xi32>
      %parallel_loop3A_383 = arith.addi %parallel_loop3A_270, %parallel_loop3A_382 : vector<16xi32>
      %parallel_loop3A_384 = tpu.vector_load_idx %arg5[%parallel_loop3A_383] : memref<6400xf32, #tpu.memory_space<vmem>>[vector<16xi32>], vector<16xf32>,
      %parallel_loop3A_385 = arith.constant 16 : i32
      %parallel_loop3A_386 = arith.muli %parallel_loop3A_261, %parallel_loop3A_385 : i32
      %parallel_loop3A_387 = arith.constant 10 : i32
      %parallel_loop3A_388 = arith.index_cast %parallel_loop3A_387 : i32 to index
      %parallel_loop3A_389 = arith.index_cast %parallel_loop3A_245 : i32 to index
      %parallel_loop3A_390 = arith.index_cast %parallel_loop3A_386 : i32 to index
      %parallel_loop3A_391 = tpu.vector_load %arg8[%parallel_loop3A_388, %parallel_loop3A_389, %parallel_loop3A_390] {strides = array<i32>} : memref<20x8x256xf32, #tpu.memory_space<vmem>>, vector<16xf32>,
      tpu.vector_store %arg8[%parallel_loop3A_388, %parallel_loop3A_389, %parallel_loop3A_390], %parallel_loop3A_384 {strides = array<i32>} : memref<20x8x256xf32, #tpu.memory_space<vmem>>, vector<16xf32>,
      %parallel_loop3A_392 = arith.constant 176 : i32
      %parallel_loop3A_393 = vector.broadcast %parallel_loop3A_392 : i32 to vector<16xi32>
      %parallel_loop3A_394 = arith.addi %parallel_loop3A_270, %parallel_loop3A_393 : vector<16xi32>
      %parallel_loop3A_395 = tpu.vector_load_idx %arg5[%parallel_loop3A_394] : memref<6400xf32, #tpu.memory_space<vmem>>[vector<16xi32>], vector<16xf32>,
      %parallel_loop3A_396 = arith.constant 16 : i32
      %parallel_loop3A_397 = arith.muli %parallel_loop3A_261, %parallel_loop3A_396 : i32
      %parallel_loop3A_398 = arith.constant 11 : i32
      %parallel_loop3A_399 = arith.index_cast %parallel_loop3A_398 : i32 to index
      %parallel_loop3A_400 = arith.index_cast %parallel_loop3A_245 : i32 to index
      %parallel_loop3A_401 = arith.index_cast %parallel_loop3A_397 : i32 to index
      %parallel_loop3A_402 = tpu.vector_load %arg8[%parallel_loop3A_399, %parallel_loop3A_400, %parallel_loop3A_401] {strides = array<i32>} : memref<20x8x256xf32, #tpu.memory_space<vmem>>, vector<16xf32>,
      tpu.vector_store %arg8[%parallel_loop3A_399, %parallel_loop3A_400, %parallel_loop3A_401], %parallel_loop3A_395 {strides = array<i32>} : memref<20x8x256xf32, #tpu.memory_space<vmem>>, vector<16xf32>,
      %parallel_loop3A_403 = arith.constant 192 : i32
      %parallel_loop3A_404 = vector.broadcast %parallel_loop3A_403 : i32 to vector<16xi32>
      %parallel_loop3A_405 = arith.addi %parallel_loop3A_270, %parallel_loop3A_404 : vector<16xi32>
      %parallel_loop3A_406 = tpu.vector_load_idx %arg5[%parallel_loop3A_405] : memref<6400xf32, #tpu.memory_space<vmem>>[vector<16xi32>], vector<16xf32>,
      %parallel_loop3A_407 = arith.constant 16 : i32
      %parallel_loop3A_408 = arith.muli %parallel_loop3A_261, %parallel_loop3A_407 : i32
      %parallel_loop3A_409 = arith.constant 12 : i32
      %parallel_loop3A_410 = arith.index_cast %parallel_loop3A_409 : i32 to index
      %parallel_loop3A_411 = arith.index_cast %parallel_loop3A_245 : i32 to index
      %parallel_loop3A_412 = arith.index_cast %parallel_loop3A_408 : i32 to index
      %parallel_loop3A_413 = tpu.vector_load %arg8[%parallel_loop3A_410, %parallel_loop3A_411, %parallel_loop3A_412] {strides = array<i32>} : memref<20x8x256xf32, #tpu.memory_space<vmem>>, vector<16xf32>,
      tpu.vector_store %arg8[%parallel_loop3A_410, %parallel_loop3A_411, %parallel_loop3A_412], %parallel_loop3A_406 {strides = array<i32>} : memref<20x8x256xf32, #tpu.memory_space<vmem>>, vector<16xf32>,
      %parallel_loop3A_414 = arith.constant 208 : i32
      %parallel_loop3A_415 = vector.broadcast %parallel_loop3A_414 : i32 to vector<16xi32>
      %parallel_loop3A_416 = arith.addi %parallel_loop3A_270, %parallel_loop3A_415 : vector<16xi32>
      %parallel_loop3A_417 = tpu.vector_load_idx %arg5[%parallel_loop3A_416] : memref<6400xf32, #tpu.memory_space<vmem>>[vector<16xi32>], vector<16xf32>,
      %parallel_loop3A_418 = arith.constant 16 : i32
      %parallel_loop3A_419 = arith.muli %parallel_loop3A_261, %parallel_loop3A_418 : i32
      %parallel_loop3A_420 = arith.constant 13 : i32
      %parallel_loop3A_421 = arith.index_cast %parallel_loop3A_420 : i32 to index
      %parallel_loop3A_422 = arith.index_cast %parallel_loop3A_245 : i32 to index
      %parallel_loop3A_423 = arith.index_cast %parallel_loop3A_419 : i32 to index
      %parallel_loop3A_424 = tpu.vector_load %arg8[%parallel_loop3A_421, %parallel_loop3A_422, %parallel_loop3A_423] {strides = array<i32>} : memref<20x8x256xf32, #tpu.memory_space<vmem>>, vector<16xf32>,
      tpu.vector_store %arg8[%parallel_loop3A_421, %parallel_loop3A_422, %parallel_loop3A_423], %parallel_loop3A_417 {strides = array<i32>} : memref<20x8x256xf32, #tpu.memory_space<vmem>>, vector<16xf32>,
      %parallel_loop3A_425 = arith.constant 224 : i32
      %parallel_loop3A_426 = vector.broadcast %parallel_loop3A_425 : i32 to vector<16xi32>
      %parallel_loop3A_427 = arith.addi %parallel_loop3A_270, %parallel_loop3A_426 : vector<16xi32>
      %parallel_loop3A_428 = tpu.vector_load_idx %arg5[%parallel_loop3A_427] : memref<6400xf32, #tpu.memory_space<vmem>>[vector<16xi32>], vector<16xf32>,
      %parallel_loop3A_429 = arith.constant 16 : i32
      %parallel_loop3A_430 = arith.muli %parallel_loop3A_261, %parallel_loop3A_429 : i32
      %parallel_loop3A_431 = arith.constant 14 : i32
      %parallel_loop3A_432 = arith.index_cast %parallel_loop3A_431 : i32 to index
      %parallel_loop3A_433 = arith.index_cast %parallel_loop3A_245 : i32 to index
      %parallel_loop3A_434 = arith.index_cast %parallel_loop3A_430 : i32 to index
      %parallel_loop3A_435 = tpu.vector_load %arg8[%parallel_loop3A_432, %parallel_loop3A_433, %parallel_loop3A_434] {strides = array<i32>} : memref<20x8x256xf32, #tpu.memory_space<vmem>>, vector<16xf32>,
      tpu.vector_store %arg8[%parallel_loop3A_432, %parallel_loop3A_433, %parallel_loop3A_434], %parallel_loop3A_428 {strides = array<i32>} : memref<20x8x256xf32, #tpu.memory_space<vmem>>, vector<16xf32>,
      %parallel_loop3A_436 = arith.constant 240 : i32
      %parallel_loop3A_437 = vector.broadcast %parallel_loop3A_436 : i32 to vector<16xi32>
      %parallel_loop3A_438 = arith.addi %parallel_loop3A_270, %parallel_loop3A_437 : vector<16xi32>
      %parallel_loop3A_439 = tpu.vector_load_idx %arg5[%parallel_loop3A_438] : memref<6400xf32, #tpu.memory_space<vmem>>[vector<16xi32>], vector<16xf32>,
      %parallel_loop3A_440 = arith.constant 16 : i32
      %parallel_loop3A_441 = arith.muli %parallel_loop3A_261, %parallel_loop3A_440 : i32
      %parallel_loop3A_442 = arith.constant 15 : i32
      %parallel_loop3A_443 = arith.index_cast %parallel_loop3A_442 : i32 to index
      %parallel_loop3A_444 = arith.index_cast %parallel_loop3A_245 : i32 to index
      %parallel_loop3A_445 = arith.index_cast %parallel_loop3A_441 : i32 to index
      %parallel_loop3A_446 = tpu.vector_load %arg8[%parallel_loop3A_443, %parallel_loop3A_444, %parallel_loop3A_445] {strides = array<i32>} : memref<20x8x256xf32, #tpu.memory_space<vmem>>, vector<16xf32>,
      tpu.vector_store %arg8[%parallel_loop3A_443, %parallel_loop3A_444, %parallel_loop3A_445], %parallel_loop3A_439 {strides = array<i32>} : memref<20x8x256xf32, #tpu.memory_space<vmem>>, vector<16xf32>,
      %parallel_loop3A_447 = arith.constant 256 : i32
      %parallel_loop3A_448 = vector.broadcast %parallel_loop3A_447 : i32 to vector<16xi32>
      %parallel_loop3A_449 = arith.addi %parallel_loop3A_270, %parallel_loop3A_448 : vector<16xi32>
      %parallel_loop3A_450 = tpu.vector_load_idx %arg5[%parallel_loop3A_449] : memref<6400xf32, #tpu.memory_space<vmem>>[vector<16xi32>], vector<16xf32>,
      %parallel_loop3A_451 = arith.constant 16 : i32
      %parallel_loop3A_452 = arith.muli %parallel_loop3A_261, %parallel_loop3A_451 : i32
      %parallel_loop3A_453 = arith.constant 16 : i32
      %parallel_loop3A_454 = arith.index_cast %parallel_loop3A_453 : i32 to index
      %parallel_loop3A_455 = arith.index_cast %parallel_loop3A_245 : i32 to index
      %parallel_loop3A_456 = arith.index_cast %parallel_loop3A_452 : i32 to index
      %parallel_loop3A_457 = tpu.vector_load %arg8[%parallel_loop3A_454, %parallel_loop3A_455, %parallel_loop3A_456] {strides = array<i32>} : memref<20x8x256xf32, #tpu.memory_space<vmem>>, vector<16xf32>,
      tpu.vector_store %arg8[%parallel_loop3A_454, %parallel_loop3A_455, %parallel_loop3A_456], %parallel_loop3A_450 {strides = array<i32>} : memref<20x8x256xf32, #tpu.memory_space<vmem>>, vector<16xf32>,
      %parallel_loop3A_458 = arith.constant 272 : i32
      %parallel_loop3A_459 = vector.broadcast %parallel_loop3A_458 : i32 to vector<16xi32>
      %parallel_loop3A_460 = arith.addi %parallel_loop3A_270, %parallel_loop3A_459 : vector<16xi32>
      %parallel_loop3A_461 = tpu.vector_load_idx %arg5[%parallel_loop3A_460] : memref<6400xf32, #tpu.memory_space<vmem>>[vector<16xi32>], vector<16xf32>,
      %parallel_loop3A_462 = arith.constant 16 : i32
      %parallel_loop3A_463 = arith.muli %parallel_loop3A_261, %parallel_loop3A_462 : i32
      %parallel_loop3A_464 = arith.constant 17 : i32
      %parallel_loop3A_465 = arith.index_cast %parallel_loop3A_464 : i32 to index
      %parallel_loop3A_466 = arith.index_cast %parallel_loop3A_245 : i32 to index
      %parallel_loop3A_467 = arith.index_cast %parallel_loop3A_463 : i32 to index
      %parallel_loop3A_468 = tpu.vector_load %arg8[%parallel_loop3A_465, %parallel_loop3A_466, %parallel_loop3A_467] {strides = array<i32>} : memref<20x8x256xf32, #tpu.memory_space<vmem>>, vector<16xf32>,
      tpu.vector_store %arg8[%parallel_loop3A_465, %parallel_loop3A_466, %parallel_loop3A_467], %parallel_loop3A_461 {strides = array<i32>} : memref<20x8x256xf32, #tpu.memory_space<vmem>>, vector<16xf32>,
      %parallel_loop3A_469 = arith.constant 288 : i32
      %parallel_loop3A_470 = vector.broadcast %parallel_loop3A_469 : i32 to vector<16xi32>
      %parallel_loop3A_471 = arith.addi %parallel_loop3A_270, %parallel_loop3A_470 : vector<16xi32>
      %parallel_loop3A_472 = tpu.vector_load_idx %arg5[%parallel_loop3A_471] : memref<6400xf32, #tpu.memory_space<vmem>>[vector<16xi32>], vector<16xf32>,
      %parallel_loop3A_473 = arith.constant 16 : i32
      %parallel_loop3A_474 = arith.muli %parallel_loop3A_261, %parallel_loop3A_473 : i32
      %parallel_loop3A_475 = arith.constant 18 : i32
      %parallel_loop3A_476 = arith.index_cast %parallel_loop3A_475 : i32 to index
      %parallel_loop3A_477 = arith.index_cast %parallel_loop3A_245 : i32 to index
      %parallel_loop3A_478 = arith.index_cast %parallel_loop3A_474 : i32 to index
      %parallel_loop3A_479 = tpu.vector_load %arg8[%parallel_loop3A_476, %parallel_loop3A_477, %parallel_loop3A_478] {strides = array<i32>} : memref<20x8x256xf32, #tpu.memory_space<vmem>>, vector<16xf32>,
      tpu.vector_store %arg8[%parallel_loop3A_476, %parallel_loop3A_477, %parallel_loop3A_478], %parallel_loop3A_472 {strides = array<i32>} : memref<20x8x256xf32, #tpu.memory_space<vmem>>, vector<16xf32>,
      %parallel_loop3A_480 = arith.constant 304 : i32
      %parallel_loop3A_481 = vector.broadcast %parallel_loop3A_480 : i32 to vector<16xi32>
      %parallel_loop3A_482 = arith.addi %parallel_loop3A_270, %parallel_loop3A_481 : vector<16xi32>
      %parallel_loop3A_483 = tpu.vector_load_idx %arg5[%parallel_loop3A_482] : memref<6400xf32, #tpu.memory_space<vmem>>[vector<16xi32>], vector<16xf32>,
      %parallel_loop3A_484 = arith.constant 16 : i32
      %parallel_loop3A_485 = arith.muli %parallel_loop3A_261, %parallel_loop3A_484 : i32
      %parallel_loop3A_486 = arith.constant 19 : i32
      %parallel_loop3A_487 = arith.index_cast %parallel_loop3A_486 : i32 to index
      %parallel_loop3A_488 = arith.index_cast %parallel_loop3A_245 : i32 to index
      %parallel_loop3A_489 = arith.index_cast %parallel_loop3A_485 : i32 to index
      %parallel_loop3A_490 = tpu.vector_load %arg8[%parallel_loop3A_487, %parallel_loop3A_488, %parallel_loop3A_489] {strides = array<i32>} : memref<20x8x256xf32, #tpu.memory_space<vmem>>, vector<16xf32>,
      tpu.vector_store %arg8[%parallel_loop3A_487, %parallel_loop3A_488, %parallel_loop3A_489], %parallel_loop3A_483 {strides = array<i32>} : memref<20x8x256xf32, #tpu.memory_space<vmem>>, vector<16xf32>,
    } {sc.loop_unroll_factor = 2 : i64, sc.parallel_access}
    %dma_start3A_147 = arith.constant 0 : i32
    %dma_start3A_148 = tpu.memref_slice %arg4[%dma_start3A_147, %mul3A_86, %mul3A_88] : memref<20x200x16384xf32, #tpu.memory_space<hbm>> -> memref<20x8x256xf32, #tpu.memory_space<hbm>>
    %dma_start3A_149 = arith.constant 0 : i32
    %dma_start3A_150 = tpu.memref_slice %arg4[%dma_start3A_149, %mul3A_86, %mul3A_88] : memref<20x200x16384xf32, #tpu.memory_space<hbm>> -> memref<20x8x256xf32, #tpu.memory_space<hbm>>
    tpu.enqueue_dma source(%arg8 : memref<20x8x256xf32, #tpu.memory_space<vmem>>) target(%dma_start3A_150 : memref<20x8x256xf32, #tpu.memory_space<hbm>>) target_semaphore(%arg11 : memref<!tpu.dma_semaphore, #tpu.memory_space<semaphore_mem>>)
    %dma_wait3A_151 = arith.constant 0 : i32
    %dma_wait3A_152 = tpu.memref_slice %arg4[%dma_wait3A_151, %mul3A_86, %mul3A_88] : memref<20x200x16384xf32, #tpu.memory_space<hbm>> -> memref<20x8x256xf32, #tpu.memory_space<hbm>>
    %dma_wait3A_153 = arith.constant 0 : i32
    %dma_wait3A_154 = tpu.memref_slice %arg4[%dma_wait3A_153, %mul3A_86, %mul3A_88] : memref<20x200x16384xf32, #tpu.memory_space<hbm>> -> memref<20x8x256xf32, #tpu.memory_space<hbm>>
    tpu.wait_dma2 semaphore(%arg11 : memref<!tpu.dma_semaphore, #tpu.memory_space<semaphore_mem>>) src(%arg8 : memref<20x8x256xf32, #tpu.memory_space<vmem>>) dst(%dma_wait3A_154 : memref<20x8x256xf32, #tpu.memory_space<hbm>>)
    %add3A_155 = arith.constant 49 : i32
    %add3A_156 = arith.addi %mul3A_2, %add3A_155 : i32
    %jit3A_157 = arith.constant 64 : i32
    %div3A_158 = arith.divsi %add3A_156, %jit3A_157 : i32
    %sign3A_159 = arith.constant 0 : i32
    %sign3A_160 = arith.cmpi sgt, %add3A_156, %sign3A_159 : i32
    %sign3A_161 = arith.extui %sign3A_160 : i1 to i32
    %sign3A_162 = arith.constant 0 : i32
    %sign3A_163 = arith.cmpi slt, %add3A_156, %sign3A_162 : i32
    %sign3A_164 = arith.extui %sign3A_163 : i1 to i32
    %sign3A_165 = arith.subi %sign3A_161, %sign3A_164 : i32
    %sign3A_166 = arith.constant 0 : i32
    %sign3A_167 = arith.cmpi sgt, %jit3A_157, %sign3A_166 : i32
    %sign3A_168 = arith.extui %sign3A_167 : i1 to i32
    %sign3A_169 = arith.constant 0 : i32
    %sign3A_170 = arith.cmpi slt, %jit3A_157, %sign3A_169 : i32
    %sign3A_171 = arith.extui %sign3A_170 : i1 to i32
    %sign3A_172 = arith.subi %sign3A_168, %sign3A_171 : i32
    %ne3A_173 = arith.cmpi ne, %sign3A_165, %sign3A_172 : i32
    %rem3A_174 = arith.remsi %add3A_156, %jit3A_157 : i32
    %ne3A_175 = arith.constant 0 : i32
    %ne3A_176 = arith.cmpi ne, %rem3A_174, %ne3A_175 : i32
    %and3A_177 = arith.andi %ne3A_173, %ne3A_176 : i1
    %sub3A_178 = arith.constant 1 : i32
    %sub3A_179 = arith.subi %div3A_158, %sub3A_178 : i32
    %select_n3A_180 = arith.select %and3A_177, %sub3A_179, %div3A_158 : i32
    %jit3A_181 = arith.constant 64 : i32
    %eq3A_182 = arith.constant 0 : i32
    %eq3A_183 = arith.cmpi eq, %jit3A_181, %eq3A_182 : i32
    %jit3A_184 = arith.constant 1 : i32
    %select_n3A_185 = arith.select %eq3A_183, %jit3A_184, %jit3A_181 : i32
    %rem3A_186 = arith.remsi %add3A_156, %select_n3A_185 : i32
    %ne3A_187 = arith.constant 0 : i32
    %ne3A_188 = arith.cmpi ne, %rem3A_186, %ne3A_187 : i32
    %lt3A_189 = arith.constant 0 : i32
    %lt3A_190 = arith.cmpi slt, %rem3A_186, %lt3A_189 : i32
    %lt3A_191 = arith.constant 0 : i32
    %lt3A_192 = arith.cmpi slt, %select_n3A_185, %lt3A_191 : i32
    %ne3A_193 = arith.xori %lt3A_190, %lt3A_192 : i1
    %and3A_194 = arith.andi %ne3A_193, %ne3A_188 : i1
    %add3A_195 = arith.addi %rem3A_186, %select_n3A_185 : i32
    %select_n3A_196 = arith.select %and3A_194, %add3A_195, %rem3A_186 : i32
    %mul3A_197 = arith.constant 8 : i32
    %mul3A_198 = arith.muli %select_n3A_180, %mul3A_197 : i32
    %mul3A_199 = arith.constant 256 : i32
    %mul3A_200 = arith.muli %select_n3A_196, %mul3A_199 : i32
    %dma_wait3A_201 = tpu.memref_slice %arg2[%mul3A_198, %mul3A_200] : memref<200x16384xi32, #tpu.memory_space<hbm>> -> memref<8x256xi32, #tpu.memory_space<hbm>>
    %dma_wait3A_202 = tpu.memref_slice %arg2[%mul3A_198, %mul3A_200] : memref<200x16384xi32, #tpu.memory_space<hbm>> -> memref<8x256xi32, #tpu.memory_space<hbm>>
    tpu.wait_dma2 semaphore(%arg10 : memref<!tpu.dma_semaphore, #tpu.memory_space<semaphore_mem>>) src(%dma_wait3A_202 : memref<8x256xi32, #tpu.memory_space<hbm>>) dst(%arg7 : memref<8x256xi32, #tpu.memory_space<vmem>>)
    %not3A_203 = arith.constant false
    %not3A_204 = arith.constant true
    %not3A_205 = arith.xori %not3A_203, %not3A_204 : i1
    %convert_element_type3A_206 = arith.extui %not3A_205 : i1 to i32
    %cond3A_207 = arith.constant 0 : i32
    %cond3A_208 = arith.cmpi ne, %convert_element_type3A_206, %cond3A_207 : i32
    scf.if %cond3A_208 {
      %dma_wait3A_221 = arith.constant 0 : i32
      %dma_wait3A_222 = tpu.memref_slice %arg4[%dma_wait3A_221, %mul3A_198, %mul3A_200] : memref<20x200x16384xf32, #tpu.memory_space<hbm>> -> memref<20x8x256xf32, #tpu.memory_space<hbm>>
      %dma_wait3A_223 = arith.constant 0 : i32
      %dma_wait3A_224 = tpu.memref_slice %arg4[%dma_wait3A_223, %mul3A_198, %mul3A_200] : memref<20x200x16384xf32, #tpu.memory_space<hbm>> -> memref<20x8x256xf32, #tpu.memory_space<hbm>>
      tpu.wait_dma2 semaphore(%arg11 : memref<!tpu.dma_semaphore, #tpu.memory_space<semaphore_mem>>) src(%arg9 : memref<20x8x256xf32, #tpu.memory_space<vmem>>) dst(%dma_wait3A_224 : memref<20x8x256xf32, #tpu.memory_space<hbm>>)
    } else {
    }
    %iota3A_209 = tpu.iota {dimensions = array<i32: 0>} : vector<16xi32>
    %parallel_loop3A_210 = arith.constant 0 : i32
    %parallel_loop3A_211 = arith.constant 128 : i32
    %parallel_loop3A_212 = arith.constant 1 : i32
    scf.for %parallel_loop3A_221 = %parallel_loop3A_210 to %parallel_loop3A_211 step %parallel_loop3A_212  : i32 {
      %parallel_loop3A_222 = arith.constant 16 : i32
      %parallel_loop3A_223 = arith.divsi %parallel_loop3A_221, %parallel_loop3A_222 : i32
      %parallel_loop3A_224 = arith.constant 0 : i32
      %parallel_loop3A_225 = arith.cmpi sgt, %parallel_loop3A_221, %parallel_loop3A_224 : i32
      %parallel_loop3A_226 = arith.extui %parallel_loop3A_225 : i1 to i32
      %parallel_loop3A_227 = arith.constant 0 : i32
      %parallel_loop3A_228 = arith.cmpi slt, %parallel_loop3A_221, %parallel_loop3A_227 : i32
      %parallel_loop3A_229 = arith.extui %parallel_loop3A_228 : i1 to i32
      %parallel_loop3A_230 = arith.subi %parallel_loop3A_226, %parallel_loop3A_229 : i32
      %parallel_loop3A_231 = arith.constant 0 : i32
      %parallel_loop3A_232 = arith.cmpi sgt, %parallel_loop3A_222, %parallel_loop3A_231 : i32
      %parallel_loop3A_233 = arith.extui %parallel_loop3A_232 : i1 to i32
      %parallel_loop3A_234 = arith.constant 0 : i32
      %parallel_loop3A_235 = arith.cmpi slt, %parallel_loop3A_222, %parallel_loop3A_234 : i32
      %parallel_loop3A_236 = arith.extui %parallel_loop3A_235 : i1 to i32
      %parallel_loop3A_237 = arith.subi %parallel_loop3A_233, %parallel_loop3A_236 : i32
      %parallel_loop3A_238 = arith.cmpi ne, %parallel_loop3A_230, %parallel_loop3A_237 : i32
      %parallel_loop3A_239 = arith.remsi %parallel_loop3A_221, %parallel_loop3A_222 : i32
      %parallel_loop3A_240 = arith.constant 0 : i32
      %parallel_loop3A_241 = arith.cmpi ne, %parallel_loop3A_239, %parallel_loop3A_240 : i32
      %parallel_loop3A_242 = arith.andi %parallel_loop3A_238, %parallel_loop3A_241 : i1
      %parallel_loop3A_243 = arith.constant 1 : i32
      %parallel_loop3A_244 = arith.subi %parallel_loop3A_223, %parallel_loop3A_243 : i32
      %parallel_loop3A_245 = arith.select %parallel_loop3A_242, %parallel_loop3A_244, %parallel_loop3A_223 : i32
      %parallel_loop3A_246 = arith.constant 16 : i32
      %parallel_loop3A_247 = arith.constant 0 : i32
      %parallel_loop3A_248 = arith.cmpi eq, %parallel_loop3A_246, %parallel_loop3A_247 : i32
      %parallel_loop3A_249 = arith.constant 1 : i32
      %parallel_loop3A_250 = arith.select %parallel_loop3A_248, %parallel_loop3A_249, %parallel_loop3A_246 : i32
      %parallel_loop3A_251 = arith.remsi %parallel_loop3A_221, %parallel_loop3A_250 : i32
      %parallel_loop3A_252 = arith.constant 0 : i32
      %parallel_loop3A_253 = arith.cmpi ne, %parallel_loop3A_251, %parallel_loop3A_252 : i32
      %parallel_loop3A_254 = arith.constant 0 : i32
      %parallel_loop3A_255 = arith.cmpi slt, %parallel_loop3A_251, %parallel_loop3A_254 : i32
      %parallel_loop3A_256 = arith.constant 0 : i32
      %parallel_loop3A_257 = arith.cmpi slt, %parallel_loop3A_250, %parallel_loop3A_256 : i32
      %parallel_loop3A_258 = arith.xori %parallel_loop3A_255, %parallel_loop3A_257 : i1
      %parallel_loop3A_259 = arith.andi %parallel_loop3A_258, %parallel_loop3A_253 : i1
      %parallel_loop3A_260 = arith.addi %parallel_loop3A_251, %parallel_loop3A_250 : i32
      %parallel_loop3A_261 = arith.select %parallel_loop3A_259, %parallel_loop3A_260, %parallel_loop3A_251 : i32
      %parallel_loop3A_262 = arith.constant 16 : i32
      %parallel_loop3A_263 = arith.muli %parallel_loop3A_261, %parallel_loop3A_262 : i32
      %parallel_loop3A_264 = arith.index_cast %parallel_loop3A_245 : i32 to index
      %parallel_loop3A_265 = arith.index_cast %parallel_loop3A_263 : i32 to index
      %parallel_loop3A_266 = tpu.vector_load %arg7[%parallel_loop3A_264, %parallel_loop3A_265] {strides = array<i32>} : memref<8x256xi32, #tpu.memory_space<vmem>>, vector<16xi32>,
      %parallel_loop3A_267 = arith.constant 320 : i32
      %parallel_loop3A_268 = vector.broadcast %parallel_loop3A_267 : i32 to vector<16xi32>
      %parallel_loop3A_269 = arith.muli %parallel_loop3A_266, %parallel_loop3A_268 : vector<16xi32>
      %parallel_loop3A_270 = arith.addi %parallel_loop3A_269, %iota3A_209 : vector<16xi32>
      %parallel_loop3A_271 = arith.constant 0 : i32
      %parallel_loop3A_272 = vector.broadcast %parallel_loop3A_271 : i32 to vector<16xi32>
      %parallel_loop3A_273 = arith.addi %parallel_loop3A_270, %parallel_loop3A_272 : vector<16xi32>
      %parallel_loop3A_274 = tpu.vector_load_idx %arg5[%parallel_loop3A_273] : memref<6400xf32, #tpu.memory_space<vmem>>[vector<16xi32>], vector<16xf32>,
      %parallel_loop3A_275 = arith.constant 16 : i32
      %parallel_loop3A_276 = arith.muli %parallel_loop3A_261, %parallel_loop3A_275 : i32
      %parallel_loop3A_277 = arith.constant 0 : i32
      %parallel_loop3A_278 = arith.index_cast %parallel_loop3A_277 : i32 to index
      %parallel_loop3A_279 = arith.index_cast %parallel_loop3A_245 : i32 to index
      %parallel_loop3A_280 = arith.index_cast %parallel_loop3A_276 : i32 to index
      %parallel_loop3A_281 = tpu.vector_load %arg9[%parallel_loop3A_278, %parallel_loop3A_279, %parallel_loop3A_280] {strides = array<i32>} : memref<20x8x256xf32, #tpu.memory_space<vmem>>, vector<16xf32>,
      tpu.vector_store %arg9[%parallel_loop3A_278, %parallel_loop3A_279, %parallel_loop3A_280], %parallel_loop3A_274 {strides = array<i32>} : memref<20x8x256xf32, #tpu.memory_space<vmem>>, vector<16xf32>,
      %parallel_loop3A_282 = arith.constant 16 : i32
      %parallel_loop3A_283 = vector.broadcast %parallel_loop3A_282 : i32 to vector<16xi32>
      %parallel_loop3A_284 = arith.addi %parallel_loop3A_270, %parallel_loop3A_283 : vector<16xi32>
      %parallel_loop3A_285 = tpu.vector_load_idx %arg5[%parallel_loop3A_284] : memref<6400xf32, #tpu.memory_space<vmem>>[vector<16xi32>], vector<16xf32>,
      %parallel_loop3A_286 = arith.constant 16 : i32
      %parallel_loop3A_287 = arith.muli %parallel_loop3A_261, %parallel_loop3A_286 : i32
      %parallel_loop3A_288 = arith.constant 1 : i32
      %parallel_loop3A_289 = arith.index_cast %parallel_loop3A_288 : i32 to index
      %parallel_loop3A_290 = arith.index_cast %parallel_loop3A_245 : i32 to index
      %parallel_loop3A_291 = arith.index_cast %parallel_loop3A_287 : i32 to index
      %parallel_loop3A_292 = tpu.vector_load %arg9[%parallel_loop3A_289, %parallel_loop3A_290, %parallel_loop3A_291] {strides = array<i32>} : memref<20x8x256xf32, #tpu.memory_space<vmem>>, vector<16xf32>,
      tpu.vector_store %arg9[%parallel_loop3A_289, %parallel_loop3A_290, %parallel_loop3A_291], %parallel_loop3A_285 {strides = array<i32>} : memref<20x8x256xf32, #tpu.memory_space<vmem>>, vector<16xf32>,
      %parallel_loop3A_293 = arith.constant 32 : i32
      %parallel_loop3A_294 = vector.broadcast %parallel_loop3A_293 : i32 to vector<16xi32>
      %parallel_loop3A_295 = arith.addi %parallel_loop3A_270, %parallel_loop3A_294 : vector<16xi32>
      %parallel_loop3A_296 = tpu.vector_load_idx %arg5[%parallel_loop3A_295] : memref<6400xf32, #tpu.memory_space<vmem>>[vector<16xi32>], vector<16xf32>,
      %parallel_loop3A_297 = arith.constant 16 : i32
      %parallel_loop3A_298 = arith.muli %parallel_loop3A_261, %parallel_loop3A_297 : i32
      %parallel_loop3A_299 = arith.constant 2 : i32
      %parallel_loop3A_300 = arith.index_cast %parallel_loop3A_299 : i32 to index
      %parallel_loop3A_301 = arith.index_cast %parallel_loop3A_245 : i32 to index
      %parallel_loop3A_302 = arith.index_cast %parallel_loop3A_298 : i32 to index
      %parallel_loop3A_303 = tpu.vector_load %arg9[%parallel_loop3A_300, %parallel_loop3A_301, %parallel_loop3A_302] {strides = array<i32>} : memref<20x8x256xf32, #tpu.memory_space<vmem>>, vector<16xf32>,
      tpu.vector_store %arg9[%parallel_loop3A_300, %parallel_loop3A_301, %parallel_loop3A_302], %parallel_loop3A_296 {strides = array<i32>} : memref<20x8x256xf32, #tpu.memory_space<vmem>>, vector<16xf32>,
      %parallel_loop3A_304 = arith.constant 48 : i32
      %parallel_loop3A_305 = vector.broadcast %parallel_loop3A_304 : i32 to vector<16xi32>
      %parallel_loop3A_306 = arith.addi %parallel_loop3A_270, %parallel_loop3A_305 : vector<16xi32>
      %parallel_loop3A_307 = tpu.vector_load_idx %arg5[%parallel_loop3A_306] : memref<6400xf32, #tpu.memory_space<vmem>>[vector<16xi32>], vector<16xf32>,
      %parallel_loop3A_308 = arith.constant 16 : i32
      %parallel_loop3A_309 = arith.muli %parallel_loop3A_261, %parallel_loop3A_308 : i32
      %parallel_loop3A_310 = arith.constant 3 : i32
      %parallel_loop3A_311 = arith.index_cast %parallel_loop3A_310 : i32 to index
      %parallel_loop3A_312 = arith.index_cast %parallel_loop3A_245 : i32 to index
      %parallel_loop3A_313 = arith.index_cast %parallel_loop3A_309 : i32 to index
      %parallel_loop3A_314 = tpu.vector_load %arg9[%parallel_loop3A_311, %parallel_loop3A_312, %parallel_loop3A_313] {strides = array<i32>} : memref<20x8x256xf32, #tpu.memory_space<vmem>>, vector<16xf32>,
      tpu.vector_store %arg9[%parallel_loop3A_311, %parallel_loop3A_312, %parallel_loop3A_313], %parallel_loop3A_307 {strides = array<i32>} : memref<20x8x256xf32, #tpu.memory_space<vmem>>, vector<16xf32>,
      %parallel_loop3A_315 = arith.constant 64 : i32
      %parallel_loop3A_316 = vector.broadcast %parallel_loop3A_315 : i32 to vector<16xi32>
      %parallel_loop3A_317 = arith.addi %parallel_loop3A_270, %parallel_loop3A_316 : vector<16xi32>
      %parallel_loop3A_318 = tpu.vector_load_idx %arg5[%parallel_loop3A_317] : memref<6400xf32, #tpu.memory_space<vmem>>[vector<16xi32>], vector<16xf32>,
      %parallel_loop3A_319 = arith.constant 16 : i32
      %parallel_loop3A_320 = arith.muli %parallel_loop3A_261, %parallel_loop3A_319 : i32
      %parallel_loop3A_321 = arith.constant 4 : i32
      %parallel_loop3A_322 = arith.index_cast %parallel_loop3A_321 : i32 to index
      %parallel_loop3A_323 = arith.index_cast %parallel_loop3A_245 : i32 to index
      %parallel_loop3A_324 = arith.index_cast %parallel_loop3A_320 : i32 to index
      %parallel_loop3A_325 = tpu.vector_load %arg9[%parallel_loop3A_322, %parallel_loop3A_323, %parallel_loop3A_324] {strides = array<i32>} : memref<20x8x256xf32, #tpu.memory_space<vmem>>, vector<16xf32>,
      tpu.vector_store %arg9[%parallel_loop3A_322, %parallel_loop3A_323, %parallel_loop3A_324], %parallel_loop3A_318 {strides = array<i32>} : memref<20x8x256xf32, #tpu.memory_space<vmem>>, vector<16xf32>,
      %parallel_loop3A_326 = arith.constant 80 : i32
      %parallel_loop3A_327 = vector.broadcast %parallel_loop3A_326 : i32 to vector<16xi32>
      %parallel_loop3A_328 = arith.addi %parallel_loop3A_270, %parallel_loop3A_327 : vector<16xi32>
      %parallel_loop3A_329 = tpu.vector_load_idx %arg5[%parallel_loop3A_328] : memref<6400xf32, #tpu.memory_space<vmem>>[vector<16xi32>], vector<16xf32>,
      %parallel_loop3A_330 = arith.constant 16 : i32
      %parallel_loop3A_331 = arith.muli %parallel_loop3A_261, %parallel_loop3A_330 : i32
      %parallel_loop3A_332 = arith.constant 5 : i32
      %parallel_loop3A_333 = arith.index_cast %parallel_loop3A_332 : i32 to index
      %parallel_loop3A_334 = arith.index_cast %parallel_loop3A_245 : i32 to index
      %parallel_loop3A_335 = arith.index_cast %parallel_loop3A_331 : i32 to index
      %parallel_loop3A_336 = tpu.vector_load %arg9[%parallel_loop3A_333, %parallel_loop3A_334, %parallel_loop3A_335] {strides = array<i32>} : memref<20x8x256xf32, #tpu.memory_space<vmem>>, vector<16xf32>,
      tpu.vector_store %arg9[%parallel_loop3A_333, %parallel_loop3A_334, %parallel_loop3A_335], %parallel_loop3A_329 {strides = array<i32>} : memref<20x8x256xf32, #tpu.memory_space<vmem>>, vector<16xf32>,
      %parallel_loop3A_337 = arith.constant 96 : i32
      %parallel_loop3A_338 = vector.broadcast %parallel_loop3A_337 : i32 to vector<16xi32>
      %parallel_loop3A_339 = arith.addi %parallel_loop3A_270, %parallel_loop3A_338 : vector<16xi32>
      %parallel_loop3A_340 = tpu.vector_load_idx %arg5[%parallel_loop3A_339] : memref<6400xf32, #tpu.memory_space<vmem>>[vector<16xi32>], vector<16xf32>,
      %parallel_loop3A_341 = arith.constant 16 : i32
      %parallel_loop3A_342 = arith.muli %parallel_loop3A_261, %parallel_loop3A_341 : i32
      %parallel_loop3A_343 = arith.constant 6 : i32
      %parallel_loop3A_344 = arith.index_cast %parallel_loop3A_343 : i32 to index
      %parallel_loop3A_345 = arith.index_cast %parallel_loop3A_245 : i32 to index
      %parallel_loop3A_346 = arith.index_cast %parallel_loop3A_342 : i32 to index
      %parallel_loop3A_347 = tpu.vector_load %arg9[%parallel_loop3A_344, %parallel_loop3A_345, %parallel_loop3A_346] {strides = array<i32>} : memref<20x8x256xf32, #tpu.memory_space<vmem>>, vector<16xf32>,
      tpu.vector_store %arg9[%parallel_loop3A_344, %parallel_loop3A_345, %parallel_loop3A_346], %parallel_loop3A_340 {strides = array<i32>} : memref<20x8x256xf32, #tpu.memory_space<vmem>>, vector<16xf32>,
      %parallel_loop3A_348 = arith.constant 112 : i32
      %parallel_loop3A_349 = vector.broadcast %parallel_loop3A_348 : i32 to vector<16xi32>
      %parallel_loop3A_350 = arith.addi %parallel_loop3A_270, %parallel_loop3A_349 : vector<16xi32>
      %parallel_loop3A_351 = tpu.vector_load_idx %arg5[%parallel_loop3A_350] : memref<6400xf32, #tpu.memory_space<vmem>>[vector<16xi32>], vector<16xf32>,
      %parallel_loop3A_352 = arith.constant 16 : i32
      %parallel_loop3A_353 = arith.muli %parallel_loop3A_261, %parallel_loop3A_352 : i32
      %parallel_loop3A_354 = arith.constant 7 : i32
      %parallel_loop3A_355 = arith.index_cast %parallel_loop3A_354 : i32 to index
      %parallel_loop3A_356 = arith.index_cast %parallel_loop3A_245 : i32 to index
      %parallel_loop3A_357 = arith.index_cast %parallel_loop3A_353 : i32 to index
      %parallel_loop3A_358 = tpu.vector_load %arg9[%parallel_loop3A_355, %parallel_loop3A_356, %parallel_loop3A_357] {strides = array<i32>} : memref<20x8x256xf32, #tpu.memory_space<vmem>>, vector<16xf32>,
      tpu.vector_store %arg9[%parallel_loop3A_355, %parallel_loop3A_356, %parallel_loop3A_357], %parallel_loop3A_351 {strides = array<i32>} : memref<20x8x256xf32, #tpu.memory_space<vmem>>, vector<16xf32>,
      %parallel_loop3A_359 = arith.constant 128 : i32
      %parallel_loop3A_360 = vector.broadcast %parallel_loop3A_359 : i32 to vector<16xi32>
      %parallel_loop3A_361 = arith.addi %parallel_loop3A_270, %parallel_loop3A_360 : vector<16xi32>
      %parallel_loop3A_362 = tpu.vector_load_idx %arg5[%parallel_loop3A_361] : memref<6400xf32, #tpu.memory_space<vmem>>[vector<16xi32>], vector<16xf32>,
      %parallel_loop3A_363 = arith.constant 16 : i32
      %parallel_loop3A_364 = arith.muli %parallel_loop3A_261, %parallel_loop3A_363 : i32
      %parallel_loop3A_365 = arith.constant 8 : i32
      %parallel_loop3A_366 = arith.index_cast %parallel_loop3A_365 : i32 to index
      %parallel_loop3A_367 = arith.index_cast %parallel_loop3A_245 : i32 to index
      %parallel_loop3A_368 = arith.index_cast %parallel_loop3A_364 : i32 to index
      %parallel_loop3A_369 = tpu.vector_load %arg9[%parallel_loop3A_366, %parallel_loop3A_367, %parallel_loop3A_368] {strides = array<i32>} : memref<20x8x256xf32, #tpu.memory_space<vmem>>, vector<16xf32>,
      tpu.vector_store %arg9[%parallel_loop3A_366, %parallel_loop3A_367, %parallel_loop3A_368], %parallel_loop3A_362 {strides = array<i32>} : memref<20x8x256xf32, #tpu.memory_space<vmem>>, vector<16xf32>,
      %parallel_loop3A_370 = arith.constant 144 : i32
      %parallel_loop3A_371 = vector.broadcast %parallel_loop3A_370 : i32 to vector<16xi32>
      %parallel_loop3A_372 = arith.addi %parallel_loop3A_270, %parallel_loop3A_371 : vector<16xi32>
      %parallel_loop3A_373 = tpu.vector_load_idx %arg5[%parallel_loop3A_372] : memref<6400xf32, #tpu.memory_space<vmem>>[vector<16xi32>], vector<16xf32>,
      %parallel_loop3A_374 = arith.constant 16 : i32
      %parallel_loop3A_375 = arith.muli %parallel_loop3A_261, %parallel_loop3A_374 : i32
      %parallel_loop3A_376 = arith.constant 9 : i32
      %parallel_loop3A_377 = arith.index_cast %parallel_loop3A_376 : i32 to index
      %parallel_loop3A_378 = arith.index_cast %parallel_loop3A_245 : i32 to index
      %parallel_loop3A_379 = arith.index_cast %parallel_loop3A_375 : i32 to index
      %parallel_loop3A_380 = tpu.vector_load %arg9[%parallel_loop3A_377, %parallel_loop3A_378, %parallel_loop3A_379] {strides = array<i32>} : memref<20x8x256xf32, #tpu.memory_space<vmem>>, vector<16xf32>,
      tpu.vector_store %arg9[%parallel_loop3A_377, %parallel_loop3A_378, %parallel_loop3A_379], %parallel_loop3A_373 {strides = array<i32>} : memref<20x8x256xf32, #tpu.memory_space<vmem>>, vector<16xf32>,
      %parallel_loop3A_381 = arith.constant 160 : i32
      %parallel_loop3A_382 = vector.broadcast %parallel_loop3A_381 : i32 to vector<16xi32>
      %parallel_loop3A_383 = arith.addi %parallel_loop3A_270, %parallel_loop3A_382 : vector<16xi32>
      %parallel_loop3A_384 = tpu.vector_load_idx %arg5[%parallel_loop3A_383] : memref<6400xf32, #tpu.memory_space<vmem>>[vector<16xi32>], vector<16xf32>,
      %parallel_loop3A_385 = arith.constant 16 : i32
      %parallel_loop3A_386 = arith.muli %parallel_loop3A_261, %parallel_loop3A_385 : i32
      %parallel_loop3A_387 = arith.constant 10 : i32
      %parallel_loop3A_388 = arith.index_cast %parallel_loop3A_387 : i32 to index
      %parallel_loop3A_389 = arith.index_cast %parallel_loop3A_245 : i32 to index
      %parallel_loop3A_390 = arith.index_cast %parallel_loop3A_386 : i32 to index
      %parallel_loop3A_391 = tpu.vector_load %arg9[%parallel_loop3A_388, %parallel_loop3A_389, %parallel_loop3A_390] {strides = array<i32>} : memref<20x8x256xf32, #tpu.memory_space<vmem>>, vector<16xf32>,
      tpu.vector_store %arg9[%parallel_loop3A_388, %parallel_loop3A_389, %parallel_loop3A_390], %parallel_loop3A_384 {strides = array<i32>} : memref<20x8x256xf32, #tpu.memory_space<vmem>>, vector<16xf32>,
      %parallel_loop3A_392 = arith.constant 176 : i32
      %parallel_loop3A_393 = vector.broadcast %parallel_loop3A_392 : i32 to vector<16xi32>
      %parallel_loop3A_394 = arith.addi %parallel_loop3A_270, %parallel_loop3A_393 : vector<16xi32>
      %parallel_loop3A_395 = tpu.vector_load_idx %arg5[%parallel_loop3A_394] : memref<6400xf32, #tpu.memory_space<vmem>>[vector<16xi32>], vector<16xf32>,
      %parallel_loop3A_396 = arith.constant 16 : i32
      %parallel_loop3A_397 = arith.muli %parallel_loop3A_261, %parallel_loop3A_396 : i32
      %parallel_loop3A_398 = arith.constant 11 : i32
      %parallel_loop3A_399 = arith.index_cast %parallel_loop3A_398 : i32 to index
      %parallel_loop3A_400 = arith.index_cast %parallel_loop3A_245 : i32 to index
      %parallel_loop3A_401 = arith.index_cast %parallel_loop3A_397 : i32 to index
      %parallel_loop3A_402 = tpu.vector_load %arg9[%parallel_loop3A_399, %parallel_loop3A_400, %parallel_loop3A_401] {strides = array<i32>} : memref<20x8x256xf32, #tpu.memory_space<vmem>>, vector<16xf32>,
      tpu.vector_store %arg9[%parallel_loop3A_399, %parallel_loop3A_400, %parallel_loop3A_401], %parallel_loop3A_395 {strides = array<i32>} : memref<20x8x256xf32, #tpu.memory_space<vmem>>, vector<16xf32>,
      %parallel_loop3A_403 = arith.constant 192 : i32
      %parallel_loop3A_404 = vector.broadcast %parallel_loop3A_403 : i32 to vector<16xi32>
      %parallel_loop3A_405 = arith.addi %parallel_loop3A_270, %parallel_loop3A_404 : vector<16xi32>
      %parallel_loop3A_406 = tpu.vector_load_idx %arg5[%parallel_loop3A_405] : memref<6400xf32, #tpu.memory_space<vmem>>[vector<16xi32>], vector<16xf32>,
      %parallel_loop3A_407 = arith.constant 16 : i32
      %parallel_loop3A_408 = arith.muli %parallel_loop3A_261, %parallel_loop3A_407 : i32
      %parallel_loop3A_409 = arith.constant 12 : i32
      %parallel_loop3A_410 = arith.index_cast %parallel_loop3A_409 : i32 to index
      %parallel_loop3A_411 = arith.index_cast %parallel_loop3A_245 : i32 to index
      %parallel_loop3A_412 = arith.index_cast %parallel_loop3A_408 : i32 to index
      %parallel_loop3A_413 = tpu.vector_load %arg9[%parallel_loop3A_410, %parallel_loop3A_411, %parallel_loop3A_412] {strides = array<i32>} : memref<20x8x256xf32, #tpu.memory_space<vmem>>, vector<16xf32>,
      tpu.vector_store %arg9[%parallel_loop3A_410, %parallel_loop3A_411, %parallel_loop3A_412], %parallel_loop3A_406 {strides = array<i32>} : memref<20x8x256xf32, #tpu.memory_space<vmem>>, vector<16xf32>,
      %parallel_loop3A_414 = arith.constant 208 : i32
      %parallel_loop3A_415 = vector.broadcast %parallel_loop3A_414 : i32 to vector<16xi32>
      %parallel_loop3A_416 = arith.addi %parallel_loop3A_270, %parallel_loop3A_415 : vector<16xi32>
      %parallel_loop3A_417 = tpu.vector_load_idx %arg5[%parallel_loop3A_416] : memref<6400xf32, #tpu.memory_space<vmem>>[vector<16xi32>], vector<16xf32>,
      %parallel_loop3A_418 = arith.constant 16 : i32
      %parallel_loop3A_419 = arith.muli %parallel_loop3A_261, %parallel_loop3A_418 : i32
      %parallel_loop3A_420 = arith.constant 13 : i32
      %parallel_loop3A_421 = arith.index_cast %parallel_loop3A_420 : i32 to index
      %parallel_loop3A_422 = arith.index_cast %parallel_loop3A_245 : i32 to index
      %parallel_loop3A_423 = arith.index_cast %parallel_loop3A_419 : i32 to index
      %parallel_loop3A_424 = tpu.vector_load %arg9[%parallel_loop3A_421, %parallel_loop3A_422, %parallel_loop3A_423] {strides = array<i32>} : memref<20x8x256xf32, #tpu.memory_space<vmem>>, vector<16xf32>,
      tpu.vector_store %arg9[%parallel_loop3A_421, %parallel_loop3A_422, %parallel_loop3A_423], %parallel_loop3A_417 {strides = array<i32>} : memref<20x8x256xf32, #tpu.memory_space<vmem>>, vector<16xf32>,
      %parallel_loop3A_425 = arith.constant 224 : i32
      %parallel_loop3A_426 = vector.broadcast %parallel_loop3A_425 : i32 to vector<16xi32>
      %parallel_loop3A_427 = arith.addi %parallel_loop3A_270, %parallel_loop3A_426 : vector<16xi32>
      %parallel_loop3A_428 = tpu.vector_load_idx %arg5[%parallel_loop3A_427] : memref<6400xf32, #tpu.memory_space<vmem>>[vector<16xi32>], vector<16xf32>,
      %parallel_loop3A_429 = arith.constant 16 : i32
      %parallel_loop3A_430 = arith.muli %parallel_loop3A_261, %parallel_loop3A_429 : i32
      %parallel_loop3A_431 = arith.constant 14 : i32
      %parallel_loop3A_432 = arith.index_cast %parallel_loop3A_431 : i32 to index
      %parallel_loop3A_433 = arith.index_cast %parallel_loop3A_245 : i32 to index
      %parallel_loop3A_434 = arith.index_cast %parallel_loop3A_430 : i32 to index
      %parallel_loop3A_435 = tpu.vector_load %arg9[%parallel_loop3A_432, %parallel_loop3A_433, %parallel_loop3A_434] {strides = array<i32>} : memref<20x8x256xf32, #tpu.memory_space<vmem>>, vector<16xf32>,
      tpu.vector_store %arg9[%parallel_loop3A_432, %parallel_loop3A_433, %parallel_loop3A_434], %parallel_loop3A_428 {strides = array<i32>} : memref<20x8x256xf32, #tpu.memory_space<vmem>>, vector<16xf32>,
      %parallel_loop3A_436 = arith.constant 240 : i32
      %parallel_loop3A_437 = vector.broadcast %parallel_loop3A_436 : i32 to vector<16xi32>
      %parallel_loop3A_438 = arith.addi %parallel_loop3A_270, %parallel_loop3A_437 : vector<16xi32>
      %parallel_loop3A_439 = tpu.vector_load_idx %arg5[%parallel_loop3A_438] : memref<6400xf32, #tpu.memory_space<vmem>>[vector<16xi32>], vector<16xf32>,
      %parallel_loop3A_440 = arith.constant 16 : i32
      %parallel_loop3A_441 = arith.muli %parallel_loop3A_261, %parallel_loop3A_440 : i32
      %parallel_loop3A_442 = arith.constant 15 : i32
      %parallel_loop3A_443 = arith.index_cast %parallel_loop3A_442 : i32 to index
      %parallel_loop3A_444 = arith.index_cast %parallel_loop3A_245 : i32 to index
      %parallel_loop3A_445 = arith.index_cast %parallel_loop3A_441 : i32 to index
      %parallel_loop3A_446 = tpu.vector_load %arg9[%parallel_loop3A_443, %parallel_loop3A_444, %parallel_loop3A_445] {strides = array<i32>} : memref<20x8x256xf32, #tpu.memory_space<vmem>>, vector<16xf32>,
      tpu.vector_store %arg9[%parallel_loop3A_443, %parallel_loop3A_444, %parallel_loop3A_445], %parallel_loop3A_439 {strides = array<i32>} : memref<20x8x256xf32, #tpu.memory_space<vmem>>, vector<16xf32>,
      %parallel_loop3A_447 = arith.constant 256 : i32
      %parallel_loop3A_448 = vector.broadcast %parallel_loop3A_447 : i32 to vector<16xi32>
      %parallel_loop3A_449 = arith.addi %parallel_loop3A_270, %parallel_loop3A_448 : vector<16xi32>
      %parallel_loop3A_450 = tpu.vector_load_idx %arg5[%parallel_loop3A_449] : memref<6400xf32, #tpu.memory_space<vmem>>[vector<16xi32>], vector<16xf32>,
      %parallel_loop3A_451 = arith.constant 16 : i32
      %parallel_loop3A_452 = arith.muli %parallel_loop3A_261, %parallel_loop3A_451 : i32
      %parallel_loop3A_453 = arith.constant 16 : i32
      %parallel_loop3A_454 = arith.index_cast %parallel_loop3A_453 : i32 to index
      %parallel_loop3A_455 = arith.index_cast %parallel_loop3A_245 : i32 to index
      %parallel_loop3A_456 = arith.index_cast %parallel_loop3A_452 : i32 to index
      %parallel_loop3A_457 = tpu.vector_load %arg9[%parallel_loop3A_454, %parallel_loop3A_455, %parallel_loop3A_456] {strides = array<i32>} : memref<20x8x256xf32, #tpu.memory_space<vmem>>, vector<16xf32>,
      tpu.vector_store %arg9[%parallel_loop3A_454, %parallel_loop3A_455, %parallel_loop3A_456], %parallel_loop3A_450 {strides = array<i32>} : memref<20x8x256xf32, #tpu.memory_space<vmem>>, vector<16xf32>,
      %parallel_loop3A_458 = arith.constant 272 : i32
      %parallel_loop3A_459 = vector.broadcast %parallel_loop3A_458 : i32 to vector<16xi32>
      %parallel_loop3A_460 = arith.addi %parallel_loop3A_270, %parallel_loop3A_459 : vector<16xi32>
      %parallel_loop3A_461 = tpu.vector_load_idx %arg5[%parallel_loop3A_460] : memref<6400xf32, #tpu.memory_space<vmem>>[vector<16xi32>], vector<16xf32>,
      %parallel_loop3A_462 = arith.constant 16 : i32
      %parallel_loop3A_463 = arith.muli %parallel_loop3A_261, %parallel_loop3A_462 : i32
      %parallel_loop3A_464 = arith.constant 17 : i32
      %parallel_loop3A_465 = arith.index_cast %parallel_loop3A_464 : i32 to index
      %parallel_loop3A_466 = arith.index_cast %parallel_loop3A_245 : i32 to index
      %parallel_loop3A_467 = arith.index_cast %parallel_loop3A_463 : i32 to index
      %parallel_loop3A_468 = tpu.vector_load %arg9[%parallel_loop3A_465, %parallel_loop3A_466, %parallel_loop3A_467] {strides = array<i32>} : memref<20x8x256xf32, #tpu.memory_space<vmem>>, vector<16xf32>,
      tpu.vector_store %arg9[%parallel_loop3A_465, %parallel_loop3A_466, %parallel_loop3A_467], %parallel_loop3A_461 {strides = array<i32>} : memref<20x8x256xf32, #tpu.memory_space<vmem>>, vector<16xf32>,
      %parallel_loop3A_469 = arith.constant 288 : i32
      %parallel_loop3A_470 = vector.broadcast %parallel_loop3A_469 : i32 to vector<16xi32>
      %parallel_loop3A_471 = arith.addi %parallel_loop3A_270, %parallel_loop3A_470 : vector<16xi32>
      %parallel_loop3A_472 = tpu.vector_load_idx %arg5[%parallel_loop3A_471] : memref<6400xf32, #tpu.memory_space<vmem>>[vector<16xi32>], vector<16xf32>,
      %parallel_loop3A_473 = arith.constant 16 : i32
      %parallel_loop3A_474 = arith.muli %parallel_loop3A_261, %parallel_loop3A_473 : i32
      %parallel_loop3A_475 = arith.constant 18 : i32
      %parallel_loop3A_476 = arith.index_cast %parallel_loop3A_475 : i32 to index
      %parallel_loop3A_477 = arith.index_cast %parallel_loop3A_245 : i32 to index
      %parallel_loop3A_478 = arith.index_cast %parallel_loop3A_474 : i32 to index
      %parallel_loop3A_479 = tpu.vector_load %arg9[%parallel_loop3A_476, %parallel_loop3A_477, %parallel_loop3A_478] {strides = array<i32>} : memref<20x8x256xf32, #tpu.memory_space<vmem>>, vector<16xf32>,
      tpu.vector_store %arg9[%parallel_loop3A_476, %parallel_loop3A_477, %parallel_loop3A_478], %parallel_loop3A_472 {strides = array<i32>} : memref<20x8x256xf32, #tpu.memory_space<vmem>>, vector<16xf32>,
      %parallel_loop3A_480 = arith.constant 304 : i32
      %parallel_loop3A_481 = vector.broadcast %parallel_loop3A_480 : i32 to vector<16xi32>
      %parallel_loop3A_482 = arith.addi %parallel_loop3A_270, %parallel_loop3A_481 : vector<16xi32>
      %parallel_loop3A_483 = tpu.vector_load_idx %arg5[%parallel_loop3A_482] : memref<6400xf32, #tpu.memory_space<vmem>>[vector<16xi32>], vector<16xf32>,
      %parallel_loop3A_484 = arith.constant 16 : i32
      %parallel_loop3A_485 = arith.muli %parallel_loop3A_261, %parallel_loop3A_484 : i32
      %parallel_loop3A_486 = arith.constant 19 : i32
      %parallel_loop3A_487 = arith.index_cast %parallel_loop3A_486 : i32 to index
      %parallel_loop3A_488 = arith.index_cast %parallel_loop3A_245 : i32 to index
      %parallel_loop3A_489 = arith.index_cast %parallel_loop3A_485 : i32 to index
      %parallel_loop3A_490 = tpu.vector_load %arg9[%parallel_loop3A_487, %parallel_loop3A_488, %parallel_loop3A_489] {strides = array<i32>} : memref<20x8x256xf32, #tpu.memory_space<vmem>>, vector<16xf32>,
      tpu.vector_store %arg9[%parallel_loop3A_487, %parallel_loop3A_488, %parallel_loop3A_489], %parallel_loop3A_483 {strides = array<i32>} : memref<20x8x256xf32, #tpu.memory_space<vmem>>, vector<16xf32>,
    } {sc.loop_unroll_factor = 2 : i64, sc.parallel_access}
    %dma_start3A_213 = arith.constant 0 : i32
    %dma_start3A_214 = tpu.memref_slice %arg4[%dma_start3A_213, %mul3A_198, %mul3A_200] : memref<20x200x16384xf32, #tpu.memory_space<hbm>> -> memref<20x8x256xf32, #tpu.memory_space<hbm>>
    %dma_start3A_215 = arith.constant 0 : i32
    %dma_start3A_216 = tpu.memref_slice %arg4[%dma_start3A_215, %mul3A_198, %mul3A_200] : memref<20x200x16384xf32, #tpu.memory_space<hbm>> -> memref<20x8x256xf32, #tpu.memory_space<hbm>>
    tpu.enqueue_dma source(%arg9 : memref<20x8x256xf32, #tpu.memory_space<vmem>>) target(%dma_start3A_216 : memref<20x8x256xf32, #tpu.memory_space<hbm>>) target_semaphore(%arg11 : memref<!tpu.dma_semaphore, #tpu.memory_space<semaphore_mem>>)
    %dma_wait3A_217 = arith.constant 0 : i32
    %dma_wait3A_218 = tpu.memref_slice %arg4[%dma_wait3A_217, %mul3A_198, %mul3A_200] : memref<20x200x16384xf32, #tpu.memory_space<hbm>> -> memref<20x8x256xf32, #tpu.memory_space<hbm>>
    %dma_wait3A_219 = arith.constant 0 : i32
    %dma_wait3A_220 = tpu.memref_slice %arg4[%dma_wait3A_219, %mul3A_198, %mul3A_200] : memref<20x200x16384xf32, #tpu.memory_space<hbm>> -> memref<20x8x256xf32, #tpu.memory_space<hbm>>
    tpu.wait_dma2 semaphore(%arg11 : memref<!tpu.dma_semaphore, #tpu.memory_space<semaphore_mem>>) src(%arg9 : memref<20x8x256xf32, #tpu.memory_space<vmem>>) dst(%dma_wait3A_220 : memref<20x8x256xf32, #tpu.memory_space<hbm>>)
    return
  }
}

</mosaic_0001>

<sc_bundles>
// kernel: _sc_gather.3.cloned.1.call-start
scs
__scs_entry_jumppad:
0x0: {  	(pc) =	sbr.rel $0x88, $3  }
0x1: {  	(tag) =	ssettag $0x0;
	lr =	simm.s32 $0x1  }
0x2: {  	[smem:$0x3F9F] =	sst lr;
	_ =	strace $0xD0000000  }
0x3: {  	_ = 	snop  }
0x4: {  	_ = 	snop  }
0x5: {  	_ = 	snop  }
0x6: {  	_ = 	snop  }
0x7: {  	_ = 	snop  }
__scs_overlays_trampoline_lowered:
0x8: {  	[smem:$0x3FAE] =	sst s0  }
0x9: {  	[smem:$0x3FAF] =	sst s1  }
0xa: {  	[smem:$0x3FB0] =	sst s2  }
0xb: {  	[smem:$0x3FB1] =	sst s3  }
0xc: {  	[smem:$0x3FB2] =	sst s4  }
0xd: {  	[smem:$0x3FB3] =	sst s5  }
0xe: {  	[smem:$0x3FB4] =	sst s6  }
0xf: {  	[smem:$0x3FB5] =	sst s7  }
0x10: {  	[smem:$0x3FB6] =	sst s8  }
0x11: {  	[smem:$0x3FB7] =	sst s9;
	s0 =	simm.s32 @!p0 $0x0  }
0x12: {  	s1 =	sld [smem:$0x3F9D];
	s0 =	simm.s32 @p0 $0x1  }
0x13: {  	[smem:$0x3FB8] =	sst s0;
	s0 =	simm.s32 @!p1 $0x0  }
0x14: {  	s2 =	sld [smem:$0x3F9C];
	s0 =	simm.s32 @p1 $0x1  }
0x15: {  	[smem:$0x3FB9] =	sst s0;
	s0 =	simm.s32 @!p2 $0x0  }
0x16: {  	s3 =	sld [smem:$0x3FDB];
	s0 =	simm.s32 @p2 $0x1  }
0x17: {  	s4 =	simm.s32 $0x1BF5;
	[smem:$0x3FBB] =	sst s0  }
0x18: {  	s0 =	sld [smem:$0x3F9E];
	_ =	swait.ge [sflag:s4], $0x0  }
0x19: {  	s7 =	sld [smem:$0x3F9F]  }
0x1a: {  	s8 =	sadd.s32 $0xFFFFE003, lr  }
0x1b: {  	s9 =	sadd.s32 $0xFFFFFEF7, lr;
	s5 =	simm.s32 $0xFFFFFFFF;
	p2 =	slt.u32 s8, $0xFFFFF086  }
0x1c: {  	p1 =	slt.u32 s9, $0xF7A;
	s5 =	simm.s32 @!p2 $0x0  }
0x1d: {  	s5 =	simm.s32 @p1 $0x1;
	p0 =	seq.s32 s7, s2  }
0x1e: {  	s7 =	smul.u32 @!p0 $0xF7A, s2;
	p2 =	seq.s32 @!p0 s5, $0x0  }
0x1f: {  	s9 =	smul.u32 $0xF7A, s1;
	s8 =	simm.s32 @!p0 $0x1BF5;
	p2 =	por !p2, p0  }
0x20: {  	[sflag:s8] =	ssyncset.s32 @!p0 $0xFFFFF086;
	s6 =	sadd.s32 @!p0 s3, s7;
	s7 =	simm.s32 @!p0 $0x108  }
0x21: {  	s3 =	sadd.s32 s3, s9;
	s6 =	sadd.s32 @!p0 $0x88, s6;
	s7 =	simm.s32 @p2 $0x1082  }
0x22: {  	[simem:s7], [sflag:s8] =	dma.local @!p0 [hbm:s6], $0xF7A  }
0x23: {  	s9 =	sor.u32 $0xD0000000, s2;
	s6 =	simm.s32 $0x108;
	_ =	swait.ge @!p0 [sflag:s8], $0x0  }
0x24: {  	s3 =	sadd.s32 $0x88, s3;
	s6 =	simm.s32 @!p1 $0x1082;
	[sflag:s4] =	ssyncset.s32 $0xFFFFF086  }
0x25: {  	[simem:s6], [sflag:s4] =	dma.local [hbm:s3], $0xF7A  }
0x26: {  	[smem:$0x3F9F] =	sst s1;
	(tag) =	ssettag s2;
	_ =	strace s9  }
0x27: {  	s1 =	sld [smem:$0x3FAF]  }
0x28: {  	s2 =	sld [smem:$0x3FB0]  }
0x29: {  	s4 =	sld [smem:$0x3FB2]  }
0x2a: {  	p0 =	seq.s32 s5, $0x0;
	s5 =	sld [smem:$0x3FB3]  }
0x2b: {  	s6 =	sld [smem:$0x3FB4]  }
0x2c: {  	s7 =	sld [smem:$0x3FB5]  }
0x2d: {  	s3 =	simm.s32 $0x108;
	s8 =	sld [smem:$0x3FB6]  }
0x2e: {  	s3 =	simm.s32 @!p0 $0x1082;
	s9 =	sld [smem:$0x3FB7]  }
0x2f: {  	lr =	sadd.s32 s0, s3;
	s0 =	sld [smem:$0x3FAE]  }
0x30: {  	s3 =	sld [smem:$0x3FB1]  }
0x31: {  	[smem:$0x3FBA] =	sst s10  }
0x32: {  	s10 =	sld [smem:$0x3FB8];
	_ =	sdelay $0x3  }
0x33: {  	p0 =	seq.s32 s10, $0x1;
	s10 =	sld [smem:$0x3FBA];
	_ =	sdelay $0x3  }
0x34: {  	[smem:$0x3FBA] =	sst s10  }
0x35: {  	s10 =	sld [smem:$0x3FB9];
	_ =	sdelay $0x3  }
0x36: {  	p1 =	seq.s32 s10, $0x1;
	s10 =	sld [smem:$0x3FBA];
	_ =	sdelay $0x3  }
0x37: {  	[smem:$0x3FBA] =	sst s10  }
0x38: {  	s10 =	sld [smem:$0x3FBB]  }
0x39: {  	_ = 	snop;
	(pc) =	sbr.ind lr, $3  }
0x3a: {  	_ = 	snop  }
0x3b: {  	_ = 	snop  }
0x3c: {  	p2 =	seq.s32 s10, $0x1;
	s10 =	sld [smem:$0x3FBA]  }
0x3d: {  	_ =	shalt  }
0x3e: {  	_ =	shalt  }
0x3f: {  	_ =	shalt  }
0x40: {  	_ =	shalt  }
0x41: {  	_ =	shalt  }
0x42: {  	_ =	shalt  }
0x43: {  	_ =	shalt  }
0x44: {  	_ =	shalt  }
0x45: {  	_ =	shalt  }
0x46: {  	_ =	shalt  }
0x47: {  	_ =	shalt  }
0x48: {  	_ =	shalt  }
0x49: {  	_ =	shalt  }
0x4a: {  	_ =	shalt  }
0x4b: {  	_ =	shalt  }
0x4c: {  	_ =	shalt  }
0x4d: {  	_ =	shalt  }
0x4e: {  	_ =	shalt  }
0x4f: {  	_ =	shalt  }
0x50: {  	_ =	shalt  }
0x51: {  	_ =	shalt  }
0x52: {  	_ =	shalt  }
0x53: {  	_ =	shalt  }
0x54: {  	_ =	shalt  }
0x55: {  	_ =	shalt  }
0x56: {  	_ =	shalt  }
0x57: {  	_ =	shalt  }
0x58: {  	_ =	shalt  }
0x59: {  	_ =	shalt  }
0x5a: {  	_ =	shalt  }
0x5b: {  	_ =	shalt  }
0x5c: {  	_ =	shalt  }
0x5d: {  	_ =	shalt  }
0x5e: {  	_ =	shalt  }
0x5f: {  	_ =	shalt  }
0x60: {  	_ =	shalt  }
0x61: {  	_ =	shalt  }
0x62: {  	_ =	shalt  }
0x63: {  	_ =	shalt  }
0x64: {  	_ =	shalt  }
0x65: {  	_ =	shalt  }
0x66: {  	_ =	shalt  }
0x67: {  	_ =	shalt  }
0x68: {  	_ =	shalt  }
0x69: {  	_ =	shalt  }
0x6a: {  	_ =	shalt  }
0x6b: {  	_ =	shalt  }
0x6c: {  	_ =	shalt  }
0x6d: {  	_ =	shalt  }
0x6e: {  	_ =	shalt  }
0x6f: {  	_ =	shalt  }
0x70: {  	_ =	shalt  }
0x71: {  	_ =	shalt  }
0x72: {  	_ =	shalt  }
0x73: {  	_ =	shalt  }
0x74: {  	_ =	shalt  }
0x75: {  	_ =	shalt  }
0x76: {  	_ =	shalt  }
0x77: {  	_ =	shalt  }
0x78: {  	_ =	shalt  }
0x79: {  	_ =	shalt  }
0x7a: {  	_ =	shalt  }
0x7b: {  	_ =	shalt  }
0x7c: {  	_ =	shalt  }
0x7d: {  	_ =	shalt  }
0x7e: {  	_ =	shalt  }
0x7f: {  	_ =	shalt  }
0x80: {  	_ =	shalt  }
0x81: {  	_ =	shalt  }
0x82: {  	_ =	shalt  }
0x83: {  	_ =	shalt  }
0x84: {  	_ =	shalt  }
0x85: {  	_ =	shalt  }
0x86: {  	_ =	shalt  }
0x87: {  	_ =	shalt  }
.Lfunc_end0:
.L_simem_size_0:
called_computation_lowered:
.L_overlay_start_0:
0x88: {  	s2 =	sld [smem:$0x3FD9]  }
0x89: {  	s3 =	sld [smem:$0x3FFE];
	_ =	sdelay $0x1  }
0x8a: {  	s1 =	srdreg.scid  }
0x8b: {  	s0 =	sand.u32 $0x1, s1  }
0x8c: {  	s18 =	sshll.u32 s0, $0xA;
	s2 =	sadd.s32 s3, s2  }
0x8d: {  	s2 =	sadd.s32 s2, s18  }
0x8e: {  	[smem:$0x3FC6] =	sst s2  }
0x8f: {  	_ = 	snop  }
0x90: {  	s2 =	sld [smem:$0x3FC9]  }
0x91: {  	s19 =	sld [smem:$0x3FC8]  }
0x92: {  	s4 =	sld [smem:$0x3FD0];
	(tm) =	ssettm $0x1  }
0x93: {  	s5 =	sld [smem:$0x3FFB];
	_ =	sdelay $0x3  }
0x94: {  	_ =	strace s5  }
0x95: {  	s5 =	sld [smem:$0x3FFC];
	_ =	sdelay $0x3  }
0x96: {  	_ =	strace s5  }
0x97: {  	s5 =	sld [smem:$0x3FFD];
	_ =	sdelay $0x3  }
0x98: {  	_ =	strace s5  }
0x99: {  	_ =	strace $0x8FFFFFFF  }
0x9a: {  	s20 =	sld [smem:$0x3FDB];
	_ =	sdelay $0x1  }
0x9b: {  	s6 =	simm.s32 $_scs_section_size  }
0x9c: {  	s7 =	simm.s32 $_size__tile_overlayer_lowered;
	s8 =	simm.s32 $_tile_overlayer_lowered  }
0x9d: {  	s23 =	simm.s32 $0x1BFF;
	s22 =	sshll.u32 s8, $0x1;
	s5 =	sadd.s32 s6, s20  }
0x9e: {  	s9 =	simm.s32 $0x0;
	s21 =	sshll.u32 s7, $0x1;
	s7 =	sadd.s32 s22, s5  }
0x9f: {  	[timem:s9], [sflag:s23] =	dma.local [hbm:s7], s21  }
0xa0: {  	_ =	swait.ge [sflag:s23], s21  }
0xa1: {  	s6 =	ssub.s32 $0x0, s21;
	[sflag:s23] =	ssyncset.done $0x0  }
0xa2: {  	[sflag:s23] =	ssyncadd.s32 s6;
	_ =	sdelay $0x1  }
0xa3: {  	s24 =	simm.s32 $0x1B8B  }
0xa4: {  	_ =	swait.ge [sflag:s24], $0x1  }
0xa5: {  	[sflag:s24] =	ssyncset.done $0x0  }
0xa6: {  	s25 =	simm.s32 $0x1B8E;
	[sflag:s24] =	ssyncadd.s32 $0xFFFFFFFF  }
0xa7: {  	s26 =	simm.s32 $execute0_lowered;
	[smem:$0x3FD2] =	sst s25  }
0xa8: {  	s6 =	sshll.u32 s26, $0x1;
	_ =	strace $0x80000046;
	[dreg:$0x1] =	wrdreg $0xFFFFFFFF  }
0xa9: {  	s28 =	simm.s32 $_size_execute0_lowered;
	s5 =	sadd.s32 s5, s6;
	[dreg:$0x0] =	wrdreg $0x0  }
0xaa: {  	s6 =	sshll.u32 s28, $0x1;
	[dreg:$0x2] =	wrdreg s5  }
0xab: {  	[dreg:$0x3] =	wrdreg s6  }
0xac: {  	[dreg:$0x4] =	wrdreg $0xC0  }
0xad: {  	_ =	task [dreg:s9], $0x5FFFF  }
0xae: {  	[dreg:$0x1] =	wrdreg $0xFFFFFFFF  }
0xaf: {  	[dreg:$0x0] =	wrdreg $0x60  }
0xb0: {  	[dreg:$0x2] =	wrdreg s2  }
0xb1: {  	[dreg:$0x3] =	wrdreg s19  }
0xb2: {  	[dreg:$0x4] =	wrdreg s4  }
0xb3: {  	[dreg:$0x5] =	wrdreg $0x9  }
0xb4: {  	_ =	task.clear_ibuf [dreg:s9], $0x6FFFF;
	_ =	strace $0x90000046  }
0xb5: {  	s29 =	simm.s32 $0x9;
	_ =	strace $0x80000048  }
0xb6: {  	_ =	swait.ge [sflag:s29], $0x1  }
0xb7: {  	[sflag:s29] =	ssyncadd.s32 $0xFFFFFFFF  }
0xb8: {  	_ =	strace $0x90000048  }
0xb9: {  	_ =	sfence  }
0xba: {  	s30 =	sld [smem:$0x0];
	_ =	sdelay $0x2  }
0xbb: {  	s31 =	sshll.u32 s1, $0xD;
	s1 =	sshrl.u32 s1, $0x2  }
0xbc: {  	s3 =	sand.u32 $0x4000, s31;
	s1 =	sadd.s32 s1, s30  }
0xbd: {  	s0 =	sor.u32 s3, s0;
	s1 =	sshll.u32 s1, $0x11  }
0xbe: {  	s0 =	sor.u32 s1, s0  }
0xbf: {  	s0 =	sadd.s32 $0x8F2B, s0  }
0xc0: {  	[sflag:s0] =	ssyncadd.remote.s32 $0x1  }
0xc1: {  	_ =	sfence.sel $0xFFFF  }
0xc2: {  	[dreg:$0x0] =	wrdreg $0xFFFFFFFF;
	(pc) =	sbr.abs _section_cstart, $3  }
0xc3: {  	[dreg:$0x1] =	wrdreg $0xFFFFFFFF  }
0xc4: {  	_ =	task.clear_ibuf [dreg:s9], $0x2FFFF;
	_ =	strace $0x9FFFFFFF  }
0xc5: {  	(tm) =	ssettm $0x7FFFFFFF  }
tec
execute0_lowered:
.L_overlay_start_1:
0x0: {  	(tag) =	ssettag $0x1  }
0x1: {  	s6 =	rddreg [dreg:$0x0];
	s5 =	simm.s32 $0x0;
	v0 =	vlaneseq.u32  }
0x2: {  	[smem:$0x7FF] =	sst s5;
	v14 =	vor.u32 $0x30, v0  }
0x3: {  	s7 =	rddreg [dreg:$0x2];
	v15 =	vor.u32 $0x10, v0;
	_ =	strace $0x80000047;
	[tilespmem:$0x1FED0] =	vst v14  }
0x4: {  	v19 =	vor.u32 $0x50, v0;
	[tilespmem:$0x1FEE0] =	vst v15  }
0x5: {  	v58 =	vor.u32 $0xB0, v0;
	[tilespmem:$0x1FEF0] =	vst v19  }
0x6: {  	v5 =	vor.u32 $0x40, v0;
	[tilespmem:$0x1FF00] =	vst v58  }
0x7: {  	v9 =	vor.u32 $0x70, v0;
	[tilespmem:$0x1FF10] =	vst v5  }
0x8: {  	v57 =	vor.u32 $0x130, v0;
	[tilespmem:$0x1FF20] =	vst v9  }
0x9: {  	s0 =	srdreg.scid;
	s1 =	stileid.u32;
	v59 =	vor.u32 $0x120, v0;
	[tilespmem:$0x1FF30] =	vst v57  }
0xa: {  	s0 =	sand.u32 $0x1, s0;
	s1 =	sshll.u32 s1, $0x1;
	v39 =	vor.u32 $0x20, v0;
	[tilespmem:$0x1FF40] =	vst v59  }
0xb: {  	v61 =	vor.u32 $0x110, v0;
	s1 =	sor.u32 s0, s1;
	[tilespmem:$0x1FF50] =	vst v39  }
0xc: {  	v55 =	vor.u32 $0x100, v0;
	[tilespmem:$0x1FF60] =	vst v61;
	s2 =	smul.u32 $0x3200, s1  }
0xd: {  	s31 =	sadd.s32 $0x200, s6;
	v17 =	vor.u32 $0xF0, v0;
	s0 =	ssub.s32 $0x2, s0;
	[tilespmem:$0x1FF70] =	vst v55;
	s8 =	smul.u32 $0x32, s1  }
0xe: {  	v12 =	vor.u32 $0xE0, v0;
	[dreg:$0xb] =	wrdreg s31;
	[tilespmem:$0x1FF80] =	vst v17;
	s3 =	smul.u32 $0x19000, s1;
	s4 =	sshrl.u32 s0, $0x1  }
0xf: {  	v47 =	vor.u32 $0xA0, v0;
	[tilespmem:$0x1FF90] =	vst v12;
	s0 =	ssub.s32 s0, s4;
	s24 =	sadd.s32 s6, s2;
	[dreg:$0x4] =	wrdreg s8  }
0x10: {  	v62 =	vor.u32 $0x80, v0;
	[tilespmem:$0x1FFA0] =	vst v47;
	s25 =	sshrl.u32 s3, $0x3;
	s26 =	sadd.s32 $0x31, s8;
	[dreg:$0x5] =	wrdreg s24  }
0x11: {  	v60 =	vor.u32 $0x90, v0;
	[tilespmem:$0x1FFB0] =	vst v62;
	s0 =	smax.u32 s0, $0x1;
	[dreg:$0x6] =	wrdreg s26;
	s28 =	sadd.s32 $0x3100, s25  }
0x12: {  	v63 =	vor.u32 $0x60, v0;
	[tilespmem:$0x1FFC0] =	vst v60;
	s1 =	sadd.s32 s7, s25;
	[dreg:$0xa] =	wrdreg s0;
	s29 =	sadd.s32 s6, s28  }
0x13: {  	v13 =	vor.u32 $0xD0, v0;
	[tilespmem:$0x1FFD0] =	vst v63;
	s1 =	sadd.s32 $0x3000, s1;
	[dreg:$0x7] =	wrdreg s29  }
0x14: {  	v11 =	vor.u32 $0xC0, v0;
	[tilespmem:$0x1FFE0] =	vst v13;
	s30 =	sadd.s32 s7, s28;
	[dreg:$0x8] =	wrdreg s1  }
0x15: {  	s16 =	simm.s32 $0x1;
	[tilespmem:$0x1FFF0] =	vst v11;
	[dreg:$0x9] =	wrdreg s30;
	s1 =	simm.s32 $0x0  }
.LBB2_1:
0x16: {  	[dreg:$0xc] =	wrdreg s1  }
0x17: {  	s0 =	rddreg [dreg:$0x1];
	s29 =	simm.s32 $0x3  }
0x18: {  	[tilespmem:s5], [sflag:$0x3] =	stream.linear.gather [hbm4b:s0+s5], $0x1900, $0x38;
	[tilespmem:$0x16900] =	vst v63  }
0x19: {  	_ =	swait.ge [sflag:s29], $0x1900  }
0x1a: {  	s31 =	simm.s32 $0x1900;
	[sflag:s29] =	ssyncset.done $0x0  }
0x1b: {  	s24 =	simm.s32 $0x0;
	s30 =	rddreg [dreg:$0x5];
	[sflag:s29] =	ssyncadd.s32 $0xFFFFE700  }
0x1c: {  	[tilespmem:s31], [sflag:$0x1] =	stream.linear.gather [hbm4b:s30+s5], $0x800, $0x38;
	[tilespmem:$0x16900] =	vst v63  }
.LBB2_2:
0x1d: {  	s0 =	sshll.u32 s24, $0x1;
	s1 =	rddreg [dreg:$0x4]  }
0x1e: {  	_ =	swait.ge [sflag:s16], $0x800;
	s26 =	sadd.s32 s1, s0  }
0x1f: {  	s15 =	rddreg [dreg:$0x6];
	[sflag:s16] =	ssyncset.done $0x0;
	s25 =	sor.u32 $0x1, s26  }
0x20: {  	[sflag:s16] =	ssyncadd.s32 $0xFFFFF800;
	s0 =	smin.u32 s25, s15  }
0x21: {  	s18 =	simm.s32 $0x2100;
	s17 =	rddreg [dreg:$0x0];
	s0 =	sshll.u32 s0, $0x8  }
0x22: {  	p0 =	seq.s32 s24, $0x0;
	s19 =	simm.s32 $0x0;
	s0 =	sadd.s32 s17, s0  }
0x23: {  	[tilespmem:s18], [sflag:$0x1] =	stream.linear.gather [hbm4b:s0+s5], $0x800, $0x38;
	[tilespmem:$0x16900] =	vst v63  }
0x24: {  	s10 =	sand.u32 $0x60, s19;
	s0 =	simm.s32 @!p0 $0x2  }
0x25: {  	s2 =	sand.u32 $0x400, s19;
	s1 =	sand.u32 $0x380, s19;
	_ =	swait.ge @!p0 [sflag:s0], $0xA000  }
0x26: {  	s3 =	sor.u32 s1, s2;
	s7 =	sor.u32 $0x10, s10;
	[sflag:s0] =	ssyncset.done @!p0 $0x0  }
0x27: {  	s20 =	sor.u32 s7, s3;
	[sflag:s0] =	ssyncadd.s32 @!p0 $0xFFFF6000  }
0x28: {  	v0 =	vld [tilespmem:s20+$0x1900];
	_ =	sdelay $0x4  }
0x29: {  	v22 =	vmul.u32 $0x140, v0  }
0x2a: {  	v1 =	vlaneseq.u32  }
0x2b: {  	v0 =	vor.u32 v1, v22;
	_ =	sdelay $0x2  }
0x2c: {  	s1 =	sor.u32 s10, s3  }
0x2d: {  	v20 =	vld [tilespmem:s1+$0x1900]  }
0x2e: {  	v0 =	vld.idx.msk [tilespmem:v0+s5+$0x0], $0xffff  }
0x2f: {  	v21 =	vor.u32 v15, v22;
	_ =	sdelay $0x2  }
0x30: {  	v23 =	vmul.u32 $0x140, v20  }
0x31: {  	[tilespmem:s20+$0x2900] =	vst v0  }
0x32: {  	v0 =	vor.u32 v1, v23;
	v20 =	vld.idx.msk [tilespmem:v21+s5+$0x0], $0xffff  }
0x33: {  	v21 =	vor.u32 v39, v22;
	_ =	sdelay $0x1  }
0x34: {  	s21 =	sadd.s32 $0x3100, s3  }
0x35: {  	s22 =	sor.u32 s7, s21  }
0x36: {  	v0 =	vld.idx.msk [tilespmem:v0+s5+$0x0], $0xffff;
	[tilespmem:s22+$0x0] =	vst v20  }
0x37: {  	v20 =	vor.u32 v15, v23;
	v21 =	vld.idx.msk [tilespmem:v21+s5+$0x0], $0xffff  }
0x38: {  	v24 =	vor.u32 v14, v22;
	_ =	sdelay $0x1  }
0x39: {  	s23 =	sadd.s32 $0x3900, s3  }
0x3a: {  	s12 =	sor.u32 s7, s23;
	[tilespmem:s1+$0x2900] =	vst v0  }
0x3b: {  	v0 =	vld.idx.msk [tilespmem:v20+s5+$0x0], $0xffff;
	[tilespmem:s12+$0x0] =	vst v21  }
0x3c: {  	v20 =	vor.u32 v39, v23;
	v21 =	vld.idx.msk [tilespmem:v24+s5+$0x0], $0xffff  }
0x3d: {  	v24 =	vadd.s32 v5, v22  }
0x3e: {  	s6 =	simm.s32 $0x20;
	s8 =	simm.s32 $0x100;
	s9 =	simm.s32 $0x10  }
0x3f: {  	s11 =	sand.u32 $0x60, s6;
	s13 =	sadd.s32 $0x4100, s3;
	s0 =	sor.u32 s10, s21  }
0x40: {  	s14 =	sand.u32 $0x400, s8;
	s15 =	sand.u32 $0x380, s9;
	s4 =	sor.u32 s7, s13;
	[tilespmem:s0+$0x0] =	vst v0  }
0x41: {  	s14 =	sor.u32 s15, s14;
	s12 =	sor.u32 $0x10, s11;
	v0 =	vld.idx.msk [tilespmem:v20+s5+$0x0], $0xffff;
	[tilespmem:s4+$0x0] =	vst v21  }
0x42: {  	s0 =	sor.u32 s12, s14;
	v20 =	vor.u32 v14, v23;
	v21 =	vld.idx.msk [tilespmem:v24+s5+$0x0], $0xffff  }
0x43: {  	v25 =	vld [tilespmem:s0+$0x1900];
	v24 =	vadd.s32 v19, v22;
	_ =	sdelay $0x1  }
0x44: {  	s2 =	sor.u32 s10, s23;
	s17 =	sor.u32 s11, s14;
	s18 =	sadd.s32 $0x4900, s3  }
0x45: {  	s19 =	sor.u32 s7, s18;
	[tilespmem:s2+$0x0] =	vst v0;
	v0 =	vld [tilespmem:s17+$0x1900]  }
0x46: {  	v20 =	vld.idx.msk [tilespmem:v20+s5+$0x0], $0xffff;
	[tilespmem:s19+$0x0] =	vst v21  }
0x47: {  	v25 =	vmul.u32 $0x140, v25;
	v21 =	vadd.s32 v5, v23;
	v26 =	vld.idx.msk [tilespmem:v24+s5+$0x0], $0xffff  }
0x48: {  	v27 =	vadd.s32 v63, v22  }
0x49: {  	v28 =	vor.u32 v1, v25  }
0x4a: {  	s20 =	sadd.s32 $0x5100, s3;
	s1 =	sor.u32 s10, s13;
	v24 =	vmul.u32 $0x140, v0  }
0x4b: {  	s21 =	sor.u32 s7, s20;
	[tilespmem:s1+$0x0] =	vst v20  }
0x4c: {  	v0 =	vld.idx.msk [tilespmem:v21+s5+$0x0], $0xffff;
	v20 =	vor.u32 v1, v24;
	[tilespmem:s21+$0x0] =	vst v26  }
0x4d: {  	v21 =	vadd.s32 v19, v23;
	v26 =	vld.idx.msk [tilespmem:v27+s5+$0x0], $0xffff  }
0x4e: {  	v27 =	vld.idx.msk [tilespmem:v28+s5+$0x0], $0xffff;
	v28 =	vadd.s32 v9, v22  }
0x4f: {  	v29 =	vor.u32 v15, v25  }
0x50: {  	s23 =	sadd.s32 $0x5900, s3;
	s22 =	sor.u32 s10, s18  }
0x51: {  	s8 =	sor.u32 s7, s23;
	[tilespmem:s22+$0x0] =	vst v0;
	v0 =	vld.idx.msk [tilespmem:v20+s5+$0x0], $0xffff  }
0x52: {  	v20 =	vld.idx.msk [tilespmem:v21+s5+$0x0], $0xffff;
	v21 =	vor.u32 v15, v24;
	[tilespmem:s8+$0x0] =	vst v26  }
0x53: {  	v26 =	vadd.s32 v63, v23;
	[tilespmem:s0+$0x2900] =	vst v27;
	v27 =	vld.idx.msk [tilespmem:v28+s5+$0x0], $0xffff  }
0x54: {  	v28 =	vld.idx.msk [tilespmem:v29+s5+$0x0], $0xffff;
	v29 =	vadd.s32 v62, v22  }
0x55: {  	v30 =	vor.u32 v39, v25  }
0x56: {  	s9 =	sor.u32 s10, s20;
	s13 =	sadd.s32 $0x6100, s3;
	[tilespmem:s17+$0x2900] =	vst v0  }
0x57: {  	s15 =	sadd.s32 $0x3100, s14;
	s17 =	sor.u32 s7, s13;
	[tilespmem:s9+$0x0] =	vst v20;
	v0 =	vld.idx.msk [tilespmem:v21+s5+$0x0], $0xffff  }
0x58: {  	s18 =	sor.u32 s12, s15;
	v20 =	vor.u32 v39, v24;
	v21 =	vld.idx.msk [tilespmem:v26+s5+$0x0], $0xffff;
	[tilespmem:s17+$0x0] =	vst v27  }
0x59: {  	v26 =	vadd.s32 v9, v23;
	[tilespmem:s18+$0x0] =	vst v28;
	v27 =	vld.idx.msk [tilespmem:v29+s5+$0x0], $0xffff  }
0x5a: {  	v28 =	vld.idx.msk [tilespmem:v30+s5+$0x0], $0xffff;
	v29 =	vadd.s32 v60, v22  }
0x5b: {  	s0 =	sor.u32 s11, s15;
	v30 =	vor.u32 v14, v25  }
0x5c: {  	s4 =	sadd.s32 $0x6900, s3;
	s19 =	sor.u32 s10, s23;
	[tilespmem:s0+$0x0] =	vst v0  }
0x5d: {  	s20 =	sadd.s32 $0x3900, s14;
	s21 =	sor.u32 s7, s4;
	[tilespmem:s19+$0x0] =	vst v21;
	v0 =	vld.idx.msk [tilespmem:v20+s5+$0x0], $0xffff  }
0x5e: {  	s22 =	sor.u32 s12, s20;
	v20 =	vor.u32 v14, v24;
	v21 =	vld.idx.msk [tilespmem:v26+s5+$0x0], $0xffff;
	[tilespmem:s21+$0x0] =	vst v27  }
0x5f: {  	v26 =	vadd.s32 v62, v23;
	[tilespmem:s22+$0x0] =	vst v28;
	v27 =	vld.idx.msk [tilespmem:v29+s5+$0x0], $0xffff  }
0x60: {  	v28 =	vld.idx.msk [tilespmem:v30+s5+$0x0], $0xffff;
	v29 =	vadd.s32 v47, v22  }
0x61: {  	s2 =	sadd.s32 $0x7100, s3;
	s23 =	sadd.s32 $0x4100, s14;
	s0 =	sor.u32 s11, s20;
	v30 =	vadd.s32 v5, v25  }
0x62: {  	s1 =	sor.u32 s10, s13;
	s15 =	simm.s32 $0x20;
	s13 =	sor.u32 s7, s2;
	[tilespmem:s0+$0x0] =	vst v0  }
0x63: {  	s17 =	sor.u32 s12, s23;
	s18 =	simm.s32 $0x40;
	s19 =	simm.s32 $0x200;
	[tilespmem:s1+$0x0] =	vst v21;
	v0 =	vld.idx.msk [tilespmem:v20+s5+$0x0], $0xffff  }
0x64: {  	s28 =	sand.u32 $0x60, s18;
	s20 =	sand.u32 $0x400, s19;
	s21 =	sand.u32 $0x380, s15;
	v20 =	vadd.s32 v5, v24;
	v21 =	vld.idx.msk [tilespmem:v26+s5+$0x0], $0xffff;
	[tilespmem:s13+$0x0] =	vst v27  }
0x65: {  	s30 =	sor.u32 $0x10, s28;
	s29 =	sor.u32 s21, s20;
	v26 =	vadd.s32 v60, v23;
	[tilespmem:s17+$0x0] =	vst v28;
	v27 =	vld.idx.msk [tilespmem:v29+s5+$0x0], $0xffff  }
0x66: {  	s1 =	sor.u32 s30, s29;
	v28 =	vld.idx.msk [tilespmem:v30+s5+$0x0], $0xffff;
	v29 =	vadd.s32 v58, v22  }
0x67: {  	s6 =	sor.u32 s11, s23;
	s0 =	sor.u32 s28, s29;
	v31 =	vld [tilespmem:s1+$0x1900];
	v30 =	vadd.s32 v19, v25  }
0x68: {  	s4 =	sor.u32 s10, s4;
	s22 =	sadd.s32 $0x7900, s3;
	[tilespmem:s6+$0x0] =	vst v0;
	v0 =	vld [tilespmem:s0+$0x1900]  }
0x69: {  	s23 =	sadd.s32 $0x4900, s14;
	s9 =	sor.u32 s7, s22;
	[tilespmem:s4+$0x0] =	vst v21;
	v21 =	vld.idx.msk [tilespmem:v20+s5+$0x0], $0xffff  }
0x6a: {  	v32 =	vadd.s32 v19, v24;
	s13 =	sor.u32 s12, s23;
	v26 =	vld.idx.msk [tilespmem:v26+s5+$0x0], $0xffff;
	[tilespmem:s9+$0x0] =	vst v27  }
0x6b: {  	v33 =	vadd.s32 v47, v23;
	[tilespmem:s13+$0x0] =	vst v28;
	v28 =	vld.idx.msk [tilespmem:v29+s5+$0x0], $0xffff  }
0x6c: {  	v20 =	vmul.u32 $0x140, v31;
	v29 =	vld.idx.msk [tilespmem:v30+s5+$0x0], $0xffff;
	v30 =	vadd.s32 v11, v22  }
0x6d: {  	s4 =	sor.u32 s11, s23;
	v27 =	vmul.u32 $0x140, v0;
	v0 =	vadd.s32 v63, v25  }
0x6e: {  	s2 =	sor.u32 s10, s2;
	s15 =	sadd.s32 $0x8100, s3;
	[tilespmem:s4+$0x0] =	vst v21;
	v21 =	vor.u32 v1, v20  }
0x6f: {  	s18 =	sor.u32 s7, s15;
	s17 =	sadd.s32 $0x5100, s14;
	[tilespmem:s2+$0x0] =	vst v26;
	v26 =	vld.idx.msk [tilespmem:v32+s5+$0x0], $0xffff;
	v31 =	vor.u32 v1, v27  }
0x70: {  	v4 =	vadd.s32 v63, v24;
	s19 =	sor.u32 s12, s17;
	v33 =	vld.idx.msk [tilespmem:v33+s5+$0x0], $0xffff;
	[tilespmem:s18+$0x0] =	vst v28  }
0x71: {  	v28 =	vadd.s32 v58, v23;
	[tilespmem:s19+$0x0] =	vst v29;
	v29 =	vld.idx.msk [tilespmem:v30+s5+$0x0], $0xffff  }
0x72: {  	v0 =	vld.idx.msk [tilespmem:v0+s5+$0x0], $0xffff;
	v30 =	vadd.s32 v13, v22  }
0x73: {  	v34 =	vadd.s32 v9, v25;
	s2 =	sor.u32 s11, s17;
	v21 =	vld.idx.msk [tilespmem:v21+s5+$0x0], $0xffff  }
0x74: {  	s20 =	sadd.s32 $0x8900, s3;
	s6 =	sor.u32 s10, s22;
	[tilespmem:s2+$0x0] =	vst v26;
	v26 =	vld.idx.msk [tilespmem:v31+s5+$0x0], $0xffff;
	v31 =	vor.u32 v15, v20  }
0x75: {  	s21 =	sadd.s32 $0x5900, s14;
	s22 =	sor.u32 s7, s20;
	v6 =	vor.u32 v15, v27;
	[tilespmem:s6+$0x0] =	vst v33;
	v32 =	vld.idx.msk [tilespmem:v4+s5+$0x0], $0xffff  }
0x76: {  	v35 =	vadd.s32 v9, v24;
	s23 =	sor.u32 s12, s21;
	v28 =	vld.idx.msk [tilespmem:v28+s5+$0x0], $0xffff;
	[tilespmem:s22+$0x0] =	vst v29  }
0x77: {  	v29 =	vadd.s32 v11, v23;
	[tilespmem:s23+$0x0] =	vst v0;
	v0 =	vld.idx.msk [tilespmem:v30+s5+$0x0], $0xffff  }
0x78: {  	[tilespmem:s1+$0x2900] =	vst v21;
	v21 =	vld.idx.msk [tilespmem:v34+s5+$0x0], $0xffff;
	v30 =	vadd.s32 v12, v22  }
0x79: {  	s6 =	sor.u32 s11, s21;
	[tilespmem:s0+$0x2900] =	vst v26;
	v26 =	vld.idx.msk [tilespmem:v31+s5+$0x0], $0xffff;
	v31 =	vadd.s32 v62, v25  }
0x7a: {  	s8 =	sor.u32 s10, s15;
	v7 =	vor.u32 v39, v20;
	s1 =	sadd.s32 $0x9100, s3;
	v33 =	vld.idx.msk [tilespmem:v6+s5+$0x0], $0xffff;
	[tilespmem:s6+$0x0] =	vst v32  }
0x7b: {  	s9 =	sadd.s32 $0x6100, s14;
	v36 =	vor.u32 v39, v27;
	s13 =	sor.u32 s7, s1;
	[tilespmem:s8+$0x0] =	vst v28;
	v28 =	vld.idx.msk [tilespmem:v35+s5+$0x0], $0xffff  }
0x7c: {  	v37 =	vadd.s32 v62, v24;
	s15 =	sadd.s32 $0x3100, s29;
	s17 =	sor.u32 s12, s9;
	v29 =	vld.idx.msk [tilespmem:v29+s5+$0x0], $0xffff;
	[tilespmem:s13+$0x0] =	vst v0  }
0x7d: {  	s18 =	sor.u32 s30, s15;
	v0 =	vadd.s32 v13, v23;
	[tilespmem:s17+$0x0] =	vst v21;
	v21 =	vld.idx.msk [tilespmem:v30+s5+$0x0], $0xffff  }
0x7e: {  	s6 =	sor.u32 s28, s15;
	[tilespmem:s18+$0x0] =	vst v26;
	v26 =	vld.idx.msk [tilespmem:v31+s5+$0x0], $0xffff;
	v30 =	vadd.s32 v17, v22  }
0x7f: {  	v38 =	vadd.s32 v60, v25;
	s0 =	sor.u32 s11, s9;
	[tilespmem:s6+$0x0] =	vst v33;
	v31 =	vld.idx.msk [tilespmem:v7+s5+$0x0], $0xffff  }
0x80: {  	s2 =	sor.u32 s10, s20;
	s6 =	sadd.s32 $0x9900, s3;
	v33 =	vld.idx.msk [tilespmem:v36+s5+$0x0], $0xffff;
	[tilespmem:s0+$0x0] =	vst v28;
	v28 =	vor.u32 v14, v20  }
0x81: {  	v40 =	vor.u32 v14, v27;
	s19 =	sadd.s32 $0x6900, s14;
	s20 =	sor.u32 s7, s6;
	[tilespmem:s2+$0x0] =	vst v29;
	v29 =	vld.idx.msk [tilespmem:v37+s5+$0x0], $0xffff  }
0x82: {  	v41 =	vadd.s32 v60, v24;
	s21 =	sadd.s32 $0x3900, s29;
	s22 =	sor.u32 s12, s19;
	v0 =	vld.idx.msk [tilespmem:v0+s5+$0x0], $0xffff;
	[tilespmem:s20+$0x0] =	vst v21  }
0x83: {  	s23 =	sor.u32 s30, s21;
	v21 =	vadd.s32 v12, v23;
	[tilespmem:s22+$0x0] =	vst v26;
	v26 =	vld.idx.msk [tilespmem:v30+s5+$0x0], $0xffff  }
0x84: {  	s4 =	sor.u32 s28, s21;
	[tilespmem:s23+$0x0] =	vst v31;
	v30 =	vld.idx.msk [tilespmem:v38+s5+$0x0], $0xffff;
	v31 =	vadd.s32 v55, v22  }
0x85: {  	v42 =	vadd.s32 v47, v25;
	s0 =	sor.u32 s11, s19;
	[tilespmem:s4+$0x0] =	vst v33;
	v28 =	vld.idx.msk [tilespmem:v28+s5+$0x0], $0xffff  }
0x86: {  	s1 =	sor.u32 s10, s1;
	s4 =	sadd.s32 $0xA100, s3;
	v33 =	vld.idx.msk [tilespmem:v40+s5+$0x0], $0xffff;
	[tilespmem:s0+$0x0] =	vst v29;
	v29 =	vadd.s32 v5, v20  }
0x87: {  	v43 =	vadd.s32 v5, v27;
	s2 =	sadd.s32 $0x7100, s14;
	s8 =	sor.u32 s7, s4;
	[tilespmem:s1+$0x0] =	vst v0;
	v0 =	vld.idx.msk [tilespmem:v41+s5+$0x0], $0xffff  }
0x88: {  	v44 =	vadd.s32 v47, v24;
	s9 =	sadd.s32 $0x4100, s29;
	s13 =	sor.u32 s12, s2;
	v21 =	vld.idx.msk [tilespmem:v21+s5+$0x0], $0xffff;
	[tilespmem:s8+$0x0] =	vst v26  }
0x89: {  	s17 =	sor.u32 s28, s9;
	s15 =	sor.u32 s11, s2;
	s2 =	sor.u32 s30, s9;
	[tilespmem:s13+$0x0] =	vst v30;
	v26 =	vld.idx.msk [tilespmem:v31+s5+$0x0], $0xffff  }
0x8a: {  	s18 =	simm.s32 $0x60;
	s19 =	simm.s32 $0x300;
	s20 =	simm.s32 $0x30;
	[tilespmem:s2+$0x0] =	vst v28;
	v28 =	vld.idx.msk [tilespmem:v42+s5+$0x0], $0xffff  }
0x8b: {  	s31 =	sand.u32 $0x60, s18;
	s21 =	sand.u32 $0x380, s20;
	v30 =	vadd.s32 v17, v23;
	s2 =	sand.u32 $0x400, s19;
	[tilespmem:s17+$0x0] =	vst v33;
	v29 =	vld.idx.msk [tilespmem:v29+s5+$0x0], $0xffff  }
0x8c: {  	v31 =	vadd.s32 v61, v22;
	s0 =	sor.u32 s21, s2;
	s2 =	sor.u32 $0x10, s31;
	v45 =	vld.idx.msk [tilespmem:v43+s5+$0x0], $0xffff;
	[tilespmem:s15+$0x0] =	vst v0  }
0x8d: {  	v0 =	vadd.s32 v58, v25;
	s8 =	sor.u32 s2, s0;
	v46 =	vld.idx.msk [tilespmem:v44+s5+$0x0], $0xffff  }
0x8e: {  	v48 =	vadd.s32 v19, v20;
	s22 =	sor.u32 s10, s6;
	s1 =	sadd.s32 $0xA900, s3;
	s6 =	sor.u32 s31, s0;
	v49 =	vld [tilespmem:s8+$0x1900]  }
0x8f: {  	v36 =	vadd.s32 v19, v27;
	s23 =	sadd.s32 $0x7900, s14;
	s13 =	sor.u32 s7, s1;
	[tilespmem:s22+$0x0] =	vst v21;
	v37 =	vld [tilespmem:s6+$0x1900]  }
0x90: {  	v38 =	vadd.s32 v58, v24;
	s20 =	sor.u32 s12, s23;
	s17 =	sadd.s32 $0x4900, s29;
	v30 =	vld.idx.msk [tilespmem:v30+s5+$0x0], $0xffff;
	[tilespmem:s13+$0x0] =	vst v26  }
0x91: {  	s18 =	sor.u32 s30, s17;
	v26 =	vadd.s32 v55, v23;
	[tilespmem:s20+$0x0] =	vst v28;
	v28 =	vld.idx.msk [tilespmem:v31+s5+$0x0], $0xffff  }
0x92: {  	s17 =	sor.u32 s28, s17;
	[tilespmem:s18+$0x0] =	vst v29;
	v31 =	vadd.s32 v59, v22;
	v0 =	vld.idx.msk [tilespmem:v0+s5+$0x0], $0xffff  }
0x93: {  	v51 =	vadd.s32 v11, v25;
	s9 =	sor.u32 s11, s23;
	[tilespmem:s17+$0x0] =	vst v45;
	v50 =	vld.idx.msk [tilespmem:v48+s5+$0x0], $0xffff;
	v21 =	vmul.u32 $0x140, v49  }
0x94: {  	v53 =	vadd.s32 v63, v20;
	s4 =	sor.u32 s10, s4;
	s15 =	sadd.s32 $0xB100, s3;
	v52 =	vld.idx.msk [tilespmem:v36+s5+$0x0], $0xffff;
	[tilespmem:s9+$0x0] =	vst v46;
	v29 =	vmul.u32 $0x140, v37  }
0x95: {  	s19 =	sadd.s32 $0x8100, s14;
	s21 =	sor.u32 s7, s15;
	[tilespmem:s4+$0x0] =	vst v30;
	v30 =	vld.idx.msk [tilespmem:v38+s5+$0x0], $0xffff;
	v54 =	vor.u32 v1, v21  }
0x96: {  	s23 =	sor.u32 s12, s19;
	s22 =	sadd.s32 $0x5100, s29;
	v26 =	vld.idx.msk [tilespmem:v26+s5+$0x0], $0xffff;
	v37 =	vor.u32 v1, v29;
	[tilespmem:s21+$0x0] =	vst v28  }
0x97: {  	s13 =	sor.u32 s30, s22;
	v28 =	vadd.s32 v63, v27;
	[tilespmem:s23+$0x0] =	vst v0;
	v0 =	vld.idx.msk [tilespmem:v31+s5+$0x0], $0xffff  }
0x98: {  	v31 =	vadd.s32 v11, v24;
	[tilespmem:s13+$0x0] =	vst v50;
	v56 =	vld.idx.msk [tilespmem:v51+s5+$0x0], $0xffff  }
0x99: {  	v22 =	vadd.s32 v57, v22;
	s17 =	sor.u32 s28, s22;
	v33 =	vld.idx.msk [tilespmem:v53+s5+$0x0], $0xffff  }
0x9a: {  	v6 =	vadd.s32 v13, v25;
	s18 =	sor.u32 s11, s19;
	[tilespmem:s17+$0x0] =	vst v52;
	v4 =	vld.idx.msk [tilespmem:v54+s5+$0x0], $0xffff  }
0x9b: {  	v40 =	vadd.s32 v9, v20;
	s1 =	sor.u32 s10, s1;
	s4 =	sadd.s32 $0xB900, s3;
	[tilespmem:s18+$0x0] =	vst v30;
	v7 =	vld.idx.msk [tilespmem:v37+s5+$0x0], $0xffff  }
0x9c: {  	s19 =	sadd.s32 $0x8900, s14;
	v41 =	vor.u32 v15, v21;
	s20 =	sor.u32 s7, s4;
	[tilespmem:s1+$0x0] =	vst v26;
	v28 =	vld.idx.msk [tilespmem:v28+s5+$0x0], $0xffff  }
0x9d: {  	s22 =	sadd.s32 $0x5900, s29;
	s21 =	sor.u32 s12, s19;
	v30 =	vor.u32 v15, v29;
	v31 =	vld.idx.msk [tilespmem:v31+s5+$0x0], $0xffff;
	[tilespmem:s20+$0x0] =	vst v0  }
0x9e: {  	s23 =	sor.u32 s30, s22;
	v0 =	vadd.s32 v9, v27;
	[tilespmem:s21+$0x0] =	vst v56;
	v22 =	vld.idx.msk [tilespmem:v22+s5+$0x0], $0xffff  }
0x9f: {  	v52 =	vadd.s32 v61, v23;
	[tilespmem:s23+$0x0] =	vst v33;
	v43 =	vld.idx.msk [tilespmem:v6+s5+$0x0], $0xffff  }
0xa0: {  	v42 =	vadd.s32 v13, v24;
	v44 =	vld.idx.msk [tilespmem:v40+s5+$0x0], $0xffff;
	[tilespmem:s8+$0x2900] =	vst v4  }
0xa1: {  	v45 =	vadd.s32 v12, v25;
	s13 =	sor.u32 s28, s22;
	[tilespmem:s6+$0x2900] =	vst v7;
	v46 =	vld.idx.msk [tilespmem:v41+s5+$0x0], $0xffff  }
0xa2: {  	v48 =	vadd.s32 v62, v20;
	s17 =	sor.u32 s11, s19;
	s18 =	sadd.s32 $0x9100, s14;
	v30 =	vld.idx.msk [tilespmem:v30+s5+$0x0], $0xffff;
	[tilespmem:s13+$0x0] =	vst v28  }
0xa3: {  	s19 =	sadd.s32 $0x6100, s29;
	s21 =	sor.u32 s12, s18;
	v28 =	vor.u32 v39, v21;
	v0 =	vld.idx.msk [tilespmem:v0+s5+$0x0], $0xffff;
	[tilespmem:s17+$0x0] =	vst v31  }
0xa4: {  	v49 =	vor.u32 v39, v29;
	s22 =	sadd.s32 $0x3100, s0;
	s23 =	sor.u32 s30, s19;
	v6 =	vld.idx.msk [tilespmem:v52+s5+$0x0], $0xffff;
	[tilespmem:s21+$0x0] =	vst v43  }
0xa5: {  	s13 =	sor.u32 s2, s22;
	v31 =	vadd.s32 v62, v27;
	v32 =	vld.idx.msk [tilespmem:v42+s5+$0x0], $0xffff;
	[tilespmem:s23+$0x0] =	vst v44  }
0xa6: {  	v50 =	vadd.s32 v12, v24;
	s17 =	sor.u32 s31, s22;
	v51 =	vld.idx.msk [tilespmem:v45+s5+$0x0], $0xffff;
	[tilespmem:s13+$0x0] =	vst v46  }
0xa7: {  	s6 =	sor.u32 s28, s19;
	v53 =	vld.idx.msk [tilespmem:v48+s5+$0x0], $0xffff;
	[tilespmem:s17+$0x0] =	vst v30;
	v30 =	vadd.s32 v17, v25  }
0xa8: {  	s15 =	sor.u32 s10, s15;
	v28 =	vld.idx.msk [tilespmem:v28+s5+$0x0], $0xffff;
	[tilespmem:s6+$0x0] =	vst v0;
	v0 =	vadd.s32 v60, v20  }
0xa9: {  	v56 =	vor.u32 v14, v21;
	s8 =	sor.u32 s11, s18;
	s18 =	sadd.s32 $0x9900, s14;
	[tilespmem:s15+$0x0] =	vst v6;
	v54 =	vld.idx.msk [tilespmem:v49+s5+$0x0], $0xffff  }
0xaa: {  	v4 =	vor.u32 v14, v29;
	s19 =	sadd.s32 $0x6900, s29;
	s20 =	sor.u32 s12, s18;
	v31 =	vld.idx.msk [tilespmem:v31+s5+$0x0], $0xffff;
	[tilespmem:s8+$0x0] =	vst v32  }
0xab: {  	s22 =	sor.u32 s30, s19;
	s21 =	sadd.s32 $0x3900, s0;
	v48 =	vadd.s32 v59, v23;
	v33 =	vld.idx.msk [tilespmem:v50+s5+$0x0], $0xffff;
	[tilespmem:s20+$0x0] =	vst v51  }
0xac: {  	v26 =	vadd.s32 v60, v27;
	s23 =	sor.u32 s2, s21;
	[tilespmem:s22+$0x0] =	vst v53;
	v30 =	vld.idx.msk [tilespmem:v30+s5+$0x0], $0xffff  }
0xad: {  	s1 =	sor.u32 s31, s21;
	[tilespmem:s23+$0x0] =	vst v28;
	v0 =	vld.idx.msk [tilespmem:v0+s5+$0x0], $0xffff;
	v28 =	vadd.s32 v55, v25  }
0xae: {  	v41 =	vadd.s32 v47, v20;
	s8 =	sor.u32 s28, s19;
	[tilespmem:s1+$0x0] =	vst v54;
	v40 =	vld.idx.msk [tilespmem:v56+s5+$0x0], $0xffff  }
0xaf: {  	s9 =	sadd.s32 $0x4100, s0;
	s6 =	sor.u32 s11, s18;
	s20 =	sadd.s32 $0xA100, s14;
	v32 =	vld.idx.msk [tilespmem:v4+s5+$0x0], $0xffff;
	[tilespmem:s8+$0x0] =	vst v31;
	v31 =	vadd.s32 v5, v21  }
0xb0: {  	v42 =	vadd.s32 v5, v29;
	s17 =	sor.u32 s31, s9;
	v53 =	vld.idx.msk [tilespmem:v48+s5+$0x0], $0xffff;
	s8 =	sor.u32 s12, s20;
	[tilespmem:s6+$0x0] =	vst v33;
	s6 =	sadd.s32 $0x7100, s29  }
0xb1: {  	s18 =	simm.s32 $0x80;
	s22 =	simm.s32 $0x400;
	v26 =	vld.idx.msk [tilespmem:v26+s5+$0x0], $0xffff;
	s13 =	sor.u32 s30, s6;
	[tilespmem:s8+$0x0] =	vst v30  }
0xb2: {  	s19 =	sand.u32 $0x400, s22;
	s23 =	simm.s32 $0x40;
	s8 =	sor.u32 s2, s9;
	[tilespmem:s13+$0x0] =	vst v0;
	v0 =	vld.idx.msk [tilespmem:v28+s5+$0x0], $0xffff  }
0xb3: {  	s1 =	sadd.s32 $0xC100, s3;
	s3 =	sand.u32 $0x60, s18;
	s21 =	sand.u32 $0x380, s23;
	v28 =	vadd.s32 v47, v27;
	[tilespmem:s8+$0x0] =	vst v40;
	v30 =	vld.idx.msk [tilespmem:v41+s5+$0x0], $0xffff  }
0xb4: {  	v43 =	vadd.s32 v61, v25;
	s9 =	sor.u32 s21, s19;
	s13 =	sor.u32 s7, s1;
	s7 =	sor.u32 $0x10, s3;
	[tilespmem:s17+$0x0] =	vst v32;
	v31 =	vld.idx.msk [tilespmem:v31+s5+$0x0], $0xffff  }
0xb5: {  	[tilespmem:s13+$0x0] =	vst v22;
	v22 =	vadd.s32 v58, v20;
	s17 =	sor.u32 s7, s9;
	v44 =	vld.idx.msk [tilespmem:v42+s5+$0x0], $0xffff  }
0xb6: {  	v45 =	vadd.s32 v19, v21;
	s18 =	sor.u32 s28, s6;
	s6 =	sadd.s32 $0xA900, s14;
	s8 =	sor.u32 s3, s9;
	v46 =	vld [tilespmem:s17+$0x1900]  }
0xb7: {  	v7 =	vadd.s32 v17, v24;
	s15 =	sadd.s32 $0x7900, s29;
	s19 =	sor.u32 s12, s6;
	[tilespmem:s18+$0x0] =	vst v26;
	v26 =	vld [tilespmem:s8+$0x1900]  }
0xb8: {  	v49 =	vadd.s32 v19, v29;
	s13 =	sadd.s32 $0x4900, s0;
	s18 =	sor.u32 s30, s15;
	v28 =	vld.idx.msk [tilespmem:v28+s5+$0x0], $0xffff;
	[tilespmem:s19+$0x0] =	vst v0  }
0xb9: {  	v0 =	vadd.s32 v58, v27;
	s19 =	sor.u32 s2, s13;
	[tilespmem:s18+$0x0] =	vst v30;
	v30 =	vld.idx.msk [tilespmem:v43+s5+$0x0], $0xffff  }
0xba: {  	s4 =	sor.u32 s10, s4;
	v50 =	vadd.s32 v59, v25;
	[tilespmem:s19+$0x0] =	vst v31;
	v31 =	vld.idx.msk [tilespmem:v22+s5+$0x0], $0xffff  }
0xbb: {  	v52 =	vadd.s32 v11, v20;
	[tilespmem:s4+$0x0] =	vst v53;
	s13 =	sor.u32 s31, s13;
	v22 =	vmul.u32 $0x140, v46;
	v51 =	vld.idx.msk [tilespmem:v45+s5+$0x0], $0xffff  }
0xbc: {  	v33 =	vld.idx.msk [tilespmem:v7+s5+$0x0], $0xffff;
	s18 =	sor.u32 s28, s15;
	s15 =	sadd.s32 $0xB100, s14;
	[tilespmem:s13+$0x0] =	vst v44;
	v56 =	vmul.u32 $0x140, v26;
	v26 =	vadd.s32 v63, v21  }
0xbd: {  	s13 =	sadd.s32 $0x8100, s29;
	s19 =	sor.u32 s12, s15;
	v35 =	vld.idx.msk [tilespmem:v49+s5+$0x0], $0xffff;
	[tilespmem:s18+$0x0] =	vst v28;
	v28 =	vor.u32 v1, v22  }
0xbe: {  	s21 =	sadd.s32 $0x5100, s0;
	v4 =	vor.u32 v1, v56;
	s18 =	sor.u32 s30, s13;
	v0 =	vld.idx.msk [tilespmem:v0+s5+$0x0], $0xffff;
	[tilespmem:s19+$0x0] =	vst v30  }
0xbf: {  	v30 =	vadd.s32 v63, v29;
	s19 =	sor.u32 s2, s21;
	[tilespmem:s18+$0x0] =	vst v31;
	v31 =	vld.idx.msk [tilespmem:v50+s5+$0x0], $0xffff  }
0xc0: {  	v6 =	vadd.s32 v11, v27;
	s20 =	sor.u32 s11, s20;
	[tilespmem:s19+$0x0] =	vst v51;
	v7 =	vld.idx.msk [tilespmem:v52+s5+$0x0], $0xffff  }
0xc1: {  	v25 =	vadd.s32 v57, v25;
	[tilespmem:s20+$0x0] =	vst v33;
	s18 =	sor.u32 s31, s21;
	v26 =	vld.idx.msk [tilespmem:v26+s5+$0x0], $0xffff  }
0xc2: {  	s4 =	sadd.s32 $0xB900, s14;
	v40 =	vadd.s32 v13, v20;
	s13 =	sor.u32 s28, s13;
	[tilespmem:s18+$0x0] =	vst v35;
	v28 =	vld.idx.msk [tilespmem:v28+s5+$0x0], $0xffff  }
0xc3: {  	v42 =	vadd.s32 v9, v21;
	s19 =	sor.u32 s12, s4;
	v41 =	vld.idx.msk [tilespmem:v4+s5+$0x0], $0xffff;
	[tilespmem:s13+$0x0] =	vst v0;
	s13 =	sadd.s32 $0x8900, s29  }
0xc4: {  	s21 =	sadd.s32 $0x5900, s0;
	v0 =	vor.u32 v15, v22;
	v30 =	vld.idx.msk [tilespmem:v30+s5+$0x0], $0xffff;
	[tilespmem:s19+$0x0] =	vst v31;
	s18 =	sor.u32 s30, s13  }
0xc5: {  	v31 =	vor.u32 v15, v56;
	v32 =	vld.idx.msk [tilespmem:v6+s5+$0x0], $0xffff;
	s19 =	sor.u32 s2, s21;
	[tilespmem:s18+$0x0] =	vst v7  }
0xc6: {  	v25 =	vld.idx.msk [tilespmem:v25+s5+$0x0], $0xffff;
	[tilespmem:s19+$0x0] =	vst v26;
	v26 =	vadd.s32 v9, v29  }
0xc7: {  	v33 =	vld.idx.msk [tilespmem:v40+s5+$0x0], $0xffff;
	[tilespmem:s17+$0x2900] =	vst v28;
	v28 =	vadd.s32 v13, v27  }
0xc8: {  	v43 =	vadd.s32 v55, v24;
	s21 =	sor.u32 s31, s21;
	[tilespmem:s8+$0x2900] =	vst v41;
	v36 =	vld.idx.msk [tilespmem:v42+s5+$0x0], $0xffff  }
0xc9: {  	v44 =	vadd.s32 v12, v20;
	s13 =	sor.u32 s28, s13;
	s8 =	sadd.s32 $0xC100, s14;
	v0 =	vld.idx.msk [tilespmem:v0+s5+$0x0], $0xffff;
	[tilespmem:s21+$0x0] =	vst v30  }
0xca: {  	s12 =	sor.u32 s12, s8;
	v30 =	vld.idx.msk [tilespmem:v31+s5+$0x0], $0xffff;
	v31 =	vadd.s32 v62, v21;
	[tilespmem:s13+$0x0] =	vst v32;
	s13 =	sadd.s32 $0x9100, s29  }
0xcb: {  	v45 =	vor.u32 v39, v22;
	s14 =	sadd.s32 $0x6100, s0;
	s18 =	sor.u32 s30, s13;
	[tilespmem:s12+$0x0] =	vst v25;
	v26 =	vld.idx.msk [tilespmem:v26+s5+$0x0], $0xffff  }
0xcc: {  	s19 =	sadd.s32 $0x3100, s9;
	s20 =	sor.u32 s2, s14;
	[tilespmem:s18+$0x0] =	vst v33;
	v25 =	vld.idx.msk [tilespmem:v28+s5+$0x0], $0xffff  }
0xcd: {  	s21 =	sor.u32 s7, s19;
	v28 =	vld.idx.msk [tilespmem:v43+s5+$0x0], $0xffff;
	[tilespmem:s20+$0x0] =	vst v36  }
0xce: {  	s12 =	sor.u32 s3, s19;
	[tilespmem:s21+$0x0] =	vst v0;
	v0 =	vld.idx.msk [tilespmem:v44+s5+$0x0], $0xffff  }
0xcf: {  	s14 =	sor.u32 s31, s14;
	v46 =	vld.idx.msk [tilespmem:v31+s5+$0x0], $0xffff;
	[tilespmem:s12+$0x0] =	vst v30  }
0xd0: {  	s13 =	sor.u32 s28, s13;
	v30 =	vld.idx.msk [tilespmem:v45+s5+$0x0], $0xffff;
	[tilespmem:s14+$0x0] =	vst v26  }
0xd1: {  	v10 =	vadd.s32 v59, v27;
	v48 =	vadd.s32 v57, v23;
	s6 =	sor.u32 s11, s6;
	s12 =	sadd.s32 $0x9900, s29;
	[tilespmem:s13+$0x0] =	vst v25  }
0xd2: {  	v38 =	vadd.s32 v55, v27;
	v49 =	vadd.s32 v61, v24;
	v1 =	vmov v57;
	s17 =	sadd.s32 $0x6900, s0;
	s18 =	sor.u32 s30, s12;
	[tilespmem:s6+$0x0] =	vst v28  }
0xd3: {  	v54 =	vadd.s32 v5, v56;
	v23 =	vadd.s32 v1, v27;
	s19 =	sadd.s32 $0x3900, s9;
	s20 =	sor.u32 s2, s17;
	v25 =	vor.u32 v39, v56;
	[tilespmem:s18+$0x0] =	vst v0  }
0xd4: {  	v50 =	vadd.s32 v12, v27;
	v51 =	vadd.s32 v62, v29;
	v35 =	vadd.s32 v17, v29;
	s21 =	sor.u32 s7, s19;
	[tilespmem:s20+$0x0] =	vst v46  }
0xd5: {  	v52 =	vadd.s32 v19, v56;
	v4 =	vor.u32 v14, v56;
	v0 =	vadd.s32 v11, v29;
	[tilespmem:s21+$0x0] =	vst v30  }
0xd6: {  	v2 =	vmov v59;
	v15 =	vadd.s32 v57, v24;
	v46 =	vld.idx.msk [tilespmem:v48+s5+$0x0], $0xffff;
	[tilespmem:$0x1FEA0] =	vst v0;
	v0 =	vadd.s32 v13, v29  }
0xd7: {  	v57 =	vadd.s32 v17, v27;
	v6 =	vmovc v55;
	v7 =	vmov v47;
	v32 =	vadd.s32 v17, v20;
	[tilespmem:$0x1FEB0] =	vst v0  }
0xd8: {  	v41 =	vadd.s32 v12, v29;
	v42 =	vor.u32 v14, v22;
	v45 =	vadd.s32 v60, v21;
	v40 =	vld.idx.msk [tilespmem:v25+s5+$0x0], $0xffff  }
0xd9: {  	v33 =	vadd.s32 v58, v29;
	v43 =	vadd.s32 v60, v29;
	v44 =	vadd.s32 v47, v29;
	v39 =	vld.idx.msk [tilespmem:v51+s5+$0x0], $0xffff  }
0xda: {  	v31 =	vadd.s32 v61, v27;
	v27 =	vadd.s32 v6, v29;
	v26 =	vadd.s32 v59, v24;
	v36 =	vld.idx.msk [tilespmem:v50+s5+$0x0], $0xffff  }
0xdb: {  	v24 =	vadd.s32 v2, v29;
	v30 =	vadd.s32 v1, v29;
	v25 =	vadd.s32 v61, v29;
	v29 =	vld.idx.msk [tilespmem:v49+s5+$0x0], $0xffff  }
0xdc: {  	v19 =	vadd.s32 v6, v20;
	v53 =	vadd.s32 v7, v56;
	v47 =	vadd.s32 v60, v56;
	s6 =	sor.u32 s3, s19;
	v37 =	vld.idx.msk [tilespmem:v32+s5+$0x0], $0xffff  }
0xdd: {  	v0 =	vld.idx.msk [tilespmem:v45+s5+$0x0], $0xffff;
	v45 =	vadd.s32 v11, v56;
	v11 =	vadd.s32 v13, v56;
	[tilespmem:s6+$0x0] =	vst v40  }
0xde: {  	s10 =	sor.u32 s10, s1;
	s13 =	sor.u32 s31, s17;
	v48 =	vadd.s32 v62, v56;
	v51 =	vadd.s32 v63, v56;
	v62 =	vld.idx.msk [tilespmem:v42+s5+$0x0], $0xffff;
	[tilespmem:$0x1FEC0] =	vst v11  }
0xdf: {  	s15 =	sor.u32 s11, s15;
	s14 =	simm.s32 $0x8;
	s17 =	sor.u32 s28, s12;
	v49 =	vadd.s32 v9, v56;
	v50 =	vadd.s32 v58, v56;
	v63 =	vld.idx.msk [tilespmem:v4+s5+$0x0], $0xffff;
	[tilespmem:s13+$0x0] =	vst v39  }
0xe0: {  	v3 =	vmov v61;
	s12 =	sor.u32 s11, s4;
	s11 =	sor.u32 s11, s8;
	s18 =	sadd.s32 $0xA100, s29;
	v32 =	vadd.s32 v12, v56;
	v42 =	vadd.s32 v17, v56;
	[tilespmem:s17+$0x0] =	vst v36;
	v60 =	vld.idx.msk [tilespmem:v43+s5+$0x0], $0xffff  }
0xe1: {  	s19 =	sadd.s32 $0x7100, s0;
	s1 =	sor.u32 s30, s18;
	s21 =	sadd.s32 $0x4100, s9;
	v12 =	vadd.s32 v3, v56;
	v17 =	vadd.s32 v1, v56;
	[tilespmem:s15+$0x0] =	vst v29;
	v55 =	vld.idx.msk [tilespmem:v57+s5+$0x0], $0xffff  }
0xe2: {  	s4 =	sor.u32 s2, s19;
	s20 =	sor.u32 s28, s18;
	s8 =	sor.u32 s7, s21;
	v61 =	vadd.s32 v7, v21;
	v11 =	vadd.s32 v2, v56;
	[tilespmem:s1+$0x0] =	vst v37;
	v57 =	vld.idx.msk [tilespmem:v26+s5+$0x0], $0xffff  }
0xe3: {  	s6 =	sor.u32 s31, s19;
	[tilespmem:s4+$0x0] =	vst v0;
	v0 =	vadd.s32 v5, v22;
	s4 =	sor.u32 s3, s21;
	s1 =	simm.s32 $0xA0;
	v43 =	vadd.s32 v6, v56;
	v56 =	vld.idx.msk [tilespmem:v19+s5+$0x0], $0xffff  }
.LBB2_3:
0xe4: {  	[tilespmem:$0x1FE60] =	vst v32;
	v32 =	vmov v30;
	v30 =	vmov v15;
	v15 =	vld [tilespmem:$0x1FF60]  }
0xe5: {  	[tilespmem:$0x1FE70] =	vst v12;
	v12 =	vld [tilespmem:$0x1FF00]  }
0xe6: {  	v5 =	vld [tilespmem:$0x1FEF0]  }
0xe7: {  	v36 =	vmov v17;
	v17 =	vld [tilespmem:$0x1FF40]  }
0xe8: {  	[tilespmem:$0x1FE80] =	vst v10;
	v10 =	vld [tilespmem:$0x1FFF0]  }
0xe9: {  	v4 =	vld [tilespmem:$0x1FFD0]  }
0xea: {  	v16 =	vld [tilespmem:$0x1FF10]  }
0xeb: {  	v19 =	vld [tilespmem:$0x1FF30]  }
0xec: {  	v28 =	vld [tilespmem:$0x1FFB0]  }
0xed: {  	v29 =	vld [tilespmem:$0x1FFC0]  }
0xee: {  	v13 =	vld [tilespmem:$0x1FFE0]  }
0xef: {  	v26 =	vld [tilespmem:$0x1FF90]  }
0xf0: {  	[tilespmem:s4+$0x0] =	vst v63;
	v37 =	vmov v25;
	v25 =	vld [tilespmem:$0x1FF80]  }
0xf1: {  	[tilespmem:s8+$0x0] =	vst v62;
	s22 =	sadd.s32 $0x100, s22;
	s23 =	sadd.s32 $0x10, s23;
	v54 =	vld.idx.msk [tilespmem:v54+s5+$0x0], $0xffff  }
0xf2: {  	s15 =	sand.u32 $0x60, s1;
	v58 =	vld.idx.msk [tilespmem:v61+s5+$0x0], $0xffff;
	s17 =	sand.u32 $0x400, s22;
	s13 =	sand.u32 $0x380, s23;
	[tilespmem:s6+$0x0] =	vst v60  }
0xf3: {  	s21 =	sor.u32 $0x10, s15;
	s4 =	sor.u32 s13, s17;
	v34 =	vld.idx.msk [tilespmem:v44+s5+$0x0], $0xffff  }
0xf4: {  	v0 =	vld.idx.msk [tilespmem:v0+s5+$0x0], $0xffff;
	s8 =	sor.u32 s21, s4;
	[tilespmem:s12+$0x0] =	vst v57;
	s12 =	sadd.s32 $0x4900, s9  }
0xf5: {  	s6 =	sor.u32 s15, s4;
	[tilespmem:s20+$0x0] =	vst v55;
	v40 =	vld [tilespmem:s8+$0x1900];
	s19 =	sor.u32 s3, s12  }
0xf6: {  	s18 =	sadd.s32 $0xA900, s29;
	s17 =	sadd.s32 $0x7900, s0;
	v59 =	vadd.s32 v15, v20;
	v55 =	vld [tilespmem:s6+$0x1900];
	[tilespmem:s19+$0x0] =	vst v54  }
0xf7: {  	v44 =	vmov v53;
	s13 =	sor.u32 s30, s18;
	s20 =	sor.u32 s28, s18;
	s18 =	sor.u32 s31, s17;
	v39 =	vadd.s32 v12, v21;
	v53 =	vld.idx.msk [tilespmem:v52+s5+$0x0], $0xffff  }
0xf8: {  	[tilespmem:s18+$0x0] =	vst v34;
	v34 =	vmov v24;
	v24 =	vld [tilespmem:$0x1FF70]  }
0xf9: {  	s17 =	sor.u32 s2, s17;
	[tilespmem:s13+$0x0] =	vst v56;
	v7 =	vadd.s32 v5, v22;
	v1 =	vld.idx.msk [tilespmem:v33+s5+$0x0], $0xffff  }
0xfa: {  	s12 =	sor.u32 s7, s12;
	[tilespmem:s17+$0x0] =	vst v58;
	v33 =	vmov v11;
	v11 =	vld [tilespmem:$0x1FEE0]  }
0xfb: {  	v56 =	vld.idx.msk [tilespmem:v59+s5+$0x0], $0xffff;
	[tilespmem:s12+$0x0] =	vst v0  }
0xfc: {  	v2 =	vmov v50;
	[tilespmem:s10+$0x0] =	vst v46;
	v62 =	vmul.u32 $0x140, v55;
	v0 =	vld.idx.msk [tilespmem:v39+s5+$0x0], $0xffff  }
0xfd: {  	[tilespmem:$0x1FE90] =	vst v2;
	v2 =	vlaneseq.u32;
	v57 =	vld.idx.msk [tilespmem:v38+s5+$0x0], $0xffff;
	v59 =	vadd.s32 v17, v20  }
0xfe: {  	s18 =	sadd.s32 $0xB100, s29;
	v58 =	vld.idx.msk [tilespmem:v7+s5+$0x0], $0xffff;
	v50 =	vor.u32 v2, v62  }
0xff: {  	v61 =	vadd.s32 v10, v21;
	s19 =	sadd.s32 $0x8100, s0;
	v60 =	vmul.u32 $0x140, v40;
	v40 =	vmovc v35;
	v35 =	vmovc v31;
	v31 =	vmov v23;
	v23 =	vld [tilespmem:$0x1FF50];
	s12 =	sor.u32 s30, s18  }
0x100: {  	s13 =	sadd.s32 $0x5100, s9;
	s10 =	smov.u32 s11;
	s11 =	sor.u32 s2, s19;
	v55 =	vor.u32 v14, v62;
	v14 =	vld [tilespmem:$0x1FEA0];
	[tilespmem:s12+$0x0] =	vst v56  }
0x101: {  	v63 =	vadd.s32 v4, v22;
	s17 =	sor.u32 s28, s18;
	v38 =	vmov v27;
	v27 =	vld [tilespmem:$0x1FFA0];
	s18 =	sor.u32 s31, s19;
	s19 =	sor.u32 s3, s13;
	v46 =	vor.u32 v2, v60;
	[tilespmem:s11+$0x0] =	vst v0  }
0x102: {  	s13 =	sor.u32 s7, s13;
	v39 =	vmov v43;
	v54 =	vadd.s32 v16, v62;
	v52 =	vadd.s32 v5, v62;
	[tilespmem:s19+$0x0] =	vst v53;
	v0 =	vld.idx.msk [tilespmem:v59+s5+$0x0], $0xffff  }
0x103: {  	v5 =	vadd.s32 v19, v20;
	v20 =	vmov v21;
	v6 =	vadd.s32 v28, v62;
	[tilespmem:s13+$0x0] =	vst v58;
	v8 =	vld.idx.msk [tilespmem:v50+s5+$0x0], $0xffff  }
0x104: {  	v10 =	vadd.s32 v10, v62;
	v43 =	vadd.s32 v24, v62;
	v2 =	vor.u32 v11, v62;
	v61 =	vld.idx.msk [tilespmem:v61+s5+$0x0], $0xffff  }
0x105: {  	s19 =	sadd.s32 $0xB900, s29;
	v7 =	vadd.s32 v13, v20;
	v11 =	vor.u32 v11, v60;
	v50 =	vadd.s32 v12, v62;
	v12 =	vld.idx.msk [tilespmem:v51+s5+$0x0], $0xffff  }
0x106: {  	v3 =	vor.u32 v23, v62;
	v53 =	vadd.s32 v27, v62;
	s11 =	sor.u32 s30, s19;
	[tilespmem:s18+$0x0] =	vst v1;
	v63 =	vld.idx.msk [tilespmem:v63+s5+$0x0], $0xffff  }
0x107: {  	v56 =	vadd.s32 v29, v62;
	v59 =	vadd.s32 v4, v62;
	s13 =	sadd.s32 $0x8900, s0;
	v46 =	vld.idx.msk [tilespmem:v46+s5+$0x0], $0xffff;
	[tilespmem:s11+$0x0] =	vst v0  }
0x108: {  	v18 =	vmov v9;
	s12 =	sor.u32 s28, s19;
	v4 =	vadd.s32 v9, v62;
	v9 =	vadd.s32 v9, v22;
	s19 =	sor.u32 s31, s13;
	s13 =	sor.u32 s2, s13;
	v14 =	vld.idx.msk [tilespmem:v14+s5+$0x0], $0xffff;
	[tilespmem:s6+$0x2900] =	vst v8  }
0x109: {  	v1 =	vadd.s32 v13, v62;
	v13 =	vadd.s32 v26, v62;
	s18 =	sadd.s32 $0x5900, s9;
	[tilespmem:s13+$0x0] =	vst v61;
	v2 =	vld.idx.msk [tilespmem:v2+s5+$0x0], $0xffff  }
0x10a: {  	v21 =	vmovc v22;
	v22 =	vmov v60;
	v58 =	vadd.s32 v25, v62;
	v60 =	vadd.s32 v19, v62;
	s11 =	sor.u32 s3, s18;
	v0 =	vld.idx.msk [tilespmem:v5+s5+$0x0], $0xffff  }
0x10b: {  	v51 =	vmov v59;
	v59 =	vadd.s32 v17, v62;
	s18 =	sor.u32 s7, s18;
	[tilespmem:s11+$0x0] =	vst v12;
	v5 =	vadd.s32 v15, v62;
	v62 =	vld [tilespmem:$0x1FEB0]  }
0x10c: {  	[tilespmem:s18+$0x0] =	vst v63;
	v61 =	vld.idx.msk [tilespmem:v49+s5+$0x0], $0xffff  }
0x10d: {  	v15 =	vmov v45;
	v7 =	vld.idx.msk [tilespmem:v7+s5+$0x0], $0xffff;
	[tilespmem:s8+$0x2900] =	vst v46  }
0x10e: {  	s13 =	sadd.s32 $0xC100, s29;
	[tilespmem:$0x1FEA0] =	vst v15;
	v9 =	vld.idx.msk [tilespmem:v9+s5+$0x0], $0xffff  }
0x10f: {  	s29 =	smov.u32 s0;
	v45 =	vmov v10;
	v10 =	vadd.s32 v26, v20;
	s6 =	sor.u32 s30, s13;
	[tilespmem:s19+$0x0] =	vst v14;
	v8 =	vld.idx.msk [tilespmem:v11+s5+$0x0], $0xffff  }
0x110: {  	s0 =	smov.u32 s9;
	s18 =	sadd.s32 $0x9100, s29;
	s11 =	sor.u32 s28, s13;
	v11 =	vadd.s32 v28, v21;
	[tilespmem:s6+$0x0] =	vst v0;
	v0 =	vmov v1  }
0x111: {  	s9 =	sadd.s32 $0x6100, s0;
	s13 =	sor.u32 s31, s18;
	s8 =	sor.u32 s2, s18;
	v15 =	vld [tilespmem:$0x1FEC0];
	[tilespmem:$0x1FEC0] =	vst v0  }
0x112: {  	v12 =	vor.u32 v23, v22;
	v14 =	vld [tilespmem:$0x1FED0];
	s18 =	sor.u32 s3, s9;
	s9 =	sor.u32 s7, s9;
	s6 =	sadd.s32 $0x3100, s4;
	[tilespmem:s8+$0x0] =	vst v7  }
0x113: {  	v49 =	vmov v4;
	s19 =	sor.u32 s15, s6;
	s6 =	sor.u32 s21, s6;
	[tilespmem:s9+$0x0] =	vst v9;
	v4 =	vld.idx.msk [tilespmem:v62+s5+$0x0], $0xffff  }
0x114: {  	v0 =	vld.idx.msk [tilespmem:v10+s5+$0x0], $0xffff;
	[tilespmem:s6+$0x0] =	vst v8  }
0x115: {  	v1 =	vld.idx.msk [tilespmem:v11+s5+$0x0], $0xffff  }
0x116: {  	v46 =	vld.idx.msk [tilespmem:v30+s5+$0x0], $0xffff  }
0x117: {  	s28 =	smov.u32 s31;
	v63 =	vadd.s32 v25, v20;
	s30 =	smov.u32 s2;
	s31 =	smov.u32 s3;
	[tilespmem:s19+$0x0] =	vst v2;
	v2 =	vld.idx.msk [tilespmem:v12+s5+$0x0], $0xffff  }
0x118: {  	s3 =	smov.u32 s15;
	s2 =	smov.u32 s7;
	s15 =	sadd.s32 $0x6900, s0;
	v3 =	vld.idx.msk [tilespmem:v3+s5+$0x0], $0xffff;
	[tilespmem:s18+$0x0] =	vst v61  }
0x119: {  	s6 =	sor.u32 s2, s15;
	v10 =	vld.idx.msk [tilespmem:v48+s5+$0x0], $0xffff;
	[tilespmem:s13+$0x0] =	vst v4;
	s13 =	sadd.s32 $0x9900, s29  }
0x11a: {  	s9 =	smov.u32 s4;
	v8 =	vadd.s32 v29, v21;
	s4 =	sor.u32 s30, s13;
	[tilespmem:s6+$0x0] =	vst v1  }
0x11b: {  	v9 =	vor.u32 v14, v22;
	[tilespmem:s4+$0x0] =	vst v0  }
0x11c: {  	s7 =	smov.u32 s21;
	s19 =	sadd.s32 $0x3900, s9;
	v1 =	vld.idx.msk [tilespmem:v63+s5+$0x0], $0xffff  }
0x11d: {  	v30 =	vmov v36;
	v36 =	vld [tilespmem:$0x1FE60];
	s18 =	sor.u32 s28, s13;
	s13 =	sor.u32 s7, s19  }
0x11e: {  	v4 =	vld.idx.msk [tilespmem:v41+s5+$0x0], $0xffff;
	[tilespmem:s13+$0x0] =	vst v2  }
0x11f: {  	[tilespmem:s20+$0x0] =	vst v57;
	s20 =	sor.u32 s31, s15;
	s15 =	sadd.s32 $0xA100, s29;
	v2 =	vld.idx.msk [tilespmem:v8+s5+$0x0], $0xffff  }
0x120: {  	s4 =	sor.u32 s30, s15;
	v62 =	vld.idx.msk [tilespmem:v9+s5+$0x0], $0xffff  }
0x121: {  	[tilespmem:s4+$0x0] =	vst v1;
	v1 =	vld [tilespmem:$0x1FE80]  }
0x122: {  	s21 =	sor.u32 s3, s19;
	v57 =	vld.idx.msk [tilespmem:v35+s5+$0x0], $0xffff  }
0x123: {  	s14 =	sadd.s32 $0x2, s14;
	v0 =	vld [tilespmem:$0x1FE70];
	[tilespmem:s21+$0x0] =	vst v3;
	v3 =	vadd.s32 v24, v20  }
0x124: {  	p1 =	slt.u32 s14, $0x7E;
	v63 =	vld.idx.msk [tilespmem:v55+s5+$0x0], $0xffff;
	[tilespmem:s20+$0x0] =	vst v10  }
.Ltmp0:
0x125: {  	v17 =	vmov v60;
	v19 =	vmov v15;
	v60 =	vld.idx.msk [tilespmem:v47+s5+$0x0], $0xffff;
	[tilespmem:s18+$0x0] =	vst v4;
	s18 =	sadd.s32 $0x7100, s0;
	(pc) =	sbr.rel @p1 .LBB2_3-.Ltmp0, $4  }
0x126: {  	v23 =	vmovc v32;
	v32 =	vmov v13;
	v15 =	vmov v31;
	[tilespmem:$0x1FEB0] =	vst v19;
	v24 =	vmov v33;
	v33 =	vld [tilespmem:$0x1FE90];
	s21 =	sor.u32 s2, s18  }
0x127: {  	v31 =	vmovc v37;
	v12 =	vmov v5;
	v61 =	vadd.s32 v27, v21;
	v27 =	vmov v39;
	s19 =	sadd.s32 $0x4100, s9;
	v55 =	vld.idx.msk [tilespmem:v40+s5+$0x0], $0xffff;
	[tilespmem:s21+$0x0] =	vst v2  }
0x128: {  	s1 =	sadd.s32 $0x20, s1;
	v11 =	vmovc v59;
	v48 =	vmovc v6;
	v41 =	vmov v36;
	v35 =	vmov v42;
	s8 =	sor.u32 s7, s19;
	v47 =	vmov v56;
	[tilespmem:s17+$0x0] =	vst v57;
	v56 =	vld.idx.msk [tilespmem:v3+s5+$0x0], $0xffff  }
0x129: {  	v42 =	vmovc v58;
	s20 =	sor.u32 s28, s15;
	v10 =	vmovc v34;
	v9 =	vmov v18;
	v25 =	vmov v0;
	v0 =	vadd.s32 v16, v22;
	s6 =	sor.u32 s31, s18;
	s4 =	sor.u32 s3, s19;
	v57 =	vld.idx.msk [tilespmem:v1+s5+$0x0], $0xffff  }
0x12a: {  	_ =	sdelay $0x2  }
0x12b: {  	[tilespmem:s8+$0x0] =	vst v62  }
0x12c: {  	[tilespmem:s4+$0x0] =	vst v63;
	v0 =	vld.idx.msk [tilespmem:v0+s5+$0x0], $0xffff  }
0x12d: {  	v19 =	vld [tilespmem:$0x1FEF0]  }
0x12e: {  	v2 =	vld.idx.msk [tilespmem:v54+s5+$0x0], $0xffff;
	_ =	sdelay $0x1  }
0x12f: {  	s1 =	sadd.s32 $0x4900, s9  }
0x130: {  	s14 =	sor.u32 s7, s1  }
0x131: {  	s1 =	sor.u32 s3, s1;
	[tilespmem:s14+$0x0] =	vst v0  }
0x132: {  	v1 =	vadd.s32 v19, v22;
	[tilespmem:s1+$0x0] =	vst v2  }
0x133: {  	v54 =	vld [tilespmem:$0x1FFD0];
	_ =	sdelay $0x2  }
0x134: {  	v2 =	vld.idx.msk [tilespmem:v52+s5+$0x0], $0xffff  }
0x135: {  	v0 =	vld.idx.msk [tilespmem:v1+s5+$0x0], $0xffff  }
0x136: {  	v1 =	vadd.s32 v54, v22  }
0x137: {  	s15 =	sadd.s32 $0x5100, s9  }
0x138: {  	s1 =	sor.u32 s3, s15  }
0x139: {  	s17 =	sor.u32 s7, s15;
	[tilespmem:s1+$0x0] =	vst v2  }
0x13a: {  	v2 =	vld.idx.msk [tilespmem:v51+s5+$0x0], $0xffff;
	[tilespmem:s17+$0x0] =	vst v0  }
0x13b: {  	v0 =	vld.idx.msk [tilespmem:v1+s5+$0x0], $0xffff;
	_ =	sdelay $0x1  }
0x13c: {  	s18 =	sadd.s32 $0x5900, s9  }
0x13d: {  	s1 =	sor.u32 s3, s18  }
0x13e: {  	s19 =	sor.u32 s7, s18;
	v1 =	vadd.s32 v9, v22;
	[tilespmem:s1+$0x0] =	vst v2  }
0x13f: {  	[tilespmem:s19+$0x0] =	vst v0  }
0x140: {  	v62 =	vld [tilespmem:$0x1FFB0];
	_ =	sdelay $0x1  }
0x141: {  	v2 =	vld.idx.msk [tilespmem:v49+s5+$0x0], $0xffff  }
0x142: {  	v0 =	vld.idx.msk [tilespmem:v1+s5+$0x0], $0xffff;
	_ =	sdelay $0x1  }
0x143: {  	s21 =	sadd.s32 $0x6100, s9;
	v1 =	vadd.s32 v62, v22  }
0x144: {  	s1 =	sor.u32 s3, s21  }
0x145: {  	s22 =	sor.u32 s7, s21;
	[tilespmem:s1+$0x0] =	vst v2  }
0x146: {  	v2 =	vld.idx.msk [tilespmem:v48+s5+$0x0], $0xffff;
	[tilespmem:s22+$0x0] =	vst v0  }
0x147: {  	v63 =	vld [tilespmem:$0x1FFC0]  }
0x148: {  	v0 =	vld.idx.msk [tilespmem:v1+s5+$0x0], $0xffff;
	_ =	sdelay $0x1  }
0x149: {  	s23 =	sadd.s32 $0x6900, s9  }
0x14a: {  	s1 =	sor.u32 s3, s23  }
0x14b: {  	s8 =	sor.u32 s7, s23;
	[tilespmem:s1+$0x0] =	vst v2;
	v1 =	vadd.s32 v63, v22  }
0x14c: {  	[tilespmem:s8+$0x0] =	vst v0  }
0x14d: {  	v48 =	vld [tilespmem:$0x1FFA0]  }
0x14e: {  	v2 =	vld.idx.msk [tilespmem:v47+s5+$0x0], $0xffff  }
0x14f: {  	v3 =	vld.idx.msk [tilespmem:v61+s5+$0x0], $0xffff  }
0x150: {  	v0 =	vld.idx.msk [tilespmem:v1+s5+$0x0], $0xffff  }
0x151: {  	s13 =	sadd.s32 $0x7100, s9;
	v26 =	vld [tilespmem:$0x1FF00]  }
0x152: {  	s15 =	sadd.s32 $0x7900, s0;
	s1 =	sor.u32 s3, s13;
	[tilespmem:s6+$0x0] =	vst v60;
	v1 =	vadd.s32 v48, v22  }
0x153: {  	s17 =	sor.u32 s2, s15;
	[tilespmem:s1+$0x0] =	vst v2  }
0x154: {  	s14 =	sor.u32 s7, s13;
	[tilespmem:s17+$0x0] =	vst v3  }
0x155: {  	[tilespmem:s14+$0x0] =	vst v0  }
0x156: {  	v4 =	vadd.s32 v26, v21;
	v28 =	vld [tilespmem:$0x1FFF0]  }
0x157: {  	v0 =	vld.idx.msk [tilespmem:v1+s5+$0x0], $0xffff  }
0x158: {  	v2 =	vadd.s32 v26, v22;
	v1 =	vld.idx.msk [tilespmem:v44+s5+$0x0], $0xffff;
	_ =	sdelay $0x1  }
0x159: {  	s18 =	sadd.s32 $0x7900, s9  }
0x15a: {  	s19 =	sor.u32 s7, s18;
	v3 =	vld.idx.msk [tilespmem:v4+s5+$0x0], $0xffff  }
0x15b: {  	s4 =	sor.u32 s31, s15;
	v5 =	vld.idx.msk [tilespmem:v53+s5+$0x0], $0xffff;
	v61 =	vadd.s32 v28, v21;
	[tilespmem:s19+$0x0] =	vst v0  }
0x15c: {  	[tilespmem:s4+$0x0] =	vst v1;
	v0 =	vld.idx.msk [tilespmem:v2+s5+$0x0], $0xffff  }
0x15d: {  	s21 =	sadd.s32 $0x8100, s0;
	v1 =	vld.idx.msk [tilespmem:v33+s5+$0x0], $0xffff  }
0x15e: {  	s22 =	sor.u32 s2, s21  }
0x15f: {  	s23 =	sadd.s32 $0x8100, s9;
	s1 =	sor.u32 s3, s18;
	[tilespmem:s22+$0x0] =	vst v3  }
0x160: {  	s8 =	sor.u32 s7, s23;
	[tilespmem:s1+$0x0] =	vst v5;
	v3 =	vld.idx.msk [tilespmem:v61+s5+$0x0], $0xffff  }
0x161: {  	s4 =	sor.u32 s31, s21;
	v61 =	vld [tilespmem:$0x1FFE0];
	[tilespmem:s8+$0x0] =	vst v0  }
0x162: {  	[tilespmem:s4+$0x0] =	vst v1  }
0x163: {  	v1 =	vld [tilespmem:$0x1FEA0];
	_ =	sdelay $0x1  }
0x164: {  	v2 =	vadd.s32 v28, v22  }
0x165: {  	v5 =	vld.idx.msk [tilespmem:v50+s5+$0x0], $0xffff;
	_ =	sdelay $0x3  }
0x166: {  	s13 =	sadd.s32 $0x8900, s0;
	s1 =	sor.u32 s3, s23;
	v0 =	vld.idx.msk [tilespmem:v2+s5+$0x0], $0xffff  }
0x167: {  	s14 =	sor.u32 s2, s13;
	v33 =	vadd.s32 v61, v21;
	[tilespmem:s1+$0x0] =	vst v5;
	v1 =	vld.idx.msk [tilespmem:v1+s5+$0x0], $0xffff  }
0x168: {  	[tilespmem:s14+$0x0] =	vst v3;
	v5 =	vld.idx.msk [tilespmem:v45+s5+$0x0], $0xffff  }
0x169: {  	s15 =	sadd.s32 $0x8900, s9;
	v60 =	vld [tilespmem:$0x1FF90]  }
0x16a: {  	s17 =	sor.u32 s7, s15  }
0x16b: {  	s4 =	sor.u32 s31, s13;
	[tilespmem:s17+$0x0] =	vst v0  }
0x16c: {  	s1 =	sor.u32 s3, s15;
	v3 =	vld.idx.msk [tilespmem:v33+s5+$0x0], $0xffff;
	[tilespmem:s4+$0x0] =	vst v1  }
0x16d: {  	v2 =	vadd.s32 v61, v22;
	v1 =	vld [tilespmem:$0x1FEB0];
	[tilespmem:s1+$0x0] =	vst v5  }
0x16e: {  	v34 =	vadd.s32 v60, v21;
	v5 =	vld [tilespmem:$0x1FEC0];
	_ =	sdelay $0x1  }
0x16f: {  	s18 =	sadd.s32 $0x9100, s0  }
0x170: {  	s19 =	sor.u32 s2, s18  }
0x171: {  	v0 =	vld.idx.msk [tilespmem:v2+s5+$0x0], $0xffff;
	[tilespmem:s19+$0x0] =	vst v3  }
0x172: {  	v3 =	vld.idx.msk [tilespmem:v34+s5+$0x0], $0xffff  }
0x173: {  	v59 =	vld [tilespmem:$0x1FF80]  }
0x174: {  	s21 =	sadd.s32 $0x9100, s9;
	v2 =	vadd.s32 v60, v22;
	v1 =	vld.idx.msk [tilespmem:v1+s5+$0x0], $0xffff  }
0x175: {  	s22 =	sor.u32 s7, s21;
	v5 =	vld.idx.msk [tilespmem:v5+s5+$0x0], $0xffff  }
0x176: {  	s23 =	sadd.s32 $0x9900, s0;
	[tilespmem:s22+$0x0] =	vst v0  }
0x177: {  	s6 =	sor.u32 s2, s23;
	[tilespmem:s20+$0x0] =	vst v55  }
0x178: {  	s4 =	sor.u32 s31, s18;
	[tilespmem:s6+$0x0] =	vst v3  }
0x179: {  	s1 =	sor.u32 s3, s21;
	v0 =	vld.idx.msk [tilespmem:v2+s5+$0x0], $0xffff;
	v36 =	vadd.s32 v59, v21;
	[tilespmem:s4+$0x0] =	vst v1  }
0x17a: {  	v1 =	vld.idx.msk [tilespmem:v41+s5+$0x0], $0xffff;
	[tilespmem:s1+$0x0] =	vst v5  }
0x17b: {  	v18 =	vld [tilespmem:$0x1FF60];
	[tilespmem:s12+$0x0] =	vst v57  }
0x17c: {  	v2 =	vadd.s32 v59, v22;
	v55 =	vld [tilespmem:$0x1FF70]  }
0x17d: {  	s8 =	sadd.s32 $0x9900, s9;
	v5 =	vld.idx.msk [tilespmem:v32+s5+$0x0], $0xffff  }
0x17e: {  	s13 =	sor.u32 s7, s8;
	s14 =	sadd.s32 $0xA900, s29;
	v4 =	vld.idx.msk [tilespmem:v36+s5+$0x0], $0xffff  }
0x17f: {  	s15 =	sor.u32 s30, s14;
	[tilespmem:s13+$0x0] =	vst v0  }
0x180: {  	s4 =	sor.u32 s31, s23;
	[tilespmem:s15+$0x0] =	vst v56;
	v3 =	vadd.s32 v18, v20  }
0x181: {  	s17 =	sadd.s32 $0xA100, s0;
	s1 =	sor.u32 s3, s8;
	v0 =	vld.idx.msk [tilespmem:v2+s5+$0x0], $0xffff;
	[tilespmem:s4+$0x0] =	vst v1;
	v6 =	vadd.s32 v55, v21  }
0x182: {  	s18 =	sor.u32 s2, s17;
	v1 =	vld.idx.msk [tilespmem:v35+s5+$0x0], $0xffff;
	[tilespmem:s1+$0x0] =	vst v5  }
0x183: {  	[tilespmem:s18+$0x0] =	vst v4;
	v5 =	vld.idx.msk [tilespmem:v42+s5+$0x0], $0xffff  }
0x184: {  	v2 =	vadd.s32 v55, v22;
	v57 =	vld [tilespmem:$0x1FF40]  }
0x185: {  	s19 =	sadd.s32 $0xA100, s9;
	v3 =	vld.idx.msk [tilespmem:v3+s5+$0x0], $0xffff  }
0x186: {  	s20 =	sor.u32 s7, s19;
	[tilespmem:s10+$0x0] =	vst v46;
	v6 =	vld.idx.msk [tilespmem:v6+s5+$0x0], $0xffff  }
0x187: {  	v7 =	vld.idx.msk [tilespmem:v38+s5+$0x0], $0xffff;
	s8 =	sor.u32 s31, s17;
	[tilespmem:s20+$0x0] =	vst v0  }
0x188: {  	s21 =	sadd.s32 $0xB100, s29;
	v41 =	vld.idx.msk [tilespmem:v15+s5+$0x0], $0xffff;
	v8 =	vadd.s32 v18, v21;
	s1 =	sor.u32 s3, s19;
	[tilespmem:s8+$0x0] =	vst v1  }
0x189: {  	s22 =	sor.u32 s30, s21;
	s23 =	sadd.s32 $0xA900, s0;
	v0 =	vld.idx.msk [tilespmem:v2+s5+$0x0], $0xffff;
	[tilespmem:s1+$0x0] =	vst v5  }
0x18a: {  	s8 =	sor.u32 s2, s23;
	v1 =	vld.idx.msk [tilespmem:v27+s5+$0x0], $0xffff;
	v2 =	vadd.s32 v18, v22;
	[tilespmem:s22+$0x0] =	vst v3  }
0x18b: {  	v3 =	vld.idx.msk [tilespmem:v43+s5+$0x0], $0xffff;
	[tilespmem:s8+$0x0] =	vst v6  }
0x18c: {  	s6 =	sor.u32 s28, s14;
	s12 =	sadd.s32 $0xA900, s9;
	v16 =	vld [tilespmem:$0x1FF30]  }
0x18d: {  	s13 =	sor.u32 s7, s12;
	v37 =	vadd.s32 v57, v20;
	[tilespmem:s6+$0x0] =	vst v7;
	v6 =	vld.idx.msk [tilespmem:v8+s5+$0x0], $0xffff  }
0x18e: {  	s14 =	sor.u32 s31, s23;
	v8 =	vadd.s32 v57, v21;
	[tilespmem:s13+$0x0] =	vst v0;
	v7 =	vld.idx.msk [tilespmem:v31+s5+$0x0], $0xffff  }
0x18f: {  	s1 =	sor.u32 s3, s12;
	[tilespmem:s14+$0x0] =	vst v1;
	v0 =	vld.idx.msk [tilespmem:v2+s5+$0x0], $0xffff  }
0x190: {  	s18 =	sadd.s32 $0xB100, s0;
	v1 =	vld.idx.msk [tilespmem:v25+s5+$0x0], $0xffff;
	v2 =	vadd.s32 v57, v22;
	[tilespmem:s1+$0x0] =	vst v3  }
0x191: {  	s19 =	sor.u32 s2, s18;
	[tilespmem:s11+$0x0] =	vst v41;
	v3 =	vld.idx.msk [tilespmem:v12+s5+$0x0], $0xffff  }
0x192: {  	s4 =	sor.u32 s28, s21;
	s20 =	sadd.s32 $0xB100, s9;
	v4 =	vld.idx.msk [tilespmem:v37+s5+$0x0], $0xffff;
	[tilespmem:s19+$0x0] =	vst v6  }
0x193: {  	s21 =	sor.u32 s7, s20;
	v39 =	vadd.s32 v16, v20;
	[tilespmem:s4+$0x0] =	vst v7;
	v40 =	vld.idx.msk [tilespmem:v8+s5+$0x0], $0xffff  }
0x194: {  	s22 =	sor.u32 s31, s18;
	v7 =	vadd.s32 v16, v21;
	[tilespmem:s21+$0x0] =	vst v0;
	v6 =	vld.idx.msk [tilespmem:v10+s5+$0x0], $0xffff  }
0x195: {  	s15 =	sadd.s32 $0xB900, s29;
	s1 =	sor.u32 s3, s20;
	[tilespmem:s22+$0x0] =	vst v1;
	v0 =	vld.idx.msk [tilespmem:v2+s5+$0x0], $0xffff  }
0x196: {  	s17 =	sor.u32 s30, s15;
	s13 =	sadd.s32 $0xB900, s0;
	v1 =	vld.idx.msk [tilespmem:v24+s5+$0x0], $0xffff;
	v2 =	vadd.s32 v16, v22;
	[tilespmem:s1+$0x0] =	vst v3  }
0x197: {  	s14 =	sor.u32 s2, s13;
	[tilespmem:s17+$0x0] =	vst v4;
	v3 =	vld.idx.msk [tilespmem:v11+s5+$0x0], $0xffff  }
0x198: {  	s6 =	sor.u32 s28, s15;
	s15 =	sadd.s32 $0xB900, s9;
	v4 =	vld.idx.msk [tilespmem:v39+s5+$0x0], $0xffff;
	[tilespmem:s14+$0x0] =	vst v40  }
0x199: {  	s17 =	sor.u32 s7, s15;
	[tilespmem:s6+$0x0] =	vst v6;
	v5 =	vld.idx.msk [tilespmem:v7+s5+$0x0], $0xffff  }
0x19a: {  	s18 =	sor.u32 s31, s13;
	[tilespmem:s17+$0x0] =	vst v0;
	v6 =	vld.idx.msk [tilespmem:v23+s5+$0x0], $0xffff  }
0x19b: {  	s23 =	sadd.s32 $0xC100, s29;
	s1 =	sor.u32 s3, s15;
	[tilespmem:s18+$0x0] =	vst v1;
	v0 =	vld.idx.msk [tilespmem:v2+s5+$0x0], $0xffff  }
0x19c: {  	s12 =	sor.u32 s30, s23;
	s19 =	sadd.s32 $0xC100, s0;
	v1 =	vld.idx.msk [tilespmem:v30+s5+$0x0], $0xffff;
	[tilespmem:s1+$0x0] =	vst v3  }
0x19d: {  	s20 =	sor.u32 s2, s19;
	[tilespmem:s12+$0x0] =	vst v4;
	v2 =	vld.idx.msk [tilespmem:v17+s5+$0x0], $0xffff  }
0x19e: {  	s21 =	sor.u32 s28, s23;
	s22 =	sadd.s32 $0xC100, s9;
	[tilespmem:s20+$0x0] =	vst v5  }
0x19f: {  	s23 =	sor.u32 s7, s22;
	[tilespmem:s21+$0x0] =	vst v6  }
0x1a0: {  	s8 =	simm.s32 $0x2900;
	s0 =	sor.u32 s31, s19;
	[tilespmem:s23+$0x0] =	vst v0  }
0x1a1: {  	s9 =	sshll.u32 s26, $0x8;
	s4 =	rddreg [dreg:$0x2];
	s1 =	sor.u32 s3, s22;
	[tilespmem:s0+$0x0] =	vst v1  }
0x1a2: {  	s7 =	simm.s32 $0x320000;
	s6 =	simm.s32 $0x800;
	s0 =	sadd.s32 s4, s9;
	[tilespmem:s1+$0x0] =	vst v2  }
0x1a3: {  	[hbm4b:s0+s6] =	stream.strided.scatter [tilespmem:s8], [sflag:$0x2], $0xA000, s7, s6, $0x38;
	[tilespmem:$0x16900] =	vst v63  }
0x1a4: {  	s11 =	simm.s32 $0x1900;
	s12 =	simm.s32 $0x0;
	_ =	swait.ge [sflag:s16], $0x800  }
0x1a5: {  	s13 =	sand.u32 $0x400, s12;
	[sflag:s16] =	ssyncset.done $0x0;
	s10 =	rddreg [dreg:$0xb]  }
0x1a6: {  	s1 =	simm.s32 @!p0 $0x2;
	[sflag:s16] =	ssyncadd.s32 $0xFFFFF800;
	s0 =	sadd.s32 s10, s9  }
0x1a7: {  	[tilespmem:s11], [sflag:$0x1] =	stream.linear.gather [hbm4b:s0+s5], $0x800, $0x38;
	[tilespmem:$0x16900] =	vst v63  }
0x1a8: {  	s10 =	sand.u32 $0x60, s12;
	s0 =	sand.u32 $0x380, s12;
	_ =	swait.ge @!p0 [sflag:s1], $0xA000  }
0x1a9: {  	s3 =	sor.u32 $0x10, s10;
	s0 =	sor.u32 s0, s13;
	[sflag:s1] =	ssyncset.done @!p0 $0x0  }
0x1aa: {  	s14 =	sor.u32 s3, s0;
	[sflag:s1] =	ssyncadd.s32 @!p0 $0xFFFF6000  }
0x1ab: {  	v0 =	vld [tilespmem:s14+$0x2100];
	_ =	sdelay $0x4  }
0x1ac: {  	v22 =	vmul.u32 $0x140, v0  }
0x1ad: {  	v30 =	vlaneseq.u32  }
0x1ae: {  	v0 =	vor.u32 v30, v22;
	_ =	sdelay $0x3  }
0x1af: {  	v15 =	vld [tilespmem:$0x1FEE0]  }
0x1b0: {  	v0 =	vld.idx.msk [tilespmem:v0+s5+$0x0], $0xffff;
	_ =	sdelay $0x1  }
0x1b1: {  	s2 =	sor.u32 s10, s0  }
0x1b2: {  	v1 =	vld [tilespmem:s2+$0x2100];
	_ =	sdelay $0x1  }
0x1b3: {  	v2 =	vor.u32 v15, v22;
	[tilespmem:s14+$0xC900] =	vst v0  }
0x1b4: {  	v17 =	vld [tilespmem:$0x1FF50];
	_ =	sdelay $0x1  }
0x1b5: {  	v23 =	vmul.u32 $0x140, v1;
	_ =	sdelay $0x1  }
0x1b6: {  	v0 =	vor.u32 v30, v23;
	v1 =	vld.idx.msk [tilespmem:v2+s5+$0x0], $0xffff  }
0x1b7: {  	v2 =	vor.u32 v17, v22;
	_ =	sdelay $0x1  }
0x1b8: {  	s15 =	sadd.s32 $0xD100, s0  }
0x1b9: {  	s17 =	sor.u32 s3, s15  }
0x1ba: {  	v0 =	vld.idx.msk [tilespmem:v0+s5+$0x0], $0xffff;
	[tilespmem:s17+$0x0] =	vst v1  }
0x1bb: {  	v2 =	vld.idx.msk [tilespmem:v2+s5+$0x0], $0xffff;
	_ =	sdelay $0x2  }
0x1bc: {  	s18 =	sadd.s32 $0xD900, s0  }
0x1bd: {  	s19 =	sor.u32 s3, s18;
	v1 =	vor.u32 v15, v23;
	[tilespmem:s2+$0xC900] =	vst v0  }
0x1be: {  	v3 =	vor.u32 v14, v22;
	[tilespmem:s19+$0x0] =	vst v2  }
0x1bf: {  	v58 =	vld [tilespmem:$0x1FF10];
	_ =	sdelay $0x2  }
0x1c0: {  	v0 =	vld.idx.msk [tilespmem:v1+s5+$0x0], $0xffff  }
0x1c1: {  	v1 =	vor.u32 v17, v23;
	v2 =	vld.idx.msk [tilespmem:v3+s5+$0x0], $0xffff  }
0x1c2: {  	v3 =	vadd.s32 v58, v22  }
0x1c3: {  	s26 =	simm.s32 $0x10;
	s22 =	simm.s32 $0x20;
	s23 =	simm.s32 $0x100  }
0x1c4: {  	s8 =	sand.u32 $0x400, s23;
	s20 =	sadd.s32 $0xE100, s0;
	s1 =	sor.u32 s10, s15  }
0x1c5: {  	s11 =	sand.u32 $0x60, s22;
	s12 =	sand.u32 $0x380, s26;
	s21 =	sor.u32 s3, s20;
	[tilespmem:s1+$0x0] =	vst v0  }
0x1c6: {  	s14 =	sor.u32 s12, s8;
	s12 =	sor.u32 $0x10, s11;
	v0 =	vld.idx.msk [tilespmem:v1+s5+$0x0], $0xffff;
	[tilespmem:s21+$0x0] =	vst v2  }
0x1c7: {  	s1 =	sor.u32 s12, s14;
	v1 =	vor.u32 v14, v23;
	v2 =	vld.idx.msk [tilespmem:v3+s5+$0x0], $0xffff  }
0x1c8: {  	v42 =	vld [tilespmem:s1+$0x2100];
	v3 =	vadd.s32 v19, v22;
	_ =	sdelay $0x1  }
0x1c9: {  	s4 =	sor.u32 s10, s18;
	s15 =	sadd.s32 $0xE900, s0;
	s13 =	sor.u32 s11, s14  }
0x1ca: {  	s17 =	sor.u32 s3, s15;
	[tilespmem:s4+$0x0] =	vst v0;
	v0 =	vld [tilespmem:s13+$0x2100]  }
0x1cb: {  	v1 =	vld.idx.msk [tilespmem:v1+s5+$0x0], $0xffff;
	[tilespmem:s17+$0x0] =	vst v2  }
0x1cc: {  	v25 =	vmul.u32 $0x140, v42;
	v2 =	vadd.s32 v58, v23;
	v3 =	vld.idx.msk [tilespmem:v3+s5+$0x0], $0xffff  }
0x1cd: {  	v43 =	vadd.s32 v54, v22  }
0x1ce: {  	v44 =	vor.u32 v30, v25  }
0x1cf: {  	s18 =	sadd.s32 $0xF100, s0;
	s2 =	sor.u32 s10, s20;
	v24 =	vmul.u32 $0x140, v0  }
0x1d0: {  	s19 =	sor.u32 s3, s18;
	[tilespmem:s2+$0x0] =	vst v1  }
0x1d1: {  	v1 =	vor.u32 v30, v24;
	v0 =	vld.idx.msk [tilespmem:v2+s5+$0x0], $0xffff;
	[tilespmem:s19+$0x0] =	vst v3  }
0x1d2: {  	v2 =	vadd.s32 v19, v23;
	v3 =	vld.idx.msk [tilespmem:v43+s5+$0x0], $0xffff  }
0x1d3: {  	v46 =	vadd.s32 v9, v22;
	v45 =	vld.idx.msk [tilespmem:v44+s5+$0x0], $0xffff  }
0x1d4: {  	v6 =	vor.u32 v15, v25  }
0x1d5: {  	s20 =	sor.u32 s10, s15;
	s21 =	sadd.s32 $0xF900, s0  }
0x1d6: {  	s22 =	sor.u32 s3, s21;
	[tilespmem:s20+$0x0] =	vst v0;
	v0 =	vld.idx.msk [tilespmem:v1+s5+$0x0], $0xffff  }
0x1d7: {  	v1 =	vld.idx.msk [tilespmem:v2+s5+$0x0], $0xffff;
	v2 =	vor.u32 v15, v24;
	[tilespmem:s22+$0x0] =	vst v3  }
0x1d8: {  	[tilespmem:s1+$0xC900] =	vst v45;
	v3 =	vadd.s32 v54, v23;
	v47 =	vld.idx.msk [tilespmem:v46+s5+$0x0], $0xffff  }
0x1d9: {  	v49 =	vld.idx.msk [tilespmem:v6+s5+$0x0], $0xffff;
	v6 =	vadd.s32 v62, v22  }
0x1da: {  	v7 =	vor.u32 v17, v25  }
0x1db: {  	s26 =	sadd.s32 $0x10100, s0;
	s23 =	sor.u32 s10, s18;
	[tilespmem:s13+$0xC900] =	vst v0  }
0x1dc: {  	s8 =	sadd.s32 $0xD100, s14;
	s13 =	sor.u32 s3, s26;
	[tilespmem:s23+$0x0] =	vst v1;
	v0 =	vld.idx.msk [tilespmem:v2+s5+$0x0], $0xffff  }
0x1dd: {  	s15 =	sor.u32 s12, s8;
	v1 =	vor.u32 v17, v24;
	v2 =	vld.idx.msk [tilespmem:v3+s5+$0x0], $0xffff;
	[tilespmem:s13+$0x0] =	vst v47  }
0x1de: {  	[tilespmem:s15+$0x0] =	vst v49;
	v3 =	vadd.s32 v9, v23;
	v4 =	vld.idx.msk [tilespmem:v6+s5+$0x0], $0xffff  }
0x1df: {  	v5 =	vld.idx.msk [tilespmem:v7+s5+$0x0], $0xffff;
	v6 =	vadd.s32 v63, v22  }
0x1e0: {  	s1 =	sor.u32 s11, s8;
	v7 =	vor.u32 v14, v25  }
0x1e1: {  	s6 =	sadd.s32 $0x10900, s0;
	s17 =	sor.u32 s10, s21;
	[tilespmem:s1+$0x0] =	vst v0  }
0x1e2: {  	s18 =	sadd.s32 $0xD900, s14;
	s19 =	sor.u32 s3, s6;
	[tilespmem:s17+$0x0] =	vst v2;
	v0 =	vld.idx.msk [tilespmem:v1+s5+$0x0], $0xffff  }
0x1e3: {  	s20 =	sor.u32 s12, s18;
	v1 =	vor.u32 v14, v24;
	v2 =	vld.idx.msk [tilespmem:v3+s5+$0x0], $0xffff;
	[tilespmem:s19+$0x0] =	vst v4  }
0x1e4: {  	[tilespmem:s20+$0x0] =	vst v5;
	v3 =	vadd.s32 v62, v23;
	v4 =	vld.idx.msk [tilespmem:v6+s5+$0x0], $0xffff  }
0x1e5: {  	v5 =	vld.idx.msk [tilespmem:v7+s5+$0x0], $0xffff;
	v6 =	vadd.s32 v48, v22  }
0x1e6: {  	s4 =	sadd.s32 $0x11100, s0;
	s2 =	sor.u32 s10, s26;
	v7 =	vadd.s32 v58, v25;
	s1 =	sor.u32 s11, s18  }
0x1e7: {  	s21 =	sadd.s32 $0xE100, s14;
	s15 =	simm.s32 $0x20;
	s22 =	sor.u32 s3, s4;
	[tilespmem:s1+$0x0] =	vst v0  }
0x1e8: {  	s26 =	simm.s32 $0x40;
	s23 =	sor.u32 s12, s21;
	s13 =	simm.s32 $0x200;
	[tilespmem:s2+$0x0] =	vst v2;
	v0 =	vld.idx.msk [tilespmem:v1+s5+$0x0], $0xffff  }
0x1e9: {  	s26 =	sand.u32 $0x60, s26;
	s13 =	sand.u32 $0x400, s13;
	s17 =	sand.u32 $0x380, s15;
	v1 =	vadd.s32 v58, v24;
	v2 =	vld.idx.msk [tilespmem:v3+s5+$0x0], $0xffff;
	[tilespmem:s22+$0x0] =	vst v4  }
0x1ea: {  	s29 =	sor.u32 $0x10, s26;
	[tilespmem:s23+$0x0] =	vst v5;
	s28 =	sor.u32 s17, s13;
	v3 =	vadd.s32 v63, v23;
	v4 =	vld.idx.msk [tilespmem:v6+s5+$0x0], $0xffff  }
0x1eb: {  	v5 =	vld.idx.msk [tilespmem:v7+s5+$0x0], $0xffff;
	s2 =	sor.u32 s29, s28;
	v6 =	vadd.s32 v26, v22  }
0x1ec: {  	s7 =	sor.u32 s11, s21;
	v7 =	vadd.s32 v19, v25;
	s1 =	sor.u32 s26, s28;
	v8 =	vld [tilespmem:s2+$0x2100]  }
0x1ed: {  	s6 =	sor.u32 s10, s6;
	s18 =	sadd.s32 $0x11900, s0;
	[tilespmem:s7+$0x0] =	vst v0;
	v0 =	vld [tilespmem:s1+$0x2100]  }
0x1ee: {  	s20 =	sor.u32 s3, s18;
	s19 =	sadd.s32 $0xE900, s14;
	[tilespmem:s6+$0x0] =	vst v2;
	v1 =	vld.idx.msk [tilespmem:v1+s5+$0x0], $0xffff  }
0x1ef: {  	s21 =	sor.u32 s12, s19;
	v2 =	vadd.s32 v19, v24;
	v3 =	vld.idx.msk [tilespmem:v3+s5+$0x0], $0xffff;
	[tilespmem:s20+$0x0] =	vst v4  }
0x1f0: {  	v50 =	vadd.s32 v48, v23;
	[tilespmem:s21+$0x0] =	vst v5;
	v51 =	vld.idx.msk [tilespmem:v6+s5+$0x0], $0xffff  }
0x1f1: {  	v20 =	vmul.u32 $0x140, v8;
	v6 =	vld.idx.msk [tilespmem:v7+s5+$0x0], $0xffff;
	v7 =	vadd.s32 v28, v22  }
0x1f2: {  	s6 =	sor.u32 s11, s19;
	v27 =	vmul.u32 $0x140, v0;
	v0 =	vadd.s32 v54, v25  }
0x1f3: {  	s4 =	sor.u32 s10, s4;
	s22 =	sadd.s32 $0x12100, s0;
	[tilespmem:s6+$0x0] =	vst v1;
	v1 =	vor.u32 v30, v20  }
0x1f4: {  	s23 =	sadd.s32 $0xF100, s14;
	s15 =	sor.u32 s3, s22;
	[tilespmem:s4+$0x0] =	vst v3;
	v2 =	vld.idx.msk [tilespmem:v2+s5+$0x0], $0xffff;
	v3 =	vor.u32 v30, v27  }
0x1f5: {  	s17 =	sor.u32 s12, s23;
	v8 =	vadd.s32 v54, v24;
	v4 =	vld.idx.msk [tilespmem:v50+s5+$0x0], $0xffff;
	[tilespmem:s15+$0x0] =	vst v51  }
0x1f6: {  	v52 =	vadd.s32 v26, v23;
	[tilespmem:s17+$0x0] =	vst v6;
	v6 =	vld.idx.msk [tilespmem:v7+s5+$0x0], $0xffff  }
0x1f7: {  	v0 =	vld.idx.msk [tilespmem:v0+s5+$0x0], $0xffff;
	v7 =	vadd.s32 v61, v22  }
0x1f8: {  	v32 =	vmov v9;
	v9 =	vadd.s32 v9, v25;
	s4 =	sor.u32 s11, s23;
	v1 =	vld.idx.msk [tilespmem:v1+s5+$0x0], $0xffff  }
0x1f9: {  	s7 =	sor.u32 s10, s18;
	[tilespmem:s4+$0x0] =	vst v2;
	v2 =	vld.idx.msk [tilespmem:v3+s5+$0x0], $0xffff;
	v3 =	vor.u32 v15, v20;
	s4 =	sadd.s32 $0x12900, s0  }
0x1fa: {  	s18 =	sadd.s32 $0xF900, s14;
	v53 =	vor.u32 v15, v27;
	[tilespmem:s7+$0x0] =	vst v4;
	v8 =	vld.idx.msk [tilespmem:v8+s5+$0x0], $0xffff;
	s19 =	sor.u32 s3, s4  }
0x1fb: {  	v10 =	vadd.s32 v32, v24;
	s20 =	sor.u32 s12, s18;
	v5 =	vld.idx.msk [tilespmem:v52+s5+$0x0], $0xffff;
	[tilespmem:s19+$0x0] =	vst v6  }
0x1fc: {  	v6 =	vadd.s32 v28, v23;
	[tilespmem:s20+$0x0] =	vst v0;
	v0 =	vld.idx.msk [tilespmem:v7+s5+$0x0], $0xffff  }
0x1fd: {  	[tilespmem:s2+$0xC900] =	vst v1;
	v1 =	vld.idx.msk [tilespmem:v9+s5+$0x0], $0xffff;
	v7 =	vadd.s32 v60, v22  }
0x1fe: {  	s21 =	sor.u32 s11, s18;
	[tilespmem:s1+$0xC900] =	vst v2;
	v2 =	vld.idx.msk [tilespmem:v3+s5+$0x0], $0xffff;
	v3 =	vadd.s32 v62, v25  }
0x1ff: {  	s22 =	sor.u32 s10, s22;
	s2 =	sadd.s32 $0x13100, s0;
	v4 =	vld.idx.msk [tilespmem:v53+s5+$0x0], $0xffff;
	[tilespmem:s21+$0x0] =	vst v8;
	v8 =	vor.u32 v17, v20  }
0x200: {  	s23 =	sadd.s32 $0x10100, s14;
	v9 =	vor.u32 v17, v27;
	s8 =	sor.u32 s3, s2;
	[tilespmem:s22+$0x0] =	vst v5;
	v56 =	vld.idx.msk [tilespmem:v10+s5+$0x0], $0xffff  }
0x201: {  	s13 =	sadd.s32 $0xD100, s28;
	s15 =	sor.u32 s12, s23;
	v10 =	vadd.s32 v62, v24;
	v6 =	vld.idx.msk [tilespmem:v6+s5+$0x0], $0xffff;
	[tilespmem:s8+$0x0] =	vst v0  }
0x202: {  	s17 =	sor.u32 s29, s13;
	v0 =	vadd.s32 v61, v23;
	[tilespmem:s15+$0x0] =	vst v1;
	v1 =	vld.idx.msk [tilespmem:v7+s5+$0x0], $0xffff  }
0x203: {  	s7 =	sor.u32 s26, s13;
	[tilespmem:s17+$0x0] =	vst v2;
	v2 =	vld.idx.msk [tilespmem:v3+s5+$0x0], $0xffff;
	v3 =	vadd.s32 v59, v22  }
0x204: {  	s1 =	sor.u32 s11, s23;
	v7 =	vadd.s32 v63, v25;
	[tilespmem:s7+$0x0] =	vst v4;
	v33 =	vld.idx.msk [tilespmem:v8+s5+$0x0], $0xffff  }
0x205: {  	v34 =	vor.u32 v14, v20;
	s4 =	sor.u32 s10, s4;
	v8 =	vld.idx.msk [tilespmem:v9+s5+$0x0], $0xffff;
	[tilespmem:s1+$0x0] =	vst v56;
	s1 =	sadd.s32 $0x13900, s0  }
0x206: {  	s18 =	sadd.s32 $0x10900, s14;
	v9 =	vor.u32 v14, v27;
	[tilespmem:s4+$0x0] =	vst v6;
	v6 =	vld.idx.msk [tilespmem:v10+s5+$0x0], $0xffff;
	s19 =	sor.u32 s3, s1  }
0x207: {  	s20 =	sadd.s32 $0xD900, s28;
	s21 =	sor.u32 s12, s18;
	v10 =	vadd.s32 v63, v24;
	v0 =	vld.idx.msk [tilespmem:v0+s5+$0x0], $0xffff;
	[tilespmem:s19+$0x0] =	vst v1  }
0x208: {  	s22 =	sor.u32 s29, s20;
	v1 =	vadd.s32 v60, v23;
	[tilespmem:s21+$0x0] =	vst v2;
	v2 =	vld.idx.msk [tilespmem:v3+s5+$0x0], $0xffff  }
0x209: {  	v35 =	vadd.s32 v55, v22;
	s7 =	sor.u32 s26, s20;
	[tilespmem:s22+$0x0] =	vst v33;
	v3 =	vld.idx.msk [tilespmem:v7+s5+$0x0], $0xffff  }
0x20a: {  	s4 =	sor.u32 s11, s18;
	v7 =	vadd.s32 v48, v25;
	[tilespmem:s7+$0x0] =	vst v8;
	v5 =	vld.idx.msk [tilespmem:v34+s5+$0x0], $0xffff  }
0x20b: {  	s2 =	sor.u32 s10, s2;
	v8 =	vld.idx.msk [tilespmem:v9+s5+$0x0], $0xffff;
	[tilespmem:s4+$0x0] =	vst v6;
	v6 =	vadd.s32 v58, v20;
	s4 =	sadd.s32 $0x14100, s0  }
0x20c: {  	s23 =	sadd.s32 $0x11100, s14;
	v9 =	vadd.s32 v58, v27;
	[tilespmem:s2+$0x0] =	vst v0;
	v0 =	vld.idx.msk [tilespmem:v10+s5+$0x0], $0xffff;
	s7 =	sor.u32 s3, s4  }
0x20d: {  	s13 =	sor.u32 s12, s23;
	s8 =	sadd.s32 $0xE100, s28;
	v10 =	vadd.s32 v48, v24;
	v1 =	vld.idx.msk [tilespmem:v1+s5+$0x0], $0xffff;
	[tilespmem:s7+$0x0] =	vst v2  }
0x20e: {  	s15 =	sor.u32 s11, s23;
	s17 =	sor.u32 s26, s8;
	s7 =	sor.u32 s29, s8;
	[tilespmem:s13+$0x0] =	vst v3;
	v2 =	vld.idx.msk [tilespmem:v35+s5+$0x0], $0xffff  }
0x20f: {  	s20 =	simm.s32 $0x30;
	s18 =	simm.s32 $0x60;
	s19 =	simm.s32 $0x300;
	[tilespmem:s7+$0x0] =	vst v5;
	v3 =	vld.idx.msk [tilespmem:v7+s5+$0x0], $0xffff  }
0x210: {  	v36 =	vadd.s32 v59, v23;
	s30 =	sand.u32 $0x60, s18;
	s21 =	sand.u32 $0x380, s20;
	s7 =	sand.u32 $0x400, s19;
	[tilespmem:s17+$0x0] =	vst v8;
	v5 =	vld.idx.msk [tilespmem:v6+s5+$0x0], $0xffff  }
0x211: {  	s31 =	sor.u32 $0x10, s30;
	v6 =	vadd.s32 v18, v22;
	s2 =	sor.u32 s21, s7;
	v7 =	vld.idx.msk [tilespmem:v9+s5+$0x0], $0xffff;
	[tilespmem:s15+$0x0] =	vst v0  }
0x212: {  	v0 =	vadd.s32 v26, v25;
	s7 =	sor.u32 s31, s2;
	v8 =	vld.idx.msk [tilespmem:v10+s5+$0x0], $0xffff  }
0x213: {  	s22 =	sor.u32 s10, s1;
	s1 =	sadd.s32 $0x14900, s0;
	s6 =	sor.u32 s30, s2;
	v9 =	vadd.s32 v19, v20;
	v10 =	vld [tilespmem:s7+$0x2100]  }
0x214: {  	v11 =	vadd.s32 v19, v27;
	s23 =	sadd.s32 $0x11900, s14;
	s15 =	sor.u32 s3, s1;
	[tilespmem:s22+$0x0] =	vst v1;
	v1 =	vld [tilespmem:s6+$0x2100]  }
0x215: {  	v12 =	vadd.s32 v26, v24;
	s18 =	sadd.s32 $0xE900, s28;
	s17 =	sor.u32 s12, s23;
	v4 =	vld.idx.msk [tilespmem:v36+s5+$0x0], $0xffff;
	[tilespmem:s15+$0x0] =	vst v2  }
0x216: {  	s19 =	sor.u32 s29, s18;
	v2 =	vadd.s32 v55, v23;
	[tilespmem:s17+$0x0] =	vst v3;
	v3 =	vld.idx.msk [tilespmem:v6+s5+$0x0], $0xffff  }
0x217: {  	v37 =	vadd.s32 v57, v22;
	s15 =	sor.u32 s26, s18;
	[tilespmem:s19+$0x0] =	vst v5;
	v0 =	vld.idx.msk [tilespmem:v0+s5+$0x0], $0xffff  }
0x218: {  	s8 =	sor.u32 s11, s23;
	[tilespmem:s15+$0x0] =	vst v7;
	v6 =	vld.idx.msk [tilespmem:v9+s5+$0x0], $0xffff;
	v7 =	vadd.s32 v28, v25;
	v21 =	vmul.u32 $0x140, v10  }
0x219: {  	s4 =	sor.u32 s10, s4;
	s15 =	sadd.s32 $0x15100, s0;
	v9 =	vld.idx.msk [tilespmem:v11+s5+$0x0], $0xffff;
	[tilespmem:s8+$0x0] =	vst v8;
	v29 =	vmul.u32 $0x140, v1;
	v1 =	vadd.s32 v54, v20  }
0x21a: {  	s20 =	sadd.s32 $0x12100, s14;
	s21 =	sor.u32 s3, s15;
	[tilespmem:s4+$0x0] =	vst v4;
	v38 =	vld.idx.msk [tilespmem:v12+s5+$0x0], $0xffff;
	v8 =	vor.u32 v30, v21  }
0x21b: {  	s23 =	sor.u32 s12, s20;
	s22 =	sadd.s32 $0xF100, s28;
	v2 =	vld.idx.msk [tilespmem:v2+s5+$0x0], $0xffff;
	v10 =	vor.u32 v30, v29;
	[tilespmem:s21+$0x0] =	vst v3  }
0x21c: {  	v39 =	vadd.s32 v28, v24;
	s18 =	sor.u32 s29, s22;
	[tilespmem:s23+$0x0] =	vst v0;
	v0 =	vld.idx.msk [tilespmem:v37+s5+$0x0], $0xffff  }
0x21d: {  	v3 =	vadd.s32 v54, v27;
	[tilespmem:s18+$0x0] =	vst v6;
	v6 =	vld.idx.msk [tilespmem:v7+s5+$0x0], $0xffff  }
0x21e: {  	s19 =	sor.u32 s26, s22;
	v1 =	vld.idx.msk [tilespmem:v1+s5+$0x0], $0xffff;
	v7 =	vadd.s32 v16, v22  }
0x21f: {  	s20 =	sor.u32 s11, s20;
	v11 =	vadd.s32 v61, v25;
	[tilespmem:s19+$0x0] =	vst v9;
	v8 =	vld.idx.msk [tilespmem:v8+s5+$0x0], $0xffff  }
0x220: {  	s4 =	sadd.s32 $0x15900, s0;
	[tilespmem:s20+$0x0] =	vst v38;
	v9 =	vld.idx.msk [tilespmem:v10+s5+$0x0], $0xffff;
	v10 =	vadd.s32 v32, v20  }
0x221: {  	v12 =	vor.u32 v15, v21;
	s22 =	sor.u32 s3, s4;
	s21 =	sadd.s32 $0x12900, s14;
	v5 =	vld.idx.msk [tilespmem:v39+s5+$0x0], $0xffff  }
0x222: {  	v40 =	vor.u32 v15, v29;
	s23 =	sadd.s32 $0xF900, s28;
	s18 =	sor.u32 s12, s21;
	v3 =	vld.idx.msk [tilespmem:v3+s5+$0x0], $0xffff;
	[tilespmem:s22+$0x0] =	vst v0  }
0x223: {  	s19 =	sor.u32 s29, s23;
	v0 =	vadd.s32 v32, v27;
	[tilespmem:s18+$0x0] =	vst v6;
	v6 =	vld.idx.msk [tilespmem:v7+s5+$0x0], $0xffff  }
0x224: {  	v7 =	vadd.s32 v61, v24;
	[tilespmem:s19+$0x0] =	vst v1;
	v1 =	vld.idx.msk [tilespmem:v11+s5+$0x0], $0xffff  }
0x225: {  	[tilespmem:s7+$0xC900] =	vst v8;
	v8 =	vld.idx.msk [tilespmem:v10+s5+$0x0], $0xffff;
	v10 =	vadd.s32 v60, v25  }
0x226: {  	s20 =	sor.u32 s26, s23;
	v11 =	vadd.s32 v62, v20;
	[tilespmem:s6+$0xC900] =	vst v9;
	v9 =	vld.idx.msk [tilespmem:v12+s5+$0x0], $0xffff  }
0x227: {  	s21 =	sor.u32 s11, s21;
	s22 =	sadd.s32 $0x13100, s14;
	v4 =	vld.idx.msk [tilespmem:v40+s5+$0x0], $0xffff;
	[tilespmem:s20+$0x0] =	vst v3;
	v3 =	vor.u32 v17, v21  }
0x228: {  	s23 =	sadd.s32 $0x10100, s28;
	s18 =	sor.u32 s12, s22;
	[tilespmem:s21+$0x0] =	vst v5;
	v12 =	vor.u32 v17, v29;
	v0 =	vld.idx.msk [tilespmem:v0+s5+$0x0], $0xffff  }
0x229: {  	v41 =	vadd.s32 v62, v27;
	s19 =	sadd.s32 $0xD100, s2;
	s20 =	sor.u32 s29, s23;
	v7 =	vld.idx.msk [tilespmem:v7+s5+$0x0], $0xffff;
	[tilespmem:s18+$0x0] =	vst v1  }
0x22a: {  	s21 =	sor.u32 s31, s19;
	v1 =	vadd.s32 v60, v24;
	[tilespmem:s20+$0x0] =	vst v8;
	v8 =	vld.idx.msk [tilespmem:v10+s5+$0x0], $0xffff  }
0x22b: {  	s13 =	sor.u32 s30, s19;
	v10 =	vadd.s32 v18, v23;
	[tilespmem:s21+$0x0] =	vst v9;
	v9 =	vld.idx.msk [tilespmem:v11+s5+$0x0], $0xffff  }
0x22c: {  	v42 =	vadd.s32 v59, v25;
	s6 =	sor.u32 s26, s23;
	[tilespmem:s13+$0x0] =	vst v4;
	v3 =	vld.idx.msk [tilespmem:v3+s5+$0x0], $0xffff  }
0x22d: {  	s7 =	sor.u32 s11, s22;
	v11 =	vld.idx.msk [tilespmem:v12+s5+$0x0], $0xffff;
	[tilespmem:s6+$0x0] =	vst v0;
	v0 =	vadd.s32 v63, v20  }
0x22e: {  	s1 =	sor.u32 s10, s1;
	s22 =	sadd.s32 $0x13900, s14;
	v5 =	vld.idx.msk [tilespmem:v41+s5+$0x0], $0xffff;
	[tilespmem:s7+$0x0] =	vst v7  }
0x22f: {  	[tilespmem:s1+$0x0] =	vst v2;
	s23 =	sadd.s32 $0x10900, s28;
	s13 =	sor.u32 s12, s22;
	v12 =	vor.u32 v14, v21;
	v1 =	vld.idx.msk [tilespmem:v1+s5+$0x0], $0xffff  }
0x230: {  	s17 =	sadd.s32 $0xD900, s2;
	s18 =	sor.u32 s29, s23;
	v7 =	vor.u32 v14, v29;
	[tilespmem:s13+$0x0] =	vst v8;
	v8 =	vld.idx.msk [tilespmem:v10+s5+$0x0], $0xffff  }
0x231: {  	v2 =	vadd.s32 v63, v27;
	s19 =	sor.u32 s31, s17;
	[tilespmem:s18+$0x0] =	vst v9;
	v4 =	vld.idx.msk [tilespmem:v42+s5+$0x0], $0xffff  }
0x232: {  	s1 =	sor.u32 s30, s17;
	v10 =	vadd.s32 v59, v24;
	[tilespmem:s19+$0x0] =	vst v3;
	v0 =	vld.idx.msk [tilespmem:v0+s5+$0x0], $0xffff  }
0x233: {  	s7 =	sor.u32 s26, s23;
	v3 =	vadd.s32 v55, v25;
	[tilespmem:s1+$0x0] =	vst v11  }
0x234: {  	s20 =	sor.u32 s11, s22;
	s13 =	sadd.s32 $0x14100, s14;
	v11 =	vadd.s32 v48, v20;
	v9 =	vld.idx.msk [tilespmem:v12+s5+$0x0], $0xffff;
	[tilespmem:s7+$0x0] =	vst v5  }
0x235: {  	v43 =	vadd.s32 v58, v21;
	s6 =	sadd.s32 $0x11100, s28;
	s21 =	sor.u32 s12, s13;
	v7 =	vld.idx.msk [tilespmem:v7+s5+$0x0], $0xffff;
	[tilespmem:s20+$0x0] =	vst v1  }
0x236: {  	s22 =	sadd.s32 $0xE100, s2;
	s23 =	sor.u32 s29, s6;
	s1 =	sadd.s32 $0x16100, s0;
	v12 =	vadd.s32 v58, v29;
	v2 =	vld.idx.msk [tilespmem:v2+s5+$0x0], $0xffff;
	[tilespmem:s21+$0x0] =	vst v4  }
0x237: {  	s17 =	sor.u32 s30, s22;
	s18 =	simm.s32 $0x80;
	v1 =	vld.idx.msk [tilespmem:v10+s5+$0x0], $0xffff;
	s21 =	sor.u32 s3, s1;
	[tilespmem:s23+$0x0] =	vst v0  }
0x238: {  	s7 =	sor.u32 s31, s22;
	s22 =	simm.s32 $0x400;
	v0 =	vld.idx.msk [tilespmem:v3+s5+$0x0], $0xffff;
	s23 =	simm.s32 $0x40;
	[tilespmem:s21+$0x0] =	vst v6  }
0x239: {  	s0 =	sand.u32 $0x60, s18;
	s19 =	sand.u32 $0x400, s22;
	v3 =	vadd.s32 v48, v27;
	[tilespmem:s7+$0x0] =	vst v9;
	v44 =	vld.idx.msk [tilespmem:v11+s5+$0x0], $0xffff;
	s20 =	sand.u32 $0x380, s23  }
0x23a: {  	s3 =	sor.u32 $0x10, s0;
	[tilespmem:s17+$0x0] =	vst v7;
	v7 =	vadd.s32 v18, v25;
	v5 =	vld.idx.msk [tilespmem:v43+s5+$0x0], $0xffff;
	s7 =	sor.u32 s20, s19;
	s19 =	sor.u32 s10, s15  }
0x23b: {  	v9 =	vadd.s32 v26, v20;
	v6 =	vld.idx.msk [tilespmem:v12+s5+$0x0], $0xffff;
	s20 =	sor.u32 s26, s6;
	s17 =	sor.u32 s3, s7;
	[tilespmem:s19+$0x0] =	vst v8  }
0x23c: {  	s13 =	sor.u32 s11, s13;
	s6 =	sadd.s32 $0x14900, s14;
	s8 =	sor.u32 s0, s7;
	v8 =	vadd.s32 v19, v21;
	[tilespmem:s20+$0x0] =	vst v2;
	v10 =	vld [tilespmem:s17+$0x2100]  }
0x23d: {  	s15 =	sadd.s32 $0x11900, s28;
	v12 =	vadd.s32 v19, v29;
	s21 =	sor.u32 s12, s6;
	[tilespmem:s13+$0x0] =	vst v1;
	v2 =	vld [tilespmem:s8+$0x2100]  }
0x23e: {  	v11 =	vadd.s32 v57, v23;
	s19 =	sadd.s32 $0xE900, s2;
	s20 =	sor.u32 s29, s15;
	v3 =	vld.idx.msk [tilespmem:v3+s5+$0x0], $0xffff;
	[tilespmem:s21+$0x0] =	vst v0  }
0x23f: {  	v0 =	vadd.s32 v26, v27;
	s21 =	sor.u32 s31, s19;
	[tilespmem:s20+$0x0] =	vst v44;
	v45 =	vld.idx.msk [tilespmem:v7+s5+$0x0], $0xffff  }
0x240: {  	s19 =	sor.u32 s30, s19;
	v7 =	vadd.s32 v57, v25;
	[tilespmem:s21+$0x0] =	vst v5;
	v46 =	vld.idx.msk [tilespmem:v9+s5+$0x0], $0xffff  }
0x241: {  	[tilespmem:s19+$0x0] =	vst v6;
	v1 =	vld.idx.msk [tilespmem:v8+s5+$0x0], $0xffff;
	v8 =	vadd.s32 v28, v20  }
0x242: {  	s20 =	sor.u32 s26, s15;
	s15 =	sadd.s32 $0x15100, s14;
	v6 =	vld.idx.msk [tilespmem:v12+s5+$0x0], $0xffff;
	v22 =	vmul.u32 $0x140, v10;
	v56 =	vmul.u32 $0x140, v2;
	v2 =	vadd.s32 v54, v21  }
0x243: {  	v47 =	vadd.s32 v54, v29;
	s13 =	sadd.s32 $0x12100, s28;
	v9 =	vld.idx.msk [tilespmem:v11+s5+$0x0], $0xffff;
	s21 =	sor.u32 s12, s15;
	[tilespmem:s20+$0x0] =	vst v3  }
0x244: {  	s19 =	sadd.s32 $0xF100, s2;
	s20 =	sor.u32 s29, s13;
	v3 =	vor.u32 v30, v22;
	v0 =	vld.idx.msk [tilespmem:v0+s5+$0x0], $0xffff;
	[tilespmem:s21+$0x0] =	vst v45  }
0x245: {  	v10 =	vor.u32 v30, v56;
	s21 =	sor.u32 s31, s19;
	[tilespmem:s20+$0x0] =	vst v46;
	v49 =	vld.idx.msk [tilespmem:v7+s5+$0x0], $0xffff  }
0x246: {  	s19 =	sor.u32 s30, s19;
	[tilespmem:s21+$0x0] =	vst v1;
	v1 =	vld.idx.msk [tilespmem:v8+s5+$0x0], $0xffff  }
0x247: {  	v7 =	vadd.s32 v28, v27;
	[tilespmem:s19+$0x0] =	vst v6;
	v2 =	vld.idx.msk [tilespmem:v2+s5+$0x0], $0xffff  }
0x248: {  	s4 =	sor.u32 s10, s4;
	v8 =	vadd.s32 v16, v25;
	v4 =	vld.idx.msk [tilespmem:v47+s5+$0x0], $0xffff  }
0x249: {  	s13 =	sor.u32 s26, s13;
	[tilespmem:s4+$0x0] =	vst v9;
	s4 =	sadd.s32 $0x15900, s14;
	v6 =	vadd.s32 v61, v20;
	v3 =	vld.idx.msk [tilespmem:v3+s5+$0x0], $0xffff  }
0x24a: {  	s20 =	sor.u32 s12, s4;
	v9 =	vld.idx.msk [tilespmem:v10+s5+$0x0], $0xffff;
	v10 =	vadd.s32 v32, v21;
	[tilespmem:s13+$0x0] =	vst v0;
	s13 =	sadd.s32 $0x12900, s28  }
0x24b: {  	s19 =	sadd.s32 $0xF900, s2;
	v0 =	vor.u32 v15, v22;
	[tilespmem:s20+$0x0] =	vst v49;
	s21 =	sor.u32 s29, s13  }
0x24c: {  	v50 =	vor.u32 v15, v56;
	v7 =	vld.idx.msk [tilespmem:v7+s5+$0x0], $0xffff;
	s20 =	sor.u32 s31, s19;
	[tilespmem:s21+$0x0] =	vst v1  }
0x24d: {  	v1 =	vadd.s32 v32, v29;
	[tilespmem:s20+$0x0] =	vst v2;
	v2 =	vld.idx.msk [tilespmem:v8+s5+$0x0], $0xffff  }
0x24e: {  	s21 =	sor.u32 s30, s19;
	v6 =	vld.idx.msk [tilespmem:v6+s5+$0x0], $0xffff;
	[tilespmem:s17+$0xC900] =	vst v3;
	v3 =	vadd.s32 v61, v27  }
0x24f: {  	v8 =	vadd.s32 v55, v24;
	[tilespmem:s21+$0x0] =	vst v4;
	v10 =	vld.idx.msk [tilespmem:v10+s5+$0x0], $0xffff  }
0x250: {  	s13 =	sor.u32 s26, s13;
	[tilespmem:s8+$0xC900] =	vst v9;
	v9 =	vadd.s32 v60, v20;
	s8 =	sadd.s32 $0x16100, s14;
	v0 =	vld.idx.msk [tilespmem:v0+s5+$0x0], $0xffff  }
0x251: {  	v52 =	vadd.s32 v62, v21;
	v51 =	vld.idx.msk [tilespmem:v50+s5+$0x0], $0xffff;
	[tilespmem:s13+$0x0] =	vst v7;
	s13 =	sadd.s32 $0x13100, s28;
	s12 =	sor.u32 s12, s8  }
0x252: {  	s14 =	sadd.s32 $0x10100, s2;
	v7 =	vor.u32 v17, v22;
	v1 =	vld.idx.msk [tilespmem:v1+s5+$0x0], $0xffff;
	s18 =	sor.u32 s29, s13;
	[tilespmem:s12+$0x0] =	vst v2  }
0x253: {  	s19 =	sadd.s32 $0xD100, s7;
	s20 =	sor.u32 s31, s14;
	[tilespmem:s18+$0x0] =	vst v6;
	v2 =	vld.idx.msk [tilespmem:v3+s5+$0x0], $0xffff  }
0x254: {  	s21 =	sor.u32 s3, s19;
	v3 =	vld.idx.msk [tilespmem:v8+s5+$0x0], $0xffff;
	[tilespmem:s20+$0x0] =	vst v10  }
0x255: {  	s12 =	sor.u32 s0, s19;
	[tilespmem:s21+$0x0] =	vst v0;
	v0 =	vld.idx.msk [tilespmem:v9+s5+$0x0], $0xffff  }
0x256: {  	s14 =	sor.u32 s30, s14;
	v5 =	vld.idx.msk [tilespmem:v52+s5+$0x0], $0xffff;
	[tilespmem:s12+$0x0] =	vst v51  }
0x257: {  	v35 =	vadd.s32 v55, v27;
	v33 =	vadd.s32 v59, v29;
	s13 =	sor.u32 s26, s13;
	v53 =	vld.idx.msk [tilespmem:v7+s5+$0x0], $0xffff;
	[tilespmem:s14+$0x0] =	vst v1  }
0x258: {  	v34 =	vadd.s32 v18, v29;
	v39 =	vadd.s32 v55, v29;
	s6 =	sor.u32 s11, s6;
	s12 =	sadd.s32 $0x13900, s28;
	v1 =	vadd.s32 v16, v23;
	[tilespmem:s13+$0x0] =	vst v2  }
0x259: {  	v41 =	vadd.s32 v26, v29;
	v42 =	vadd.s32 v28, v29;
	s17 =	sadd.s32 $0x10900, s2;
	v7 =	vor.u32 v17, v56;
	s18 =	sor.u32 s29, s12;
	[tilespmem:s6+$0x0] =	vst v3  }
0x25a: {  	v13 =	vmovc v48;
	v44 =	vadd.s32 v48, v29;
	v11 =	vmov v54;
	s19 =	sadd.s32 $0xD900, s7;
	v8 =	vadd.s32 v62, v29;
	s20 =	sor.u32 s31, s17;
	[tilespmem:s18+$0x0] =	vst v0  }
0x25b: {  	v54 =	vadd.s32 v61, v29;
	v30 =	vadd.s32 v18, v27;
	s21 =	sor.u32 s3, s19;
	v3 =	vadd.s32 v60, v27;
	[tilespmem:s20+$0x0] =	vst v5  }
0x25c: {  	v48 =	vadd.s32 v62, v56;
	v45 =	vadd.s32 v28, v56;
	v2 =	vadd.s32 v18, v24;
	[tilespmem:s21+$0x0] =	vst v53  }
0x25d: {  	v9 =	vadd.s32 v60, v29;
	v46 =	vld.idx.msk [tilespmem:v1+s5+$0x0], $0xffff;
	v1 =	vadd.s32 v59, v20;
	[tilespmem:$0x1FE30] =	vst v54  }
0x25e: {  	v40 =	vadd.s32 v61, v56;
	v5 =	vld.idx.msk [tilespmem:v7+s5+$0x0], $0xffff;
	v7 =	vadd.s32 v63, v21;
	[tilespmem:$0x1FE40] =	vst v9  }
0x25f: {  	v43 =	vadd.s32 v55, v56;
	v37 =	vadd.s32 v18, v56;
	v9 =	vor.u32 v14, v22;
	v8 =	vld.idx.msk [tilespmem:v8+s5+$0x0], $0xffff  }
0x260: {  	v38 =	vadd.s32 v57, v56;
	v31 =	vadd.s32 v16, v56;
	v10 =	vor.u32 v14, v56;
	v3 =	vld.idx.msk [tilespmem:v3+s5+$0x0], $0xffff  }
0x261: {  	v25 =	vadd.s32 v16, v24;
	v47 =	vadd.s32 v63, v56;
	v4 =	vadd.s32 v63, v29;
	v2 =	vld.idx.msk [tilespmem:v2+s5+$0x0], $0xffff  }
0x262: {  	v49 =	vadd.s32 v32, v56;
	v61 =	vadd.s32 v13, v21;
	s6 =	sor.u32 s0, s19;
	v0 =	vadd.s32 v59, v27;
	v1 =	vld.idx.msk [tilespmem:v1+s5+$0x0], $0xffff  }
0x263: {  	v50 =	vadd.s32 v26, v56;
	v6 =	vadd.s32 v57, v24;
	s13 =	sor.u32 s30, s17;
	v7 =	vld.idx.msk [tilespmem:v7+s5+$0x0], $0xffff;
	[tilespmem:s6+$0x0] =	vst v5  }
0x264: {  	s9 =	sand.u32 $0xFFFC000, s9;
	s10 =	sor.u32 s10, s1;
	v62 =	vld.idx.msk [tilespmem:v9+s5+$0x0], $0xffff;
	v5 =	vadd.s32 v55, v20;
	[tilespmem:s13+$0x0] =	vst v8;
	v8 =	vadd.s32 v60, v56  }
0x265: {  	s15 =	sor.u32 s11, s15;
	v52 =	vadd.s32 v19, v56;
	v51 =	vadd.s32 v11, v56;
	s14 =	simm.s32 $0x8;
	s17 =	sor.u32 s26, s12;
	v63 =	vld.idx.msk [tilespmem:v10+s5+$0x0], $0xffff;
	[tilespmem:$0x1FE50] =	vst v8  }
0x266: {  	v23 =	vadd.s32 v57, v27;
	v24 =	vadd.s32 v57, v29;
	s12 =	sor.u32 s11, s4;
	s11 =	sor.u32 s11, s8;
	s18 =	sadd.s32 $0x14100, s28;
	v60 =	vld.idx.msk [tilespmem:v4+s5+$0x0], $0xffff;
	[tilespmem:s17+$0x0] =	vst v3  }
0x267: {  	v29 =	vadd.s32 v16, v29;
	s19 =	sadd.s32 $0x11100, s2;
	v27 =	vadd.s32 v16, v27;
	s1 =	sor.u32 s29, s18;
	s21 =	sadd.s32 $0xE100, s7;
	[tilespmem:s15+$0x0] =	vst v2;
	v55 =	vld.idx.msk [tilespmem:v0+s5+$0x0], $0xffff  }
0x268: {  	s4 =	sor.u32 s31, s19;
	v53 =	vadd.s32 v13, v56;
	s20 =	sor.u32 s26, s18;
	v54 =	vadd.s32 v58, v56;
	s8 =	sor.u32 s3, s21;
	[tilespmem:s1+$0x0] =	vst v1;
	v57 =	vld.idx.msk [tilespmem:v6+s5+$0x0], $0xffff  }
0x269: {  	s6 =	sor.u32 s30, s19;
	v8 =	vadd.s32 v59, v56;
	s1 =	simm.s32 $0xA0;
	v0 =	vadd.s32 v58, v22;
	v58 =	vmov v26;
	[tilespmem:s4+$0x0] =	vst v7;
	s4 =	sor.u32 s0, s21;
	v56 =	vld.idx.msk [tilespmem:v5+s5+$0x0], $0xffff  }
.LBB2_5:
0x26a: {  	v59 =	vld [tilespmem:$0x1FF60]  }
0x26b: {  	v17 =	vld [tilespmem:$0x1FF40]  }
0x26c: {  	[tilespmem:$0x1FE20] =	vst v24;
	v24 =	vld [tilespmem:$0x1FFF0]  }
0x26d: {  	[tilespmem:$0x1FE10] =	vst v23;
	v23 =	vld [tilespmem:$0x1FFD0]  }
0x26e: {  	v18 =	vld [tilespmem:$0x1FF50]  }
0x26f: {  	v16 =	vld [tilespmem:$0x1FF10]  }
0x270: {  	v36 =	vmov v34;
	v34 =	vmov v30;
	v30 =	vmov v27;
	v27 =	vld [tilespmem:$0x1FFB0]  }
0x271: {  	v28 =	vld [tilespmem:$0x1FFC0]  }
0x272: {  	[tilespmem:s4+$0x0] =	vst v63;
	v26 =	vld [tilespmem:$0x1FFA0]  }
0x273: {  	s22 =	sadd.s32 $0x100, s22;
	s23 =	sadd.s32 $0x10, s23;
	v3 =	vld.idx.msk [tilespmem:v54+s5+$0x0], $0xffff;
	[tilespmem:s6+$0x0] =	vst v60  }
0x274: {  	s15 =	sand.u32 $0x60, s1;
	[tilespmem:s8+$0x0] =	vst v62;
	s17 =	sand.u32 $0x400, s22;
	s13 =	sand.u32 $0x380, s23;
	v6 =	vld.idx.msk [tilespmem:v44+s5+$0x0], $0xffff  }
0x275: {  	[tilespmem:$0x1FE00] =	vst v8;
	v1 =	vld.idx.msk [tilespmem:v61+s5+$0x0], $0xffff;
	s21 =	sor.u32 $0x10, s15;
	s4 =	sor.u32 s13, s17  }
0x276: {  	s18 =	sadd.s32 $0x14900, s28;
	v0 =	vld.idx.msk [tilespmem:v0+s5+$0x0], $0xffff;
	[tilespmem:s12+$0x0] =	vst v57;
	s12 =	sadd.s32 $0xE900, s7;
	s8 =	sor.u32 s21, s4  }
0x277: {  	[tilespmem:s20+$0x0] =	vst v55;
	s17 =	sadd.s32 $0x11900, s2;
	s6 =	sor.u32 s15, s4;
	s19 =	sor.u32 s0, s12;
	v7 =	vld [tilespmem:s8+$0x2100]  }
0x278: {  	s20 =	sor.u32 s26, s18;
	s13 =	sor.u32 s29, s18;
	s18 =	sor.u32 s30, s17;
	v8 =	vld [tilespmem:s6+$0x2100];
	v2 =	vadd.s32 v59, v20;
	[tilespmem:s19+$0x0] =	vst v3  }
0x279: {  	v4 =	vadd.s32 v58, v21;
	v60 =	vld.idx.msk [tilespmem:v52+s5+$0x0], $0xffff;
	[tilespmem:s18+$0x0] =	vst v6  }
0x27a: {  	v5 =	vadd.s32 v19, v22;
	v9 =	vld.idx.msk [tilespmem:v41+s5+$0x0], $0xffff;
	[tilespmem:s10+$0x0] =	vst v46  }
0x27b: {  	s17 =	sor.u32 s31, s17;
	[tilespmem:s13+$0x0] =	vst v56;
	v57 =	vld.idx.msk [tilespmem:v35+s5+$0x0], $0xffff  }
0x27c: {  	s12 =	sor.u32 s3, s12;
	[tilespmem:s17+$0x0] =	vst v1;
	v35 =	vmov v31;
	v31 =	vmov v29;
	v29 =	vmov v25;
	v25 =	vld [tilespmem:$0x1FF20]  }
0x27d: {  	s13 =	sadd.s32 $0xF100, s7;
	s19 =	sadd.s32 $0x12100, s2;
	s18 =	sadd.s32 $0x15100, s28;
	v1 =	vld.idx.msk [tilespmem:v2+s5+$0x0], $0xffff;
	[tilespmem:s12+$0x0] =	vst v0  }
0x27e: {  	s10 =	smov.u32 s11;
	s17 =	sor.u32 s26, s18;
	s11 =	sor.u32 s31, s19;
	v0 =	vld.idx.msk [tilespmem:v4+s5+$0x0], $0xffff;
	v4 =	vmul.u32 $0x140, v7;
	v7 =	vmul.u32 $0x140, v8  }
0x27f: {  	v3 =	vadd.s32 v17, v20;
	s12 =	sor.u32 s29, s18;
	s18 =	sor.u32 s30, s19;
	s19 =	sor.u32 s0, s13;
	v2 =	vld.idx.msk [tilespmem:v5+s5+$0x0], $0xffff  }
0x280: {  	v11 =	vlaneseq.u32;
	v6 =	vadd.s32 v24, v21;
	[tilespmem:s19+$0x0] =	vst v60;
	v52 =	vadd.s32 v19, v7;
	v19 =	vld [tilespmem:$0x1FF30]  }
0x281: {  	v10 =	vor.u32 v11, v4;
	v11 =	vor.u32 v11, v7;
	v62 =	vld.idx.msk [tilespmem:v51+s5+$0x0], $0xffff  }
0x282: {  	v8 =	vadd.s32 v23, v22;
	v60 =	vadd.s32 v24, v7;
	v24 =	vld [tilespmem:$0x1FF80];
	[tilespmem:s12+$0x0] =	vst v1  }
0x283: {  	s13 =	sor.u32 s3, s13;
	v1 =	vadd.s32 v23, v7;
	v23 =	vld [tilespmem:$0x1FFE0];
	[tilespmem:s11+$0x0] =	vst v0  }
0x284: {  	v0 =	vld.idx.msk [tilespmem:v3+s5+$0x0], $0xffff;
	[tilespmem:s13+$0x0] =	vst v2  }
0x285: {  	v2 =	vld.idx.msk [tilespmem:v6+s5+$0x0], $0xffff  }
0x286: {  	v11 =	vld.idx.msk [tilespmem:v11+s5+$0x0], $0xffff  }
0x287: {  	s19 =	sadd.s32 $0x15900, s28;
	v5 =	vld.idx.msk [tilespmem:v8+s5+$0x0], $0xffff;
	v6 =	vadd.s32 v19, v20;
	v20 =	vmov v21  }
0x288: {  	v55 =	vor.u32 v14, v7;
	s11 =	sor.u32 s29, s19;
	s13 =	sadd.s32 $0x12900, s2;
	v10 =	vld.idx.msk [tilespmem:v10+s5+$0x0], $0xffff;
	[tilespmem:s18+$0x0] =	vst v9;
	v14 =	vadd.s32 v23, v20  }
0x289: {  	v12 =	vor.u32 v15, v7;
	v46 =	vadd.s32 v25, v22;
	s12 =	sor.u32 s26, s19;
	v3 =	vadd.s32 v25, v7;
	v25 =	vld [tilespmem:$0x1FF90];
	s19 =	sor.u32 s30, s13;
	s13 =	sor.u32 s31, s13;
	[tilespmem:s11+$0x0] =	vst v0  }
0x28a: {  	v61 =	vor.u32 v15, v4;
	s18 =	sadd.s32 $0xF900, s7;
	v15 =	vld.idx.msk [tilespmem:v42+s5+$0x0], $0xffff;
	[tilespmem:s13+$0x0] =	vst v2  }
0x28b: {  	v9 =	vadd.s32 v23, v7;
	v23 =	vld [tilespmem:$0x1FF70];
	s11 =	sor.u32 s0, s18;
	s18 =	sor.u32 s3, s18;
	[tilespmem:s6+$0xC900] =	vst v11  }
0x28c: {  	v0 =	vld.idx.msk [tilespmem:v6+s5+$0x0], $0xffff;
	[tilespmem:s18+$0x0] =	vst v5  }
0x28d: {  	v32 =	vmovc v33;
	v33 =	vmov v37;
	v37 =	vmov v39;
	v13 =	vor.u32 v18, v7;
	v2 =	vld.idx.msk [tilespmem:v14+s5+$0x0], $0xffff;
	[tilespmem:s8+$0xC900] =	vst v10  }
0x28e: {  	v44 =	vmov v53;
	v54 =	vadd.s32 v16, v7;
	v56 =	vadd.s32 v28, v7;
	v10 =	vld.idx.msk [tilespmem:v12+s5+$0x0], $0xffff;
	[tilespmem:s11+$0x0] =	vst v62  }
0x28f: {  	v41 =	vmovc v50;
	v53 =	vadd.s32 v26, v7;
	v50 =	vadd.s32 v58, v7;
	v51 =	vmov v1;
	v14 =	vld.idx.msk [tilespmem:v49+s5+$0x0], $0xffff  }
0x290: {  	v1 =	vadd.s32 v59, v7;
	v59 =	vadd.s32 v17, v7;
	v8 =	vadd.s32 v27, v7;
	v49 =	vmovc v3;
	v3 =	vld [tilespmem:$0x1FE30]  }
0x291: {  	v21 =	vmovc v22;
	v22 =	vmov v4;
	v58 =	vadd.s32 v24, v7;
	v4 =	vadd.s32 v19, v7;
	v5 =	vld.idx.msk [tilespmem:v46+s5+$0x0], $0xffff  }
0x292: {  	v39 =	vmovc v43;
	v63 =	vadd.s32 v25, v7;
	s13 =	sadd.s32 $0x16100, s28;
	s28 =	smov.u32 s2;
	v43 =	vadd.s32 v23, v7;
	v7 =	vadd.s32 v25, v20  }
0x293: {  	s2 =	smov.u32 s7;
	s18 =	sadd.s32 $0x13100, s28;
	s6 =	sor.u32 s29, s13;
	v6 =	vld.idx.msk [tilespmem:v61+s5+$0x0], $0xffff;
	[tilespmem:s19+$0x0] =	vst v15  }
0x294: {  	v11 =	vadd.s32 v27, v21;
	s7 =	sor.u32 s31, s18;
	s19 =	sadd.s32 $0x10100, s2;
	[tilespmem:s6+$0x0] =	vst v0  }
0x295: {  	s8 =	sor.u32 s3, s19;
	[tilespmem:s7+$0x0] =	vst v2  }
0x296: {  	s11 =	sor.u32 s26, s13;
	s26 =	sadd.s32 $0xD100, s4;
	v46 =	vld.idx.msk [tilespmem:v29+s5+$0x0], $0xffff;
	v0 =	vmov v40;
	[tilespmem:s8+$0x0] =	vst v5  }
0x297: {  	s6 =	sor.u32 s21, s26;
	[tilespmem:$0x1FE30] =	vst v0;
	v0 =	vld.idx.msk [tilespmem:v7+s5+$0x0], $0xffff  }
0x298: {  	s13 =	sor.u32 s30, s18;
	s18 =	sor.u32 s0, s19;
	s19 =	sor.u32 s15, s26;
	[tilespmem:s6+$0x0] =	vst v6;
	v3 =	vld.idx.msk [tilespmem:v3+s5+$0x0], $0xffff  }
0x299: {  	v12 =	vor.u32 v18, v22;
	v2 =	vld.idx.msk [tilespmem:v11+s5+$0x0], $0xffff;
	[tilespmem:s19+$0x0] =	vst v10  }
0x29a: {  	v6 =	vld.idx.msk [tilespmem:v13+s5+$0x0], $0xffff  }
0x29b: {  	[tilespmem:s18+$0x0] =	vst v14;
	v14 =	vld [tilespmem:$0x1FED0]  }
0x29c: {  	v10 =	vld.idx.msk [tilespmem:v48+s5+$0x0], $0xffff  }
0x29d: {  	s29 =	smov.u32 s31;
	v62 =	vadd.s32 v24, v20;
	s31 =	smov.u32 s3;
	s26 =	smov.u32 s30;
	[tilespmem:s13+$0x0] =	vst v3;
	v3 =	vld [tilespmem:$0x1FE40]  }
0x29e: {  	s30 =	smov.u32 s0;
	s0 =	smov.u32 s15;
	s15 =	sadd.s32 $0x10900, s2;
	v61 =	vld.idx.msk [tilespmem:v12+s5+$0x0], $0xffff  }
0x29f: {  	v7 =	vadd.s32 v28, v21;
	s6 =	sor.u32 s31, s15;
	s13 =	sadd.s32 $0x13900, s28  }
0x2a0: {  	s7 =	smov.u32 s4;
	[tilespmem:s6+$0x0] =	vst v2;
	s4 =	sor.u32 s29, s13  }
0x2a1: {  	s3 =	smov.u32 s21;
	v40 =	vmov v9;
	s19 =	sadd.s32 $0xD900, s7;
	v9 =	vor.u32 v14, v22;
	[tilespmem:s4+$0x0] =	vst v0  }
0x2a2: {  	v29 =	vmov v35;
	v35 =	vmov v37;
	v37 =	vmov v1;
	s18 =	sor.u32 s26, s13;
	s13 =	sor.u32 s3, s19;
	v1 =	vld.idx.msk [tilespmem:v62+s5+$0x0], $0xffff  }
0x2a3: {  	[tilespmem:s13+$0x0] =	vst v61  }
0x2a4: {  	v2 =	vld.idx.msk [tilespmem:v7+s5+$0x0], $0xffff  }
0x2a5: {  	v3 =	vld.idx.msk [tilespmem:v3+s5+$0x0], $0xffff;
	[tilespmem:s20+$0x0] =	vst v57;
	s20 =	sor.u32 s30, s15;
	s15 =	sadd.s32 $0x14100, s28  }
0x2a6: {  	v62 =	vld.idx.msk [tilespmem:v9+s5+$0x0], $0xffff;
	s4 =	sor.u32 s29, s15  }
0x2a7: {  	[tilespmem:s4+$0x0] =	vst v1;
	v1 =	vld [tilespmem:$0x1FE10]  }
0x2a8: {  	v11 =	vld [tilespmem:$0x1FE50];
	v48 =	vmov v8;
	v8 =	vmov v63  }
0x2a9: {  	s21 =	sor.u32 s0, s19;
	[tilespmem:$0x1FE50] =	vst v8;
	v8 =	vld.idx.msk [tilespmem:v34+s5+$0x0], $0xffff  }
0x2aa: {  	[tilespmem:s21+$0x0] =	vst v6  }
0x2ab: {  	v63 =	vld.idx.msk [tilespmem:v55+s5+$0x0], $0xffff;
	[tilespmem:s20+$0x0] =	vst v10  }
0x2ac: {  	v42 =	vmov v45;
	v45 =	vmov v60;
	v60 =	vld.idx.msk [tilespmem:v47+s5+$0x0], $0xffff  }
0x2ad: {  	[tilespmem:s18+$0x0] =	vst v3;
	v3 =	vld [tilespmem:$0x1FE00]  }
0x2ae: {  	v55 =	vld.idx.msk [tilespmem:v32+s5+$0x0], $0xffff;
	[tilespmem:s17+$0x0] =	vst v8  }
0x2af: {  	s14 =	sadd.s32 $0x2, s14;
	v57 =	vld.idx.msk [tilespmem:v1+s5+$0x0], $0xffff  }
0x2b0: {  	p0 =	slt.u32 s14, $0x7E;
	v27 =	vmov v31;
	v31 =	vmov v4;
	v4 =	vadd.s32 v23, v20;
	v1 =	vld [tilespmem:$0x1FE20]  }
.Ltmp1:
0x2b1: {  	_ = 	snop;
	(pc) =	sbr.rel @p0 .LBB2_5-.Ltmp1, $4  }
0x2b2: {  	v19 =	vld [tilespmem:$0x1FEF0];
	v11 =	vmov v11;
	s18 =	sadd.s32 $0x11100, s2  }
0x2b3: {  	v25 =	vmov v30;
	v15 =	vld [tilespmem:$0x1FEE0];
	[tilespmem:$0x1FE40] =	vst v11;
	s19 =	sadd.s32 $0xE100, s7;
	s21 =	sor.u32 s31, s18  }
0x2b4: {  	s1 =	sadd.s32 $0x20, s1;
	v30 =	vmovc v36;
	v24 =	vmovc v38;
	v38 =	vmov v59;
	v0 =	vadd.s32 v16, v22;
	s8 =	sor.u32 s3, s19;
	v8 =	vmov v58;
	v58 =	vld [tilespmem:$0x1FF00];
	[tilespmem:s21+$0x0] =	vst v2  }
0x2b5: {  	v61 =	vadd.s32 v26, v21;
	v34 =	vmovc v33;
	s20 =	sor.u32 s26, s15;
	s4 =	sor.u32 s0, s19;
	v47 =	vmovc v56;
	s6 =	sor.u32 s30, s18;
	v56 =	vld.idx.msk [tilespmem:v4+s5+$0x0], $0xffff;
	v33 =	vmov v3;
	v23 =	vmov v1  }
0x2b6: {  	_ =	sdelay $0x2  }
0x2b7: {  	[tilespmem:s8+$0x0] =	vst v62  }
0x2b8: {  	[tilespmem:s4+$0x0] =	vst v63;
	v0 =	vld.idx.msk [tilespmem:v0+s5+$0x0], $0xffff  }
0x2b9: {  	v2 =	vld.idx.msk [tilespmem:v54+s5+$0x0], $0xffff;
	_ =	sdelay $0x1  }
0x2ba: {  	s1 =	sadd.s32 $0xE900, s7;
	v1 =	vadd.s32 v19, v22  }
0x2bb: {  	s14 =	sor.u32 s3, s1  }
0x2bc: {  	s1 =	sor.u32 s0, s1;
	[tilespmem:s14+$0x0] =	vst v0  }
0x2bd: {  	[tilespmem:s1+$0x0] =	vst v2  }
0x2be: {  	v63 =	vld [tilespmem:$0x1FFD0]  }
0x2bf: {  	v0 =	vld.idx.msk [tilespmem:v1+s5+$0x0], $0xffff  }
0x2c0: {  	v2 =	vld.idx.msk [tilespmem:v52+s5+$0x0], $0xffff;
	_ =	sdelay $0x1  }
0x2c1: {  	s15 =	sadd.s32 $0xF100, s7  }
0x2c2: {  	s17 =	sor.u32 s3, s15;
	v62 =	vadd.s32 v63, v22  }
0x2c3: {  	s1 =	sor.u32 s0, s15;
	[tilespmem:s17+$0x0] =	vst v0  }
0x2c4: {  	[tilespmem:s1+$0x0] =	vst v2  }
0x2c5: {  	v9 =	vld [tilespmem:$0x1FF20]  }
0x2c6: {  	v2 =	vld.idx.msk [tilespmem:v51+s5+$0x0], $0xffff  }
0x2c7: {  	v0 =	vld.idx.msk [tilespmem:v62+s5+$0x0], $0xffff;
	_ =	sdelay $0x1  }
0x2c8: {  	s18 =	sadd.s32 $0xF900, s7  }
0x2c9: {  	s1 =	sor.u32 s0, s18  }
0x2ca: {  	s19 =	sor.u32 s3, s18;
	v26 =	vadd.s32 v9, v22;
	[tilespmem:s1+$0x0] =	vst v2  }
0x2cb: {  	[tilespmem:s19+$0x0] =	vst v0  }
0x2cc: {  	v62 =	vld [tilespmem:$0x1FFB0];
	_ =	sdelay $0x1  }
0x2cd: {  	v2 =	vld.idx.msk [tilespmem:v49+s5+$0x0], $0xffff  }
0x2ce: {  	v0 =	vld.idx.msk [tilespmem:v26+s5+$0x0], $0xffff;
	_ =	sdelay $0x1  }
0x2cf: {  	s21 =	sadd.s32 $0x10100, s7;
	v28 =	vadd.s32 v62, v22  }
0x2d0: {  	s1 =	sor.u32 s0, s21  }
0x2d1: {  	s22 =	sor.u32 s3, s21;
	[tilespmem:s1+$0x0] =	vst v2  }
0x2d2: {  	v2 =	vld.idx.msk [tilespmem:v48+s5+$0x0], $0xffff;
	[tilespmem:s22+$0x0] =	vst v0  }
0x2d3: {  	v12 =	vld [tilespmem:$0x1FFC0]  }
0x2d4: {  	v0 =	vld.idx.msk [tilespmem:v28+s5+$0x0], $0xffff;
	_ =	sdelay $0x1  }
0x2d5: {  	s23 =	sadd.s32 $0x10900, s7  }
0x2d6: {  	s1 =	sor.u32 s0, s23  }
0x2d7: {  	s8 =	sor.u32 s3, s23;
	[tilespmem:s1+$0x0] =	vst v2;
	v32 =	vadd.s32 v12, v22  }
0x2d8: {  	[tilespmem:s8+$0x0] =	vst v0  }
0x2d9: {  	v11 =	vld [tilespmem:$0x1FFA0]  }
0x2da: {  	v2 =	vld.idx.msk [tilespmem:v47+s5+$0x0], $0xffff  }
0x2db: {  	v3 =	vld.idx.msk [tilespmem:v61+s5+$0x0], $0xffff  }
0x2dc: {  	v0 =	vld.idx.msk [tilespmem:v32+s5+$0x0], $0xffff  }
0x2dd: {  	s13 =	sadd.s32 $0x11100, s7  }
0x2de: {  	s15 =	sadd.s32 $0x11900, s2;
	s1 =	sor.u32 s0, s13;
	[tilespmem:s6+$0x0] =	vst v60;
	v36 =	vadd.s32 v11, v22  }
0x2df: {  	s17 =	sor.u32 s31, s15;
	[tilespmem:s1+$0x0] =	vst v2  }
0x2e0: {  	s14 =	sor.u32 s3, s13;
	[tilespmem:s17+$0x0] =	vst v3  }
0x2e1: {  	v4 =	vadd.s32 v58, v21;
	v44 =	vld.idx.msk [tilespmem:v44+s5+$0x0], $0xffff;
	[tilespmem:s14+$0x0] =	vst v0  }
0x2e2: {  	v17 =	vld [tilespmem:$0x1FFF0]  }
0x2e3: {  	v0 =	vld.idx.msk [tilespmem:v36+s5+$0x0], $0xffff  }
0x2e4: {  	v47 =	vadd.s32 v58, v22  }
0x2e5: {  	v5 =	vld.idx.msk [tilespmem:v53+s5+$0x0], $0xffff  }
0x2e6: {  	s4 =	sor.u32 s30, s15;
	s18 =	sadd.s32 $0x11900, s7;
	v3 =	vld.idx.msk [tilespmem:v4+s5+$0x0], $0xffff  }
0x2e7: {  	s19 =	sor.u32 s3, s18;
	[tilespmem:s4+$0x0] =	vst v44;
	v4 =	vadd.s32 v17, v21  }
0x2e8: {  	v1 =	vld.idx.msk [tilespmem:v41+s5+$0x0], $0xffff;
	[tilespmem:s19+$0x0] =	vst v0  }
0x2e9: {  	s21 =	sadd.s32 $0x12100, s2;
	s1 =	sor.u32 s0, s18;
	v0 =	vld.idx.msk [tilespmem:v47+s5+$0x0], $0xffff  }
0x2ea: {  	s22 =	sor.u32 s31, s21;
	[tilespmem:s1+$0x0] =	vst v5;
	v48 =	vadd.s32 v17, v22  }
0x2eb: {  	[tilespmem:s22+$0x0] =	vst v3;
	v5 =	vld.idx.msk [tilespmem:v50+s5+$0x0], $0xffff  }
0x2ec: {  	s23 =	sadd.s32 $0x12100, s7;
	s4 =	sor.u32 s30, s21;
	v3 =	vld.idx.msk [tilespmem:v4+s5+$0x0], $0xffff  }
0x2ed: {  	s8 =	sor.u32 s3, s23;
	v13 =	vld [tilespmem:$0x1FFE0];
	[tilespmem:s4+$0x0] =	vst v1  }
0x2ee: {  	v1 =	vld.idx.msk [tilespmem:v42+s5+$0x0], $0xffff;
	[tilespmem:s8+$0x0] =	vst v0  }
0x2ef: {  	v0 =	vld.idx.msk [tilespmem:v48+s5+$0x0], $0xffff  }
0x2f0: {  	s13 =	sadd.s32 $0x12900, s2;
	s1 =	sor.u32 s0, s23  }
0x2f1: {  	s14 =	sor.u32 s31, s13;
	[tilespmem:s1+$0x0] =	vst v5  }
0x2f2: {  	s15 =	sadd.s32 $0x12900, s7;
	s4 =	sor.u32 s30, s13;
	[tilespmem:s14+$0x0] =	vst v3  }
0x2f3: {  	s17 =	sor.u32 s3, s15;
	v18 =	vld [tilespmem:$0x1FF90];
	[tilespmem:s4+$0x0] =	vst v1  }
0x2f4: {  	[tilespmem:s17+$0x0] =	vst v0  }
0x2f5: {  	v4 =	vadd.s32 v13, v21;
	v1 =	vld [tilespmem:$0x1FE30];
	_ =	sdelay $0x1  }
0x2f6: {  	v49 =	vadd.s32 v13, v22  }
0x2f7: {  	v5 =	vld.idx.msk [tilespmem:v45+s5+$0x0], $0xffff;
	_ =	sdelay $0x1  }
0x2f8: {  	v3 =	vld.idx.msk [tilespmem:v4+s5+$0x0], $0xffff  }
0x2f9: {  	v4 =	vadd.s32 v18, v21  }
0x2fa: {  	s1 =	sor.u32 s0, s15;
	v0 =	vld.idx.msk [tilespmem:v49+s5+$0x0], $0xffff  }
0x2fb: {  	s18 =	sadd.s32 $0x13100, s2;
	[tilespmem:s1+$0x0] =	vst v5;
	v1 =	vld.idx.msk [tilespmem:v1+s5+$0x0], $0xffff  }
0x2fc: {  	s19 =	sor.u32 s31, s18;
	v5 =	vld.idx.msk [tilespmem:v40+s5+$0x0], $0xffff  }
0x2fd: {  	s21 =	sadd.s32 $0x13100, s7;
	[tilespmem:s19+$0x0] =	vst v3  }
0x2fe: {  	s22 =	sor.u32 s3, s21;
	v3 =	vld.idx.msk [tilespmem:v4+s5+$0x0], $0xffff  }
0x2ff: {  	s4 =	sor.u32 s30, s18;
	v16 =	vld [tilespmem:$0x1FF80];
	[tilespmem:s22+$0x0] =	vst v0  }
0x300: {  	s1 =	sor.u32 s0, s21;
	[tilespmem:s4+$0x0] =	vst v1  }
0x301: {  	s23 =	sadd.s32 $0x13900, s2;
	v1 =	vld [tilespmem:$0x1FE40];
	[tilespmem:s1+$0x0] =	vst v5  }
0x302: {  	s6 =	sor.u32 s31, s23;
	v50 =	vadd.s32 v18, v22;
	[tilespmem:s20+$0x0] =	vst v55  }
0x303: {  	v5 =	vld [tilespmem:$0x1FE50];
	[tilespmem:s6+$0x0] =	vst v3  }
0x304: {  	v4 =	vadd.s32 v16, v21;
	v61 =	vld [tilespmem:$0x1FF60];
	[tilespmem:s12+$0x0] =	vst v57  }
0x305: {  	v55 =	vld [tilespmem:$0x1FF70];
	_ =	sdelay $0x1  }
0x306: {  	v0 =	vld.idx.msk [tilespmem:v50+s5+$0x0], $0xffff  }
0x307: {  	v51 =	vadd.s32 v16, v22  }
0x308: {  	v4 =	vld.idx.msk [tilespmem:v4+s5+$0x0], $0xffff;
	v3 =	vadd.s32 v61, v20  }
0x309: {  	s8 =	sadd.s32 $0x13900, s7;
	v1 =	vld.idx.msk [tilespmem:v1+s5+$0x0], $0xffff;
	v6 =	vadd.s32 v55, v21  }
0x30a: {  	s14 =	sadd.s32 $0x14900, s28;
	s13 =	sor.u32 s3, s8;
	v5 =	vld.idx.msk [tilespmem:v5+s5+$0x0], $0xffff  }
0x30b: {  	s15 =	sor.u32 s29, s14;
	s17 =	sadd.s32 $0x14100, s2;
	[tilespmem:s13+$0x0] =	vst v0  }
0x30c: {  	s18 =	sor.u32 s31, s17;
	[tilespmem:s15+$0x0] =	vst v56;
	v0 =	vld.idx.msk [tilespmem:v51+s5+$0x0], $0xffff  }
0x30d: {  	s4 =	sor.u32 s30, s23;
	[tilespmem:s18+$0x0] =	vst v4;
	v3 =	vld.idx.msk [tilespmem:v3+s5+$0x0], $0xffff  }
0x30e: {  	s1 =	sor.u32 s0, s8;
	[tilespmem:s4+$0x0] =	vst v1;
	v6 =	vld.idx.msk [tilespmem:v6+s5+$0x0], $0xffff  }
0x30f: {  	v52 =	vadd.s32 v55, v22;
	v1 =	vld.idx.msk [tilespmem:v33+s5+$0x0], $0xffff;
	[tilespmem:s1+$0x0] =	vst v5  }
0x310: {  	s19 =	sadd.s32 $0x14100, s7;
	v5 =	vld.idx.msk [tilespmem:v8+s5+$0x0], $0xffff  }
0x311: {  	s21 =	sadd.s32 $0x15100, s28;
	s20 =	sor.u32 s3, s19;
	v59 =	vld [tilespmem:$0x1FF40];
	[tilespmem:s10+$0x0] =	vst v46;
	v8 =	vadd.s32 v61, v21  }
0x312: {  	s22 =	sor.u32 s29, s21;
	[tilespmem:s20+$0x0] =	vst v0  }
0x313: {  	s23 =	sadd.s32 $0x14900, s2;
	s8 =	sor.u32 s30, s17;
	v7 =	vld.idx.msk [tilespmem:v35+s5+$0x0], $0xffff;
	[tilespmem:s22+$0x0] =	vst v3  }
0x314: {  	s12 =	sor.u32 s31, s23;
	v0 =	vld.idx.msk [tilespmem:v52+s5+$0x0], $0xffff;
	[tilespmem:s8+$0x0] =	vst v1  }
0x315: {  	v53 =	vadd.s32 v61, v22;
	s1 =	sor.u32 s0, s19;
	[tilespmem:s12+$0x0] =	vst v6;
	v1 =	vld.idx.msk [tilespmem:v39+s5+$0x0], $0xffff  }
0x316: {  	v4 =	vadd.s32 v59, v20;
	[tilespmem:s1+$0x0] =	vst v5;
	v6 =	vld.idx.msk [tilespmem:v8+s5+$0x0], $0xffff  }
0x317: {  	s6 =	sor.u32 s26, s14;
	s13 =	sadd.s32 $0x14900, s7;
	v57 =	vld [tilespmem:$0x1FF30]  }
0x318: {  	s14 =	sor.u32 s3, s13;
	v3 =	vld.idx.msk [tilespmem:v43+s5+$0x0], $0xffff;
	[tilespmem:s6+$0x0] =	vst v7  }
0x319: {  	[tilespmem:s14+$0x0] =	vst v0;
	v7 =	vld.idx.msk [tilespmem:v30+s5+$0x0], $0xffff  }
0x31a: {  	s15 =	sor.u32 s30, s23;
	s19 =	sadd.s32 $0x15100, s2;
	v0 =	vld.idx.msk [tilespmem:v53+s5+$0x0], $0xffff  }
0x31b: {  	s20 =	sor.u32 s31, s19;
	v54 =	vadd.s32 v59, v22;
	v4 =	vld.idx.msk [tilespmem:v4+s5+$0x0], $0xffff;
	[tilespmem:s15+$0x0] =	vst v1  }
0x31c: {  	s1 =	sor.u32 s0, s13;
	[tilespmem:s20+$0x0] =	vst v6;
	v5 =	vadd.s32 v57, v20  }
0x31d: {  	s4 =	sor.u32 s26, s21;
	s21 =	sadd.s32 $0x15100, s7;
	v8 =	vadd.s32 v59, v21;
	v1 =	vld.idx.msk [tilespmem:v34+s5+$0x0], $0xffff;
	[tilespmem:s1+$0x0] =	vst v3  }
0x31e: {  	s17 =	sadd.s32 $0x15900, s28;
	s22 =	sor.u32 s3, s21;
	v3 =	vld.idx.msk [tilespmem:v37+s5+$0x0], $0xffff;
	[tilespmem:s4+$0x0] =	vst v7  }
0x31f: {  	s18 =	sor.u32 s29, s17;
	[tilespmem:s22+$0x0] =	vst v0;
	v6 =	vld.idx.msk [tilespmem:v23+s5+$0x0], $0xffff  }
0x320: {  	v0 =	vld.idx.msk [tilespmem:v54+s5+$0x0], $0xffff;
	[tilespmem:s18+$0x0] =	vst v4  }
0x321: {  	s23 =	sor.u32 s30, s19;
	v56 =	vadd.s32 v57, v22;
	v4 =	vld.idx.msk [tilespmem:v5+s5+$0x0], $0xffff  }
0x322: {  	s1 =	sor.u32 s0, s21;
	v5 =	vld.idx.msk [tilespmem:v8+s5+$0x0], $0xffff;
	[tilespmem:s23+$0x0] =	vst v1  }
0x323: {  	s6 =	sor.u32 s26, s17;
	s14 =	sadd.s32 $0x15900, s7;
	v7 =	vadd.s32 v57, v21;
	v1 =	vld.idx.msk [tilespmem:v24+s5+$0x0], $0xffff;
	[tilespmem:s1+$0x0] =	vst v3  }
0x324: {  	s28 =	sadd.s32 $0x16100, s28;
	s15 =	sor.u32 s3, s14;
	v3 =	vld.idx.msk [tilespmem:v38+s5+$0x0], $0xffff;
	[tilespmem:s6+$0x0] =	vst v6  }
0x325: {  	s10 =	sor.u32 s29, s28;
	s12 =	sadd.s32 $0x15900, s2;
	[tilespmem:s15+$0x0] =	vst v0;
	v6 =	vld.idx.msk [tilespmem:v27+s5+$0x0], $0xffff  }
0x326: {  	s13 =	sor.u32 s31, s12;
	v0 =	vld.idx.msk [tilespmem:v56+s5+$0x0], $0xffff;
	[tilespmem:s10+$0x0] =	vst v4  }
0x327: {  	s17 =	sor.u32 s30, s12;
	v4 =	vld.idx.msk [tilespmem:v25+s5+$0x0], $0xffff;
	[tilespmem:s13+$0x0] =	vst v5  }
0x328: {  	s1 =	sor.u32 s0, s14;
	v5 =	vld.idx.msk [tilespmem:v7+s5+$0x0], $0xffff;
	[tilespmem:s17+$0x0] =	vst v1  }
0x329: {  	s20 =	sadd.s32 $0x16100, s7;
	s4 =	sor.u32 s26, s28;
	v1 =	vld.idx.msk [tilespmem:v29+s5+$0x0], $0xffff;
	[tilespmem:s1+$0x0] =	vst v3  }
0x32a: {  	s21 =	sor.u32 s3, s20;
	v60 =	vld.idx.msk [tilespmem:v31+s5+$0x0], $0xffff;
	[tilespmem:s4+$0x0] =	vst v6  }
0x32b: {  	s24 =	sadd.s32 $0x1, s24;
	s18 =	sadd.s32 $0x16100, s2;
	[tilespmem:s21+$0x0] =	vst v0  }
0x32c: {  	p0 =	sne.s32 s24, $0x18;
	s19 =	sor.u32 s31, s18;
	[tilespmem:s11+$0x0] =	vst v4  }
.Ltmp2:
0x32d: {  	s2 =	sor.u32 s30, s18;
	[tilespmem:s19+$0x0] =	vst v5;
	(pc) =	sbr.rel @p0 .LBB2_2-.Ltmp2, $4  }
0x32e: {  	s22 =	sshll.u32 s25, $0x8;
	s26 =	rddreg [dreg:$0x2];
	s23 =	sor.u32 s0, s20;
	[tilespmem:s2+$0x0] =	vst v1  }
0x32f: {  	s29 =	simm.s32 $0x800;
	s25 =	sand.u32 $0x3F00, s22;
	s2 =	sadd.s32 s26, s9;
	[tilespmem:s23+$0x0] =	vst v60  }
0x330: {  	s30 =	simm.s32 $0x320000;
	s31 =	simm.s32 $0xC900;
	s28 =	sadd.s32 s25, s2;
	v39 =	vld [tilespmem:$0x1FF50]  }
0x331: {  	v47 =	vmovc v11;
	v11 =	vmovc v17;
	v17 =	vmov v16;
	v60 =	vmov v12;
	v12 =	vmov v18;
	[hbm4b:s28+s29] =	stream.strided.scatter [tilespmem:s31], [sflag:$0x2], $0xA000, s30, s29, $0x38;
	v5 =	vld [tilespmem:$0x1FF10]  }
0x332: {  	_ =	swait.ge [sflag:s16], $0x800;
	s0 =	simm.s32 $0x0  }
0x333: {  	s2 =	simm.s32 $0x2100;
	s29 =	simm.s32 $0x2;
	[sflag:s16] =	ssyncset.done $0x0  }
0x334: {  	s1 =	rddreg [dreg:$0x7];
	s10 =	sand.u32 $0x60, s0;
	[sflag:s16] =	ssyncadd.s32 $0xFFFFF800  }
0x335: {  	[tilespmem:s2], [sflag:$0x1] =	stream.linear.gather [hbm4b:s1+s0], $0x800, $0x38;
	[tilespmem:$0x16900] =	vst v63  }
0x336: {  	s25 =	sand.u32 $0x400, s0;
	s0 =	sand.u32 $0x380, s0;
	_ =	swait.ge [sflag:s29], $0xA000  }
0x337: {  	s7 =	sor.u32 $0x10, s10;
	s3 =	sor.u32 s0, s25;
	[sflag:s29] =	ssyncset.done $0x0  }
0x338: {  	s0 =	sor.u32 s7, s3;
	[sflag:s29] =	ssyncadd.s32 $0xFFFF6000  }
0x339: {  	v0 =	vld [tilespmem:s0+$0x1900];
	_ =	sdelay $0x4  }
0x33a: {  	v22 =	vmul.u32 $0x140, v0  }
0x33b: {  	v26 =	vlaneseq.u32  }
0x33c: {  	v0 =	vor.u32 v26, v22;
	_ =	sdelay $0x2  }
0x33d: {  	s1 =	sor.u32 s10, s3  }
0x33e: {  	v1 =	vld [tilespmem:s1+$0x1900]  }
0x33f: {  	v0 =	vld.idx.msk [tilespmem:v0+s5+$0x0], $0xffff  }
0x340: {  	v2 =	vor.u32 v15, v22;
	_ =	sdelay $0x2  }
0x341: {  	v23 =	vmul.u32 $0x140, v1  }
0x342: {  	[tilespmem:s0+$0x2900] =	vst v0  }
0x343: {  	v0 =	vor.u32 v26, v23;
	v1 =	vld.idx.msk [tilespmem:v2+s5+$0x0], $0xffff  }
0x344: {  	v2 =	vor.u32 v39, v22;
	_ =	sdelay $0x1  }
0x345: {  	s26 =	sadd.s32 $0x3100, s3  }
0x346: {  	s30 =	sor.u32 s7, s26  }
0x347: {  	v0 =	vld.idx.msk [tilespmem:v0+s5+$0x0], $0xffff;
	[tilespmem:s30+$0x0] =	vst v1  }
0x348: {  	v1 =	vor.u32 v15, v23;
	v2 =	vld.idx.msk [tilespmem:v2+s5+$0x0], $0xffff  }
0x349: {  	v3 =	vor.u32 v14, v22;
	_ =	sdelay $0x1  }
0x34a: {  	s31 =	sadd.s32 $0x3900, s3  }
0x34b: {  	s12 =	sor.u32 s7, s31;
	[tilespmem:s1+$0x2900] =	vst v0  }
0x34c: {  	v0 =	vld.idx.msk [tilespmem:v1+s5+$0x0], $0xffff;
	[tilespmem:s12+$0x0] =	vst v2  }
0x34d: {  	v1 =	vor.u32 v39, v23;
	v2 =	vld.idx.msk [tilespmem:v3+s5+$0x0], $0xffff  }
0x34e: {  	v3 =	vadd.s32 v5, v22  }
0x34f: {  	s6 =	simm.s32 $0x20;
	s8 =	simm.s32 $0x100;
	s9 =	simm.s32 $0x10  }
0x350: {  	s11 =	sand.u32 $0x60, s6;
	s13 =	sadd.s32 $0x4100, s3;
	s0 =	sor.u32 s10, s26  }
0x351: {  	s15 =	sand.u32 $0x400, s8;
	s17 =	sand.u32 $0x380, s9;
	s4 =	sor.u32 s7, s13;
	[tilespmem:s0+$0x0] =	vst v0  }
0x352: {  	s14 =	sor.u32 s17, s15;
	s12 =	sor.u32 $0x10, s11;
	v0 =	vld.idx.msk [tilespmem:v1+s5+$0x0], $0xffff;
	[tilespmem:s4+$0x0] =	vst v2  }
0x353: {  	s0 =	sor.u32 s12, s14;
	v1 =	vor.u32 v14, v23;
	v2 =	vld.idx.msk [tilespmem:v3+s5+$0x0], $0xffff  }
0x354: {  	v4 =	vld [tilespmem:s0+$0x1900];
	v3 =	vadd.s32 v19, v22;
	_ =	sdelay $0x1  }
0x355: {  	s18 =	sor.u32 s11, s14;
	s19 =	sadd.s32 $0x4900, s3;
	s2 =	sor.u32 s10, s31  }
0x356: {  	s20 =	sor.u32 s7, s19;
	[tilespmem:s2+$0x0] =	vst v0;
	v0 =	vld [tilespmem:s18+$0x1900]  }
0x357: {  	v1 =	vld.idx.msk [tilespmem:v1+s5+$0x0], $0xffff;
	[tilespmem:s20+$0x0] =	vst v2  }
0x358: {  	v25 =	vmul.u32 $0x140, v4;
	v2 =	vadd.s32 v5, v23;
	v3 =	vld.idx.msk [tilespmem:v3+s5+$0x0], $0xffff  }
0x359: {  	v43 =	vadd.s32 v63, v22  }
0x35a: {  	v44 =	vor.u32 v26, v25  }
0x35b: {  	s21 =	sadd.s32 $0x5100, s3;
	s1 =	sor.u32 s10, s13;
	v24 =	vmul.u32 $0x140, v0  }
0x35c: {  	s22 =	sor.u32 s7, s21;
	[tilespmem:s1+$0x0] =	vst v1  }
0x35d: {  	v0 =	vld.idx.msk [tilespmem:v2+s5+$0x0], $0xffff;
	v1 =	vor.u32 v26, v24;
	[tilespmem:s22+$0x0] =	vst v3  }
0x35e: {  	v2 =	vadd.s32 v19, v23;
	v3 =	vld.idx.msk [tilespmem:v43+s5+$0x0], $0xffff  }
0x35f: {  	v46 =	vadd.s32 v9, v22;
	v45 =	vld.idx.msk [tilespmem:v44+s5+$0x0], $0xffff  }
0x360: {  	v6 =	vor.u32 v15, v25  }
0x361: {  	s24 =	sadd.s32 $0x5900, s3;
	s23 =	sor.u32 s10, s19  }
0x362: {  	s25 =	sor.u32 s7, s24;
	[tilespmem:s23+$0x0] =	vst v0;
	v0 =	vld.idx.msk [tilespmem:v1+s5+$0x0], $0xffff  }
0x363: {  	v1 =	vld.idx.msk [tilespmem:v2+s5+$0x0], $0xffff;
	v2 =	vor.u32 v15, v24;
	[tilespmem:s25+$0x0] =	vst v3  }
0x364: {  	[tilespmem:s0+$0x2900] =	vst v45;
	v3 =	vadd.s32 v63, v23;
	v48 =	vld.idx.msk [tilespmem:v46+s5+$0x0], $0xffff  }
0x365: {  	v49 =	vld.idx.msk [tilespmem:v6+s5+$0x0], $0xffff;
	v6 =	vadd.s32 v62, v22  }
0x366: {  	v7 =	vor.u32 v39, v25  }
0x367: {  	s26 =	sor.u32 s10, s21;
	s30 =	sadd.s32 $0x6100, s3;
	[tilespmem:s18+$0x2900] =	vst v0  }
0x368: {  	s31 =	sadd.s32 $0x3100, s14;
	s8 =	sor.u32 s7, s30;
	[tilespmem:s26+$0x0] =	vst v1;
	v0 =	vld.idx.msk [tilespmem:v2+s5+$0x0], $0xffff  }
0x369: {  	s9 =	sor.u32 s12, s31;
	v1 =	vor.u32 v39, v24;
	v2 =	vld.idx.msk [tilespmem:v3+s5+$0x0], $0xffff;
	[tilespmem:s8+$0x0] =	vst v48  }
0x36a: {  	[tilespmem:s9+$0x0] =	vst v49;
	v3 =	vadd.s32 v9, v23;
	v4 =	vld.idx.msk [tilespmem:v6+s5+$0x0], $0xffff  }
0x36b: {  	v18 =	vmov v5;
	v5 =	vld.idx.msk [tilespmem:v7+s5+$0x0], $0xffff;
	v6 =	vadd.s32 v60, v22  }
0x36c: {  	s0 =	sor.u32 s11, s31;
	v7 =	vor.u32 v14, v25  }
0x36d: {  	s15 =	sadd.s32 $0x6900, s3;
	s13 =	sor.u32 s10, s24;
	[tilespmem:s0+$0x0] =	vst v0  }
0x36e: {  	s17 =	sadd.s32 $0x3900, s14;
	s18 =	sor.u32 s7, s15;
	[tilespmem:s13+$0x0] =	vst v2;
	v0 =	vld.idx.msk [tilespmem:v1+s5+$0x0], $0xffff  }
0x36f: {  	s19 =	sor.u32 s12, s17;
	v1 =	vor.u32 v14, v24;
	v2 =	vld.idx.msk [tilespmem:v3+s5+$0x0], $0xffff;
	[tilespmem:s18+$0x0] =	vst v4  }
0x370: {  	[tilespmem:s19+$0x0] =	vst v5;
	v3 =	vadd.s32 v62, v23;
	v4 =	vld.idx.msk [tilespmem:v6+s5+$0x0], $0xffff  }
0x371: {  	v5 =	vld.idx.msk [tilespmem:v7+s5+$0x0], $0xffff;
	v6 =	vadd.s32 v47, v22  }
0x372: {  	s21 =	sadd.s32 $0x4100, s14;
	s24 =	simm.s32 $0x40;
	s0 =	sor.u32 s11, s17;
	v7 =	vadd.s32 v18, v25  }
0x373: {  	s24 =	sand.u32 $0x60, s24;
	s20 =	sadd.s32 $0x7100, s3;
	s1 =	sor.u32 s10, s30;
	[tilespmem:s0+$0x0] =	vst v0  }
0x374: {  	s22 =	sor.u32 s7, s20;
	s25 =	simm.s32 $0x200;
	s13 =	simm.s32 $0x20;
	[tilespmem:s1+$0x0] =	vst v2;
	v0 =	vld.idx.msk [tilespmem:v1+s5+$0x0], $0xffff  }
0x375: {  	s23 =	sor.u32 s12, s21;
	s26 =	sand.u32 $0x400, s25;
	s30 =	sand.u32 $0x380, s13;
	v1 =	vadd.s32 v18, v24;
	v2 =	vld.idx.msk [tilespmem:v3+s5+$0x0], $0xffff;
	[tilespmem:s22+$0x0] =	vst v4  }
0x376: {  	s25 =	sor.u32 s30, s26;
	s26 =	sor.u32 $0x10, s24;
	[tilespmem:s23+$0x0] =	vst v5;
	v3 =	vadd.s32 v60, v23;
	v4 =	vld.idx.msk [tilespmem:v6+s5+$0x0], $0xffff  }
0x377: {  	s1 =	sor.u32 s26, s25;
	v5 =	vld.idx.msk [tilespmem:v7+s5+$0x0], $0xffff;
	v6 =	vadd.s32 v58, v22  }
0x378: {  	s6 =	sor.u32 s11, s21;
	s0 =	sor.u32 s24, s25;
	v7 =	vadd.s32 v19, v25;
	v8 =	vld [tilespmem:s1+$0x1900]  }
0x379: {  	s4 =	sor.u32 s10, s15;
	s31 =	sadd.s32 $0x7900, s3;
	[tilespmem:s6+$0x0] =	vst v0;
	v0 =	vld [tilespmem:s0+$0x1900]  }
0x37a: {  	s15 =	sor.u32 s7, s31;
	s13 =	sadd.s32 $0x4900, s14;
	[tilespmem:s4+$0x0] =	vst v2;
	v1 =	vld.idx.msk [tilespmem:v1+s5+$0x0], $0xffff  }
0x37b: {  	s17 =	sor.u32 s12, s13;
	v2 =	vadd.s32 v19, v24;
	v3 =	vld.idx.msk [tilespmem:v3+s5+$0x0], $0xffff;
	[tilespmem:s15+$0x0] =	vst v4  }
0x37c: {  	v50 =	vadd.s32 v47, v23;
	[tilespmem:s17+$0x0] =	vst v5;
	v51 =	vld.idx.msk [tilespmem:v6+s5+$0x0], $0xffff  }
0x37d: {  	v20 =	vmul.u32 $0x140, v8;
	v6 =	vld.idx.msk [tilespmem:v7+s5+$0x0], $0xffff;
	v7 =	vadd.s32 v11, v22  }
0x37e: {  	s4 =	sor.u32 s11, s13;
	v27 =	vmul.u32 $0x140, v0;
	v0 =	vadd.s32 v63, v25  }
0x37f: {  	s2 =	sor.u32 s10, s20;
	s18 =	sadd.s32 $0x8100, s3;
	[tilespmem:s4+$0x0] =	vst v1;
	v1 =	vor.u32 v26, v20  }
0x380: {  	s19 =	sadd.s32 $0x5100, s14;
	s20 =	sor.u32 s7, s18;
	[tilespmem:s2+$0x0] =	vst v3;
	v2 =	vld.idx.msk [tilespmem:v2+s5+$0x0], $0xffff;
	v3 =	vor.u32 v26, v27  }
0x381: {  	s21 =	sor.u32 s12, s19;
	v8 =	vadd.s32 v63, v24;
	v4 =	vld.idx.msk [tilespmem:v50+s5+$0x0], $0xffff;
	[tilespmem:s20+$0x0] =	vst v51  }
0x382: {  	v52 =	vadd.s32 v58, v23;
	[tilespmem:s21+$0x0] =	vst v6;
	v6 =	vld.idx.msk [tilespmem:v7+s5+$0x0], $0xffff  }
0x383: {  	v0 =	vld.idx.msk [tilespmem:v0+s5+$0x0], $0xffff;
	v7 =	vadd.s32 v13, v22  }
0x384: {  	v32 =	vmov v9;
	v9 =	vadd.s32 v9, v25;
	s2 =	sor.u32 s11, s19;
	v1 =	vld.idx.msk [tilespmem:v1+s5+$0x0], $0xffff  }
0x385: {  	s22 =	sadd.s32 $0x8900, s3;
	s6 =	sor.u32 s10, s31;
	[tilespmem:s2+$0x0] =	vst v2;
	v2 =	vld.idx.msk [tilespmem:v3+s5+$0x0], $0xffff;
	v3 =	vor.u32 v15, v20  }
0x386: {  	s23 =	sadd.s32 $0x5900, s14;
	s30 =	sor.u32 s7, s22;
	v53 =	vor.u32 v15, v27;
	[tilespmem:s6+$0x0] =	vst v4;
	v8 =	vld.idx.msk [tilespmem:v8+s5+$0x0], $0xffff  }
0x387: {  	v10 =	vadd.s32 v32, v24;
	s31 =	sor.u32 s12, s23;
	v5 =	vld.idx.msk [tilespmem:v52+s5+$0x0], $0xffff;
	[tilespmem:s30+$0x0] =	vst v6  }
0x388: {  	v6 =	vadd.s32 v11, v23;
	[tilespmem:s31+$0x0] =	vst v0;
	v0 =	vld.idx.msk [tilespmem:v7+s5+$0x0], $0xffff  }
0x389: {  	[tilespmem:s1+$0x2900] =	vst v1;
	v1 =	vld.idx.msk [tilespmem:v9+s5+$0x0], $0xffff;
	v7 =	vadd.s32 v12, v22  }
0x38a: {  	s6 =	sor.u32 s11, s23;
	[tilespmem:s0+$0x2900] =	vst v2;
	v2 =	vld.idx.msk [tilespmem:v3+s5+$0x0], $0xffff;
	v3 =	vadd.s32 v62, v25  }
0x38b: {  	s9 =	sadd.s32 $0x9100, s3;
	s8 =	sor.u32 s10, s18;
	v4 =	vld.idx.msk [tilespmem:v53+s5+$0x0], $0xffff;
	[tilespmem:s6+$0x0] =	vst v8;
	v8 =	vor.u32 v39, v20  }
0x38c: {  	s13 =	sadd.s32 $0x6100, s14;
	s15 =	sor.u32 s7, s9;
	v9 =	vor.u32 v39, v27;
	[tilespmem:s8+$0x0] =	vst v5;
	v54 =	vld.idx.msk [tilespmem:v10+s5+$0x0], $0xffff  }
0x38d: {  	s17 =	sadd.s32 $0x3100, s25;
	s18 =	sor.u32 s12, s13;
	v10 =	vadd.s32 v62, v24;
	v6 =	vld.idx.msk [tilespmem:v6+s5+$0x0], $0xffff;
	[tilespmem:s15+$0x0] =	vst v0  }
0x38e: {  	s19 =	sor.u32 s26, s17;
	v0 =	vadd.s32 v13, v23;
	[tilespmem:s18+$0x0] =	vst v1;
	v1 =	vld.idx.msk [tilespmem:v7+s5+$0x0], $0xffff  }
0x38f: {  	s6 =	sor.u32 s24, s17;
	[tilespmem:s19+$0x0] =	vst v2;
	v2 =	vld.idx.msk [tilespmem:v3+s5+$0x0], $0xffff;
	v3 =	vadd.s32 v17, v22  }
0x390: {  	s0 =	sor.u32 s11, s13;
	v7 =	vadd.s32 v60, v25;
	[tilespmem:s6+$0x0] =	vst v4;
	v56 =	vld.idx.msk [tilespmem:v8+s5+$0x0], $0xffff  }
0x391: {  	v33 =	vor.u32 v14, v20;
	s2 =	sor.u32 s10, s22;
	s6 =	sadd.s32 $0x9900, s3;
	v8 =	vld.idx.msk [tilespmem:v9+s5+$0x0], $0xffff;
	[tilespmem:s0+$0x0] =	vst v54  }
0x392: {  	s20 =	sadd.s32 $0x6900, s14;
	v9 =	vor.u32 v14, v27;
	s21 =	sor.u32 s7, s6;
	[tilespmem:s2+$0x0] =	vst v6;
	v6 =	vld.idx.msk [tilespmem:v10+s5+$0x0], $0xffff  }
0x393: {  	s22 =	sadd.s32 $0x3900, s25;
	s23 =	sor.u32 s12, s20;
	v10 =	vadd.s32 v60, v24;
	v0 =	vld.idx.msk [tilespmem:v0+s5+$0x0], $0xffff;
	[tilespmem:s21+$0x0] =	vst v1  }
0x394: {  	s30 =	sor.u32 s26, s22;
	v1 =	vadd.s32 v12, v23;
	[tilespmem:s23+$0x0] =	vst v2;
	v2 =	vld.idx.msk [tilespmem:v3+s5+$0x0], $0xffff  }
0x395: {  	v34 =	vadd.s32 v55, v22;
	s4 =	sor.u32 s24, s22;
	[tilespmem:s30+$0x0] =	vst v56;
	v3 =	vld.idx.msk [tilespmem:v7+s5+$0x0], $0xffff  }
0x396: {  	s0 =	sor.u32 s11, s20;
	v7 =	vadd.s32 v47, v25;
	[tilespmem:s4+$0x0] =	vst v8;
	v5 =	vld.idx.msk [tilespmem:v33+s5+$0x0], $0xffff  }
0x397: {  	s1 =	sor.u32 s10, s9;
	s4 =	sadd.s32 $0xA100, s3;
	v8 =	vld.idx.msk [tilespmem:v9+s5+$0x0], $0xffff;
	[tilespmem:s0+$0x0] =	vst v6;
	v6 =	vadd.s32 v18, v20  }
0x398: {  	s31 =	sadd.s32 $0x7100, s14;
	v9 =	vadd.s32 v18, v27;
	s2 =	sor.u32 s7, s4;
	[tilespmem:s1+$0x0] =	vst v0;
	v0 =	vld.idx.msk [tilespmem:v10+s5+$0x0], $0xffff  }
0x399: {  	s9 =	sor.u32 s12, s31;
	s8 =	sadd.s32 $0x4100, s25;
	v10 =	vadd.s32 v47, v24;
	v1 =	vld.idx.msk [tilespmem:v1+s5+$0x0], $0xffff;
	[tilespmem:s2+$0x0] =	vst v2  }
0x39a: {  	s13 =	sor.u32 s11, s31;
	s17 =	simm.s32 $0x60;
	s2 =	sor.u32 s26, s8;
	[tilespmem:s9+$0x0] =	vst v3;
	v2 =	vld.idx.msk [tilespmem:v34+s5+$0x0], $0xffff  }
0x39b: {  	s15 =	sor.u32 s24, s8;
	s18 =	simm.s32 $0x300;
	s19 =	simm.s32 $0x30;
	[tilespmem:s2+$0x0] =	vst v5;
	v3 =	vld.idx.msk [tilespmem:v7+s5+$0x0], $0xffff  }
0x39c: {  	v35 =	vadd.s32 v17, v23;
	s28 =	sand.u32 $0x60, s17;
	s20 =	sand.u32 $0x380, s19;
	s2 =	sand.u32 $0x400, s18;
	[tilespmem:s15+$0x0] =	vst v8;
	v5 =	vld.idx.msk [tilespmem:v6+s5+$0x0], $0xffff  }
0x39d: {  	v6 =	vadd.s32 v61, v22;
	s0 =	sor.u32 s20, s2;
	s2 =	sor.u32 $0x10, s28;
	v7 =	vld.idx.msk [tilespmem:v9+s5+$0x0], $0xffff;
	[tilespmem:s13+$0x0] =	vst v0  }
0x39e: {  	v0 =	vadd.s32 v58, v25;
	s8 =	sor.u32 s2, s0;
	v8 =	vld.idx.msk [tilespmem:v10+s5+$0x0], $0xffff  }
0x39f: {  	s21 =	sor.u32 s10, s6;
	s1 =	sadd.s32 $0xA900, s3;
	s6 =	sor.u32 s28, s0;
	v9 =	vadd.s32 v19, v20;
	v10 =	vld [tilespmem:s8+$0x1900]  }
0x3a0: {  	v28 =	vadd.s32 v19, v27;
	s22 =	sadd.s32 $0x7900, s14;
	s23 =	sor.u32 s7, s1;
	[tilespmem:s21+$0x0] =	vst v1;
	v1 =	vld [tilespmem:s6+$0x1900]  }
0x3a1: {  	v16 =	vmov v15;
	v15 =	vadd.s32 v58, v24;
	s17 =	sor.u32 s12, s22;
	s15 =	sadd.s32 $0x4900, s25;
	v4 =	vld.idx.msk [tilespmem:v35+s5+$0x0], $0xffff;
	[tilespmem:s23+$0x0] =	vst v2  }
0x3a2: {  	s30 =	sor.u32 s26, s15;
	v2 =	vadd.s32 v55, v23;
	[tilespmem:s17+$0x0] =	vst v3;
	v3 =	vld.idx.msk [tilespmem:v6+s5+$0x0], $0xffff  }
0x3a3: {  	v36 =	vadd.s32 v59, v22;
	s15 =	sor.u32 s24, s15;
	[tilespmem:s30+$0x0] =	vst v5;
	v0 =	vld.idx.msk [tilespmem:v0+s5+$0x0], $0xffff  }
0x3a4: {  	s9 =	sor.u32 s11, s22;
	[tilespmem:s15+$0x0] =	vst v7;
	v6 =	vld.idx.msk [tilespmem:v9+s5+$0x0], $0xffff;
	v7 =	vadd.s32 v11, v25;
	v21 =	vmul.u32 $0x140, v10  }
0x3a5: {  	s4 =	sor.u32 s10, s4;
	s15 =	sadd.s32 $0xB100, s3;
	v9 =	vld.idx.msk [tilespmem:v28+s5+$0x0], $0xffff;
	[tilespmem:s9+$0x0] =	vst v8;
	v29 =	vmul.u32 $0x140, v1;
	v1 =	vadd.s32 v63, v20  }
0x3a6: {  	s31 =	sadd.s32 $0x8100, s14;
	s17 =	sor.u32 s7, s15;
	[tilespmem:s4+$0x0] =	vst v4;
	v37 =	vld.idx.msk [tilespmem:v15+s5+$0x0], $0xffff;
	v8 =	vor.u32 v26, v21  }
0x3a7: {  	s19 =	sor.u32 s12, s31;
	s18 =	sadd.s32 $0x5100, s25;
	v2 =	vld.idx.msk [tilespmem:v2+s5+$0x0], $0xffff;
	v10 =	vor.u32 v26, v29;
	[tilespmem:s17+$0x0] =	vst v3  }
0x3a8: {  	v38 =	vadd.s32 v11, v24;
	s20 =	sor.u32 s26, s18;
	[tilespmem:s19+$0x0] =	vst v0;
	v0 =	vld.idx.msk [tilespmem:v36+s5+$0x0], $0xffff  }
0x3a9: {  	v3 =	vadd.s32 v63, v27;
	[tilespmem:s20+$0x0] =	vst v6;
	v6 =	vld.idx.msk [tilespmem:v7+s5+$0x0], $0xffff  }
0x3aa: {  	s21 =	sor.u32 s24, s18;
	v1 =	vld.idx.msk [tilespmem:v1+s5+$0x0], $0xffff;
	v7 =	vadd.s32 v57, v22  }
0x3ab: {  	s22 =	sor.u32 s11, s31;
	v22 =	vadd.s32 v13, v25;
	[tilespmem:s21+$0x0] =	vst v9;
	v8 =	vld.idx.msk [tilespmem:v8+s5+$0x0], $0xffff  }
0x3ac: {  	s4 =	sadd.s32 $0xB900, s3;
	[tilespmem:s22+$0x0] =	vst v37;
	v9 =	vld.idx.msk [tilespmem:v10+s5+$0x0], $0xffff;
	v10 =	vadd.s32 v32, v20  }
0x3ad: {  	s23 =	sadd.s32 $0x8900, s14;
	v15 =	vor.u32 v16, v21;
	s30 =	sor.u32 s7, s4;
	v5 =	vld.idx.msk [tilespmem:v38+s5+$0x0], $0xffff  }
0x3ae: {  	s31 =	sadd.s32 $0x5900, s25;
	s18 =	sor.u32 s12, s23;
	v40 =	vor.u32 v16, v29;
	v3 =	vld.idx.msk [tilespmem:v3+s5+$0x0], $0xffff;
	[tilespmem:s30+$0x0] =	vst v0  }
0x3af: {  	s19 =	sor.u32 s26, s31;
	v0 =	vadd.s32 v32, v27;
	[tilespmem:s18+$0x0] =	vst v6;
	v6 =	vld.idx.msk [tilespmem:v7+s5+$0x0], $0xffff  }
0x3b0: {  	v7 =	vadd.s32 v13, v24;
	[tilespmem:s19+$0x0] =	vst v1;
	v1 =	vld.idx.msk [tilespmem:v22+s5+$0x0], $0xffff  }
0x3b1: {  	[tilespmem:s8+$0x2900] =	vst v8;
	v8 =	vld.idx.msk [tilespmem:v10+s5+$0x0], $0xffff;
	v10 =	vadd.s32 v12, v25  }
0x3b2: {  	s20 =	sor.u32 s24, s31;
	v22 =	vadd.s32 v62, v20;
	[tilespmem:s6+$0x2900] =	vst v9;
	v9 =	vld.idx.msk [tilespmem:v15+s5+$0x0], $0xffff  }
0x3b3: {  	s21 =	sor.u32 s11, s23;
	s22 =	sadd.s32 $0x9100, s14;
	v4 =	vld.idx.msk [tilespmem:v40+s5+$0x0], $0xffff;
	[tilespmem:s20+$0x0] =	vst v3;
	v3 =	vor.u32 v39, v21  }
0x3b4: {  	s23 =	sadd.s32 $0x6100, s25;
	s30 =	sor.u32 s12, s22;
	[tilespmem:s21+$0x0] =	vst v5;
	v15 =	vor.u32 v39, v29;
	v0 =	vld.idx.msk [tilespmem:v0+s5+$0x0], $0xffff  }
0x3b5: {  	v41 =	vadd.s32 v62, v27;
	s31 =	sadd.s32 $0x3100, s0;
	s18 =	sor.u32 s26, s23;
	v7 =	vld.idx.msk [tilespmem:v7+s5+$0x0], $0xffff;
	[tilespmem:s30+$0x0] =	vst v1  }
0x3b6: {  	s19 =	sor.u32 s2, s31;
	v1 =	vadd.s32 v12, v24;
	[tilespmem:s18+$0x0] =	vst v8;
	v8 =	vld.idx.msk [tilespmem:v10+s5+$0x0], $0xffff  }
0x3b7: {  	s13 =	sor.u32 s28, s31;
	v10 =	vadd.s32 v61, v23;
	[tilespmem:s19+$0x0] =	vst v9;
	v9 =	vld.idx.msk [tilespmem:v22+s5+$0x0], $0xffff  }
0x3b8: {  	v42 =	vadd.s32 v17, v25;
	s6 =	sor.u32 s24, s23;
	[tilespmem:s13+$0x0] =	vst v4;
	v3 =	vld.idx.msk [tilespmem:v3+s5+$0x0], $0xffff  }
0x3b9: {  	s8 =	sor.u32 s11, s22;
	v22 =	vld.idx.msk [tilespmem:v15+s5+$0x0], $0xffff;
	[tilespmem:s6+$0x0] =	vst v0;
	v0 =	vadd.s32 v60, v20  }
0x3ba: {  	s1 =	sor.u32 s10, s1;
	s20 =	sadd.s32 $0x9900, s14;
	v15 =	vor.u32 v14, v21;
	v5 =	vld.idx.msk [tilespmem:v41+s5+$0x0], $0xffff;
	[tilespmem:s8+$0x0] =	vst v7  }
0x3bb: {  	[tilespmem:s1+$0x0] =	vst v2;
	s21 =	sadd.s32 $0x6900, s25;
	s22 =	sor.u32 s12, s20;
	v7 =	vor.u32 v14, v29;
	v1 =	vld.idx.msk [tilespmem:v1+s5+$0x0], $0xffff  }
0x3bc: {  	v2 =	vadd.s32 v60, v27;
	s23 =	sadd.s32 $0x3900, s0;
	s30 =	sor.u32 s26, s21;
	[tilespmem:s22+$0x0] =	vst v8;
	v8 =	vld.idx.msk [tilespmem:v10+s5+$0x0], $0xffff  }
0x3bd: {  	s17 =	sadd.s32 $0x4100, s0;
	s31 =	sor.u32 s2, s23;
	v10 =	vadd.s32 v17, v24;
	[tilespmem:s30+$0x0] =	vst v9;
	v4 =	vld.idx.msk [tilespmem:v42+s5+$0x0], $0xffff  }
0x3be: {  	s1 =	sor.u32 s28, s23;
	s23 =	simm.s32 $0x40;
	s13 =	sadd.s32 $0xA100, s14;
	[tilespmem:s31+$0x0] =	vst v3;
	v0 =	vld.idx.msk [tilespmem:v0+s5+$0x0], $0xffff;
	v3 =	vadd.s32 v55, v25  }
0x3bf: {  	s6 =	sor.u32 s11, s20;
	s8 =	sor.u32 s24, s21;
	s22 =	simm.s32 $0x400;
	[tilespmem:s1+$0x0] =	vst v22;
	v22 =	vadd.s32 v47, v20;
	v9 =	vld.idx.msk [tilespmem:v15+s5+$0x0], $0xffff  }
0x3c0: {  	s9 =	sor.u32 s12, s13;
	s20 =	simm.s32 $0x80;
	s21 =	sand.u32 $0x400, s22;
	v7 =	vld.idx.msk [tilespmem:v7+s5+$0x0], $0xffff;
	[tilespmem:s8+$0x0] =	vst v5  }
0x3c1: {  	v43 =	vadd.s32 v18, v21;
	s30 =	sand.u32 $0x380, s23;
	s1 =	sadd.s32 $0xC100, s3;
	v2 =	vld.idx.msk [tilespmem:v2+s5+$0x0], $0xffff;
	[tilespmem:s6+$0x0] =	vst v1;
	s6 =	sadd.s32 $0x7100, s25  }
0x3c2: {  	s3 =	sand.u32 $0x60, s20;
	v15 =	vadd.s32 v18, v29;
	s8 =	sor.u32 s2, s17;
	v1 =	vld.idx.msk [tilespmem:v10+s5+$0x0], $0xffff;
	s18 =	sor.u32 s26, s6;
	[tilespmem:s9+$0x0] =	vst v4  }
0x3c3: {  	s31 =	sor.u32 s7, s1;
	s7 =	sor.u32 $0x10, s3;
	s9 =	sor.u32 s30, s21;
	[tilespmem:s18+$0x0] =	vst v0;
	v0 =	vld.idx.msk [tilespmem:v3+s5+$0x0], $0xffff  }
0x3c4: {  	s19 =	sor.u32 s28, s17;
	v3 =	vadd.s32 v47, v27;
	s17 =	sor.u32 s7, s9;
	[tilespmem:s8+$0x0] =	vst v9;
	v44 =	vld.idx.msk [tilespmem:v22+s5+$0x0], $0xffff  }
0x3c5: {  	[tilespmem:s19+$0x0] =	vst v7;
	v7 =	vadd.s32 v61, v25;
	v10 =	vld [tilespmem:s17+$0x1900]  }
0x3c6: {  	s15 =	sor.u32 s10, s15;
	[tilespmem:s31+$0x0] =	vst v6;
	v9 =	vadd.s32 v58, v20;
	v5 =	vld.idx.msk [tilespmem:v43+s5+$0x0], $0xffff  }
0x3c7: {  	[tilespmem:s15+$0x0] =	vst v8;
	v8 =	vadd.s32 v19, v21;
	s19 =	sor.u32 s24, s6;
	s8 =	sor.u32 s3, s9;
	s6 =	sadd.s32 $0xA900, s14;
	v6 =	vld.idx.msk [tilespmem:v15+s5+$0x0], $0xffff  }
0x3c8: {  	v28 =	vadd.s32 v59, v23;
	s20 =	sadd.s32 $0x7900, s25;
	[tilespmem:s19+$0x0] =	vst v2;
	s21 =	sor.u32 s12, s6;
	v2 =	vld [tilespmem:s8+$0x1900]  }
0x3c9: {  	s30 =	sor.u32 s26, s20;
	v15 =	vadd.s32 v19, v29;
	s19 =	sadd.s32 $0x4900, s0;
	v3 =	vld.idx.msk [tilespmem:v3+s5+$0x0], $0xffff;
	[tilespmem:s21+$0x0] =	vst v0  }
0x3ca: {  	s31 =	sor.u32 s2, s19;
	v0 =	vadd.s32 v58, v27;
	[tilespmem:s30+$0x0] =	vst v44;
	v45 =	vld.idx.msk [tilespmem:v7+s5+$0x0], $0xffff  }
0x3cb: {  	s13 =	sor.u32 s11, s13;
	v7 =	vadd.s32 v59, v25;
	[tilespmem:s31+$0x0] =	vst v5;
	v46 =	vld.idx.msk [tilespmem:v9+s5+$0x0], $0xffff  }
0x3cc: {  	[tilespmem:s13+$0x0] =	vst v1;
	s18 =	sor.u32 s28, s19;
	v22 =	vmul.u32 $0x140, v10;
	v1 =	vld.idx.msk [tilespmem:v8+s5+$0x0], $0xffff;
	v8 =	vadd.s32 v11, v20  }
0x3cd: {  	s15 =	sadd.s32 $0xB100, s14;
	s19 =	sor.u32 s24, s20;
	v9 =	vld.idx.msk [tilespmem:v28+s5+$0x0], $0xffff;
	[tilespmem:s18+$0x0] =	vst v6;
	v56 =	vmul.u32 $0x140, v2;
	v2 =	vadd.s32 v63, v21  }
0x3ce: {  	s13 =	sadd.s32 $0x8100, s25;
	s20 =	sor.u32 s12, s15;
	v6 =	vld.idx.msk [tilespmem:v15+s5+$0x0], $0xffff;
	[tilespmem:s19+$0x0] =	vst v3;
	v3 =	vor.u32 v26, v22  }
0x3cf: {  	s21 =	sadd.s32 $0x5100, s0;
	s30 =	sor.u32 s26, s13;
	v10 =	vor.u32 v26, v56;
	v0 =	vld.idx.msk [tilespmem:v0+s5+$0x0], $0xffff;
	[tilespmem:s20+$0x0] =	vst v45  }
0x3d0: {  	v48 =	vadd.s32 v63, v29;
	s31 =	sor.u32 s2, s21;
	[tilespmem:s30+$0x0] =	vst v46;
	v49 =	vld.idx.msk [tilespmem:v7+s5+$0x0], $0xffff  }
0x3d1: {  	s4 =	sor.u32 s10, s4;
	v7 =	vadd.s32 v11, v27;
	[tilespmem:s31+$0x0] =	vst v1;
	v1 =	vld.idx.msk [tilespmem:v8+s5+$0x0], $0xffff  }
0x3d2: {  	s19 =	sor.u32 s28, s21;
	[tilespmem:s4+$0x0] =	vst v9;
	v8 =	vadd.s32 v57, v25;
	v2 =	vld.idx.msk [tilespmem:v2+s5+$0x0], $0xffff  }
0x3d3: {  	s13 =	sor.u32 s24, s13;
	s4 =	sadd.s32 $0xB900, s14;
	[tilespmem:s19+$0x0] =	vst v6;
	v6 =	vadd.s32 v13, v20;
	v3 =	vld.idx.msk [tilespmem:v3+s5+$0x0], $0xffff  }
0x3d4: {  	s20 =	sor.u32 s12, s4;
	v9 =	vld.idx.msk [tilespmem:v10+s5+$0x0], $0xffff;
	v10 =	vadd.s32 v32, v21;
	[tilespmem:s13+$0x0] =	vst v0;
	s13 =	sadd.s32 $0x8900, s25  }
0x3d5: {  	s21 =	sadd.s32 $0x5900, s0;
	v4 =	vld.idx.msk [tilespmem:v48+s5+$0x0], $0xffff;
	v0 =	vor.u32 v16, v22;
	[tilespmem:s20+$0x0] =	vst v49;
	s30 =	sor.u32 s26, s13  }
0x3d6: {  	v50 =	vor.u32 v16, v56;
	s31 =	sor.u32 s2, s21;
	v7 =	vld.idx.msk [tilespmem:v7+s5+$0x0], $0xffff;
	[tilespmem:s30+$0x0] =	vst v1  }
0x3d7: {  	v1 =	vadd.s32 v32, v29;
	[tilespmem:s31+$0x0] =	vst v2;
	v2 =	vld.idx.msk [tilespmem:v8+s5+$0x0], $0xffff  }
0x3d8: {  	v6 =	vld.idx.msk [tilespmem:v6+s5+$0x0], $0xffff;
	[tilespmem:s17+$0x2900] =	vst v3;
	v3 =	vadd.s32 v13, v27  }
0x3d9: {  	s18 =	sor.u32 s28, s21;
	v8 =	vadd.s32 v55, v24;
	[tilespmem:s8+$0x2900] =	vst v9;
	v10 =	vld.idx.msk [tilespmem:v10+s5+$0x0], $0xffff  }
0x3da: {  	s13 =	sor.u32 s24, s13;
	v9 =	vadd.s32 v12, v20;
	[tilespmem:s18+$0x0] =	vst v4;
	s8 =	sadd.s32 $0xC100, s14;
	v0 =	vld.idx.msk [tilespmem:v0+s5+$0x0], $0xffff  }
0x3db: {  	v52 =	vadd.s32 v62, v21;
	s19 =	sadd.s32 $0x9100, s25;
	v51 =	vld.idx.msk [tilespmem:v50+s5+$0x0], $0xffff;
	s12 =	sor.u32 s12, s8;
	[tilespmem:s13+$0x0] =	vst v7  }
0x3dc: {  	s21 =	sor.u32 s26, s19;
	s20 =	sadd.s32 $0x6100, s0;
	v7 =	vor.u32 v39, v22;
	v1 =	vld.idx.msk [tilespmem:v1+s5+$0x0], $0xffff;
	[tilespmem:s12+$0x0] =	vst v2  }
0x3dd: {  	s30 =	sadd.s32 $0x3100, s9;
	s31 =	sor.u32 s2, s20;
	[tilespmem:s21+$0x0] =	vst v6;
	v2 =	vld.idx.msk [tilespmem:v3+s5+$0x0], $0xffff  }
0x3de: {  	s18 =	sor.u32 s7, s30;
	v3 =	vld.idx.msk [tilespmem:v8+s5+$0x0], $0xffff;
	[tilespmem:s31+$0x0] =	vst v10  }
0x3df: {  	s12 =	sor.u32 s3, s30;
	[tilespmem:s18+$0x0] =	vst v0;
	v0 =	vld.idx.msk [tilespmem:v9+s5+$0x0], $0xffff  }
0x3e0: {  	s14 =	sor.u32 s28, s20;
	[tilespmem:s12+$0x0] =	vst v51;
	v5 =	vld.idx.msk [tilespmem:v52+s5+$0x0], $0xffff  }
0x3e1: {  	v34 =	vadd.s32 v55, v27;
	s19 =	sor.u32 s24, s19;
	v53 =	vld.idx.msk [tilespmem:v7+s5+$0x0], $0xffff;
	[tilespmem:s14+$0x0] =	vst v1  }
0x3e2: {  	v35 =	vadd.s32 v61, v27;
	v54 =	vadd.s32 v13, v29;
	s6 =	sor.u32 s11, s6;
	s12 =	sadd.s32 $0x9900, s25;
	v1 =	vadd.s32 v57, v23;
	[tilespmem:s19+$0x0] =	vst v2  }
0x3e3: {  	v36 =	vadd.s32 v55, v29;
	v37 =	vadd.s32 v61, v29;
	s20 =	sadd.s32 $0x6900, s0;
	s21 =	sor.u32 s26, s12;
	v7 =	vor.u32 v39, v56;
	[tilespmem:s6+$0x0] =	vst v3  }
0x3e4: {  	v40 =	vadd.s32 v17, v29;
	v41 =	vadd.s32 v58, v29;
	s30 =	sadd.s32 $0x3900, s9;
	v8 =	vadd.s32 v62, v29;
	s31 =	sor.u32 s2, s20;
	[tilespmem:s21+$0x0] =	vst v0  }
0x3e5: {  	v42 =	vadd.s32 v11, v29;
	v44 =	vadd.s32 v47, v29;
	s17 =	sor.u32 s7, s30;
	v3 =	vadd.s32 v12, v27;
	[tilespmem:s31+$0x0] =	vst v5  }
0x3e6: {  	v28 =	vadd.s32 v59, v27;
	v43 =	vadd.s32 v55, v56;
	v2 =	vadd.s32 v61, v24;
	[tilespmem:s17+$0x0] =	vst v53  }
0x3e7: {  	v9 =	vadd.s32 v12, v29;
	v46 =	vld.idx.msk [tilespmem:v1+s5+$0x0], $0xffff;
	v1 =	vadd.s32 v17, v20;
	[tilespmem:$0x1FDD0] =	vst v54  }
0x3e8: {  	v15 =	vmov v16;
	v38 =	vadd.s32 v61, v56;
	v5 =	vld.idx.msk [tilespmem:v7+s5+$0x0], $0xffff;
	[tilespmem:$0x1FDE0] =	vst v9;
	v9 =	vor.u32 v14, v22  }
0x3e9: {  	v45 =	vadd.s32 v11, v56;
	v25 =	vadd.s32 v57, v29;
	v7 =	vadd.s32 v60, v21;
	v8 =	vld.idx.msk [tilespmem:v8+s5+$0x0], $0xffff  }
0x3ea: {  	v48 =	vadd.s32 v62, v56;
	v16 =	vadd.s32 v57, v24;
	v10 =	vor.u32 v14, v56;
	v3 =	vld.idx.msk [tilespmem:v3+s5+$0x0], $0xffff  }
0x3eb: {  	v49 =	vadd.s32 v32, v56;
	v32 =	vadd.s32 v12, v56;
	v4 =	vadd.s32 v60, v29;
	v2 =	vld.idx.msk [tilespmem:v2+s5+$0x0], $0xffff  }
0x3ec: {  	v50 =	vadd.s32 v58, v56;
	v6 =	vadd.s32 v59, v24;
	s6 =	sor.u32 s3, s30;
	v0 =	vadd.s32 v17, v27;
	v1 =	vld.idx.msk [tilespmem:v1+s5+$0x0], $0xffff  }
0x3ed: {  	v51 =	vadd.s32 v63, v56;
	[tilespmem:s6+$0x0] =	vst v5;
	v62 =	vld.idx.msk [tilespmem:v9+s5+$0x0], $0xffff;
	v9 =	vadd.s32 v13, v56  }
0x3ee: {  	s10 =	sor.u32 s10, s1;
	v52 =	vadd.s32 v19, v56;
	s18 =	sor.u32 s28, s20;
	v7 =	vld.idx.msk [tilespmem:v7+s5+$0x0], $0xffff;
	v5 =	vadd.s32 v55, v20;
	[tilespmem:$0x1FDF0] =	vst v9  }
0x3ef: {  	s20 =	sor.u32 s24, s12;
	s12 =	sor.u32 s11, s4;
	v23 =	vmov v47;
	v47 =	vadd.s32 v60, v56;
	s14 =	simm.s32 $0x8;
	v24 =	vadd.s32 v57, v27;
	v63 =	vld.idx.msk [tilespmem:v10+s5+$0x0], $0xffff;
	[tilespmem:s18+$0x0] =	vst v8  }
0x3f0: {  	s19 =	sor.u32 s11, s15;
	s11 =	sor.u32 s11, s8;
	v61 =	vadd.s32 v23, v21;
	v27 =	vadd.s32 v59, v29;
	s21 =	sadd.s32 $0xA100, s25;
	[tilespmem:s20+$0x0] =	vst v3;
	v60 =	vld.idx.msk [tilespmem:v4+s5+$0x0], $0xffff  }
0x3f1: {  	s30 =	sadd.s32 $0x7100, s0;
	v29 =	vadd.s32 v57, v56;
	s31 =	sadd.s32 $0x4100, s9;
	v53 =	vadd.s32 v23, v56;
	s1 =	sor.u32 s26, s21;
	[tilespmem:s19+$0x0] =	vst v2;
	v55 =	vld.idx.msk [tilespmem:v0+s5+$0x0], $0xffff  }
0x3f2: {  	s4 =	sor.u32 s2, s30;
	s8 =	sor.u32 s7, s31;
	v54 =	vadd.s32 v18, v56;
	s6 =	sor.u32 s28, s30;
	v9 =	vadd.s32 v59, v56;
	v57 =	vld.idx.msk [tilespmem:v6+s5+$0x0], $0xffff;
	[tilespmem:s1+$0x0] =	vst v1  }
0x3f3: {  	v8 =	vadd.s32 v17, v56;
	s20 =	sor.u32 s24, s21;
	v0 =	vadd.s32 v18, v22;
	s1 =	simm.s32 $0xA0;
	[tilespmem:s4+$0x0] =	vst v7;
	s4 =	sor.u32 s3, s31;
	v56 =	vld.idx.msk [tilespmem:v5+s5+$0x0], $0xffff  }
.LBB2_8:
0x3f4: {  	[tilespmem:$0x1FD90] =	vst v32;
	v32 =	vmov v25;
	v25 =	vld [tilespmem:$0x1FF60]  }
0x3f5: {  	[tilespmem:$0x1FDB0] =	vst v27;
	v27 =	vld [tilespmem:$0x1FF40]  }
0x3f6: {  	v59 =	vld [tilespmem:$0x1FFF0]  }
0x3f7: {  	v30 =	vmov v16;
	v16 =	vld [tilespmem:$0x1FFD0]  }
0x3f8: {  	v31 =	vmov v24;
	v24 =	vld [tilespmem:$0x1FF50]  }
0x3f9: {  	v23 =	vld [tilespmem:$0x1FF10]  }
0x3fa: {  	v26 =	vld [tilespmem:$0x1FF30]  }
0x3fb: {  	[tilespmem:$0x1FDC0] =	vst v9;
	v18 =	vld [tilespmem:$0x1FFC0]  }
0x3fc: {  	[tilespmem:$0x1FDA0] =	vst v8;
	v17 =	vld [tilespmem:$0x1FFA0]  }
0x3fd: {  	[tilespmem:s4+$0x0] =	vst v63;
	v33 =	vmov v28;
	v28 =	vld [tilespmem:$0x1FF80]  }
0x3fe: {  	s22 =	sadd.s32 $0x100, s22;
	s23 =	sadd.s32 $0x10, s23;
	v3 =	vld.idx.msk [tilespmem:v54+s5+$0x0], $0xffff;
	[tilespmem:s6+$0x0] =	vst v60  }
0x3ff: {  	s15 =	sand.u32 $0x60, s1;
	[tilespmem:s8+$0x0] =	vst v62;
	s18 =	sand.u32 $0x400, s22;
	s13 =	sand.u32 $0x380, s23;
	v6 =	vld.idx.msk [tilespmem:v44+s5+$0x0], $0xffff  }
0x400: {  	s19 =	sadd.s32 $0xA900, s25;
	v1 =	vld.idx.msk [tilespmem:v61+s5+$0x0], $0xffff;
	s21 =	sor.u32 $0x10, s15;
	s4 =	sor.u32 s13, s18;
	[tilespmem:s20+$0x0] =	vst v55  }
0x401: {  	s30 =	sadd.s32 $0x4900, s9;
	v0 =	vld.idx.msk [tilespmem:v0+s5+$0x0], $0xffff;
	s13 =	sor.u32 s26, s19;
	s8 =	sor.u32 s21, s4;
	[tilespmem:s12+$0x0] =	vst v57  }
0x402: {  	s17 =	sadd.s32 $0x7900, s0;
	s31 =	sor.u32 s3, s30;
	s6 =	sor.u32 s15, s4;
	v7 =	vld [tilespmem:s8+$0x1900];
	[tilespmem:s13+$0x0] =	vst v56;
	v2 =	vadd.s32 v25, v20  }
0x403: {  	s18 =	sor.u32 s28, s17;
	v4 =	vadd.s32 v58, v21;
	v8 =	vld [tilespmem:s6+$0x1900];
	[tilespmem:s31+$0x0] =	vst v3  }
0x404: {  	v5 =	vadd.s32 v19, v22;
	v63 =	vld.idx.msk [tilespmem:v52+s5+$0x0], $0xffff;
	[tilespmem:s18+$0x0] =	vst v6  }
0x405: {  	s17 =	sor.u32 s2, s17;
	v9 =	vld.idx.msk [tilespmem:v41+s5+$0x0], $0xffff;
	[tilespmem:s10+$0x0] =	vst v46  }
0x406: {  	s12 =	sor.u32 s7, s30;
	[tilespmem:s17+$0x0] =	vst v1;
	v57 =	vld.idx.msk [tilespmem:v34+s5+$0x0], $0xffff  }
0x407: {  	v1 =	vld.idx.msk [tilespmem:v2+s5+$0x0], $0xffff;
	[tilespmem:s12+$0x0] =	vst v0  }
0x408: {  	s20 =	sor.u32 s24, s19;
	s19 =	sadd.s32 $0x5100, s9;
	v0 =	vld.idx.msk [tilespmem:v4+s5+$0x0], $0xffff;
	v4 =	vmul.u32 $0x140, v7  }
0x409: {  	v11 =	vlaneseq.u32;
	v3 =	vadd.s32 v27, v20;
	s31 =	sor.u32 s3, s19;
	v2 =	vld.idx.msk [tilespmem:v5+s5+$0x0], $0xffff;
	v7 =	vmul.u32 $0x140, v8  }
0x40a: {  	s13 =	sadd.s32 $0xB100, s25;
	v6 =	vadd.s32 v59, v21;
	v34 =	vmov v36;
	v36 =	vld [tilespmem:$0x1FFE0];
	[tilespmem:s31+$0x0] =	vst v63;
	v10 =	vor.u32 v11, v4  }
0x40b: {  	s18 =	sadd.s32 $0x8100, s0;
	s12 =	sor.u32 s26, s13;
	v11 =	vor.u32 v11, v7;
	v12 =	vor.u32 v15, v7;
	v52 =	vadd.s32 v19, v7;
	v19 =	vmovc v15;
	v15 =	vld [tilespmem:$0x1FF20]  }
0x40c: {  	s10 =	smov.u32 s11;
	s11 =	sor.u32 s2, s18;
	v8 =	vadd.s32 v16, v22;
	v61 =	vld.idx.msk [tilespmem:v51+s5+$0x0], $0xffff;
	[tilespmem:s12+$0x0] =	vst v1  }
0x40d: {  	s17 =	sor.u32 s24, s13;
	s13 =	sor.u32 s7, s19;
	v60 =	vor.u32 v19, v4;
	v19 =	vld [tilespmem:$0x1FF70];
	[tilespmem:s11+$0x0] =	vst v0  }
0x40e: {  	v0 =	vld.idx.msk [tilespmem:v3+s5+$0x0], $0xffff;
	[tilespmem:s13+$0x0] =	vst v2  }
0x40f: {  	v2 =	vld.idx.msk [tilespmem:v6+s5+$0x0], $0xffff  }
0x410: {  	v11 =	vld.idx.msk [tilespmem:v11+s5+$0x0], $0xffff  }
0x411: {  	s30 =	sor.u32 s28, s18;
	s13 =	sadd.s32 $0xB900, s25;
	v5 =	vld.idx.msk [tilespmem:v8+s5+$0x0], $0xffff;
	v6 =	vadd.s32 v26, v20;
	v20 =	vmov v21  }
0x412: {  	s18 =	sadd.s32 $0x8900, s0;
	v55 =	vor.u32 v14, v7;
	v10 =	vld.idx.msk [tilespmem:v10+s5+$0x0], $0xffff;
	[tilespmem:s30+$0x0] =	vst v9;
	s11 =	sor.u32 s26, s13;
	v14 =	vadd.s32 v36, v20  }
0x413: {  	v1 =	vadd.s32 v16, v7;
	v16 =	vld [tilespmem:$0x1FFB0];
	s12 =	sor.u32 s24, s13;
	s13 =	sor.u32 s2, s18;
	[tilespmem:s11+$0x0] =	vst v0  }
0x414: {  	v9 =	vadd.s32 v36, v7;
	s30 =	sadd.s32 $0x5900, s9;
	v36 =	vmov v29;
	v29 =	vld [tilespmem:$0x1FF90];
	[tilespmem:s13+$0x0] =	vst v2  }
0x415: {  	s19 =	sor.u32 s28, s18;
	v63 =	vld.idx.msk [tilespmem:v42+s5+$0x0], $0xffff;
	s18 =	sor.u32 s7, s30;
	[tilespmem:s6+$0x2900] =	vst v11  }
0x416: {  	v0 =	vld.idx.msk [tilespmem:v6+s5+$0x0], $0xffff;
	[tilespmem:s18+$0x0] =	vst v5  }
0x417: {  	s31 =	sor.u32 s3, s30;
	v2 =	vld.idx.msk [tilespmem:v14+s5+$0x0], $0xffff;
	[tilespmem:s8+$0x2900] =	vst v10  }
0x418: {  	v3 =	vadd.s32 v15, v7;
	v15 =	vadd.s32 v15, v22;
	v10 =	vld.idx.msk [tilespmem:v12+s5+$0x0], $0xffff;
	[tilespmem:s31+$0x0] =	vst v61  }
0x419: {  	v39 =	vmov v43;
	v44 =	vmov v53;
	v13 =	vor.u32 v24, v7;
	v14 =	vld.idx.msk [tilespmem:v49+s5+$0x0], $0xffff  }
0x41a: {  	v54 =	vadd.s32 v23, v7;
	v56 =	vadd.s32 v18, v7;
	v53 =	vadd.s32 v17, v7;
	v49 =	vmovc v3;
	v3 =	vld [tilespmem:$0x1FDD0]  }
0x41b: {  	v41 =	vmovc v50;
	v50 =	vadd.s32 v58, v7;
	v46 =	vadd.s32 v59, v7;
	v58 =	vadd.s32 v28, v7  }
0x41c: {  	v59 =	vadd.s32 v27, v7;
	v51 =	vmovc v1;
	v1 =	vadd.s32 v25, v7;
	v21 =	vmovc v22;
	v22 =	vmov v4  }
0x41d: {  	v4 =	vadd.s32 v26, v7;
	v43 =	vadd.s32 v19, v7;
	v8 =	vadd.s32 v16, v7;
	s13 =	sadd.s32 $0xC100, s25;
	v5 =	vld.idx.msk [tilespmem:v15+s5+$0x0], $0xffff  }
0x41e: {  	s25 =	smov.u32 s0;
	v62 =	vadd.s32 v29, v7;
	v7 =	vadd.s32 v29, v20;
	s6 =	sor.u32 s26, s13;
	v6 =	vld.idx.msk [tilespmem:v60+s5+$0x0], $0xffff;
	[tilespmem:s19+$0x0] =	vst v63  }
0x41f: {  	v11 =	vadd.s32 v16, v21;
	s0 =	smov.u32 s9;
	s18 =	sadd.s32 $0x9100, s25;
	[tilespmem:s6+$0x0] =	vst v0;
	v0 =	vmov v9  }
0x420: {  	s9 =	sadd.s32 $0x6100, s0;
	s8 =	sor.u32 s2, s18;
	v15 =	vld [tilespmem:$0x1FDF0];
	[tilespmem:$0x1FDF0] =	vst v0  }
0x421: {  	v42 =	vmov v45;
	v45 =	vmov v46;
	s26 =	sadd.s32 $0x3100, s4;
	s30 =	sor.u32 s3, s9;
	s9 =	sor.u32 s7, s9;
	v46 =	vld.idx.msk [tilespmem:v30+s5+$0x0], $0xffff;
	[tilespmem:s8+$0x0] =	vst v2  }
0x422: {  	s6 =	sor.u32 s21, s26;
	[tilespmem:s9+$0x0] =	vst v5;
	v3 =	vld.idx.msk [tilespmem:v3+s5+$0x0], $0xffff  }
0x423: {  	s31 =	sor.u32 s15, s26;
	v0 =	vld.idx.msk [tilespmem:v7+s5+$0x0], $0xffff;
	[tilespmem:s6+$0x0] =	vst v6  }
0x424: {  	v2 =	vld.idx.msk [tilespmem:v11+s5+$0x0], $0xffff;
	[tilespmem:s31+$0x0] =	vst v10  }
0x425: {  	v6 =	vld.idx.msk [tilespmem:v13+s5+$0x0], $0xffff;
	[tilespmem:s30+$0x0] =	vst v14  }
0x426: {  	s19 =	sor.u32 s28, s18;
	v10 =	vld.idx.msk [tilespmem:v48+s5+$0x0], $0xffff  }
0x427: {  	[tilespmem:s19+$0x0] =	vst v3;
	v3 =	vld [tilespmem:$0x1FDE0]  }
0x428: {  	v12 =	vor.u32 v24, v22;
	v11 =	vld [tilespmem:$0x1FD90];
	_ =	sdelay $0x2  }
0x429: {  	s18 =	sadd.s32 $0x9900, s25;
	s26 =	smov.u32 s2;
	v14 =	vld [tilespmem:$0x1FED0]  }
0x42a: {  	v63 =	vadd.s32 v28, v20;
	s9 =	smov.u32 s4;
	s4 =	sor.u32 s26, s18  }
0x42b: {  	v61 =	vld.idx.msk [tilespmem:v12+s5+$0x0], $0xffff;
	v48 =	vmov v8;
	[tilespmem:s4+$0x0] =	vst v0;
	v8 =	vmov v11  }
0x42c: {  	s2 =	smov.u32 s7;
	s19 =	sadd.s32 $0x6900, s0;
	[tilespmem:$0x1FDE0] =	vst v8  }
0x42d: {  	v7 =	vadd.s32 v18, v21;
	s6 =	sor.u32 s2, s19;
	v3 =	vld.idx.msk [tilespmem:v3+s5+$0x0], $0xffff;
	[tilespmem:s20+$0x0] =	vst v57  }
0x42e: {  	v9 =	vor.u32 v14, v22;
	[tilespmem:s6+$0x0] =	vst v2;
	v8 =	vld.idx.msk [tilespmem:v35+s5+$0x0], $0xffff  }
0x42f: {  	s7 =	smov.u32 s21;
	s30 =	sadd.s32 $0x3900, s9;
	v35 =	vmov v37;
	v37 =	vmov v38;
	v38 =	vmov v1;
	v1 =	vld.idx.msk [tilespmem:v63+s5+$0x0], $0xffff  }
0x430: {  	s11 =	sor.u32 s24, s13;
	s13 =	sor.u32 s7, s30  }
0x431: {  	s24 =	smov.u32 s28;
	s28 =	smov.u32 s3;
	[tilespmem:s13+$0x0] =	vst v61  }
0x432: {  	s31 =	sor.u32 s28, s19;
	s19 =	sadd.s32 $0xA100, s25;
	v2 =	vld.idx.msk [tilespmem:v7+s5+$0x0], $0xffff  }
0x433: {  	v24 =	vmov v32;
	v32 =	vmov v62;
	s3 =	smov.u32 s15;
	s4 =	sor.u32 s26, s19;
	v62 =	vld.idx.msk [tilespmem:v9+s5+$0x0], $0xffff  }
0x434: {  	s21 =	sor.u32 s24, s18;
	s18 =	sor.u32 s3, s30;
	[tilespmem:s4+$0x0] =	vst v1;
	v1 =	vld [tilespmem:$0x1FDB0]  }
0x435: {  	v29 =	vmov v4;
	v4 =	vadd.s32 v19, v20;
	v19 =	vld [tilespmem:$0x1FEF0];
	[tilespmem:s18+$0x0] =	vst v6  }
0x436: {  	v63 =	vld.idx.msk [tilespmem:v55+s5+$0x0], $0xffff;
	[tilespmem:s31+$0x0] =	vst v10  }
0x437: {  	v60 =	vld.idx.msk [tilespmem:v47+s5+$0x0], $0xffff  }
0x438: {  	s14 =	sadd.s32 $0x2, s14;
	[tilespmem:s21+$0x0] =	vst v3;
	v3 =	vld [tilespmem:$0x1FDA0]  }
0x439: {  	p0 =	slt.u32 s14, $0x7E;
	v15 =	vmov v15;
	v28 =	vmov v1;
	v1 =	vld [tilespmem:$0x1FDC0]  }
.Ltmp3:
0x43a: {  	[tilespmem:$0x1FDD0] =	vst v15;
	v15 =	vld [tilespmem:$0x1FEE0];
	(pc) =	sbr.rel @p0 .LBB2_8-.Ltmp3, $4  }
0x43b: {  	s21 =	sadd.s32 $0x7100, s0;
	v55 =	vld.idx.msk [tilespmem:v40+s5+$0x0], $0xffff  }
0x43c: {  	s30 =	sadd.s32 $0x4100, s9;
	[tilespmem:s17+$0x0] =	vst v8;
	v8 =	vmov v58;
	s31 =	sor.u32 s2, s21;
	v58 =	vld [tilespmem:$0x1FF00]  }
0x43d: {  	s1 =	sadd.s32 $0x20, s1;
	v25 =	vmovc v36;
	v36 =	vmov v39;
	v16 =	vmov v31;
	v0 =	vadd.s32 v23, v22;
	s8 =	sor.u32 s7, s30;
	v57 =	vld.idx.msk [tilespmem:v33+s5+$0x0], $0xffff;
	[tilespmem:s31+$0x0] =	vst v2  }
0x43e: {  	s20 =	sor.u32 s24, s19;
	v61 =	vadd.s32 v17, v21;
	v9 =	vmovc v59;
	v47 =	vmovc v56;
	s6 =	sor.u32 s28, s21;
	s4 =	sor.u32 s3, s30;
	v56 =	vld.idx.msk [tilespmem:v4+s5+$0x0], $0xffff;
	v40 =	vmov v3;
	v27 =	vmov v1  }
0x43f: {  	_ =	sdelay $0x2  }
0x440: {  	[tilespmem:s8+$0x0] =	vst v62  }
0x441: {  	[tilespmem:s4+$0x0] =	vst v63;
	v0 =	vld.idx.msk [tilespmem:v0+s5+$0x0], $0xffff  }
0x442: {  	v2 =	vld.idx.msk [tilespmem:v54+s5+$0x0], $0xffff;
	_ =	sdelay $0x1  }
0x443: {  	v1 =	vadd.s32 v19, v22;
	s1 =	sadd.s32 $0x4900, s9  }
0x444: {  	s23 =	sor.u32 s7, s1  }
0x445: {  	s1 =	sor.u32 s3, s1;
	[tilespmem:s23+$0x0] =	vst v0  }
0x446: {  	[tilespmem:s1+$0x0] =	vst v2  }
0x447: {  	v54 =	vld [tilespmem:$0x1FFD0]  }
0x448: {  	v0 =	vld.idx.msk [tilespmem:v1+s5+$0x0], $0xffff  }
0x449: {  	v2 =	vld.idx.msk [tilespmem:v52+s5+$0x0], $0xffff;
	_ =	sdelay $0x1  }
0x44a: {  	s30 =	sadd.s32 $0x5100, s9  }
0x44b: {  	s31 =	sor.u32 s7, s30;
	v1 =	vadd.s32 v54, v22  }
0x44c: {  	s1 =	sor.u32 s3, s30;
	[tilespmem:s31+$0x0] =	vst v0  }
0x44d: {  	[tilespmem:s1+$0x0] =	vst v2  }
0x44e: {  	v13 =	vld [tilespmem:$0x1FF20]  }
0x44f: {  	v2 =	vld.idx.msk [tilespmem:v51+s5+$0x0], $0xffff  }
0x450: {  	v0 =	vld.idx.msk [tilespmem:v1+s5+$0x0], $0xffff;
	_ =	sdelay $0x1  }
0x451: {  	s8 =	sadd.s32 $0x5900, s9  }
0x452: {  	s1 =	sor.u32 s3, s8  }
0x453: {  	s13 =	sor.u32 s7, s8;
	v1 =	vadd.s32 v13, v22;
	[tilespmem:s1+$0x0] =	vst v2  }
0x454: {  	[tilespmem:s13+$0x0] =	vst v0  }
0x455: {  	v63 =	vld [tilespmem:$0x1FFB0];
	_ =	sdelay $0x1  }
0x456: {  	v2 =	vld.idx.msk [tilespmem:v49+s5+$0x0], $0xffff  }
0x457: {  	v0 =	vld.idx.msk [tilespmem:v1+s5+$0x0], $0xffff;
	_ =	sdelay $0x1  }
0x458: {  	s14 =	sadd.s32 $0x6100, s9;
	v1 =	vadd.s32 v63, v22  }
0x459: {  	s1 =	sor.u32 s3, s14  }
0x45a: {  	s15 =	sor.u32 s7, s14;
	[tilespmem:s1+$0x0] =	vst v2  }
0x45b: {  	v2 =	vld.idx.msk [tilespmem:v48+s5+$0x0], $0xffff;
	[tilespmem:s15+$0x0] =	vst v0  }
0x45c: {  	v62 =	vld [tilespmem:$0x1FFC0]  }
0x45d: {  	v0 =	vld.idx.msk [tilespmem:v1+s5+$0x0], $0xffff;
	_ =	sdelay $0x1  }
0x45e: {  	s17 =	sadd.s32 $0x6900, s9  }
0x45f: {  	s1 =	sor.u32 s3, s17  }
0x460: {  	s18 =	sor.u32 s7, s17;
	[tilespmem:s1+$0x0] =	vst v2;
	v1 =	vadd.s32 v62, v22  }
0x461: {  	[tilespmem:s18+$0x0] =	vst v0  }
0x462: {  	v48 =	vld [tilespmem:$0x1FFA0]  }
0x463: {  	v2 =	vld.idx.msk [tilespmem:v47+s5+$0x0], $0xffff  }
0x464: {  	v3 =	vld.idx.msk [tilespmem:v61+s5+$0x0], $0xffff  }
0x465: {  	v4 =	vadd.s32 v58, v21;
	v0 =	vld.idx.msk [tilespmem:v1+s5+$0x0], $0xffff  }
0x466: {  	s19 =	sadd.s32 $0x7100, s9  }
0x467: {  	s22 =	sadd.s32 $0x7900, s0;
	s1 =	sor.u32 s3, s19;
	[tilespmem:s6+$0x0] =	vst v60;
	v1 =	vadd.s32 v48, v22  }
0x468: {  	s23 =	sor.u32 s2, s22;
	[tilespmem:s1+$0x0] =	vst v2  }
0x469: {  	s21 =	sor.u32 s7, s19;
	[tilespmem:s23+$0x0] =	vst v3;
	v5 =	vld.idx.msk [tilespmem:v53+s5+$0x0], $0xffff  }
0x46a: {  	v3 =	vld.idx.msk [tilespmem:v4+s5+$0x0], $0xffff;
	[tilespmem:s21+$0x0] =	vst v0  }
0x46b: {  	v61 =	vld [tilespmem:$0x1FFF0]  }
0x46c: {  	v0 =	vld.idx.msk [tilespmem:v1+s5+$0x0], $0xffff  }
0x46d: {  	s30 =	sadd.s32 $0x7900, s9;
	v2 =	vadd.s32 v58, v22;
	v1 =	vld.idx.msk [tilespmem:v44+s5+$0x0], $0xffff  }
0x46e: {  	s8 =	sadd.s32 $0x8100, s0;
	s1 =	sor.u32 s3, s30  }
0x46f: {  	s13 =	sor.u32 s2, s8;
	[tilespmem:s1+$0x0] =	vst v5  }
0x470: {  	s31 =	sor.u32 s7, s30;
	[tilespmem:s13+$0x0] =	vst v3  }
0x471: {  	s4 =	sor.u32 s28, s22;
	[tilespmem:s31+$0x0] =	vst v0  }
0x472: {  	v53 =	vadd.s32 v61, v21;
	[tilespmem:s4+$0x0] =	vst v1;
	v0 =	vld.idx.msk [tilespmem:v2+s5+$0x0], $0xffff  }
0x473: {  	v60 =	vld [tilespmem:$0x1FFE0]  }
0x474: {  	v1 =	vld.idx.msk [tilespmem:v41+s5+$0x0], $0xffff;
	v2 =	vadd.s32 v61, v22  }
0x475: {  	v5 =	vld.idx.msk [tilespmem:v50+s5+$0x0], $0xffff  }
0x476: {  	s14 =	sadd.s32 $0x8100, s9  }
0x477: {  	s15 =	sor.u32 s7, s14;
	v3 =	vld.idx.msk [tilespmem:v53+s5+$0x0], $0xffff  }
0x478: {  	s4 =	sor.u32 s28, s8;
	v59 =	vadd.s32 v60, v21;
	[tilespmem:s15+$0x0] =	vst v0  }
0x479: {  	s1 =	sor.u32 s3, s14;
	[tilespmem:s4+$0x0] =	vst v1;
	v0 =	vld.idx.msk [tilespmem:v2+s5+$0x0], $0xffff  }
0x47a: {  	s17 =	sadd.s32 $0x8900, s0;
	[tilespmem:s1+$0x0] =	vst v5;
	v1 =	vld.idx.msk [tilespmem:v42+s5+$0x0], $0xffff  }
0x47b: {  	s18 =	sor.u32 s2, s17;
	v5 =	vld.idx.msk [tilespmem:v45+s5+$0x0], $0xffff  }
0x47c: {  	s19 =	sadd.s32 $0x8900, s9;
	[tilespmem:s18+$0x0] =	vst v3  }
0x47d: {  	s21 =	sor.u32 s7, s19;
	v3 =	vld.idx.msk [tilespmem:v59+s5+$0x0], $0xffff  }
0x47e: {  	s4 =	sor.u32 s28, s17;
	v59 =	vld [tilespmem:$0x1FF90];
	[tilespmem:s21+$0x0] =	vst v0  }
0x47f: {  	s1 =	sor.u32 s3, s19;
	[tilespmem:s4+$0x0] =	vst v1  }
0x480: {  	v1 =	vld [tilespmem:$0x1FDD0];
	[tilespmem:s1+$0x0] =	vst v5  }
0x481: {  	v5 =	vld [tilespmem:$0x1FDF0]  }
0x482: {  	v2 =	vadd.s32 v60, v22;
	_ =	sdelay $0x3  }
0x483: {  	v33 =	vadd.s32 v59, v21  }
0x484: {  	v0 =	vld.idx.msk [tilespmem:v2+s5+$0x0], $0xffff  }
0x485: {  	s22 =	sadd.s32 $0x9100, s0;
	v1 =	vld.idx.msk [tilespmem:v1+s5+$0x0], $0xffff  }
0x486: {  	s23 =	sor.u32 s2, s22;
	v5 =	vld.idx.msk [tilespmem:v5+s5+$0x0], $0xffff  }
0x487: {  	s30 =	sadd.s32 $0x9100, s9;
	[tilespmem:s23+$0x0] =	vst v3  }
0x488: {  	s31 =	sor.u32 s7, s30;
	v3 =	vld.idx.msk [tilespmem:v33+s5+$0x0], $0xffff  }
0x489: {  	s4 =	sor.u32 s28, s22;
	v17 =	vld [tilespmem:$0x1FF80];
	[tilespmem:s31+$0x0] =	vst v0  }
0x48a: {  	s1 =	sor.u32 s3, s30;
	[tilespmem:s4+$0x0] =	vst v1  }
0x48b: {  	s8 =	sadd.s32 $0x9900, s0;
	v2 =	vadd.s32 v59, v22;
	v1 =	vld [tilespmem:$0x1FDE0];
	[tilespmem:s1+$0x0] =	vst v5  }
0x48c: {  	s13 =	sor.u32 s2, s8;
	[tilespmem:s20+$0x0] =	vst v55  }
0x48d: {  	[tilespmem:s13+$0x0] =	vst v3  }
0x48e: {  	v39 =	vadd.s32 v17, v21;
	v55 =	vld [tilespmem:$0x1FF60];
	[tilespmem:s12+$0x0] =	vst v57  }
0x48f: {  	v57 =	vld [tilespmem:$0x1FF70]  }
0x490: {  	v0 =	vld.idx.msk [tilespmem:v2+s5+$0x0], $0xffff  }
0x491: {  	v2 =	vadd.s32 v17, v22;
	v5 =	vld.idx.msk [tilespmem:v32+s5+$0x0], $0xffff;
	_ =	sdelay $0x1  }
0x492: {  	s14 =	sadd.s32 $0x9900, s9;
	v4 =	vld.idx.msk [tilespmem:v39+s5+$0x0], $0xffff;
	v3 =	vadd.s32 v55, v20  }
0x493: {  	s15 =	sor.u32 s7, s14;
	v6 =	vadd.s32 v57, v21;
	v1 =	vld.idx.msk [tilespmem:v1+s5+$0x0], $0xffff  }
0x494: {  	s17 =	sadd.s32 $0xA900, s25;
	s1 =	sor.u32 s3, s14;
	[tilespmem:s15+$0x0] =	vst v0  }
0x495: {  	s19 =	sadd.s32 $0xA100, s0;
	s18 =	sor.u32 s26, s17;
	v0 =	vld.idx.msk [tilespmem:v2+s5+$0x0], $0xffff;
	[tilespmem:s1+$0x0] =	vst v5  }
0x496: {  	s20 =	sor.u32 s2, s19;
	[tilespmem:s18+$0x0] =	vst v56;
	v5 =	vld.idx.msk [tilespmem:v8+s5+$0x0], $0xffff  }
0x497: {  	s4 =	sor.u32 s28, s8;
	[tilespmem:s20+$0x0] =	vst v4;
	v2 =	vadd.s32 v57, v22;
	v3 =	vld.idx.msk [tilespmem:v3+s5+$0x0], $0xffff  }
0x498: {  	v6 =	vld.idx.msk [tilespmem:v6+s5+$0x0], $0xffff;
	[tilespmem:s4+$0x0] =	vst v1  }
0x499: {  	s21 =	sadd.s32 $0xA100, s9;
	v1 =	vld.idx.msk [tilespmem:v40+s5+$0x0], $0xffff  }
0x49a: {  	s22 =	sor.u32 s7, s21;
	v26 =	vld [tilespmem:$0x1FF40];
	[tilespmem:s10+$0x0] =	vst v46  }
0x49b: {  	s23 =	sadd.s32 $0xB100, s25;
	v7 =	vld.idx.msk [tilespmem:v34+s5+$0x0], $0xffff;
	s1 =	sor.u32 s3, s21;
	[tilespmem:s22+$0x0] =	vst v0  }
0x49c: {  	s30 =	sor.u32 s26, s23;
	v8 =	vadd.s32 v55, v21;
	[tilespmem:s1+$0x0] =	vst v5;
	v0 =	vld.idx.msk [tilespmem:v2+s5+$0x0], $0xffff  }
0x49d: {  	s31 =	sadd.s32 $0xA900, s0;
	s8 =	sor.u32 s28, s19;
	[tilespmem:s30+$0x0] =	vst v3;
	v3 =	vld.idx.msk [tilespmem:v43+s5+$0x0], $0xffff  }
0x49e: {  	v2 =	vadd.s32 v55, v22;
	v43 =	vld.idx.msk [tilespmem:v16+s5+$0x0], $0xffff;
	[tilespmem:s8+$0x0] =	vst v1;
	s8 =	sor.u32 s2, s31  }
0x49f: {  	v1 =	vld.idx.msk [tilespmem:v36+s5+$0x0], $0xffff;
	[tilespmem:s8+$0x0] =	vst v6  }
0x4a0: {  	s6 =	sor.u32 s24, s17;
	s12 =	sadd.s32 $0xA900, s9;
	v18 =	vld [tilespmem:$0x1FF30]  }
0x4a1: {  	s13 =	sor.u32 s7, s12;
	v40 =	vadd.s32 v26, v20;
	[tilespmem:s6+$0x0] =	vst v7;
	v6 =	vld.idx.msk [tilespmem:v8+s5+$0x0], $0xffff  }
0x4a2: {  	s1 =	sor.u32 s3, s12;
	v8 =	vadd.s32 v26, v21;
	[tilespmem:s13+$0x0] =	vst v0;
	v7 =	vld.idx.msk [tilespmem:v35+s5+$0x0], $0xffff  }
0x4a3: {  	s14 =	sor.u32 s28, s31;
	[tilespmem:s1+$0x0] =	vst v3;
	v0 =	vld.idx.msk [tilespmem:v2+s5+$0x0], $0xffff  }
0x4a4: {  	s18 =	sadd.s32 $0xB100, s0;
	v2 =	vadd.s32 v26, v22;
	v3 =	vld.idx.msk [tilespmem:v38+s5+$0x0], $0xffff;
	[tilespmem:s14+$0x0] =	vst v1  }
0x4a5: {  	s19 =	sor.u32 s2, s18;
	[tilespmem:s11+$0x0] =	vst v43;
	v1 =	vld.idx.msk [tilespmem:v37+s5+$0x0], $0xffff  }
0x4a6: {  	s20 =	sadd.s32 $0xB100, s9;
	s4 =	sor.u32 s24, s23;
	v4 =	vld.idx.msk [tilespmem:v40+s5+$0x0], $0xffff;
	[tilespmem:s19+$0x0] =	vst v6  }
0x4a7: {  	s21 =	sor.u32 s7, s20;
	v41 =	vadd.s32 v18, v20;
	[tilespmem:s4+$0x0] =	vst v7;
	v42 =	vld.idx.msk [tilespmem:v8+s5+$0x0], $0xffff  }
0x4a8: {  	s1 =	sor.u32 s3, s20;
	v7 =	vadd.s32 v18, v21;
	[tilespmem:s21+$0x0] =	vst v0;
	v6 =	vld.idx.msk [tilespmem:v28+s5+$0x0], $0xffff  }
0x4a9: {  	s15 =	sadd.s32 $0xB900, s25;
	s23 =	sadd.s32 $0xC100, s25;
	s22 =	sor.u32 s28, s18;
	[tilespmem:s1+$0x0] =	vst v3;
	v0 =	vld.idx.msk [tilespmem:v2+s5+$0x0], $0xffff  }
0x4aa: {  	s17 =	sor.u32 s26, s15;
	s25 =	sor.u32 s26, s23;
	s26 =	sadd.s32 $0xB900, s0;
	v2 =	vadd.s32 v18, v22;
	v3 =	vld.idx.msk [tilespmem:v9+s5+$0x0], $0xffff;
	[tilespmem:s22+$0x0] =	vst v1  }
0x4ab: {  	s30 =	sor.u32 s2, s26;
	[tilespmem:s17+$0x0] =	vst v4;
	v1 =	vld.idx.msk [tilespmem:v27+s5+$0x0], $0xffff  }
0x4ac: {  	s31 =	sadd.s32 $0xB900, s9;
	s6 =	sor.u32 s24, s15;
	v4 =	vld.idx.msk [tilespmem:v41+s5+$0x0], $0xffff;
	[tilespmem:s30+$0x0] =	vst v42  }
0x4ad: {  	s8 =	sor.u32 s7, s31;
	[tilespmem:s6+$0x0] =	vst v6;
	v5 =	vld.idx.msk [tilespmem:v7+s5+$0x0], $0xffff  }
0x4ae: {  	s1 =	sor.u32 s3, s31;
	[tilespmem:s8+$0x0] =	vst v0;
	v6 =	vld.idx.msk [tilespmem:v24+s5+$0x0], $0xffff  }
0x4af: {  	s10 =	sor.u32 s28, s26;
	[tilespmem:s1+$0x0] =	vst v3;
	v0 =	vld.idx.msk [tilespmem:v2+s5+$0x0], $0xffff  }
0x4b0: {  	s12 =	sadd.s32 $0xC100, s0;
	v2 =	vld.idx.msk [tilespmem:v29+s5+$0x0], $0xffff;
	[tilespmem:s10+$0x0] =	vst v1  }
0x4b1: {  	s13 =	sor.u32 s2, s12;
	[tilespmem:s25+$0x0] =	vst v4;
	v1 =	vld.idx.msk [tilespmem:v25+s5+$0x0], $0xffff  }
0x4b2: {  	s15 =	sadd.s32 $0xC100, s9;
	s14 =	sor.u32 s24, s23;
	[tilespmem:s13+$0x0] =	vst v5  }
0x4b3: {  	s17 =	sor.u32 s7, s15;
	[tilespmem:s14+$0x0] =	vst v6  }
0x4b4: {  	s1 =	sor.u32 s3, s15;
	[tilespmem:s17+$0x0] =	vst v0  }
0x4b5: {  	s0 =	sor.u32 s28, s12;
	[tilespmem:s1+$0x0] =	vst v2  }
0x4b6: {  	s18 =	simm.s32 $0x800;
	[tilespmem:s0+$0x0] =	vst v1  }
0x4b7: {  	s20 =	simm.s32 $0x2900;
	s19 =	simm.s32 $0x320000;
	s0 =	rddreg [dreg:$0x8]  }
0x4b8: {  	[hbm4b:s0+s18] =	stream.strided.scatter [tilespmem:s20], [sflag:$0x2], $0xA000, s19, s18, $0x38;
	[tilespmem:$0x16900] =	vst v63  }
0x4b9: {  	_ =	swait.ge [sflag:s29], $0xA000  }
0x4ba: {  	[sflag:s29] =	ssyncset.done $0x0  }
0x4bb: {  	[sflag:s29] =	ssyncadd.s32 $0xFFFF6000  }
0x4bc: {  	_ =	swait.ge [sflag:s16], $0x800  }
0x4bd: {  	s21 =	simm.s32 $0x0;
	[sflag:s16] =	ssyncset.done $0x0  }
0x4be: {  	s22 =	sand.u32 $0x400, s21;
	[sflag:s16] =	ssyncadd.s32 $0xFFFFF800  }
0x4bf: {  	s10 =	sand.u32 $0x60, s21;
	s0 =	sand.u32 $0x380, s21;
	_ =	swait.ge [sflag:s29], $0xA000  }
0x4c0: {  	s7 =	sor.u32 $0x10, s10;
	s3 =	sor.u32 s0, s22;
	[sflag:s29] =	ssyncset.done $0x0  }
0x4c1: {  	s0 =	sor.u32 s7, s3;
	[sflag:s29] =	ssyncadd.s32 $0xFFFF6000  }
0x4c2: {  	v0 =	vld [tilespmem:s0+$0x2100];
	_ =	sdelay $0x4  }
0x4c3: {  	v22 =	vmul.u32 $0x140, v0  }
0x4c4: {  	v30 =	vlaneseq.u32  }
0x4c5: {  	v0 =	vor.u32 v30, v22;
	_ =	sdelay $0x4  }
0x4c6: {  	v0 =	vld.idx.msk [tilespmem:v0+s5+$0x0], $0xffff;
	_ =	sdelay $0x1  }
0x4c7: {  	s1 =	sor.u32 s10, s3  }
0x4c8: {  	v1 =	vld [tilespmem:s1+$0x2100];
	_ =	sdelay $0x1  }
0x4c9: {  	v2 =	vor.u32 v15, v22;
	[tilespmem:s0+$0xC900] =	vst v0  }
0x4ca: {  	v28 =	vld [tilespmem:$0x1FF50];
	_ =	sdelay $0x1  }
0x4cb: {  	v23 =	vmul.u32 $0x140, v1;
	_ =	sdelay $0x1  }
0x4cc: {  	v0 =	vor.u32 v30, v23;
	v1 =	vld.idx.msk [tilespmem:v2+s5+$0x0], $0xffff  }
0x4cd: {  	v2 =	vor.u32 v28, v22;
	_ =	sdelay $0x1  }
0x4ce: {  	s23 =	sadd.s32 $0xD100, s3  }
0x4cf: {  	s24 =	sor.u32 s7, s23  }
0x4d0: {  	v0 =	vld.idx.msk [tilespmem:v0+s5+$0x0], $0xffff;
	[tilespmem:s24+$0x0] =	vst v1  }
0x4d1: {  	v2 =	vld.idx.msk [tilespmem:v2+s5+$0x0], $0xffff;
	_ =	sdelay $0x2  }
0x4d2: {  	s25 =	sadd.s32 $0xD900, s3  }
0x4d3: {  	s26 =	sor.u32 s7, s25;
	v1 =	vor.u32 v15, v23;
	[tilespmem:s1+$0xC900] =	vst v0  }
0x4d4: {  	v3 =	vor.u32 v14, v22;
	[tilespmem:s26+$0x0] =	vst v2  }
0x4d5: {  	v16 =	vld [tilespmem:$0x1FF10];
	_ =	sdelay $0x2  }
0x4d6: {  	v0 =	vld.idx.msk [tilespmem:v1+s5+$0x0], $0xffff  }
0x4d7: {  	v1 =	vor.u32 v28, v23;
	v2 =	vld.idx.msk [tilespmem:v3+s5+$0x0], $0xffff  }
0x4d8: {  	s12 =	simm.s32 $0x20;
	v3 =	vadd.s32 v16, v22  }
0x4d9: {  	s11 =	sand.u32 $0x60, s12;
	s13 =	simm.s32 $0x100  }
0x4da: {  	s14 =	simm.s32 $0x10;
	s30 =	sadd.s32 $0xE100, s3;
	s0 =	sor.u32 s10, s23  }
0x4db: {  	s15 =	sand.u32 $0x400, s13;
	s17 =	sand.u32 $0x380, s14;
	s31 =	sor.u32 s7, s30;
	[tilespmem:s0+$0x0] =	vst v0  }
0x4dc: {  	s12 =	sor.u32 $0x10, s11;
	s14 =	sor.u32 s17, s15;
	v0 =	vld.idx.msk [tilespmem:v1+s5+$0x0], $0xffff;
	[tilespmem:s31+$0x0] =	vst v2  }
0x4dd: {  	s0 =	sor.u32 s12, s14;
	v1 =	vor.u32 v14, v23;
	v2 =	vld.idx.msk [tilespmem:v3+s5+$0x0], $0xffff  }
0x4de: {  	v44 =	vld [tilespmem:s0+$0x2100];
	v3 =	vadd.s32 v19, v22;
	_ =	sdelay $0x1  }
0x4df: {  	s18 =	sor.u32 s11, s14;
	s19 =	sadd.s32 $0xE900, s3;
	s2 =	sor.u32 s10, s25  }
0x4e0: {  	s20 =	sor.u32 s7, s19;
	[tilespmem:s2+$0x0] =	vst v0;
	v0 =	vld [tilespmem:s18+$0x2100]  }
0x4e1: {  	v1 =	vld.idx.msk [tilespmem:v1+s5+$0x0], $0xffff;
	[tilespmem:s20+$0x0] =	vst v2  }
0x4e2: {  	v25 =	vmul.u32 $0x140, v44;
	v2 =	vadd.s32 v16, v23;
	v3 =	vld.idx.msk [tilespmem:v3+s5+$0x0], $0xffff  }
0x4e3: {  	v45 =	vadd.s32 v54, v22  }
0x4e4: {  	v46 =	vor.u32 v30, v25  }
0x4e5: {  	s21 =	sadd.s32 $0xF100, s3;
	s1 =	sor.u32 s10, s30;
	v24 =	vmul.u32 $0x140, v0  }
0x4e6: {  	s22 =	sor.u32 s7, s21;
	[tilespmem:s1+$0x0] =	vst v1  }
0x4e7: {  	v1 =	vor.u32 v30, v24;
	v0 =	vld.idx.msk [tilespmem:v2+s5+$0x0], $0xffff;
	[tilespmem:s22+$0x0] =	vst v3  }
0x4e8: {  	v2 =	vadd.s32 v19, v23;
	v3 =	vld.idx.msk [tilespmem:v45+s5+$0x0], $0xffff  }
0x4e9: {  	v49 =	vadd.s32 v13, v22;
	v47 =	vld.idx.msk [tilespmem:v46+s5+$0x0], $0xffff  }
0x4ea: {  	v6 =	vor.u32 v15, v25  }
0x4eb: {  	s23 =	sor.u32 s10, s19;
	s24 =	sadd.s32 $0xF900, s3  }
0x4ec: {  	s25 =	sor.u32 s7, s24;
	[tilespmem:s23+$0x0] =	vst v0;
	v0 =	vld.idx.msk [tilespmem:v1+s5+$0x0], $0xffff  }
0x4ed: {  	v1 =	vld.idx.msk [tilespmem:v2+s5+$0x0], $0xffff;
	v2 =	vor.u32 v15, v24;
	[tilespmem:s25+$0x0] =	vst v3  }
0x4ee: {  	[tilespmem:s0+$0xC900] =	vst v47;
	v3 =	vadd.s32 v54, v23;
	v50 =	vld.idx.msk [tilespmem:v49+s5+$0x0], $0xffff  }
0x4ef: {  	v51 =	vld.idx.msk [tilespmem:v6+s5+$0x0], $0xffff;
	v6 =	vadd.s32 v63, v22  }
0x4f0: {  	v7 =	vor.u32 v28, v25  }
0x4f1: {  	s30 =	sadd.s32 $0x10100, s3;
	s26 =	sor.u32 s10, s21;
	[tilespmem:s18+$0xC900] =	vst v0  }
0x4f2: {  	s8 =	sor.u32 s7, s30;
	s31 =	sadd.s32 $0xD100, s14;
	[tilespmem:s26+$0x0] =	vst v1;
	v0 =	vld.idx.msk [tilespmem:v2+s5+$0x0], $0xffff  }
0x4f3: {  	s9 =	sor.u32 s12, s31;
	v1 =	vor.u32 v28, v24;
	v2 =	vld.idx.msk [tilespmem:v3+s5+$0x0], $0xffff;
	[tilespmem:s8+$0x0] =	vst v50  }
0x4f4: {  	[tilespmem:s9+$0x0] =	vst v51;
	v3 =	vadd.s32 v13, v23;
	v4 =	vld.idx.msk [tilespmem:v6+s5+$0x0], $0xffff  }
0x4f5: {  	v5 =	vld.idx.msk [tilespmem:v7+s5+$0x0], $0xffff;
	v6 =	vadd.s32 v62, v22  }
0x4f6: {  	s0 =	sor.u32 s11, s31;
	v7 =	vor.u32 v14, v25  }
0x4f7: {  	s15 =	sadd.s32 $0x10900, s3;
	s13 =	sor.u32 s10, s24;
	[tilespmem:s0+$0x0] =	vst v0  }
0x4f8: {  	s17 =	sadd.s32 $0xD900, s14;
	s18 =	sor.u32 s7, s15;
	[tilespmem:s13+$0x0] =	vst v2;
	v0 =	vld.idx.msk [tilespmem:v1+s5+$0x0], $0xffff  }
0x4f9: {  	s19 =	sor.u32 s12, s17;
	v1 =	vor.u32 v14, v24;
	v2 =	vld.idx.msk [tilespmem:v3+s5+$0x0], $0xffff;
	[tilespmem:s18+$0x0] =	vst v4  }
0x4fa: {  	[tilespmem:s19+$0x0] =	vst v5;
	v3 =	vadd.s32 v63, v23;
	v4 =	vld.idx.msk [tilespmem:v6+s5+$0x0], $0xffff  }
0x4fb: {  	s24 =	simm.s32 $0x40;
	v5 =	vld.idx.msk [tilespmem:v7+s5+$0x0], $0xffff;
	v6 =	vadd.s32 v48, v22  }
0x4fc: {  	s24 =	sand.u32 $0x60, s24;
	v7 =	vadd.s32 v16, v25;
	s0 =	sor.u32 s11, s17  }
0x4fd: {  	s21 =	sadd.s32 $0xE100, s14;
	s1 =	sor.u32 s10, s30;
	s20 =	sadd.s32 $0x11100, s3;
	[tilespmem:s0+$0x0] =	vst v0  }
0x4fe: {  	s22 =	sor.u32 s7, s20;
	s25 =	simm.s32 $0x200;
	s13 =	simm.s32 $0x20;
	[tilespmem:s1+$0x0] =	vst v2;
	v0 =	vld.idx.msk [tilespmem:v1+s5+$0x0], $0xffff  }
0x4ff: {  	s23 =	sor.u32 s12, s21;
	s26 =	sand.u32 $0x400, s25;
	s30 =	sand.u32 $0x380, s13;
	v1 =	vadd.s32 v16, v24;
	v2 =	vld.idx.msk [tilespmem:v3+s5+$0x0], $0xffff;
	[tilespmem:s22+$0x0] =	vst v4  }
0x500: {  	[tilespmem:s23+$0x0] =	vst v5;
	s25 =	sor.u32 s30, s26;
	s26 =	sor.u32 $0x10, s24;
	v3 =	vadd.s32 v62, v23;
	v4 =	vld.idx.msk [tilespmem:v6+s5+$0x0], $0xffff  }
0x501: {  	v5 =	vld.idx.msk [tilespmem:v7+s5+$0x0], $0xffff;
	s1 =	sor.u32 s26, s25;
	v6 =	vadd.s32 v58, v22  }
0x502: {  	s6 =	sor.u32 s11, s21;
	v7 =	vadd.s32 v19, v25;
	s0 =	sor.u32 s24, s25;
	v8 =	vld [tilespmem:s1+$0x2100]  }
0x503: {  	s4 =	sor.u32 s10, s15;
	s31 =	sadd.s32 $0x11900, s3;
	[tilespmem:s6+$0x0] =	vst v0;
	v0 =	vld [tilespmem:s0+$0x2100]  }
0x504: {  	s15 =	sor.u32 s7, s31;
	s13 =	sadd.s32 $0xE900, s14;
	[tilespmem:s4+$0x0] =	vst v2;
	v1 =	vld.idx.msk [tilespmem:v1+s5+$0x0], $0xffff  }
0x505: {  	s17 =	sor.u32 s12, s13;
	v2 =	vadd.s32 v19, v24;
	v3 =	vld.idx.msk [tilespmem:v3+s5+$0x0], $0xffff;
	[tilespmem:s15+$0x0] =	vst v4  }
0x506: {  	v52 =	vadd.s32 v48, v23;
	[tilespmem:s17+$0x0] =	vst v5;
	v53 =	vld.idx.msk [tilespmem:v6+s5+$0x0], $0xffff  }
0x507: {  	v20 =	vmul.u32 $0x140, v8;
	v6 =	vld.idx.msk [tilespmem:v7+s5+$0x0], $0xffff;
	v7 =	vadd.s32 v61, v22  }
0x508: {  	s4 =	sor.u32 s11, s13;
	v27 =	vmul.u32 $0x140, v0;
	v0 =	vadd.s32 v54, v25  }
0x509: {  	s2 =	sor.u32 s10, s20;
	s18 =	sadd.s32 $0x12100, s3;
	[tilespmem:s4+$0x0] =	vst v1;
	v1 =	vor.u32 v30, v20  }
0x50a: {  	s19 =	sadd.s32 $0xF100, s14;
	s20 =	sor.u32 s7, s18;
	[tilespmem:s2+$0x0] =	vst v3;
	v2 =	vld.idx.msk [tilespmem:v2+s5+$0x0], $0xffff;
	v3 =	vor.u32 v30, v27  }
0x50b: {  	s21 =	sor.u32 s12, s19;
	v8 =	vadd.s32 v54, v24;
	v4 =	vld.idx.msk [tilespmem:v52+s5+$0x0], $0xffff;
	[tilespmem:s20+$0x0] =	vst v53  }
0x50c: {  	v56 =	vadd.s32 v58, v23;
	[tilespmem:s21+$0x0] =	vst v6;
	v6 =	vld.idx.msk [tilespmem:v7+s5+$0x0], $0xffff  }
0x50d: {  	v0 =	vld.idx.msk [tilespmem:v0+s5+$0x0], $0xffff;
	v7 =	vadd.s32 v60, v22  }
0x50e: {  	v9 =	vadd.s32 v13, v25;
	s2 =	sor.u32 s11, s19;
	v1 =	vld.idx.msk [tilespmem:v1+s5+$0x0], $0xffff  }
0x50f: {  	s22 =	sadd.s32 $0x12900, s3;
	s6 =	sor.u32 s10, s31;
	[tilespmem:s2+$0x0] =	vst v2;
	v2 =	vld.idx.msk [tilespmem:v3+s5+$0x0], $0xffff;
	v3 =	vor.u32 v15, v20  }
0x510: {  	s23 =	sadd.s32 $0xF900, s14;
	s30 =	sor.u32 s7, s22;
	v32 =	vor.u32 v15, v27;
	[tilespmem:s6+$0x0] =	vst v4;
	v8 =	vld.idx.msk [tilespmem:v8+s5+$0x0], $0xffff  }
0x511: {  	v10 =	vadd.s32 v13, v24;
	s31 =	sor.u32 s12, s23;
	v5 =	vld.idx.msk [tilespmem:v56+s5+$0x0], $0xffff;
	[tilespmem:s30+$0x0] =	vst v6  }
0x512: {  	v6 =	vadd.s32 v61, v23;
	[tilespmem:s31+$0x0] =	vst v0;
	v0 =	vld.idx.msk [tilespmem:v7+s5+$0x0], $0xffff  }
0x513: {  	[tilespmem:s1+$0xC900] =	vst v1;
	v1 =	vld.idx.msk [tilespmem:v9+s5+$0x0], $0xffff;
	v7 =	vadd.s32 v59, v22  }
0x514: {  	s6 =	sor.u32 s11, s23;
	[tilespmem:s0+$0xC900] =	vst v2;
	v2 =	vld.idx.msk [tilespmem:v3+s5+$0x0], $0xffff;
	v3 =	vadd.s32 v63, v25  }
0x515: {  	s9 =	sadd.s32 $0x13100, s3;
	s8 =	sor.u32 s10, s18;
	v4 =	vld.idx.msk [tilespmem:v32+s5+$0x0], $0xffff;
	[tilespmem:s6+$0x0] =	vst v8;
	v8 =	vor.u32 v28, v20  }
0x516: {  	s13 =	sadd.s32 $0x10100, s14;
	s15 =	sor.u32 s7, s9;
	v9 =	vor.u32 v28, v27;
	[tilespmem:s8+$0x0] =	vst v5;
	v33 =	vld.idx.msk [tilespmem:v10+s5+$0x0], $0xffff  }
0x517: {  	s17 =	sadd.s32 $0xD100, s25;
	s18 =	sor.u32 s12, s13;
	v10 =	vadd.s32 v63, v24;
	v6 =	vld.idx.msk [tilespmem:v6+s5+$0x0], $0xffff;
	[tilespmem:s15+$0x0] =	vst v0  }
0x518: {  	s19 =	sor.u32 s26, s17;
	v0 =	vadd.s32 v60, v23;
	[tilespmem:s18+$0x0] =	vst v1;
	v1 =	vld.idx.msk [tilespmem:v7+s5+$0x0], $0xffff  }
0x519: {  	s6 =	sor.u32 s24, s17;
	[tilespmem:s19+$0x0] =	vst v2;
	v2 =	vld.idx.msk [tilespmem:v3+s5+$0x0], $0xffff;
	v3 =	vadd.s32 v17, v22  }
0x51a: {  	s0 =	sor.u32 s11, s13;
	v7 =	vadd.s32 v62, v25;
	[tilespmem:s6+$0x0] =	vst v4;
	v34 =	vld.idx.msk [tilespmem:v8+s5+$0x0], $0xffff  }
0x51b: {  	v35 =	vor.u32 v14, v20;
	s2 =	sor.u32 s10, s22;
	s6 =	sadd.s32 $0x13900, s3;
	v8 =	vld.idx.msk [tilespmem:v9+s5+$0x0], $0xffff;
	[tilespmem:s0+$0x0] =	vst v33  }
0x51c: {  	s20 =	sadd.s32 $0x10900, s14;
	v9 =	vor.u32 v14, v27;
	s21 =	sor.u32 s7, s6;
	[tilespmem:s2+$0x0] =	vst v6;
	v6 =	vld.idx.msk [tilespmem:v10+s5+$0x0], $0xffff  }
0x51d: {  	s22 =	sadd.s32 $0xD900, s25;
	s23 =	sor.u32 s12, s20;
	v10 =	vadd.s32 v62, v24;
	v0 =	vld.idx.msk [tilespmem:v0+s5+$0x0], $0xffff;
	[tilespmem:s21+$0x0] =	vst v1  }
0x51e: {  	s30 =	sor.u32 s26, s22;
	v1 =	vadd.s32 v59, v23;
	[tilespmem:s23+$0x0] =	vst v2;
	v2 =	vld.idx.msk [tilespmem:v3+s5+$0x0], $0xffff  }
0x51f: {  	v36 =	vadd.s32 v57, v22;
	s4 =	sor.u32 s24, s22;
	[tilespmem:s30+$0x0] =	vst v34;
	v3 =	vld.idx.msk [tilespmem:v7+s5+$0x0], $0xffff  }
0x520: {  	s0 =	sor.u32 s11, s20;
	v7 =	vadd.s32 v48, v25;
	[tilespmem:s4+$0x0] =	vst v8;
	v5 =	vld.idx.msk [tilespmem:v35+s5+$0x0], $0xffff  }
0x521: {  	s1 =	sor.u32 s10, s9;
	s4 =	sadd.s32 $0x14100, s3;
	v8 =	vld.idx.msk [tilespmem:v9+s5+$0x0], $0xffff;
	[tilespmem:s0+$0x0] =	vst v6;
	v6 =	vadd.s32 v16, v20  }
0x522: {  	s31 =	sadd.s32 $0x11100, s14;
	v9 =	vadd.s32 v16, v27;
	s2 =	sor.u32 s7, s4;
	[tilespmem:s1+$0x0] =	vst v0;
	v0 =	vld.idx.msk [tilespmem:v10+s5+$0x0], $0xffff  }
0x523: {  	s9 =	sor.u32 s12, s31;
	s8 =	sadd.s32 $0xE100, s25;
	v10 =	vadd.s32 v48, v24;
	v1 =	vld.idx.msk [tilespmem:v1+s5+$0x0], $0xffff;
	[tilespmem:s2+$0x0] =	vst v2  }
0x524: {  	s13 =	sor.u32 s11, s31;
	s17 =	simm.s32 $0x60;
	s2 =	sor.u32 s26, s8;
	[tilespmem:s9+$0x0] =	vst v3;
	v2 =	vld.idx.msk [tilespmem:v36+s5+$0x0], $0xffff  }
0x525: {  	s15 =	sor.u32 s24, s8;
	s18 =	simm.s32 $0x300;
	s19 =	simm.s32 $0x30;
	[tilespmem:s2+$0x0] =	vst v5;
	v3 =	vld.idx.msk [tilespmem:v7+s5+$0x0], $0xffff  }
0x526: {  	v37 =	vadd.s32 v17, v23;
	s28 =	sand.u32 $0x60, s17;
	s20 =	sand.u32 $0x380, s19;
	s2 =	sand.u32 $0x400, s18;
	[tilespmem:s15+$0x0] =	vst v8;
	v5 =	vld.idx.msk [tilespmem:v6+s5+$0x0], $0xffff  }
0x527: {  	v6 =	vadd.s32 v55, v22;
	s0 =	sor.u32 s20, s2;
	s2 =	sor.u32 $0x10, s28;
	v7 =	vld.idx.msk [tilespmem:v9+s5+$0x0], $0xffff;
	[tilespmem:s13+$0x0] =	vst v0  }
0x528: {  	v0 =	vadd.s32 v58, v25;
	s8 =	sor.u32 s2, s0;
	v8 =	vld.idx.msk [tilespmem:v10+s5+$0x0], $0xffff  }
0x529: {  	s21 =	sor.u32 s10, s6;
	s1 =	sadd.s32 $0x14900, s3;
	s6 =	sor.u32 s28, s0;
	v9 =	vadd.s32 v19, v20;
	v10 =	vld [tilespmem:s8+$0x2100]  }
0x52a: {  	v11 =	vadd.s32 v19, v27;
	s22 =	sadd.s32 $0x11900, s14;
	s23 =	sor.u32 s7, s1;
	[tilespmem:s21+$0x0] =	vst v1;
	v1 =	vld [tilespmem:s6+$0x2100]  }
0x52b: {  	v12 =	vadd.s32 v58, v24;
	s17 =	sor.u32 s12, s22;
	s15 =	sadd.s32 $0xE900, s25;
	v4 =	vld.idx.msk [tilespmem:v37+s5+$0x0], $0xffff;
	[tilespmem:s23+$0x0] =	vst v2  }
0x52c: {  	s30 =	sor.u32 s26, s15;
	v2 =	vadd.s32 v57, v23;
	[tilespmem:s17+$0x0] =	vst v3;
	v3 =	vld.idx.msk [tilespmem:v6+s5+$0x0], $0xffff  }
0x52d: {  	v38 =	vadd.s32 v26, v22;
	s15 =	sor.u32 s24, s15;
	[tilespmem:s30+$0x0] =	vst v5;
	v0 =	vld.idx.msk [tilespmem:v0+s5+$0x0], $0xffff  }
0x52e: {  	s9 =	sor.u32 s11, s22;
	[tilespmem:s15+$0x0] =	vst v7;
	v6 =	vld.idx.msk [tilespmem:v9+s5+$0x0], $0xffff;
	v7 =	vadd.s32 v61, v25;
	v21 =	vmul.u32 $0x140, v10  }
0x52f: {  	s4 =	sor.u32 s10, s4;
	s15 =	sadd.s32 $0x15100, s3;
	v9 =	vld.idx.msk [tilespmem:v11+s5+$0x0], $0xffff;
	[tilespmem:s9+$0x0] =	vst v8;
	v29 =	vmul.u32 $0x140, v1;
	v1 =	vadd.s32 v54, v20  }
0x530: {  	s31 =	sadd.s32 $0x12100, s14;
	s17 =	sor.u32 s7, s15;
	[tilespmem:s4+$0x0] =	vst v4;
	v39 =	vld.idx.msk [tilespmem:v12+s5+$0x0], $0xffff;
	v8 =	vor.u32 v30, v21  }
0x531: {  	s19 =	sor.u32 s12, s31;
	s18 =	sadd.s32 $0xF100, s25;
	v2 =	vld.idx.msk [tilespmem:v2+s5+$0x0], $0xffff;
	v10 =	vor.u32 v30, v29;
	[tilespmem:s17+$0x0] =	vst v3  }
0x532: {  	v40 =	vadd.s32 v61, v24;
	s20 =	sor.u32 s26, s18;
	[tilespmem:s19+$0x0] =	vst v0;
	v0 =	vld.idx.msk [tilespmem:v38+s5+$0x0], $0xffff  }
0x533: {  	v3 =	vadd.s32 v54, v27;
	[tilespmem:s20+$0x0] =	vst v6;
	v6 =	vld.idx.msk [tilespmem:v7+s5+$0x0], $0xffff  }
0x534: {  	s21 =	sor.u32 s24, s18;
	v1 =	vld.idx.msk [tilespmem:v1+s5+$0x0], $0xffff;
	v7 =	vadd.s32 v18, v22  }
0x535: {  	s22 =	sor.u32 s11, s31;
	v11 =	vadd.s32 v60, v25;
	[tilespmem:s21+$0x0] =	vst v9;
	v8 =	vld.idx.msk [tilespmem:v8+s5+$0x0], $0xffff  }
0x536: {  	s4 =	sadd.s32 $0x15900, s3;
	[tilespmem:s22+$0x0] =	vst v39;
	v9 =	vld.idx.msk [tilespmem:v10+s5+$0x0], $0xffff;
	v10 =	vadd.s32 v13, v20  }
0x537: {  	s23 =	sadd.s32 $0x12900, s14;
	v12 =	vor.u32 v15, v21;
	s30 =	sor.u32 s7, s4;
	v5 =	vld.idx.msk [tilespmem:v40+s5+$0x0], $0xffff  }
0x538: {  	s31 =	sadd.s32 $0xF900, s25;
	s18 =	sor.u32 s12, s23;
	v41 =	vor.u32 v15, v29;
	v3 =	vld.idx.msk [tilespmem:v3+s5+$0x0], $0xffff;
	[tilespmem:s30+$0x0] =	vst v0  }
0x539: {  	s19 =	sor.u32 s26, s31;
	v0 =	vadd.s32 v13, v27;
	[tilespmem:s18+$0x0] =	vst v6;
	v6 =	vld.idx.msk [tilespmem:v7+s5+$0x0], $0xffff  }
0x53a: {  	v7 =	vadd.s32 v60, v24;
	[tilespmem:s19+$0x0] =	vst v1;
	v1 =	vld.idx.msk [tilespmem:v11+s5+$0x0], $0xffff  }
0x53b: {  	[tilespmem:s8+$0xC900] =	vst v8;
	v8 =	vld.idx.msk [tilespmem:v10+s5+$0x0], $0xffff;
	v10 =	vadd.s32 v59, v25  }
0x53c: {  	s20 =	sor.u32 s24, s31;
	v11 =	vadd.s32 v63, v20;
	[tilespmem:s6+$0xC900] =	vst v9;
	v9 =	vld.idx.msk [tilespmem:v12+s5+$0x0], $0xffff  }
0x53d: {  	s21 =	sor.u32 s11, s23;
	s22 =	sadd.s32 $0x13100, s14;
	v4 =	vld.idx.msk [tilespmem:v41+s5+$0x0], $0xffff;
	[tilespmem:s20+$0x0] =	vst v3;
	v3 =	vor.u32 v28, v21  }
0x53e: {  	s23 =	sadd.s32 $0x10100, s25;
	s30 =	sor.u32 s12, s22;
	[tilespmem:s21+$0x0] =	vst v5;
	v12 =	vor.u32 v28, v29;
	v0 =	vld.idx.msk [tilespmem:v0+s5+$0x0], $0xffff  }
0x53f: {  	v42 =	vadd.s32 v63, v27;
	s31 =	sadd.s32 $0xD100, s0;
	s18 =	sor.u32 s26, s23;
	v7 =	vld.idx.msk [tilespmem:v7+s5+$0x0], $0xffff;
	[tilespmem:s30+$0x0] =	vst v1  }
0x540: {  	s19 =	sor.u32 s2, s31;
	v1 =	vadd.s32 v59, v24;
	[tilespmem:s18+$0x0] =	vst v8;
	v8 =	vld.idx.msk [tilespmem:v10+s5+$0x0], $0xffff  }
0x541: {  	s13 =	sor.u32 s28, s31;
	v10 =	vadd.s32 v55, v23;
	[tilespmem:s19+$0x0] =	vst v9;
	v9 =	vld.idx.msk [tilespmem:v11+s5+$0x0], $0xffff  }
0x542: {  	v43 =	vadd.s32 v17, v25;
	s6 =	sor.u32 s24, s23;
	[tilespmem:s13+$0x0] =	vst v4;
	v3 =	vld.idx.msk [tilespmem:v3+s5+$0x0], $0xffff  }
0x543: {  	s8 =	sor.u32 s11, s22;
	v11 =	vld.idx.msk [tilespmem:v12+s5+$0x0], $0xffff;
	[tilespmem:s6+$0x0] =	vst v0;
	v0 =	vadd.s32 v62, v20  }
0x544: {  	s1 =	sor.u32 s10, s1;
	s20 =	sadd.s32 $0x13900, s14;
	v12 =	vor.u32 v14, v21;
	v5 =	vld.idx.msk [tilespmem:v42+s5+$0x0], $0xffff;
	[tilespmem:s8+$0x0] =	vst v7  }
0x545: {  	[tilespmem:s1+$0x0] =	vst v2;
	s21 =	sadd.s32 $0x10900, s25;
	s22 =	sor.u32 s12, s20;
	v7 =	vor.u32 v14, v29;
	v1 =	vld.idx.msk [tilespmem:v1+s5+$0x0], $0xffff  }
0x546: {  	v2 =	vadd.s32 v62, v27;
	s23 =	sadd.s32 $0xD900, s0;
	s30 =	sor.u32 s26, s21;
	[tilespmem:s22+$0x0] =	vst v8;
	v8 =	vld.idx.msk [tilespmem:v10+s5+$0x0], $0xffff  }
0x547: {  	s17 =	sadd.s32 $0xE100, s0;
	s31 =	sor.u32 s2, s23;
	v10 =	vadd.s32 v17, v24;
	[tilespmem:s30+$0x0] =	vst v9;
	v4 =	vld.idx.msk [tilespmem:v43+s5+$0x0], $0xffff  }
0x548: {  	s1 =	sor.u32 s28, s23;
	s23 =	simm.s32 $0x40;
	s13 =	sadd.s32 $0x14100, s14;
	[tilespmem:s31+$0x0] =	vst v3;
	v0 =	vld.idx.msk [tilespmem:v0+s5+$0x0], $0xffff;
	v3 =	vadd.s32 v57, v25  }
0x549: {  	s6 =	sor.u32 s11, s20;
	s8 =	sor.u32 s24, s21;
	s22 =	simm.s32 $0x400;
	[tilespmem:s1+$0x0] =	vst v11;
	v11 =	vadd.s32 v48, v20;
	v9 =	vld.idx.msk [tilespmem:v12+s5+$0x0], $0xffff  }
0x54a: {  	s9 =	sor.u32 s12, s13;
	s20 =	simm.s32 $0x80;
	s21 =	sand.u32 $0x400, s22;
	v7 =	vld.idx.msk [tilespmem:v7+s5+$0x0], $0xffff;
	[tilespmem:s8+$0x0] =	vst v5  }
0x54b: {  	v44 =	vadd.s32 v16, v21;
	s30 =	sand.u32 $0x380, s23;
	s1 =	sadd.s32 $0x16100, s3;
	v2 =	vld.idx.msk [tilespmem:v2+s5+$0x0], $0xffff;
	[tilespmem:s6+$0x0] =	vst v1;
	s6 =	sadd.s32 $0x11100, s25  }
0x54c: {  	s3 =	sand.u32 $0x60, s20;
	v12 =	vadd.s32 v16, v29;
	s8 =	sor.u32 s2, s17;
	v1 =	vld.idx.msk [tilespmem:v10+s5+$0x0], $0xffff;
	s18 =	sor.u32 s26, s6;
	[tilespmem:s9+$0x0] =	vst v4  }
0x54d: {  	s31 =	sor.u32 s7, s1;
	s7 =	sor.u32 $0x10, s3;
	s9 =	sor.u32 s30, s21;
	[tilespmem:s18+$0x0] =	vst v0;
	v0 =	vld.idx.msk [tilespmem:v3+s5+$0x0], $0xffff  }
0x54e: {  	s19 =	sor.u32 s28, s17;
	v3 =	vadd.s32 v48, v27;
	s17 =	sor.u32 s7, s9;
	[tilespmem:s8+$0x0] =	vst v9;
	v45 =	vld.idx.msk [tilespmem:v11+s5+$0x0], $0xffff  }
0x54f: {  	[tilespmem:s19+$0x0] =	vst v7;
	v7 =	vadd.s32 v55, v25;
	v10 =	vld [tilespmem:s17+$0x2100]  }
0x550: {  	s15 =	sor.u32 s10, s15;
	[tilespmem:s31+$0x0] =	vst v6;
	v9 =	vadd.s32 v58, v20;
	v5 =	vld.idx.msk [tilespmem:v44+s5+$0x0], $0xffff  }
0x551: {  	[tilespmem:s15+$0x0] =	vst v8;
	v8 =	vadd.s32 v19, v21;
	s19 =	sor.u32 s24, s6;
	s8 =	sor.u32 s3, s9;
	s6 =	sadd.s32 $0x14900, s14;
	v6 =	vld.idx.msk [tilespmem:v12+s5+$0x0], $0xffff  }
0x552: {  	s20 =	sadd.s32 $0x11900, s25;
	v11 =	vadd.s32 v26, v23;
	[tilespmem:s19+$0x0] =	vst v2;
	s21 =	sor.u32 s12, s6;
	v2 =	vld [tilespmem:s8+$0x2100]  }
0x553: {  	s30 =	sor.u32 s26, s20;
	v12 =	vadd.s32 v19, v29;
	s19 =	sadd.s32 $0xE900, s0;
	v3 =	vld.idx.msk [tilespmem:v3+s5+$0x0], $0xffff;
	[tilespmem:s21+$0x0] =	vst v0  }
0x554: {  	s31 =	sor.u32 s2, s19;
	v0 =	vadd.s32 v58, v27;
	[tilespmem:s30+$0x0] =	vst v45;
	v46 =	vld.idx.msk [tilespmem:v7+s5+$0x0], $0xffff  }
0x555: {  	s13 =	sor.u32 s11, s13;
	v7 =	vadd.s32 v26, v25;
	[tilespmem:s31+$0x0] =	vst v5;
	v47 =	vld.idx.msk [tilespmem:v9+s5+$0x0], $0xffff  }
0x556: {  	[tilespmem:s13+$0x0] =	vst v1;
	s18 =	sor.u32 s28, s19;
	v22 =	vmul.u32 $0x140, v10;
	v1 =	vld.idx.msk [tilespmem:v8+s5+$0x0], $0xffff;
	v8 =	vadd.s32 v61, v20  }
0x557: {  	s15 =	sadd.s32 $0x15100, s14;
	s19 =	sor.u32 s24, s20;
	v9 =	vld.idx.msk [tilespmem:v11+s5+$0x0], $0xffff;
	[tilespmem:s18+$0x0] =	vst v6;
	v56 =	vmul.u32 $0x140, v2;
	v2 =	vadd.s32 v54, v21  }
0x558: {  	s13 =	sadd.s32 $0x12100, s25;
	s20 =	sor.u32 s12, s15;
	v6 =	vld.idx.msk [tilespmem:v12+s5+$0x0], $0xffff;
	[tilespmem:s19+$0x0] =	vst v3;
	v3 =	vor.u32 v30, v22  }
0x559: {  	s21 =	sadd.s32 $0xF100, s0;
	s30 =	sor.u32 s26, s13;
	v10 =	vor.u32 v30, v56;
	v0 =	vld.idx.msk [tilespmem:v0+s5+$0x0], $0xffff;
	[tilespmem:s20+$0x0] =	vst v46  }
0x55a: {  	v49 =	vadd.s32 v54, v29;
	s31 =	sor.u32 s2, s21;
	[tilespmem:s30+$0x0] =	vst v47;
	v50 =	vld.idx.msk [tilespmem:v7+s5+$0x0], $0xffff  }
0x55b: {  	s4 =	sor.u32 s10, s4;
	v7 =	vadd.s32 v61, v27;
	[tilespmem:s31+$0x0] =	vst v1;
	v1 =	vld.idx.msk [tilespmem:v8+s5+$0x0], $0xffff  }
0x55c: {  	s19 =	sor.u32 s28, s21;
	[tilespmem:s4+$0x0] =	vst v9;
	v8 =	vadd.s32 v18, v25;
	v2 =	vld.idx.msk [tilespmem:v2+s5+$0x0], $0xffff  }
0x55d: {  	v32 =	vmov v13;
	s13 =	sor.u32 s24, s13;
	s4 =	sadd.s32 $0x15900, s14;
	[tilespmem:s19+$0x0] =	vst v6;
	v6 =	vadd.s32 v60, v20;
	v3 =	vld.idx.msk [tilespmem:v3+s5+$0x0], $0xffff  }
0x55e: {  	s20 =	sor.u32 s12, s4;
	v9 =	vld.idx.msk [tilespmem:v10+s5+$0x0], $0xffff;
	v10 =	vadd.s32 v32, v21;
	[tilespmem:s13+$0x0] =	vst v0;
	s13 =	sadd.s32 $0x12900, s25  }
0x55f: {  	s21 =	sadd.s32 $0xF900, s0;
	v4 =	vld.idx.msk [tilespmem:v49+s5+$0x0], $0xffff;
	v0 =	vor.u32 v15, v22;
	[tilespmem:s20+$0x0] =	vst v50;
	s30 =	sor.u32 s26, s13  }
0x560: {  	v51 =	vor.u32 v15, v56;
	s31 =	sor.u32 s2, s21;
	v7 =	vld.idx.msk [tilespmem:v7+s5+$0x0], $0xffff;
	[tilespmem:s30+$0x0] =	vst v1  }
0x561: {  	v1 =	vadd.s32 v32, v29;
	[tilespmem:s31+$0x0] =	vst v2;
	v2 =	vld.idx.msk [tilespmem:v8+s5+$0x0], $0xffff  }
0x562: {  	v6 =	vld.idx.msk [tilespmem:v6+s5+$0x0], $0xffff;
	[tilespmem:s17+$0xC900] =	vst v3;
	v3 =	vadd.s32 v60, v27  }
0x563: {  	s18 =	sor.u32 s28, s21;
	v8 =	vadd.s32 v57, v24;
	[tilespmem:s8+$0xC900] =	vst v9;
	v10 =	vld.idx.msk [tilespmem:v10+s5+$0x0], $0xffff  }
0x564: {  	s13 =	sor.u32 s24, s13;
	v9 =	vadd.s32 v59, v20;
	[tilespmem:s18+$0x0] =	vst v4;
	s8 =	sadd.s32 $0x16100, s14;
	v0 =	vld.idx.msk [tilespmem:v0+s5+$0x0], $0xffff  }
0x565: {  	v53 =	vadd.s32 v63, v21;
	s19 =	sadd.s32 $0x13100, s25;
	v52 =	vld.idx.msk [tilespmem:v51+s5+$0x0], $0xffff;
	s12 =	sor.u32 s12, s8;
	[tilespmem:s13+$0x0] =	vst v7  }
0x566: {  	s21 =	sor.u32 s26, s19;
	s20 =	sadd.s32 $0x10100, s0;
	v7 =	vor.u32 v28, v22;
	v1 =	vld.idx.msk [tilespmem:v1+s5+$0x0], $0xffff;
	[tilespmem:s12+$0x0] =	vst v2  }
0x567: {  	s30 =	sadd.s32 $0xD100, s9;
	s31 =	sor.u32 s2, s20;
	[tilespmem:s21+$0x0] =	vst v6;
	v2 =	vld.idx.msk [tilespmem:v3+s5+$0x0], $0xffff  }
0x568: {  	s18 =	sor.u32 s7, s30;
	v3 =	vld.idx.msk [tilespmem:v8+s5+$0x0], $0xffff;
	[tilespmem:s31+$0x0] =	vst v10  }
0x569: {  	s12 =	sor.u32 s3, s30;
	[tilespmem:s18+$0x0] =	vst v0;
	v0 =	vld.idx.msk [tilespmem:v9+s5+$0x0], $0xffff  }
0x56a: {  	s14 =	sor.u32 s28, s20;
	[tilespmem:s12+$0x0] =	vst v52;
	v5 =	vld.idx.msk [tilespmem:v53+s5+$0x0], $0xffff  }
0x56b: {  	v11 =	vmov v54;
	s19 =	sor.u32 s24, s19;
	v54 =	vld.idx.msk [tilespmem:v7+s5+$0x0], $0xffff;
	[tilespmem:s14+$0x0] =	vst v1  }
0x56c: {  	s6 =	sor.u32 s11, s6;
	s12 =	sadd.s32 $0x13900, s25;
	v1 =	vadd.s32 v18, v23;
	[tilespmem:s19+$0x0] =	vst v2  }
0x56d: {  	v33 =	vadd.s32 v57, v27;
	v36 =	vadd.s32 v57, v20;
	s20 =	sadd.s32 $0x10900, s0;
	s21 =	sor.u32 s26, s12;
	[tilespmem:s6+$0x0] =	vst v3  }
0x56e: {  	v37 =	vadd.s32 v48, v29;
	v34 =	vadd.s32 v61, v29;
	s30 =	sadd.s32 $0xD900, s9;
	s31 =	sor.u32 s2, s20;
	v7 =	vor.u32 v28, v56;
	[tilespmem:s21+$0x0] =	vst v0  }
0x56f: {  	v35 =	vadd.s32 v60, v29;
	v31 =	vadd.s32 v55, v29;
	v8 =	vadd.s32 v63, v29;
	s17 =	sor.u32 s7, s30;
	[tilespmem:s31+$0x0] =	vst v5  }
0x570: {  	v38 =	vadd.s32 v58, v29;
	v39 =	vadd.s32 v57, v29;
	v9 =	vor.u32 v14, v22;
	[tilespmem:s17+$0x0] =	vst v54  }
0x571: {  	v13 =	vmov v48;
	v41 =	vadd.s32 v17, v29;
	v3 =	vadd.s32 v59, v27;
	v46 =	vld.idx.msk [tilespmem:v1+s5+$0x0], $0xffff;
	[tilespmem:$0x1FD60] =	vst v34  }
0x572: {  	v42 =	vadd.s32 v59, v29;
	v48 =	vadd.s32 v63, v56;
	v2 =	vadd.s32 v55, v24;
	[tilespmem:$0x1FD70] =	vst v35  }
0x573: {  	v45 =	vadd.s32 v61, v56;
	v44 =	vadd.s32 v59, v56;
	v1 =	vadd.s32 v17, v20;
	v5 =	vld.idx.msk [tilespmem:v7+s5+$0x0], $0xffff  }
0x574: {  	v43 =	vadd.s32 v57, v56;
	v40 =	vadd.s32 v55, v56;
	v7 =	vadd.s32 v62, v21;
	v8 =	vld.idx.msk [tilespmem:v8+s5+$0x0], $0xffff  }
0x575: {  	v47 =	vadd.s32 v62, v56;
	v4 =	vadd.s32 v62, v29;
	v10 =	vor.u32 v14, v56;
	v62 =	vld.idx.msk [tilespmem:v9+s5+$0x0], $0xffff  }
0x576: {  	v30 =	vadd.s32 v55, v27;
	v61 =	vadd.s32 v13, v21;
	v25 =	vadd.s32 v18, v27;
	v3 =	vld.idx.msk [tilespmem:v3+s5+$0x0], $0xffff  }
0x577: {  	v49 =	vadd.s32 v32, v56;
	v50 =	vadd.s32 v58, v56;
	s6 =	sor.u32 s3, s30;
	v0 =	vadd.s32 v17, v27;
	v2 =	vld.idx.msk [tilespmem:v2+s5+$0x0], $0xffff  }
0x578: {  	v6 =	vadd.s32 v26, v24;
	v9 =	vadd.s32 v60, v56;
	v1 =	vld.idx.msk [tilespmem:v1+s5+$0x0], $0xffff;
	[tilespmem:s6+$0x0] =	vst v5  }
0x579: {  	s10 =	sor.u32 s10, s1;
	v51 =	vadd.s32 v11, v56;
	v52 =	vadd.s32 v19, v56;
	s18 =	sor.u32 s28, s20;
	v7 =	vld.idx.msk [tilespmem:v7+s5+$0x0], $0xffff;
	[tilespmem:$0x1FD80] =	vst v9  }
0x57a: {  	v53 =	vadd.s32 v13, v56;
	s20 =	sor.u32 s24, s12;
	s12 =	sor.u32 s11, s4;
	v28 =	vadd.s32 v26, v29;
	s14 =	simm.s32 $0x8;
	v63 =	vld.idx.msk [tilespmem:v10+s5+$0x0], $0xffff;
	[tilespmem:s18+$0x0] =	vst v8  }
0x57b: {  	v23 =	vadd.s32 v26, v27;
	v26 =	vadd.s32 v26, v56;
	s19 =	sor.u32 s11, s15;
	s11 =	sor.u32 s11, s8;
	s21 =	sadd.s32 $0x14100, s25;
	[tilespmem:s20+$0x0] =	vst v3;
	v60 =	vld.idx.msk [tilespmem:v4+s5+$0x0], $0xffff  }
0x57c: {  	v24 =	vadd.s32 v18, v24;
	s30 =	sadd.s32 $0x11100, s0;
	v27 =	vadd.s32 v18, v29;
	s31 =	sadd.s32 $0xE100, s9;
	s1 =	sor.u32 s26, s21;
	[tilespmem:s19+$0x0] =	vst v2;
	v55 =	vld.idx.msk [tilespmem:v0+s5+$0x0], $0xffff  }
0x57d: {  	v18 =	vadd.s32 v18, v56;
	s4 =	sor.u32 s2, s30;
	v54 =	vadd.s32 v16, v56;
	s8 =	sor.u32 s7, s31;
	s6 =	sor.u32 s28, s30;
	v57 =	vld.idx.msk [tilespmem:v6+s5+$0x0], $0xffff;
	[tilespmem:s1+$0x0] =	vst v1  }
0x57e: {  	v8 =	vadd.s32 v17, v56;
	s20 =	sor.u32 s24, s21;
	v0 =	vadd.s32 v16, v22;
	s1 =	simm.s32 $0xA0;
	[tilespmem:s4+$0x0] =	vst v7;
	s4 =	sor.u32 s3, s31;
	v56 =	vld.idx.msk [tilespmem:v36+s5+$0x0], $0xffff  }
.LBB2_10:
0x57f: {  	[tilespmem:$0x1FD20] =	vst v31;
	v31 =	vmov v25;
	v25 =	vld [tilespmem:$0x1FF60]  }
0x580: {  	v32 =	vmov v27;
	v27 =	vld [tilespmem:$0x1FF40]  }
0x581: {  	v59 =	vld [tilespmem:$0x1FFF0]  }
0x582: {  	v16 =	vld [tilespmem:$0x1FFD0]  }
0x583: {  	v35 =	vmov v30;
	v30 =	vmov v24;
	v24 =	vld [tilespmem:$0x1FF50]  }
0x584: {  	v17 =	vld [tilespmem:$0x1FF10]  }
0x585: {  	v36 =	vmov v18;
	v18 =	vld [tilespmem:$0x1FFB0]  }
0x586: {  	v34 =	vld [tilespmem:$0x1FFE0]  }
0x587: {  	[tilespmem:s4+$0x0] =	vst v63;
	v29 =	vld [tilespmem:$0x1FF90]  }
0x588: {  	s22 =	sadd.s32 $0x100, s22;
	s23 =	sadd.s32 $0x10, s23;
	v3 =	vld.idx.msk [tilespmem:v54+s5+$0x0], $0xffff;
	[tilespmem:s6+$0x0] =	vst v60  }
0x589: {  	s15 =	sand.u32 $0x60, s1;
	s18 =	sand.u32 $0x400, s22;
	s13 =	sand.u32 $0x380, s23;
	v6 =	vld.idx.msk [tilespmem:v37+s5+$0x0], $0xffff;
	[tilespmem:s8+$0x0] =	vst v62  }
0x58a: {  	[tilespmem:$0x1FD30] =	vst v8;
	s21 =	sor.u32 $0x10, s15;
	s4 =	sor.u32 s13, s18;
	v1 =	vld.idx.msk [tilespmem:v61+s5+$0x0], $0xffff  }
0x58b: {  	s30 =	sadd.s32 $0xE900, s9;
	s8 =	sor.u32 s21, s4;
	[tilespmem:s20+$0x0] =	vst v55;
	v0 =	vld.idx.msk [tilespmem:v0+s5+$0x0], $0xffff  }
0x58c: {  	s17 =	sadd.s32 $0x11900, s0;
	s31 =	sor.u32 s3, s30;
	s6 =	sor.u32 s15, s4;
	v7 =	vld [tilespmem:s8+$0x2100];
	[tilespmem:s12+$0x0] =	vst v57  }
0x58d: {  	s18 =	sor.u32 s28, s17;
	v8 =	vld [tilespmem:s6+$0x2100];
	[tilespmem:s31+$0x0] =	vst v3  }
0x58e: {  	v2 =	vadd.s32 v25, v20;
	v63 =	vld.idx.msk [tilespmem:v52+s5+$0x0], $0xffff;
	[tilespmem:s18+$0x0] =	vst v6  }
0x58f: {  	s19 =	sadd.s32 $0x14900, s25;
	v4 =	vadd.s32 v58, v21;
	v9 =	vld.idx.msk [tilespmem:v38+s5+$0x0], $0xffff  }
0x590: {  	s13 =	sor.u32 s26, s19;
	v5 =	vadd.s32 v19, v22;
	[tilespmem:s10+$0x0] =	vst v46;
	v38 =	vmov v26;
	v26 =	vld [tilespmem:$0x1FF30]  }
0x591: {  	s17 =	sor.u32 s2, s17;
	[tilespmem:s13+$0x0] =	vst v56;
	v57 =	vld.idx.msk [tilespmem:v33+s5+$0x0], $0xffff  }
0x592: {  	s12 =	sor.u32 s7, s30;
	[tilespmem:s17+$0x0] =	vst v1;
	v33 =	vmov v23;
	v23 =	vld [tilespmem:$0x1FFC0]  }
0x593: {  	v1 =	vld.idx.msk [tilespmem:v2+s5+$0x0], $0xffff;
	[tilespmem:s12+$0x0] =	vst v0  }
0x594: {  	v12 =	vmov v39;
	s20 =	sor.u32 s24, s19;
	s19 =	sadd.s32 $0xF100, s9;
	v0 =	vld.idx.msk [tilespmem:v4+s5+$0x0], $0xffff;
	v4 =	vmul.u32 $0x140, v7;
	v7 =	vmul.u32 $0x140, v8  }
0x595: {  	[tilespmem:$0x1FD40] =	vst v12;
	v3 =	vadd.s32 v27, v20;
	s31 =	sor.u32 s3, s19;
	v6 =	vadd.s32 v59, v21;
	v2 =	vld.idx.msk [tilespmem:v5+s5+$0x0], $0xffff  }
0x596: {  	v10 =	vmovc v50;
	s13 =	sadd.s32 $0x15100, s25;
	[tilespmem:s31+$0x0] =	vst v63;
	v12 =	vor.u32 v15, v7;
	v52 =	vadd.s32 v19, v7;
	v19 =	vmov v15;
	v15 =	vld [tilespmem:$0x1FF20]  }
0x597: {  	v11 =	vlaneseq.u32;
	[tilespmem:$0x1FD50] =	vst v10;
	s18 =	sadd.s32 $0x12100, s0;
	s12 =	sor.u32 s26, s13;
	v8 =	vadd.s32 v16, v22;
	v61 =	vld.idx.msk [tilespmem:v51+s5+$0x0], $0xffff  }
0x598: {  	s10 =	smov.u32 s11;
	s11 =	sor.u32 s2, s18;
	v10 =	vor.u32 v11, v4;
	v60 =	vor.u32 v19, v4;
	v19 =	vld [tilespmem:$0x1FD60];
	[tilespmem:s12+$0x0] =	vst v1  }
0x599: {  	s17 =	sor.u32 s24, s13;
	s13 =	sor.u32 s7, s19;
	v11 =	vor.u32 v11, v7;
	v1 =	vadd.s32 v16, v7;
	v16 =	vld [tilespmem:$0x1FFA0];
	[tilespmem:s11+$0x0] =	vst v0  }
0x59a: {  	v0 =	vld.idx.msk [tilespmem:v3+s5+$0x0], $0xffff;
	[tilespmem:s13+$0x0] =	vst v2  }
0x59b: {  	v2 =	vld.idx.msk [tilespmem:v6+s5+$0x0], $0xffff  }
0x59c: {  	v5 =	vld.idx.msk [tilespmem:v8+s5+$0x0], $0xffff  }
0x59d: {  	v6 =	vadd.s32 v26, v20;
	v20 =	vmov v21;
	v10 =	vld.idx.msk [tilespmem:v10+s5+$0x0], $0xffff  }
0x59e: {  	s30 =	sor.u32 s28, s18;
	v55 =	vor.u32 v14, v7;
	s13 =	sadd.s32 $0x15900, s25;
	v11 =	vld.idx.msk [tilespmem:v11+s5+$0x0], $0xffff;
	v14 =	vadd.s32 v34, v20  }
0x59f: {  	s18 =	sadd.s32 $0x12900, s0;
	[tilespmem:s30+$0x0] =	vst v9;
	s11 =	sor.u32 s26, s13;
	v9 =	vadd.s32 v34, v7;
	v34 =	vmov v28;
	v28 =	vld [tilespmem:$0x1FF80]  }
0x5a0: {  	v3 =	vadd.s32 v15, v7;
	v15 =	vadd.s32 v15, v22;
	s12 =	sor.u32 s24, s13;
	s30 =	sadd.s32 $0xF900, s9;
	s13 =	sor.u32 s2, s18;
	v63 =	vld.idx.msk [tilespmem:v19+s5+$0x0], $0xffff;
	[tilespmem:s11+$0x0] =	vst v0  }
0x5a1: {  	s19 =	sor.u32 s28, s18;
	s18 =	sor.u32 s7, s30;
	v19 =	vld [tilespmem:$0x1FF70];
	[tilespmem:s13+$0x0] =	vst v2  }
0x5a2: {  	v13 =	vor.u32 v24, v7;
	v54 =	vadd.s32 v17, v7;
	v0 =	vld.idx.msk [tilespmem:v6+s5+$0x0], $0xffff;
	[tilespmem:s18+$0x0] =	vst v5  }
0x5a3: {  	v50 =	vadd.s32 v58, v7;
	v46 =	vadd.s32 v59, v7;
	[tilespmem:s6+$0xC900] =	vst v11;
	v2 =	vld.idx.msk [tilespmem:v14+s5+$0x0], $0xffff  }
0x5a4: {  	v62 =	vadd.s32 v29, v7;
	v59 =	vadd.s32 v27, v7;
	s31 =	sor.u32 s3, s30;
	[tilespmem:s8+$0xC900] =	vst v10;
	v10 =	vld.idx.msk [tilespmem:v12+s5+$0x0], $0xffff  }
0x5a5: {  	v56 =	vadd.s32 v23, v7;
	v51 =	vmov v1;
	v1 =	vadd.s32 v25, v7;
	[tilespmem:s31+$0x0] =	vst v61;
	v5 =	vld.idx.msk [tilespmem:v15+s5+$0x0], $0xffff  }
0x5a6: {  	v37 =	vmovc v53;
	v8 =	vadd.s32 v18, v7;
	v21 =	vmovc v22;
	v22 =	vmov v4;
	v4 =	vmov v45;
	v14 =	vld.idx.msk [tilespmem:v49+s5+$0x0], $0xffff  }
0x5a7: {  	[tilespmem:$0x1FD60] =	vst v4;
	v4 =	vadd.s32 v26, v7;
	v53 =	vadd.s32 v16, v7;
	s13 =	sadd.s32 $0x16100, s25;
	v58 =	vadd.s32 v28, v7;
	v15 =	vld [tilespmem:$0x1FD80]  }
0x5a8: {  	v39 =	vmovc v43;
	s25 =	smov.u32 s0;
	s6 =	sor.u32 s26, s13;
	v49 =	vmov v3;
	v3 =	vld [tilespmem:$0x1FD70];
	v43 =	vadd.s32 v19, v7;
	v7 =	vadd.s32 v29, v20;
	[tilespmem:s19+$0x0] =	vst v63  }
0x5a9: {  	s0 =	smov.u32 s9;
	s18 =	sadd.s32 $0x13100, s25;
	v6 =	vld.idx.msk [tilespmem:v60+s5+$0x0], $0xffff;
	[tilespmem:s6+$0x0] =	vst v0;
	v0 =	vmov v9  }
0x5aa: {  	v11 =	vadd.s32 v18, v21;
	s9 =	sadd.s32 $0x10100, s0;
	s8 =	sor.u32 s2, s18;
	v63 =	vadd.s32 v28, v20;
	v28 =	vmov v38;
	v38 =	vld [tilespmem:$0x1FD50];
	[tilespmem:$0x1FD80] =	vst v0  }
0x5ab: {  	v18 =	vmov v4;
	s30 =	sor.u32 s3, s9;
	s9 =	sor.u32 s7, s9;
	v4 =	vadd.s32 v19, v20;
	v19 =	vld [tilespmem:$0x1FEF0];
	[tilespmem:s8+$0x0] =	vst v2  }
0x5ac: {  	v45 =	vmov v46;
	s26 =	sadd.s32 $0xD100, s4;
	v46 =	vld.idx.msk [tilespmem:v30+s5+$0x0], $0xffff;
	v15 =	vmov v15;
	[tilespmem:s9+$0x0] =	vst v5  }
0x5ad: {  	s6 =	sor.u32 s21, s26;
	[tilespmem:$0x1FD70] =	vst v15;
	v0 =	vld.idx.msk [tilespmem:v7+s5+$0x0], $0xffff  }
0x5ae: {  	v12 =	vor.u32 v24, v22;
	[tilespmem:s6+$0x0] =	vst v6;
	v15 =	vld [tilespmem:$0x1FEE0]  }
0x5af: {  	s31 =	sor.u32 s15, s26;
	v2 =	vld.idx.msk [tilespmem:v11+s5+$0x0], $0xffff  }
0x5b0: {  	v3 =	vld.idx.msk [tilespmem:v3+s5+$0x0], $0xffff;
	[tilespmem:s31+$0x0] =	vst v10  }
0x5b1: {  	v6 =	vld.idx.msk [tilespmem:v13+s5+$0x0], $0xffff  }
0x5b2: {  	s19 =	sor.u32 s28, s18;
	s18 =	sadd.s32 $0x13900, s25;
	s26 =	smov.u32 s2;
	[tilespmem:s30+$0x0] =	vst v14;
	v14 =	vld [tilespmem:$0x1FED0]  }
0x5b3: {  	s9 =	smov.u32 s4;
	s4 =	sor.u32 s26, s18;
	v61 =	vld.idx.msk [tilespmem:v12+s5+$0x0], $0xffff  }
0x5b4: {  	s11 =	sor.u32 s24, s13;
	s24 =	smov.u32 s28;
	v10 =	vld.idx.msk [tilespmem:v48+s5+$0x0], $0xffff;
	[tilespmem:s4+$0x0] =	vst v0  }
0x5b5: {  	s28 =	smov.u32 s3;
	s2 =	smov.u32 s7;
	v7 =	vadd.s32 v23, v21;
	v0 =	vld [tilespmem:$0x1FD20];
	[tilespmem:s19+$0x0] =	vst v3;
	s19 =	sadd.s32 $0x10900, s0  }
0x5b6: {  	s3 =	smov.u32 s15;
	s30 =	sadd.s32 $0xD900, s9;
	v3 =	vld.idx.msk [tilespmem:v42+s5+$0x0], $0xffff;
	[tilespmem:s20+$0x0] =	vst v57;
	s6 =	sor.u32 s2, s19  }
0x5b7: {  	s7 =	smov.u32 s21;
	s21 =	sor.u32 s24, s18;
	v48 =	vmov v8;
	s18 =	sor.u32 s3, s30;
	v9 =	vor.u32 v14, v22;
	v8 =	vld.idx.msk [tilespmem:v35+s5+$0x0], $0xffff;
	[tilespmem:s6+$0x0] =	vst v2  }
0x5b8: {  	v24 =	vmov v31;
	v31 =	vmov v40;
	v40 =	vmov v1;
	s13 =	sor.u32 s7, s30;
	[tilespmem:s18+$0x0] =	vst v6;
	v1 =	vld.idx.msk [tilespmem:v63+s5+$0x0], $0xffff  }
0x5b9: {  	s31 =	sor.u32 s28, s19;
	[tilespmem:s13+$0x0] =	vst v61;
	v63 =	vld.idx.msk [tilespmem:v55+s5+$0x0], $0xffff  }
0x5ba: {  	[tilespmem:s31+$0x0] =	vst v10;
	v2 =	vld.idx.msk [tilespmem:v7+s5+$0x0], $0xffff  }
0x5bb: {  	v60 =	vld.idx.msk [tilespmem:v47+s5+$0x0], $0xffff  }
0x5bc: {  	s14 =	sadd.s32 $0x2, s14;
	v42 =	vmov v44;
	v44 =	vmov v62;
	v62 =	vld.idx.msk [tilespmem:v9+s5+$0x0], $0xffff  }
0x5bd: {  	p0 =	slt.u32 s14, $0x7E;
	[tilespmem:s21+$0x0] =	vst v3;
	v3 =	vld [tilespmem:$0x1FD30]  }
.Ltmp4:
0x5be: {  	s19 =	sadd.s32 $0x14100, s25;
	v55 =	vld.idx.msk [tilespmem:v41+s5+$0x0], $0xffff;
	(pc) =	sbr.rel @p0 .LBB2_10-.Ltmp4, $4  }
0x5bf: {  	s4 =	sor.u32 s26, s19;
	s21 =	sadd.s32 $0x11100, s0;
	[tilespmem:s17+$0x0] =	vst v8;
	v8 =	vmov v58;
	v58 =	vld [tilespmem:$0x1FF00]  }
0x5c0: {  	s30 =	sadd.s32 $0xE100, s9;
	s31 =	sor.u32 s2, s21;
	[tilespmem:s4+$0x0] =	vst v1;
	v57 =	vld.idx.msk [tilespmem:v33+s5+$0x0], $0xffff  }
0x5c1: {  	s1 =	sadd.s32 $0x20, s1;
	v27 =	vmovc v36;
	v25 =	vmovc v32;
	v26 =	vmov v59;
	v23 =	vmov v34;
	s8 =	sor.u32 s7, s30;
	v30 =	vmov v0;
	v33 =	vld [tilespmem:$0x1FD40];
	[tilespmem:s31+$0x0] =	vst v2  }
0x5c2: {  	s20 =	sor.u32 s24, s19;
	v61 =	vadd.s32 v16, v21;
	v0 =	vadd.s32 v17, v22;
	v47 =	vmovc v56;
	s6 =	sor.u32 s28, s21;
	s4 =	sor.u32 s3, s30;
	v56 =	vld.idx.msk [tilespmem:v4+s5+$0x0], $0xffff;
	v41 =	vmov v3  }
0x5c3: {  	_ =	sdelay $0x2  }
0x5c4: {  	[tilespmem:s8+$0x0] =	vst v62  }
0x5c5: {  	[tilespmem:s4+$0x0] =	vst v63;
	v0 =	vld.idx.msk [tilespmem:v0+s5+$0x0], $0xffff  }
0x5c6: {  	v2 =	vld.idx.msk [tilespmem:v54+s5+$0x0], $0xffff;
	_ =	sdelay $0x1  }
0x5c7: {  	v1 =	vadd.s32 v19, v22;
	s1 =	sadd.s32 $0xE900, s9  }
0x5c8: {  	s13 =	sor.u32 s7, s1  }
0x5c9: {  	s1 =	sor.u32 s3, s1;
	[tilespmem:s13+$0x0] =	vst v0  }
0x5ca: {  	[tilespmem:s1+$0x0] =	vst v2  }
0x5cb: {  	v63 =	vld [tilespmem:$0x1FFD0]  }
0x5cc: {  	v0 =	vld.idx.msk [tilespmem:v1+s5+$0x0], $0xffff  }
0x5cd: {  	v2 =	vld.idx.msk [tilespmem:v52+s5+$0x0], $0xffff;
	_ =	sdelay $0x1  }
0x5ce: {  	s14 =	sadd.s32 $0xF100, s9  }
0x5cf: {  	s15 =	sor.u32 s7, s14;
	v29 =	vadd.s32 v63, v22  }
0x5d0: {  	s1 =	sor.u32 s3, s14;
	[tilespmem:s15+$0x0] =	vst v0  }
0x5d1: {  	[tilespmem:s1+$0x0] =	vst v2  }
0x5d2: {  	v9 =	vld [tilespmem:$0x1FF20]  }
0x5d3: {  	v2 =	vld.idx.msk [tilespmem:v51+s5+$0x0], $0xffff  }
0x5d4: {  	v0 =	vld.idx.msk [tilespmem:v29+s5+$0x0], $0xffff;
	_ =	sdelay $0x1  }
0x5d5: {  	s17 =	sadd.s32 $0xF900, s9  }
0x5d6: {  	s1 =	sor.u32 s3, s17  }
0x5d7: {  	s18 =	sor.u32 s7, s17;
	v32 =	vadd.s32 v9, v22;
	[tilespmem:s1+$0x0] =	vst v2  }
0x5d8: {  	[tilespmem:s18+$0x0] =	vst v0  }
0x5d9: {  	v62 =	vld [tilespmem:$0x1FFB0];
	_ =	sdelay $0x1  }
0x5da: {  	v2 =	vld.idx.msk [tilespmem:v49+s5+$0x0], $0xffff  }
0x5db: {  	v0 =	vld.idx.msk [tilespmem:v32+s5+$0x0], $0xffff;
	_ =	sdelay $0x1  }
0x5dc: {  	s19 =	sadd.s32 $0x10100, s9;
	v34 =	vadd.s32 v62, v22  }
0x5dd: {  	s1 =	sor.u32 s3, s19  }
0x5de: {  	s21 =	sor.u32 s7, s19;
	[tilespmem:s1+$0x0] =	vst v2  }
0x5df: {  	v2 =	vld.idx.msk [tilespmem:v48+s5+$0x0], $0xffff;
	[tilespmem:s21+$0x0] =	vst v0  }
0x5e0: {  	v11 =	vld [tilespmem:$0x1FFC0]  }
0x5e1: {  	v0 =	vld.idx.msk [tilespmem:v34+s5+$0x0], $0xffff;
	_ =	sdelay $0x1  }
0x5e2: {  	s22 =	sadd.s32 $0x10900, s9  }
0x5e3: {  	s1 =	sor.u32 s3, s22  }
0x5e4: {  	s23 =	sor.u32 s7, s22;
	[tilespmem:s1+$0x0] =	vst v2  }
0x5e5: {  	v35 =	vadd.s32 v11, v22;
	[tilespmem:s23+$0x0] =	vst v0  }
0x5e6: {  	v10 =	vld [tilespmem:$0x1FFA0];
	_ =	sdelay $0x3  }
0x5e7: {  	v0 =	vld.idx.msk [tilespmem:v35+s5+$0x0], $0xffff  }
0x5e8: {  	v36 =	vadd.s32 v10, v22  }
0x5e9: {  	v2 =	vld.idx.msk [tilespmem:v47+s5+$0x0], $0xffff  }
0x5ea: {  	s30 =	sadd.s32 $0x11100, s9;
	v3 =	vld.idx.msk [tilespmem:v61+s5+$0x0], $0xffff  }
0x5eb: {  	s31 =	sor.u32 s7, s30;
	v4 =	vadd.s32 v58, v21;
	[tilespmem:s6+$0x0] =	vst v60  }
0x5ec: {  	v37 =	vld.idx.msk [tilespmem:v37+s5+$0x0], $0xffff;
	[tilespmem:s31+$0x0] =	vst v0  }
0x5ed: {  	s8 =	sadd.s32 $0x11900, s0;
	s1 =	sor.u32 s3, s30;
	v0 =	vld.idx.msk [tilespmem:v36+s5+$0x0], $0xffff  }
0x5ee: {  	s13 =	sor.u32 s2, s8;
	v47 =	vadd.s32 v58, v22;
	[tilespmem:s1+$0x0] =	vst v2  }
0x5ef: {  	[tilespmem:s13+$0x0] =	vst v3;
	v5 =	vld.idx.msk [tilespmem:v53+s5+$0x0], $0xffff  }
0x5f0: {  	s4 =	sor.u32 s28, s8;
	s14 =	sadd.s32 $0x11900, s9;
	v3 =	vld.idx.msk [tilespmem:v4+s5+$0x0], $0xffff  }
0x5f1: {  	s15 =	sor.u32 s7, s14;
	v12 =	vld [tilespmem:$0x1FFF0];
	[tilespmem:s4+$0x0] =	vst v37  }
0x5f2: {  	v1 =	vld.idx.msk [tilespmem:v38+s5+$0x0], $0xffff;
	[tilespmem:s15+$0x0] =	vst v0  }
0x5f3: {  	v0 =	vld.idx.msk [tilespmem:v47+s5+$0x0], $0xffff  }
0x5f4: {  	s17 =	sadd.s32 $0x12100, s0;
	s1 =	sor.u32 s3, s14  }
0x5f5: {  	s18 =	sor.u32 s2, s17;
	[tilespmem:s1+$0x0] =	vst v5  }
0x5f6: {  	s19 =	sadd.s32 $0x12100, s9;
	[tilespmem:s18+$0x0] =	vst v3;
	s4 =	sor.u32 s28, s17  }
0x5f7: {  	s21 =	sor.u32 s7, s19;
	v13 =	vld [tilespmem:$0x1FFE0];
	[tilespmem:s4+$0x0] =	vst v1  }
0x5f8: {  	v4 =	vadd.s32 v12, v21;
	[tilespmem:s21+$0x0] =	vst v0  }
0x5f9: {  	v1 =	vld [tilespmem:$0x1FD60];
	_ =	sdelay $0x1  }
0x5fa: {  	v48 =	vadd.s32 v12, v22  }
0x5fb: {  	v5 =	vld.idx.msk [tilespmem:v50+s5+$0x0], $0xffff  }
0x5fc: {  	v3 =	vld.idx.msk [tilespmem:v4+s5+$0x0], $0xffff;
	_ =	sdelay $0x2  }
0x5fd: {  	s22 =	sadd.s32 $0x12900, s0;
	s1 =	sor.u32 s3, s19;
	v0 =	vld.idx.msk [tilespmem:v48+s5+$0x0], $0xffff  }
0x5fe: {  	s23 =	sor.u32 s2, s22;
	v4 =	vadd.s32 v13, v21;
	[tilespmem:s1+$0x0] =	vst v5;
	v1 =	vld.idx.msk [tilespmem:v1+s5+$0x0], $0xffff  }
0x5ff: {  	[tilespmem:s23+$0x0] =	vst v3;
	v5 =	vld.idx.msk [tilespmem:v45+s5+$0x0], $0xffff  }
0x600: {  	s30 =	sadd.s32 $0x12900, s9;
	v16 =	vld [tilespmem:$0x1FF90]  }
0x601: {  	s31 =	sor.u32 s7, s30  }
0x602: {  	s4 =	sor.u32 s28, s22;
	[tilespmem:s31+$0x0] =	vst v0  }
0x603: {  	s1 =	sor.u32 s3, s30;
	v3 =	vld.idx.msk [tilespmem:v4+s5+$0x0], $0xffff;
	[tilespmem:s4+$0x0] =	vst v1  }
0x604: {  	v49 =	vadd.s32 v13, v22;
	v1 =	vld [tilespmem:$0x1FD70];
	[tilespmem:s1+$0x0] =	vst v5  }
0x605: {  	v4 =	vadd.s32 v16, v21;
	v5 =	vld [tilespmem:$0x1FD80];
	_ =	sdelay $0x1  }
0x606: {  	s8 =	sadd.s32 $0x13100, s0  }
0x607: {  	s13 =	sor.u32 s2, s8  }
0x608: {  	v0 =	vld.idx.msk [tilespmem:v49+s5+$0x0], $0xffff;
	[tilespmem:s13+$0x0] =	vst v3  }
0x609: {  	v3 =	vld.idx.msk [tilespmem:v4+s5+$0x0], $0xffff  }
0x60a: {  	v17 =	vld [tilespmem:$0x1FF80]  }
0x60b: {  	s14 =	sadd.s32 $0x13100, s9;
	v50 =	vadd.s32 v16, v22;
	v1 =	vld.idx.msk [tilespmem:v1+s5+$0x0], $0xffff  }
0x60c: {  	s15 =	sor.u32 s7, s14;
	v5 =	vld.idx.msk [tilespmem:v5+s5+$0x0], $0xffff  }
0x60d: {  	s17 =	sadd.s32 $0x13900, s0;
	[tilespmem:s15+$0x0] =	vst v0  }
0x60e: {  	s18 =	sor.u32 s2, s17;
	[tilespmem:s20+$0x0] =	vst v55  }
0x60f: {  	s4 =	sor.u32 s28, s8;
	[tilespmem:s18+$0x0] =	vst v3  }
0x610: {  	s1 =	sor.u32 s3, s14;
	v0 =	vld.idx.msk [tilespmem:v50+s5+$0x0], $0xffff;
	v4 =	vadd.s32 v17, v21;
	[tilespmem:s4+$0x0] =	vst v1  }
0x611: {  	v1 =	vld.idx.msk [tilespmem:v42+s5+$0x0], $0xffff;
	[tilespmem:s1+$0x0] =	vst v5  }
0x612: {  	v61 =	vld [tilespmem:$0x1FF60];
	[tilespmem:s12+$0x0] =	vst v57  }
0x613: {  	v51 =	vadd.s32 v17, v22;
	v55 =	vld [tilespmem:$0x1FF70]  }
0x614: {  	s19 =	sadd.s32 $0x13900, s9;
	v5 =	vld.idx.msk [tilespmem:v44+s5+$0x0], $0xffff  }
0x615: {  	s21 =	sadd.s32 $0x14900, s25;
	s20 =	sor.u32 s7, s19;
	v4 =	vld.idx.msk [tilespmem:v4+s5+$0x0], $0xffff  }
0x616: {  	s22 =	sor.u32 s26, s21;
	[tilespmem:s20+$0x0] =	vst v0  }
0x617: {  	s4 =	sor.u32 s28, s17;
	[tilespmem:s22+$0x0] =	vst v56;
	v3 =	vadd.s32 v61, v20  }
0x618: {  	s23 =	sadd.s32 $0x14100, s0;
	s1 =	sor.u32 s3, s19;
	v0 =	vld.idx.msk [tilespmem:v51+s5+$0x0], $0xffff;
	[tilespmem:s4+$0x0] =	vst v1;
	v6 =	vadd.s32 v55, v21  }
0x619: {  	s30 =	sor.u32 s2, s23;
	v1 =	vld.idx.msk [tilespmem:v41+s5+$0x0], $0xffff;
	[tilespmem:s1+$0x0] =	vst v5  }
0x61a: {  	[tilespmem:s30+$0x0] =	vst v4;
	v5 =	vld.idx.msk [tilespmem:v8+s5+$0x0], $0xffff  }
0x61b: {  	v52 =	vadd.s32 v55, v22;
	v59 =	vld [tilespmem:$0x1FF40]  }
0x61c: {  	s31 =	sadd.s32 $0x14100, s9;
	v3 =	vld.idx.msk [tilespmem:v3+s5+$0x0], $0xffff  }
0x61d: {  	s12 =	sor.u32 s7, s31;
	[tilespmem:s10+$0x0] =	vst v46;
	v6 =	vld.idx.msk [tilespmem:v6+s5+$0x0], $0xffff  }
0x61e: {  	s8 =	sor.u32 s28, s23;
	[tilespmem:s12+$0x0] =	vst v0  }
0x61f: {  	s13 =	sadd.s32 $0x15100, s25;
	v7 =	vld.idx.msk [tilespmem:v33+s5+$0x0], $0xffff;
	s1 =	sor.u32 s3, s31;
	v8 =	vadd.s32 v61, v21;
	[tilespmem:s8+$0x0] =	vst v1  }
0x620: {  	s14 =	sor.u32 s26, s13;
	s15 =	sadd.s32 $0x14900, s0;
	v0 =	vld.idx.msk [tilespmem:v52+s5+$0x0], $0xffff;
	[tilespmem:s1+$0x0] =	vst v5  }
0x621: {  	s17 =	sor.u32 s2, s15;
	v53 =	vadd.s32 v61, v22;
	v1 =	vld.idx.msk [tilespmem:v39+s5+$0x0], $0xffff;
	[tilespmem:s14+$0x0] =	vst v3  }
0x622: {  	v3 =	vld.idx.msk [tilespmem:v43+s5+$0x0], $0xffff;
	[tilespmem:s17+$0x0] =	vst v6  }
0x623: {  	s6 =	sor.u32 s24, s21;
	s18 =	sadd.s32 $0x14900, s9;
	v4 =	vadd.s32 v59, v20;
	v57 =	vld [tilespmem:$0x1FF30]  }
0x624: {  	s19 =	sor.u32 s7, s18;
	[tilespmem:s6+$0x0] =	vst v7;
	v6 =	vld.idx.msk [tilespmem:v8+s5+$0x0], $0xffff  }
0x625: {  	s20 =	sor.u32 s28, s15;
	[tilespmem:s19+$0x0] =	vst v0;
	v7 =	vld.idx.msk [tilespmem:v30+s5+$0x0], $0xffff  }
0x626: {  	[tilespmem:s20+$0x0] =	vst v1;
	v0 =	vld.idx.msk [tilespmem:v53+s5+$0x0], $0xffff  }
0x627: {  	s23 =	sadd.s32 $0x15100, s0;
	s1 =	sor.u32 s3, s18;
	v54 =	vadd.s32 v59, v22;
	v1 =	vld.idx.msk [tilespmem:v31+s5+$0x0], $0xffff  }
0x628: {  	s30 =	sor.u32 s2, s23;
	v4 =	vld.idx.msk [tilespmem:v4+s5+$0x0], $0xffff;
	[tilespmem:s1+$0x0] =	vst v3  }
0x629: {  	s4 =	sor.u32 s24, s13;
	s31 =	sadd.s32 $0x15100, s9;
	v5 =	vadd.s32 v57, v20;
	[tilespmem:s30+$0x0] =	vst v6  }
0x62a: {  	s8 =	sor.u32 s7, s31;
	v8 =	vadd.s32 v59, v21;
	v3 =	vld.idx.msk [tilespmem:v40+s5+$0x0], $0xffff;
	[tilespmem:s4+$0x0] =	vst v7  }
0x62b: {  	s21 =	sadd.s32 $0x15900, s25;
	s10 =	sor.u32 s28, s23;
	[tilespmem:s8+$0x0] =	vst v0;
	v6 =	vld.idx.msk [tilespmem:v23+s5+$0x0], $0xffff  }
0x62c: {  	s22 =	sor.u32 s26, s21;
	[tilespmem:s10+$0x0] =	vst v1;
	v0 =	vld.idx.msk [tilespmem:v54+s5+$0x0], $0xffff  }
0x62d: {  	[tilespmem:s22+$0x0] =	vst v4;
	v56 =	vadd.s32 v57, v22;
	v1 =	vld.idx.msk [tilespmem:v28+s5+$0x0], $0xffff  }
0x62e: {  	s1 =	sor.u32 s3, s31;
	v4 =	vld.idx.msk [tilespmem:v5+s5+$0x0], $0xffff  }
0x62f: {  	s17 =	sadd.s32 $0x15900, s9;
	s6 =	sor.u32 s24, s21;
	[tilespmem:s1+$0x0] =	vst v3;
	v5 =	vld.idx.msk [tilespmem:v8+s5+$0x0], $0xffff  }
0x630: {  	s14 =	sadd.s32 $0x15900, s0;
	s18 =	sor.u32 s7, s17;
	v7 =	vadd.s32 v57, v21;
	v3 =	vld.idx.msk [tilespmem:v26+s5+$0x0], $0xffff;
	[tilespmem:s6+$0x0] =	vst v6  }
0x631: {  	s12 =	sadd.s32 $0x16100, s25;
	s19 =	sor.u32 s28, s14;
	[tilespmem:s18+$0x0] =	vst v0;
	v6 =	vld.idx.msk [tilespmem:v25+s5+$0x0], $0xffff  }
0x632: {  	s13 =	sor.u32 s26, s12;
	[tilespmem:s19+$0x0] =	vst v1;
	v0 =	vld.idx.msk [tilespmem:v56+s5+$0x0], $0xffff  }
0x633: {  	s15 =	sor.u32 s2, s14;
	v1 =	vld.idx.msk [tilespmem:v27+s5+$0x0], $0xffff;
	[tilespmem:s13+$0x0] =	vst v4  }
0x634: {  	s1 =	sor.u32 s3, s17;
	v4 =	vld.idx.msk [tilespmem:v24+s5+$0x0], $0xffff;
	[tilespmem:s15+$0x0] =	vst v5  }
0x635: {  	s23 =	sadd.s32 $0x16100, s9;
	s22 =	sor.u32 s24, s12;
	[tilespmem:s1+$0x0] =	vst v3;
	v5 =	vld.idx.msk [tilespmem:v7+s5+$0x0], $0xffff  }
0x636: {  	s20 =	sadd.s32 $0x16100, s0;
	s24 =	sor.u32 s7, s23;
	v60 =	vld.idx.msk [tilespmem:v18+s5+$0x0], $0xffff;
	[tilespmem:s22+$0x0] =	vst v6  }
0x637: {  	s0 =	sor.u32 s28, s20;
	[tilespmem:s24+$0x0] =	vst v0  }
0x638: {  	[tilespmem:s0+$0x0] =	vst v1  }
0x639: {  	s21 =	sor.u32 s2, s20;
	[tilespmem:s11+$0x0] =	vst v4  }
0x63a: {  	s1 =	sor.u32 s3, s23;
	[tilespmem:s21+$0x0] =	vst v5  }
0x63b: {  	s25 =	simm.s32 $0x800;
	[tilespmem:s1+$0x0] =	vst v60  }
0x63c: {  	s26 =	simm.s32 $0x320000;
	s28 =	simm.s32 $0xC900;
	s0 =	rddreg [dreg:$0x9]  }
0x63d: {  	[hbm4b:s0+s25] =	stream.strided.scatter [tilespmem:s28], [sflag:$0x2], $0xA000, s26, s25, $0x38;
	[tilespmem:$0x16900] =	vst v63  }
0x63e: {  	_ =	swait.ge [sflag:s29], $0xA000  }
0x63f: {  	s30 =	rddreg [dreg:$0xc]  }
0x640: {  	s31 =	rddreg [dreg:$0xa];
	s1 =	sadd.s32 $0x1, s30  }
0x641: {  	p0 =	sne.s32 s1, s31  }
.Ltmp5:
0x642: {  	_ = 	snop;
	(pc) =	sbr.rel @p0 .LBB2_1-.Ltmp5, $3  }
0x643: {  	_ =	sdelay $0x1  }
0x644: {  	[sflag:s29] =	ssyncset.done $0x0;
	v39 =	vld [tilespmem:$0x1FF50]  }
0x645: {  	v47 =	vmovc v10;
	v60 =	vmov v11;
	v11 =	vmov v12;
	v12 =	vmov v16;
	v5 =	vld [tilespmem:$0x1FF10];
	[sflag:s29] =	ssyncadd.s32 $0xFFFF6000  }
0x646: {  	_ =	sfence.sel $0x180000  }
0x647: {  	[bflag:$0x0] =	sbarrier.arrive $0xFFFF  }
0x648: {  	_ =	strace $0x90000047  }
0x649: {  	s0 =	stileid.u32;
	[bflag:$0x2] =	sbarrier.arrive $0xFFFF  }
0x64a: {  	p0 =	sne.s32 s0, $0x0;
	s0 =	rddreg [dreg:$0x3]  }
0x64b: {  	s0 =	sadd.s32 @!p0 $0x100000, s0  }
0x64c: {  	[sflag:s0] =	ssyncadd.tile.s32 @!p0 $0x1;
	_ =	shalt  }
.Lfunc_end2:
_tile_overlayer_lowered:
.L_overlay_start_2:
0x64d: {  	(tag) =	ssettag $0x2  }
0x64e: {  	s0 =	rddreg [dreg:$0x0];
	s2 =	stileid.u32  }
0x64f: {  	s1 =	rddreg [dreg:$0x1];
	p0 =	sne.s32 s2, $0x0  }
0x650: {  	s3 =	rddreg [dreg:$0x2];
	[bflag:$0x3] =	sbarrier.arrive $0xFFFF;
	s2 =	simm.s32 @!p0 $0x1C03  }
0x651: {  	[timem:s3], [sflag:s2] =	dma.local @!p0 [hbm:s0], s1  }
0x652: {  	s0 =	simm.s32 @!p0 $0x3  }
0x653: {  	_ =	swait.ge @!p0 [sflag:s0], s1  }
0x654: {  	s1 =	ssub.s32 @!p0 $0x0, s1;
	[sflag:s0] =	ssyncset.done @!p0 $0x0  }
0x655: {  	[sflag:s0] =	ssyncadd.s32 @!p0 s1  }
0x656: {  	[bflag:$0x3] =	sbarrier.arrive $0xFFFF  }
0x657: {  	_ =	shalt  }

</sc_bundles>
